<compile_context>
chip_gen: v7x
topology: tpu7x:2x2x1
jax: 0.10.2.dev20260603
libtpu: 0.0.44.dev20260713+nightly
codegen_flags: <defaults>
</compile_context>

<pallas_src>
import functools
import jax
import jax.numpy as jnp
from jax import lax
from jax.experimental import pallas as pl
from jax.experimental.pallas import tpu as pltpu
from jax.experimental.pallas import tpu_sc as plsc

N = 10000
E = 160000
D = 128
R = 8

NC = 2
NS = 16
NW = NC * NS
CH = 128
CPT = 40
EPT = CH * CPT
EP = EPT * NW
NA = 10240
RPT = NA // NS

BN = 2000



def _t1_body(x_ref, w_ref, sw_ref, aw_ref, y_ref, s_ref):
    xb = x_ref[...]
    a = aw_ref[...].reshape(3, D)
    v = jnp.dot(a, sw_ref[...], preferred_element_type=jnp.float32)
    vpad = jnp.concatenate([v, jnp.zeros((D - 3, D), jnp.float32)], axis=0)
    s_ref[...] = jnp.dot(xb, vpad.T, preferred_element_type=jnp.float32)
    for r in range(R):
        y_ref[:, r, :] = jnp.dot(xb, w_ref[r], preferred_element_type=jnp.float32)


def _t1(x, weight, shared_W, attn_W):
    return pl.pallas_call(
        _t1_body,
        grid=(N // BN,),
        in_specs=[
            pl.BlockSpec((BN, D), lambda i: (i, 0)),
            pl.BlockSpec((R, D, D), lambda i: (0, 0, 0)),
            pl.BlockSpec((D, D), lambda i: (0, 0)),
            pl.BlockSpec((1, 3 * D), lambda i: (0, 0)),
        ],
        out_specs=[
            pl.BlockSpec((BN, R, D), lambda i: (i, 0, 0)),
            pl.BlockSpec((BN, D), lambda i: (i, 0)),
        ],
        out_shape=[
            jax.ShapeDtypeStruct((N, R, D), jnp.float32),
            jax.ShapeDtypeStruct((N, D), jnp.float32),
        ],
    )(x, weight, shared_W, attn_W)



_T2_ROWS = 625
_T2_OUT_ROWS = EP // 256
_T2_B = 80


def _t2_body(ea_ref, sw_ref, aw_ref, t_ref):
    a = aw_ref[...].reshape(3, D)
    v = jnp.dot(a, sw_ref[...], preferred_element_type=jnp.float32)
    v2 = v[1]
    eb = ea_ref[...]
    t_ref[...] = jnp.sum(eb * v2[None, None, :], axis=-1)


def _t2(edge_attr, shared_W, attn_W):
    ea3 = edge_attr.reshape(_T2_ROWS, 256, D)
    return pl.pallas_call(
        _t2_body,
        grid=(pl.cdiv(_T2_ROWS, _T2_B),),
        in_specs=[
            pl.BlockSpec((_T2_B, 256, D), lambda i: (i, 0, 0)),
            pl.BlockSpec((D, D), lambda i: (0, 0)),
            pl.BlockSpec((1, 3 * D), lambda i: (0, 0)),
        ],
        out_specs=pl.BlockSpec((_T2_B, 256), lambda i: (i, 0)),
        out_shape=jax.ShapeDtypeStruct((_T2_OUT_ROWS, 256), jnp.float32),
    )(ea3, shared_W, attn_W)



def _sc_body(table_hbm, meta_hbm, s13_hbm, out_hbm,
             mbufA, mbufB, s13_v, rowsA, rowsB, accum, semG, semM):
    cid = lax.axis_index("c")
    sid = lax.axis_index("s")
    wid = sid * NC + cid
    mbase = wid * CPT

    pltpu.sync_copy(s13_hbm, s13_v)

    zero = jnp.zeros((16,), jnp.float32)

    def _zrow(i, _):
        for j in range(D // 16):
            rowsA[i, pl.ds(j * 16, 16)] = zero
        return 0

    lax.fori_loop(0, CH, _zrow, 0)
    for k in range(RPT // CH):
        pltpu.sync_copy(rowsA, accum.at[pl.ds(sid * RPT + k * CH, CH)])
    plsc.subcore_barrier()

    pltpu.sync_copy(meta_hbm.at[mbase], mbufA)
    pltpu.async_copy(table_hbm.at[mbufA.at[0]], rowsA, semG)
    pltpu.async_copy(meta_hbm.at[mbase + 1], mbufB, semM)

    def _do_chunk(mbuf, rows):
        @plsc.parallel_loop(0, CH // 16, unroll=2)
        def _grp(g):
            gv = mbuf[0, pl.ds(g * 16, 16)]
            dstv = mbuf[1, pl.ds(g * 16, 16)]
            tv = plsc.bitcast(mbuf[2, pl.ds(g * 16, 16)], jnp.float32)
            p1 = plsc.load_gather(s13_v, [lax.shift_right_logical(gv, 3)])
            p3 = plsc.load_gather(s13_v, [dstv])
            ev = (plsc.bitcast(lax.shift_left(p1, 16), jnp.float32) + tv +
                  plsc.bitcast(jnp.bitwise_and(p3, jnp.int32(-65536)),
                               jnp.float32))
            for l in range(16):
                es = ev[jnp.full((16,), l, jnp.int32)]
                i = g * 16 + l
                for j in range(D // 16):
                    rows[i, pl.ds(j * 16, 16)] = rows[i, pl.ds(j * 16, 16)] * es

        pltpu.sync_copy(rows, accum.at[mbuf.at[1]], add=True)

    def _iter(c, mbuf, rows, mbuf_n, rows_n):
        pltpu.make_async_copy(table_hbm.at[mbuf.at[0]], rows, semG).wait()

        @pl.when(c + 1 < CPT)
        def _():
            pltpu.make_async_copy(meta_hbm.at[mbase], mbuf_n, semM).wait()
            pltpu.async_copy(table_hbm.at[mbuf_n.at[0]], rows_n, semG)

        _do_chunk(mbuf, rows)

        @pl.when(c + 2 < CPT)
        def _():
            pltpu.async_copy(meta_hbm.at[mbase + c + 2], mbuf, semM)

    def _pair(cc, _):
        _iter(2 * cc, mbufA, rowsA, mbufB, rowsB)
        _iter(2 * cc + 1, mbufB, rowsB, mbufA, rowsA)
        return 0

    lax.fori_loop(0, CPT // 2, _pair, 0)
    plsc.subcore_barrier()

    pltpu.sync_copy(accum.at[pl.ds(sid * RPT, RPT)],
                    out_hbm.at[cid, pl.ds(sid * RPT, RPT)])


def _sc(table, meta, s13):
    mesh = plsc.VectorSubcoreMesh(core_axis_name="c", subcore_axis_name="s")
    f = functools.partial(
        pl.kernel,
        out_type=jax.ShapeDtypeStruct((NC, NA, D), jnp.float32),
        mesh=mesh,
        scratch_types=[
            pltpu.VMEM((3, CH), jnp.int32),
            pltpu.VMEM((3, CH), jnp.int32),
            pltpu.VMEM((N,), jnp.int32),
            pltpu.VMEM((CH, D), jnp.float32),
            pltpu.VMEM((CH, D), jnp.float32),
            pltpu.VMEM_SHARED((NA, D), jnp.float32),
            pltpu.SemaphoreType.DMA,
            pltpu.SemaphoreType.DMA,
        ],
        compiler_params=pltpu.CompilerParams(needs_layout_passes=False),
    )(_sc_body)
    return f(table, meta, s13)



def _t3_body(p0_ref, p1_ref, o_ref):
    o_ref[...] = p0_ref[...] + p1_ref[...]


def _t3(p0, p1):
    return pl.pallas_call(
        _t3_body,
        grid=(N // BN,),
        in_specs=[pl.BlockSpec((BN, D), lambda i: (i, 0)),
                  pl.BlockSpec((BN, D), lambda i: (i, 0))],
        out_specs=pl.BlockSpec((BN, D), lambda i: (i, 0)),
        out_shape=jax.ShapeDtypeStruct((N, D), jnp.float32),
    )(p0, p1)



def kernel(x, edge_index, edge_attr, rel_type, weight, shared_W, attn_W):
    src = edge_index[0]
    dst = edge_index[1]

    y, s = _t1(x, weight, shared_W, attn_W)
    table = y.reshape(N * R, D)
    s1u = lax.bitcast_convert_type(s[:, 0].astype(jnp.bfloat16),
                                   jnp.uint16).astype(jnp.uint32)
    s3u = lax.bitcast_convert_type(s[:, 2].astype(jnp.bfloat16),
                                   jnp.uint16).astype(jnp.uint32)
    s13 = lax.bitcast_convert_type(s1u | (s3u << 16), jnp.int32)

    t = _t2(edge_attr, shared_W, attn_W).reshape(EP)

    pad = EP - E
    gidx = src * R + rel_type
    gidx2 = jnp.concatenate([gidx, jnp.zeros((pad,), jnp.int32)]).reshape(
        NW * CPT, CH)
    dst2 = jnp.concatenate([dst, jnp.full((pad,), N, jnp.int32)]).reshape(
        NW * CPT, CH)
    tbits = lax.bitcast_convert_type(t, jnp.int32).reshape(NW * CPT, CH)
    meta = jnp.stack([gidx2, dst2, tbits], axis=1)

    partial = _sc(table, meta, s13)
    return _t3(partial[0], partial[1])

# --- scband reference (transcript-rebuilt; emitter-appended) ---
"""Pipeline reference for scband-rel-att-layer-12146167513336 (READ-ONLY COPY).

The authoritative reference and input builder live on the scoring server;
editing this copy changes nothing except your own understanding.
"""

import jax, jax.numpy as jnp
import numpy as np

N = 10000
E = 160000
IN_DIM = 128
OUT_DIM = 128
NUM_RELS = 8


def setup_inputs(seed: int = 0) -> dict:
    key = jax.random.key(seed)
    ks = jax.random.split(key, 8)
    x = jax.random.normal(ks[0], (N, IN_DIM), dtype=jnp.float32)
    edge_index = jax.random.randint(ks[1], (2, E), 0, N, dtype=jnp.int32)
    edge_attr = jax.random.normal(ks[2], (E, IN_DIM), dtype=jnp.float32)
    rel_type = jax.random.randint(ks[3], (E,), 0, NUM_RELS, dtype=jnp.int32)
    gain = float(np.sqrt(2.0))
    # relational weight bank: xavier_uniform over (in_dim, out_dim) fan
    lim_w = gain * float(np.sqrt(6.0 / (IN_DIM + OUT_DIM)))
    weight = jax.random.uniform(ks[4], (NUM_RELS, IN_DIM, OUT_DIM), dtype=jnp.float32, minval=-lim_w, maxval=lim_w)
    # shared linear (out_dim, in_dim), xavier_normal
    std_s = gain * float(np.sqrt(2.0 / (IN_DIM + OUT_DIM)))
    shared_W = std_s * jax.random.normal(ks[5], (OUT_DIM, IN_DIM), dtype=jnp.float32)
    # attention fc (1, 3*out_dim), xavier_normal
    std_a = gain * float(np.sqrt(2.0 / (3 * OUT_DIM + 1)))
    attn_W = std_a * jax.random.normal(ks[6], (1, 3 * OUT_DIM), dtype=jnp.float32)
    return {"x": x, "edge_index": edge_index, "edge_attr": edge_attr, "rel_type": rel_type,
            "weight": weight, "shared_W": shared_W, "attn_W": attn_W}


def reference(x, edge_index, edge_attr, rel_type, weight, shared_W, attn_W):
    # RelAttLayer.forward, non-input-layer path, num_bases == num_rels (no w_comp)
    src = edge_index[0]
    dst = edge_index[1]
    # --- edge_attention (apply_edges) ---
    h_src = jnp.take(x, src, axis=0)           # edges.src['h']  [E, in_dim]
    z_src = h_src @ shared_W.T                 # shared_weight(h_src)
    h_dst = jnp.take(x, dst, axis=0)           # edges.dst['h']
    z_dst = h_dst @ shared_W.T
    ze = edge_attr @ shared_W.T                # shared_weight(edge 'h'); overwrites edges.data['h']
    z2 = jnp.concatenate([z_src, ze, z_dst], axis=1)
    e = z2 @ attn_W.T                          # edges.data['e']  [E, 1]
    # --- message_func: msg = bmm(h_src.unsqueeze(1), weight[rel_type]).squeeze() * e ---
    # mathematically identical formulation that avoids materializing weight[rel_type]
    msg = jnp.zeros((h_src.shape[0], OUT_DIM), dtype=x.dtype)
    for r in range(NUM_RELS):
        mask = (rel_type == r)[:, None]
        msg = msg + jnp.where(mask, h_src @ weight[r], 0.0)
    msg = msg * e
    # --- fn.sum(msg -> 'h') scatter-add over destination nodes ---
    out = jax.ops.segment_sum(msg, dst, num_segments=x.shape[0])
    # apply_func: bias=None, activation=None -> identity
    return out

if __name__ == "__main__":
    import jax
    _d = setup_inputs()
    print(jax.jit(kernel)(*tuple(_d.values())))

</pallas_src>

<mosaic_0001>
#map = affine_map<(d0, d1) -> (0, 0)>
#map1 = affine_map<(d0, d1) -> (0, 0, 0)>
#map2 = affine_map<(d0, d1) -> (0)>
module attributes {stable_mosaic.version = 14 : i64} {
  func.func @_sc_body(%arg0: i32, %arg1: i32, %arg2: memref<80000x128xf32, #tpu.memory_space<hbm>>, %arg3: memref<1280x3x128xi32, #tpu.memory_space<hbm>>, %arg4: memref<10000xi32, #tpu.memory_space<hbm>>, %arg5: memref<2x10240x128xf32, #tpu.memory_space<hbm>>, %arg6: memref<3x128xi32, #tpu.memory_space<vmem>>, %arg7: memref<3x128xi32, #tpu.memory_space<vmem>>, %arg8: memref<10000xi32, #tpu.memory_space<vmem>>, %arg9: memref<128x128xf32, #tpu.memory_space<vmem>>, %arg10: memref<128x128xf32, #tpu.memory_space<vmem>>, %arg11: memref<10240x128xf32, #tpu.memory_space<vmem_shared>>, %arg12: memref<!tpu.dma_semaphore, #tpu.memory_space<semaphore_mem>>, %arg13: memref<!tpu.dma_semaphore, #tpu.memory_space<semaphore_mem>>) attributes {dimension_semantics = [#tpu.dimension_semantics<core_parallel>, #tpu.dimension_semantics<subcore_parallel>], iteration_bounds = array<i64: 2, 16>, scalar_prefetch = 0 : i64, scratch_operands = 8 : i64, tpu.core_type = #tpu.core_type<sc_vector_subcore>, window_params = [{transform_indices = #map}, {transform_indices = #map1}, {transform_indices = #map2}, {transform_indices = #map1}]} {
    %mul3A = arith.constant 2 : i32
    %mul3A_0 = arith.muli %arg1, %mul3A : i32
    %add3A = arith.addi %mul3A_0, %arg0 : i32
    %mul3A_1 = arith.constant 40 : i32
    %mul3A_2 = arith.muli %add3A, %mul3A_1 : i32
    "tpu.region"() ({
      %run_scoped3A = tpu.sem_alloc : memref<!tpu.dma_semaphore, #tpu.memory_space<semaphore_mem>>
      tpu.enqueue_dma source(%arg4 : memref<10000xi32, #tpu.memory_space<hbm>>) target(%arg8 : memref<10000xi32, #tpu.memory_space<vmem>>) target_semaphore(%run_scoped3A : memref<!tpu.dma_semaphore, #tpu.memory_space<semaphore_mem>>)
      tpu.wait_dma2 semaphore(%run_scoped3A : memref<!tpu.dma_semaphore, #tpu.memory_space<semaphore_mem>>) src(%arg4 : memref<10000xi32, #tpu.memory_space<hbm>>) dst(%arg8 : memref<10000xi32, #tpu.memory_space<vmem>>)
      tpu.yield
    }) : () -> ()
    %broadcast_in_dim3A = arith.constant 0.000000e+00 : f32
    %broadcast_in_dim3A_3 = vector.broadcast %broadcast_in_dim3A : f32 to vector<16xf32>
    %scan3A = arith.constant 0 : i32
    %scan3A_4 = arith.constant 0 : i32
    %scan3A_5 = arith.constant 128 : i32
    %scan3A_6 = arith.addi %scan3A_4, %scan3A_5 : i32
    %scan3A_7 = arith.constant 1 : i32
    %scan3A_8 = scf.for %scan3A_58 = %scan3A_4 to %scan3A_6 step %scan3A_7 iter_args(%scan3A_59 = %scan3A) -> (i32)  : i32 {
      %swap3A = arith.index_cast %scan3A_58 : i32 to index
      %swap3A_60 = arith.constant 0 : index
      %swap3A_61 = tpu.vector_load %arg9[%swap3A, %swap3A_60] {strides = array<i32>} : memref<128x128xf32, #tpu.memory_space<vmem>>, vector<16xf32>,
      tpu.vector_store %arg9[%swap3A, %swap3A_60], %broadcast_in_dim3A_3 {strides = array<i32>} : memref<128x128xf32, #tpu.memory_space<vmem>>, vector<16xf32>,
      %swap3A_62 = arith.index_cast %scan3A_58 : i32 to index
      %swap3A_63 = arith.constant 16 : index
      %swap3A_64 = tpu.vector_load %arg9[%swap3A_62, %swap3A_63] {strides = array<i32>} : memref<128x128xf32, #tpu.memory_space<vmem>>, vector<16xf32>,
      tpu.vector_store %arg9[%swap3A_62, %swap3A_63], %broadcast_in_dim3A_3 {strides = array<i32>} : memref<128x128xf32, #tpu.memory_space<vmem>>, vector<16xf32>,
      %swap3A_65 = arith.index_cast %scan3A_58 : i32 to index
      %swap3A_66 = arith.constant 32 : index
      %swap3A_67 = tpu.vector_load %arg9[%swap3A_65, %swap3A_66] {strides = array<i32>} : memref<128x128xf32, #tpu.memory_space<vmem>>, vector<16xf32>,
      tpu.vector_store %arg9[%swap3A_65, %swap3A_66], %broadcast_in_dim3A_3 {strides = array<i32>} : memref<128x128xf32, #tpu.memory_space<vmem>>, vector<16xf32>,
      %swap3A_68 = arith.index_cast %scan3A_58 : i32 to index
      %swap3A_69 = arith.constant 48 : index
      %swap3A_70 = tpu.vector_load %arg9[%swap3A_68, %swap3A_69] {strides = array<i32>} : memref<128x128xf32, #tpu.memory_space<vmem>>, vector<16xf32>,
      tpu.vector_store %arg9[%swap3A_68, %swap3A_69], %broadcast_in_dim3A_3 {strides = array<i32>} : memref<128x128xf32, #tpu.memory_space<vmem>>, vector<16xf32>,
      %swap3A_71 = arith.index_cast %scan3A_58 : i32 to index
      %swap3A_72 = arith.constant 64 : index
      %swap3A_73 = tpu.vector_load %arg9[%swap3A_71, %swap3A_72] {strides = array<i32>} : memref<128x128xf32, #tpu.memory_space<vmem>>, vector<16xf32>,
      tpu.vector_store %arg9[%swap3A_71, %swap3A_72], %broadcast_in_dim3A_3 {strides = array<i32>} : memref<128x128xf32, #tpu.memory_space<vmem>>, vector<16xf32>,
      %swap3A_74 = arith.index_cast %scan3A_58 : i32 to index
      %swap3A_75 = arith.constant 80 : index
      %swap3A_76 = tpu.vector_load %arg9[%swap3A_74, %swap3A_75] {strides = array<i32>} : memref<128x128xf32, #tpu.memory_space<vmem>>, vector<16xf32>,
      tpu.vector_store %arg9[%swap3A_74, %swap3A_75], %broadcast_in_dim3A_3 {strides = array<i32>} : memref<128x128xf32, #tpu.memory_space<vmem>>, vector<16xf32>,
      %swap3A_77 = arith.index_cast %scan3A_58 : i32 to index
      %swap3A_78 = arith.constant 96 : index
      %swap3A_79 = tpu.vector_load %arg9[%swap3A_77, %swap3A_78] {strides = array<i32>} : memref<128x128xf32, #tpu.memory_space<vmem>>, vector<16xf32>,
      tpu.vector_store %arg9[%swap3A_77, %swap3A_78], %broadcast_in_dim3A_3 {strides = array<i32>} : memref<128x128xf32, #tpu.memory_space<vmem>>, vector<16xf32>,
      %swap3A_80 = arith.index_cast %scan3A_58 : i32 to index
      %swap3A_81 = arith.constant 112 : index
      %swap3A_82 = tpu.vector_load %arg9[%swap3A_80, %swap3A_81] {strides = array<i32>} : memref<128x128xf32, #tpu.memory_space<vmem>>, vector<16xf32>,
      tpu.vector_store %arg9[%swap3A_80, %swap3A_81], %broadcast_in_dim3A_3 {strides = array<i32>} : memref<128x128xf32, #tpu.memory_space<vmem>>, vector<16xf32>,
      %scan3A_83 = arith.constant 0 : i32
      scf.yield %scan3A_83 : i32
    }
    %scan3A_9 = arith.constant 128 : i32
    %mul3A_10 = arith.constant 640 : i32
    %mul3A_11 = arith.muli %arg1, %mul3A_10 : i32
    %add3A_12 = arith.constant 0 : i32
    %add3A_13 = arith.addi %mul3A_11, %add3A_12 : i32
    "tpu.region"() ({
      %run_scoped3A = tpu.sem_alloc : memref<!tpu.dma_semaphore, #tpu.memory_space<semaphore_mem>>
      %dma_start3A_58 = arith.constant 0 : i32
      %dma_start3A_59 = tpu.memref_slice %arg11[%add3A_13, %dma_start3A_58] : memref<10240x128xf32, #tpu.memory_space<vmem_shared>> -> memref<128x128xf32, #tpu.memory_space<vmem_shared>>
      %dma_start3A_60 = arith.constant 0 : i32
      %dma_start3A_61 = tpu.memref_slice %arg11[%add3A_13, %dma_start3A_60] : memref<10240x128xf32, #tpu.memory_space<vmem_shared>> -> memref<128x128xf32, #tpu.memory_space<vmem_shared>>
      tpu.enqueue_dma source(%arg9 : memref<128x128xf32, #tpu.memory_space<vmem>>) target(%dma_start3A_61 : memref<128x128xf32, #tpu.memory_space<vmem_shared>>) target_semaphore(%run_scoped3A : memref<!tpu.dma_semaphore, #tpu.memory_space<semaphore_mem>>)
      %dma_wait3A = arith.constant 0 : i32
      %dma_wait3A_62 = tpu.memref_slice %arg11[%add3A_13, %dma_wait3A] : memref<10240x128xf32, #tpu.memory_space<vmem_shared>> -> memref<128x128xf32, #tpu.memory_space<vmem_shared>>
      %dma_wait3A_63 = arith.constant 0 : i32
      %dma_wait3A_64 = tpu.memref_slice %arg11[%add3A_13, %dma_wait3A_63] : memref<10240x128xf32, #tpu.memory_space<vmem_shared>> -> memref<128x128xf32, #tpu.memory_space<vmem_shared>>
      tpu.wait_dma2 semaphore(%run_scoped3A : memref<!tpu.dma_semaphore, #tpu.memory_space<semaphore_mem>>) src(%arg9 : memref<128x128xf32, #tpu.memory_space<vmem>>) dst(%dma_wait3A_64 : memref<128x128xf32, #tpu.memory_space<vmem_shared>>)
      tpu.yield
    }) : () -> ()
    %mul3A_14 = arith.constant 640 : i32
    %mul3A_15 = arith.muli %arg1, %mul3A_14 : i32
    %add3A_16 = arith.constant 128 : i32
    %add3A_17 = arith.addi %mul3A_15, %add3A_16 : i32
    "tpu.region"() ({
      %run_scoped3A = tpu.sem_alloc : memref<!tpu.dma_semaphore, #tpu.memory_space<semaphore_mem>>
      %dma_start3A_58 = arith.constant 0 : i32
      %dma_start3A_59 = tpu.memref_slice %arg11[%add3A_17, %dma_start3A_58] : memref<10240x128xf32, #tpu.memory_space<vmem_shared>> -> memref<128x128xf32, #tpu.memory_space<vmem_shared>>
      %dma_start3A_60 = arith.constant 0 : i32
      %dma_start3A_61 = tpu.memref_slice %arg11[%add3A_17, %dma_start3A_60] : memref<10240x128xf32, #tpu.memory_space<vmem_shared>> -> memref<128x128xf32, #tpu.memory_space<vmem_shared>>
      tpu.enqueue_dma source(%arg9 : memref<128x128xf32, #tpu.memory_space<vmem>>) target(%dma_start3A_61 : memref<128x128xf32, #tpu.memory_space<vmem_shared>>) target_semaphore(%run_scoped3A : memref<!tpu.dma_semaphore, #tpu.memory_space<semaphore_mem>>)
      %dma_wait3A = arith.constant 0 : i32
      %dma_wait3A_62 = tpu.memref_slice %arg11[%add3A_17, %dma_wait3A] : memref<10240x128xf32, #tpu.memory_space<vmem_shared>> -> memref<128x128xf32, #tpu.memory_space<vmem_shared>>
      %dma_wait3A_63 = arith.constant 0 : i32
      %dma_wait3A_64 = tpu.memref_slice %arg11[%add3A_17, %dma_wait3A_63] : memref<10240x128xf32, #tpu.memory_space<vmem_shared>> -> memref<128x128xf32, #tpu.memory_space<vmem_shared>>
      tpu.wait_dma2 semaphore(%run_scoped3A : memref<!tpu.dma_semaphore, #tpu.memory_space<semaphore_mem>>) src(%arg9 : memref<128x128xf32, #tpu.memory_space<vmem>>) dst(%dma_wait3A_64 : memref<128x128xf32, #tpu.memory_space<vmem_shared>>)
      tpu.yield
    }) : () -> ()
    %mul3A_18 = arith.constant 640 : i32
    %mul3A_19 = arith.muli %arg1, %mul3A_18 : i32
    %add3A_20 = arith.constant 256 : i32
    %add3A_21 = arith.addi %mul3A_19, %add3A_20 : i32
    "tpu.region"() ({
      %run_scoped3A = tpu.sem_alloc : memref<!tpu.dma_semaphore, #tpu.memory_space<semaphore_mem>>
      %dma_start3A_58 = arith.constant 0 : i32
      %dma_start3A_59 = tpu.memref_slice %arg11[%add3A_21, %dma_start3A_58] : memref<10240x128xf32, #tpu.memory_space<vmem_shared>> -> memref<128x128xf32, #tpu.memory_space<vmem_shared>>
      %dma_start3A_60 = arith.constant 0 : i32
      %dma_start3A_61 = tpu.memref_slice %arg11[%add3A_21, %dma_start3A_60] : memref<10240x128xf32, #tpu.memory_space<vmem_shared>> -> memref<128x128xf32, #tpu.memory_space<vmem_shared>>
      tpu.enqueue_dma source(%arg9 : memref<128x128xf32, #tpu.memory_space<vmem>>) target(%dma_start3A_61 : memref<128x128xf32, #tpu.memory_space<vmem_shared>>) target_semaphore(%run_scoped3A : memref<!tpu.dma_semaphore, #tpu.memory_space<semaphore_mem>>)
      %dma_wait3A = arith.constant 0 : i32
      %dma_wait3A_62 = tpu.memref_slice %arg11[%add3A_21, %dma_wait3A] : memref<10240x128xf32, #tpu.memory_space<vmem_shared>> -> memref<128x128xf32, #tpu.memory_space<vmem_shared>>
      %dma_wait3A_63 = arith.constant 0 : i32
      %dma_wait3A_64 = tpu.memref_slice %arg11[%add3A_21, %dma_wait3A_63] : memref<10240x128xf32, #tpu.memory_space<vmem_shared>> -> memref<128x128xf32, #tpu.memory_space<vmem_shared>>
      tpu.wait_dma2 semaphore(%run_scoped3A : memref<!tpu.dma_semaphore, #tpu.memory_space<semaphore_mem>>) src(%arg9 : memref<128x128xf32, #tpu.memory_space<vmem>>) dst(%dma_wait3A_64 : memref<128x128xf32, #tpu.memory_space<vmem_shared>>)
      tpu.yield
    }) : () -> ()
    %mul3A_22 = arith.constant 640 : i32
    %mul3A_23 = arith.muli %arg1, %mul3A_22 : i32
    %add3A_24 = arith.constant 384 : i32
    %add3A_25 = arith.addi %mul3A_23, %add3A_24 : i32
    "tpu.region"() ({
      %run_scoped3A = tpu.sem_alloc : memref<!tpu.dma_semaphore, #tpu.memory_space<semaphore_mem>>
      %dma_start3A_58 = arith.constant 0 : i32
      %dma_start3A_59 = tpu.memref_slice %arg11[%add3A_25, %dma_start3A_58] : memref<10240x128xf32, #tpu.memory_space<vmem_shared>> -> memref<128x128xf32, #tpu.memory_space<vmem_shared>>
      %dma_start3A_60 = arith.constant 0 : i32
      %dma_start3A_61 = tpu.memref_slice %arg11[%add3A_25, %dma_start3A_60] : memref<10240x128xf32, #tpu.memory_space<vmem_shared>> -> memref<128x128xf32, #tpu.memory_space<vmem_shared>>
      tpu.enqueue_dma source(%arg9 : memref<128x128xf32, #tpu.memory_space<vmem>>) target(%dma_start3A_61 : memref<128x128xf32, #tpu.memory_space<vmem_shared>>) target_semaphore(%run_scoped3A : memref<!tpu.dma_semaphore, #tpu.memory_space<semaphore_mem>>)
      %dma_wait3A = arith.constant 0 : i32
      %dma_wait3A_62 = tpu.memref_slice %arg11[%add3A_25, %dma_wait3A] : memref<10240x128xf32, #tpu.memory_space<vmem_shared>> -> memref<128x128xf32, #tpu.memory_space<vmem_shared>>
      %dma_wait3A_63 = arith.constant 0 : i32
      %dma_wait3A_64 = tpu.memref_slice %arg11[%add3A_25, %dma_wait3A_63] : memref<10240x128xf32, #tpu.memory_space<vmem_shared>> -> memref<128x128xf32, #tpu.memory_space<vmem_shared>>
      tpu.wait_dma2 semaphore(%run_scoped3A : memref<!tpu.dma_semaphore, #tpu.memory_space<semaphore_mem>>) src(%arg9 : memref<128x128xf32, #tpu.memory_space<vmem>>) dst(%dma_wait3A_64 : memref<128x128xf32, #tpu.memory_space<vmem_shared>>)
      tpu.yield
    }) : () -> ()
    %mul3A_26 = arith.constant 640 : i32
    %mul3A_27 = arith.muli %arg1, %mul3A_26 : i32
    %add3A_28 = arith.constant 512 : i32
    %add3A_29 = arith.addi %mul3A_27, %add3A_28 : i32
    "tpu.region"() ({
      %run_scoped3A = tpu.sem_alloc : memref<!tpu.dma_semaphore, #tpu.memory_space<semaphore_mem>>
      %dma_start3A_58 = arith.constant 0 : i32
      %dma_start3A_59 = tpu.memref_slice %arg11[%add3A_29, %dma_start3A_58] : memref<10240x128xf32, #tpu.memory_space<vmem_shared>> -> memref<128x128xf32, #tpu.memory_space<vmem_shared>>
      %dma_start3A_60 = arith.constant 0 : i32
      %dma_start3A_61 = tpu.memref_slice %arg11[%add3A_29, %dma_start3A_60] : memref<10240x128xf32, #tpu.memory_space<vmem_shared>> -> memref<128x128xf32, #tpu.memory_space<vmem_shared>>
      tpu.enqueue_dma source(%arg9 : memref<128x128xf32, #tpu.memory_space<vmem>>) target(%dma_start3A_61 : memref<128x128xf32, #tpu.memory_space<vmem_shared>>) target_semaphore(%run_scoped3A : memref<!tpu.dma_semaphore, #tpu.memory_space<semaphore_mem>>)
      %dma_wait3A = arith.constant 0 : i32
      %dma_wait3A_62 = tpu.memref_slice %arg11[%add3A_29, %dma_wait3A] : memref<10240x128xf32, #tpu.memory_space<vmem_shared>> -> memref<128x128xf32, #tpu.memory_space<vmem_shared>>
      %dma_wait3A_63 = arith.constant 0 : i32
      %dma_wait3A_64 = tpu.memref_slice %arg11[%add3A_29, %dma_wait3A_63] : memref<10240x128xf32, #tpu.memory_space<vmem_shared>> -> memref<128x128xf32, #tpu.memory_space<vmem_shared>>
      tpu.wait_dma2 semaphore(%run_scoped3A : memref<!tpu.dma_semaphore, #tpu.memory_space<semaphore_mem>>) src(%arg9 : memref<128x128xf32, #tpu.memory_space<vmem>>) dst(%dma_wait3A_64 : memref<128x128xf32, #tpu.memory_space<vmem_shared>>)
      tpu.yield
    }) : () -> ()
    %barrier3A = arith.constant 0 : index
    tpu.barrier barrier_id(%barrier3A)
    "tpu.region"() ({
      %run_scoped3A = tpu.sem_alloc : memref<!tpu.dma_semaphore, #tpu.memory_space<semaphore_mem>>
      %dma_start3A_58 = arith.constant 0 : i32
      %dma_start3A_59 = arith.constant 0 : i32
      %dma_start3A_60 = tpu.memref_slice %arg3[%mul3A_2, %dma_start3A_58, %dma_start3A_59] : memref<1280x3x128xi32, #tpu.memory_space<hbm>> -> memref<1x3x128xi32, #tpu.memory_space<hbm>>
      %dma_start3A_61 = tpu.memref_squeeze %dma_start3A_60 : memref<1x3x128xi32, #tpu.memory_space<hbm>> -> memref<3x128xi32, #tpu.memory_space<hbm>>
      %dma_start3A_62 = arith.constant 0 : i32
      %dma_start3A_63 = arith.constant 0 : i32
      %dma_start3A_64 = tpu.memref_slice %arg3[%mul3A_2, %dma_start3A_62, %dma_start3A_63] : memref<1280x3x128xi32, #tpu.memory_space<hbm>> -> memref<1x3x128xi32, #tpu.memory_space<hbm>>
      %dma_start3A_65 = tpu.memref_squeeze %dma_start3A_64 : memref<1x3x128xi32, #tpu.memory_space<hbm>> -> memref<3x128xi32, #tpu.memory_space<hbm>>
      tpu.enqueue_dma source(%dma_start3A_65 : memref<3x128xi32, #tpu.memory_space<hbm>>) target(%arg6 : memref<3x128xi32, #tpu.memory_space<vmem>>) target_semaphore(%run_scoped3A : memref<!tpu.dma_semaphore, #tpu.memory_space<semaphore_mem>>)
      %dma_wait3A = arith.constant 0 : i32
      %dma_wait3A_66 = arith.constant 0 : i32
      %dma_wait3A_67 = tpu.memref_slice %arg3[%mul3A_2, %dma_wait3A, %dma_wait3A_66] : memref<1280x3x128xi32, #tpu.memory_space<hbm>> -> memref<1x3x128xi32, #tpu.memory_space<hbm>>
      %dma_wait3A_68 = tpu.memref_squeeze %dma_wait3A_67 : memref<1x3x128xi32, #tpu.memory_space<hbm>> -> memref<3x128xi32, #tpu.memory_space<hbm>>
      %dma_wait3A_69 = arith.constant 0 : i32
      %dma_wait3A_70 = arith.constant 0 : i32
      %dma_wait3A_71 = tpu.memref_slice %arg3[%mul3A_2, %dma_wait3A_69, %dma_wait3A_70] : memref<1280x3x128xi32, #tpu.memory_space<hbm>> -> memref<1x3x128xi32, #tpu.memory_space<hbm>>
      %dma_wait3A_72 = tpu.memref_squeeze %dma_wait3A_71 : memref<1x3x128xi32, #tpu.memory_space<hbm>> -> memref<3x128xi32, #tpu.memory_space<hbm>>
      tpu.wait_dma2 semaphore(%run_scoped3A : memref<!tpu.dma_semaphore, #tpu.memory_space<semaphore_mem>>) src(%dma_wait3A_72 : memref<3x128xi32, #tpu.memory_space<hbm>>) dst(%arg6 : memref<3x128xi32, #tpu.memory_space<vmem>>)
      tpu.yield
    }) : () -> ()
    %dma_start3A = arith.constant 0 : i32
    %dma_start3A_30 = arith.constant 0 : i32
    %dma_start3A_31 = tpu.memref_slice %arg6[%dma_start3A, %dma_start3A_30] : memref<3x128xi32, #tpu.memory_space<vmem>> -> memref<1x128xi32, #tpu.memory_space<vmem>>
    %dma_start3A_32 = tpu.memref_squeeze %dma_start3A_31 : memref<1x128xi32, #tpu.memory_space<vmem>> -> memref<128xi32, #tpu.memory_space<vmem>>
    %dma_start3A_33 = arith.constant 0 : i32
    %dma_start3A_34 = arith.constant 0 : i32
    %dma_start3A_35 = tpu.memref_slice %arg2[%dma_start3A_33, %dma_start3A_34] : memref<80000x128xf32, #tpu.memory_space<hbm>> -> memref<80000x128xf32, #tpu.memory_space<hbm>>
    tpu.enqueue_indirect_dma source(%dma_start3A_35 : memref<80000x128xf32, #tpu.memory_space<hbm>>) target(%arg9 : memref<128x128xf32, #tpu.memory_space<vmem>>) offsets(%dma_start3A_32 : memref<128xi32, #tpu.memory_space<vmem>>) semaphore(%arg12 : memref<!tpu.dma_semaphore, #tpu.memory_space<semaphore_mem>>)
    %add3A_36 = arith.constant 1 : i32
    %add3A_37 = arith.addi %mul3A_2, %add3A_36 : i32
    %dma_start3A_38 = arith.constant 0 : i32
    %dma_start3A_39 = arith.constant 0 : i32
    %dma_start3A_40 = tpu.memref_slice %arg3[%add3A_37, %dma_start3A_38, %dma_start3A_39] : memref<1280x3x128xi32, #tpu.memory_space<hbm>> -> memref<1x3x128xi32, #tpu.memory_space<hbm>>
    %dma_start3A_41 = tpu.memref_squeeze %dma_start3A_40 : memref<1x3x128xi32, #tpu.memory_space<hbm>> -> memref<3x128xi32, #tpu.memory_space<hbm>>
    %dma_start3A_42 = arith.constant 0 : i32
    %dma_start3A_43 = arith.constant 0 : i32
    %dma_start3A_44 = tpu.memref_slice %arg3[%add3A_37, %dma_start3A_42, %dma_start3A_43] : memref<1280x3x128xi32, #tpu.memory_space<hbm>> -> memref<1x3x128xi32, #tpu.memory_space<hbm>>
    %dma_start3A_45 = tpu.memref_squeeze %dma_start3A_44 : memref<1x3x128xi32, #tpu.memory_space<hbm>> -> memref<3x128xi32, #tpu.memory_space<hbm>>
    tpu.enqueue_dma source(%dma_start3A_45 : memref<3x128xi32, #tpu.memory_space<hbm>>) target(%arg7 : memref<3x128xi32, #tpu.memory_space<vmem>>) target_semaphore(%arg13 : memref<!tpu.dma_semaphore, #tpu.memory_space<semaphore_mem>>)
    %scan3A_46 = arith.constant 0 : i32
    %scan3A_47 = arith.constant 0 : i32
    %scan3A_48 = arith.constant 20 : i32
    %scan3A_49 = arith.addi %scan3A_47, %scan3A_48 : i32
    %scan3A_50 = arith.constant 1 : i32
    %scan3A_51 = scf.for %scan3A_58 = %scan3A_47 to %scan3A_49 step %scan3A_50 iter_args(%scan3A_59 = %scan3A_46) -> (i32)  : i32 {
      %mul3A_60 = arith.constant 2 : i32
      %mul3A_61 = arith.muli %mul3A_60, %scan3A_58 : i32
      %dma_wait3A = arith.constant 0 : i32
      %dma_wait3A_62 = arith.constant 0 : i32
      %dma_wait3A_63 = tpu.memref_slice %arg6[%dma_wait3A, %dma_wait3A_62] : memref<3x128xi32, #tpu.memory_space<vmem>> -> memref<1x128xi32, #tpu.memory_space<vmem>>
      %dma_wait3A_64 = tpu.memref_squeeze %dma_wait3A_63 : memref<1x128xi32, #tpu.memory_space<vmem>> -> memref<128xi32, #tpu.memory_space<vmem>>
      %dma_wait3A_65 = arith.constant 0 : i32
      %dma_wait3A_66 = arith.constant 0 : i32
      %dma_wait3A_67 = tpu.memref_slice %arg2[%dma_wait3A_65, %dma_wait3A_66] : memref<80000x128xf32, #tpu.memory_space<hbm>> -> memref<80000x128xf32, #tpu.memory_space<hbm>>
      tpu.wait_indirect_dma semaphore(%arg12 : memref<!tpu.dma_semaphore, #tpu.memory_space<semaphore_mem>>) src(%dma_wait3A_67 : memref<80000x128xf32, #tpu.memory_space<hbm>>) dst(%arg9 : memref<128x128xf32, #tpu.memory_space<vmem>>)
      %add3A_68 = arith.constant 1 : i32
      %add3A_69 = arith.addi %mul3A_61, %add3A_68 : i32
      %lt3A = arith.constant 40 : i32
      %lt3A_70 = arith.cmpi slt, %add3A_69, %lt3A : i32
      %convert_element_type3A = arith.extui %lt3A_70 : i1 to i32
      %cond3A = arith.constant 0 : i32
      %cond3A_71 = arith.cmpi ne, %convert_element_type3A, %cond3A : i32
      scf.if %cond3A_71 {
        %dma_wait3A_111 = arith.constant 0 : i32
        %dma_wait3A_112 = arith.constant 0 : i32
        %dma_wait3A_113 = tpu.memref_slice %arg3[%mul3A_2, %dma_wait3A_111, %dma_wait3A_112] : memref<1280x3x128xi32, #tpu.memory_space<hbm>> -> memref<1x3x128xi32, #tpu.memory_space<hbm>>
        %dma_wait3A_114 = tpu.memref_squeeze %dma_wait3A_113 : memref<1x3x128xi32, #tpu.memory_space<hbm>> -> memref<3x128xi32, #tpu.memory_space<hbm>>
        %dma_wait3A_115 = arith.constant 0 : i32
        %dma_wait3A_116 = arith.constant 0 : i32
        %dma_wait3A_117 = tpu.memref_slice %arg3[%mul3A_2, %dma_wait3A_115, %dma_wait3A_116] : memref<1280x3x128xi32, #tpu.memory_space<hbm>> -> memref<1x3x128xi32, #tpu.memory_space<hbm>>
        %dma_wait3A_118 = tpu.memref_squeeze %dma_wait3A_117 : memref<1x3x128xi32, #tpu.memory_space<hbm>> -> memref<3x128xi32, #tpu.memory_space<hbm>>
        tpu.wait_dma2 semaphore(%arg13 : memref<!tpu.dma_semaphore, #tpu.memory_space<semaphore_mem>>) src(%dma_wait3A_118 : memref<3x128xi32, #tpu.memory_space<hbm>>) dst(%arg7 : memref<3x128xi32, #tpu.memory_space<vmem>>)
        %dma_start3A_119 = arith.constant 0 : i32
        %dma_start3A_120 = arith.constant 0 : i32
        %dma_start3A_121 = tpu.memref_slice %arg7[%dma_start3A_119, %dma_start3A_120] : memref<3x128xi32, #tpu.memory_space<vmem>> -> memref<1x128xi32, #tpu.memory_space<vmem>>
        %dma_start3A_122 = tpu.memref_squeeze %dma_start3A_121 : memref<1x128xi32, #tpu.memory_space<vmem>> -> memref<128xi32, #tpu.memory_space<vmem>>
        %dma_start3A_123 = arith.constant 0 : i32
        %dma_start3A_124 = arith.constant 0 : i32
        %dma_start3A_125 = tpu.memref_slice %arg2[%dma_start3A_123, %dma_start3A_124] : memref<80000x128xf32, #tpu.memory_space<hbm>> -> memref<80000x128xf32, #tpu.memory_space<hbm>>
        tpu.enqueue_indirect_dma source(%dma_start3A_125 : memref<80000x128xf32, #tpu.memory_space<hbm>>) target(%arg10 : memref<128x128xf32, #tpu.memory_space<vmem>>) offsets(%dma_start3A_122 : memref<128xi32, #tpu.memory_space<vmem>>) semaphore(%arg12 : memref<!tpu.dma_semaphore, #tpu.memory_space<semaphore_mem>>)
      } else {
      }
      %parallel_loop3A = arith.constant 0 : i32
      %parallel_loop3A_72 = arith.constant 8 : i32
      %parallel_loop3A_73 = arith.constant 1 : i32
      scf.for %parallel_loop3A_111 = %parallel_loop3A to %parallel_loop3A_72 step %parallel_loop3A_73  : i32 {
        %parallel_loop3A_112 = arith.constant 16 : i32
        %parallel_loop3A_113 = arith.muli %parallel_loop3A_111, %parallel_loop3A_112 : i32
        %parallel_loop3A_114 = arith.constant 0 : i32
        %parallel_loop3A_115 = arith.index_cast %parallel_loop3A_114 : i32 to index
        %parallel_loop3A_116 = arith.index_cast %parallel_loop3A_113 : i32 to index
        %parallel_loop3A_117 = tpu.vector_load %arg6[%parallel_loop3A_115, %parallel_loop3A_116] {strides = array<i32>} : memref<3x128xi32, #tpu.memory_space<vmem>>, vector<16xi32>,
        %parallel_loop3A_118 = arith.constant 16 : i32
        %parallel_loop3A_119 = arith.muli %parallel_loop3A_111, %parallel_loop3A_118 : i32
        %parallel_loop3A_120 = arith.constant 1 : i32
        %parallel_loop3A_121 = arith.index_cast %parallel_loop3A_120 : i32 to index
        %parallel_loop3A_122 = arith.index_cast %parallel_loop3A_119 : i32 to index
        %parallel_loop3A_123 = tpu.vector_load %arg6[%parallel_loop3A_121, %parallel_loop3A_122] {strides = array<i32>} : memref<3x128xi32, #tpu.memory_space<vmem>>, vector<16xi32>,
        %parallel_loop3A_124 = arith.constant 16 : i32
        %parallel_loop3A_125 = arith.muli %parallel_loop3A_111, %parallel_loop3A_124 : i32
        %parallel_loop3A_126 = arith.constant 2 : i32
        %parallel_loop3A_127 = arith.index_cast %parallel_loop3A_126 : i32 to index
        %parallel_loop3A_128 = arith.index_cast %parallel_loop3A_125 : i32 to index
        %parallel_loop3A_129 = tpu.vector_load %arg6[%parallel_loop3A_127, %parallel_loop3A_128] {strides = array<i32>} : memref<3x128xi32, #tpu.memory_space<vmem>>, vector<16xi32>,
        %parallel_loop3A_130 = vector.bitcast %parallel_loop3A_129 : vector<16xi32> to vector<16xf32>
        %parallel_loop3A_131 = arith.constant 3 : i32
        %parallel_loop3A_132 = vector.broadcast %parallel_loop3A_131 : i32 to vector<16xi32>
        %parallel_loop3A_133 = arith.shrui %parallel_loop3A_117, %parallel_loop3A_132 : vector<16xi32>
        %parallel_loop3A_134 = tpu.vector_load_idx %arg8[%parallel_loop3A_133] : memref<10000xi32, #tpu.memory_space<vmem>>[vector<16xi32>], vector<16xi32>,
        %parallel_loop3A_135 = tpu.vector_load_idx %arg8[%parallel_loop3A_123] : memref<10000xi32, #tpu.memory_space<vmem>>[vector<16xi32>], vector<16xi32>,
        %parallel_loop3A_136 = arith.constant 16 : i32
        %parallel_loop3A_137 = vector.broadcast %parallel_loop3A_136 : i32 to vector<16xi32>
        %parallel_loop3A_138 = arith.shli %parallel_loop3A_134, %parallel_loop3A_137 : vector<16xi32>
        %parallel_loop3A_139 = vector.bitcast %parallel_loop3A_138 : vector<16xi32> to vector<16xf32>
        %parallel_loop3A_140 = arith.addf %parallel_loop3A_139, %parallel_loop3A_130 : vector<16xf32>
        %parallel_loop3A_141 = arith.constant -65536 : i32
        %parallel_loop3A_142 = vector.broadcast %parallel_loop3A_141 : i32 to vector<16xi32>
        %parallel_loop3A_143 = arith.andi %parallel_loop3A_135, %parallel_loop3A_142 : vector<16xi32>
        %parallel_loop3A_144 = vector.bitcast %parallel_loop3A_143 : vector<16xi32> to vector<16xf32>
        %parallel_loop3A_145 = arith.addf %parallel_loop3A_140, %parallel_loop3A_144 : vector<16xf32>
        %parallel_loop3A_146 = arith.constant 0 : i32
        %parallel_loop3A_147 = vector.broadcast %parallel_loop3A_146 : i32 to vector<16xi32>
        %parallel_loop3A_148 = arith.constant 0 : i32
        %parallel_loop3A_149 = vector.broadcast %parallel_loop3A_148 : i32 to vector<16xi32>
        %parallel_loop3A_150 = arith.cmpi slt, %parallel_loop3A_147, %parallel_loop3A_149 : vector<16xi32>
        %parallel_loop3A_151 = arith.constant 16 : i32
        %parallel_loop3A_152 = vector.broadcast %parallel_loop3A_151 : i32 to vector<16xi32>
        %parallel_loop3A_153 = arith.addi %parallel_loop3A_147, %parallel_loop3A_152 : vector<16xi32>
        %parallel_loop3A_154 = arith.select %parallel_loop3A_150, %parallel_loop3A_153, %parallel_loop3A_147 : vector<16xi1>, vector<16xi32>
        %parallel_loop3A_155 = vector.shape_cast %parallel_loop3A_154 : vector<16xi32> to vector<16x1xi32>
        %parallel_loop3A_156 = vector.shape_cast %parallel_loop3A_155 : vector<16x1xi32> to vector<16xi32>
        %parallel_loop3A_157 = tpu.dynamic_gather %parallel_loop3A_145[%parallel_loop3A_156] in [0] : vector<16xf32>, vector<16xi32> -> vector<16xf32>
        %parallel_loop3A_158 = arith.constant 16 : i32
        %parallel_loop3A_159 = arith.muli %parallel_loop3A_111, %parallel_loop3A_158 : i32
        %parallel_loop3A_160 = arith.constant 0 : i32
        %parallel_loop3A_161 = arith.addi %parallel_loop3A_159, %parallel_loop3A_160 : i32
        %parallel_loop3A_162 = arith.index_cast %parallel_loop3A_161 : i32 to index
        %parallel_loop3A_163 = arith.constant 0 : index
        %parallel_loop3A_164 = tpu.vector_load %arg9[%parallel_loop3A_162, %parallel_loop3A_163] {strides = array<i32>} : memref<128x128xf32, #tpu.memory_space<vmem>>, vector<16xf32>,
        %parallel_loop3A_165 = arith.mulf %parallel_loop3A_164, %parallel_loop3A_157 : vector<16xf32>
        %parallel_loop3A_166 = arith.index_cast %parallel_loop3A_161 : i32 to index
        %parallel_loop3A_167 = arith.constant 0 : index
        %parallel_loop3A_168 = tpu.vector_load %arg9[%parallel_loop3A_166, %parallel_loop3A_167] {strides = array<i32>} : memref<128x128xf32, #tpu.memory_space<vmem>>, vector<16xf32>,
        tpu.vector_store %arg9[%parallel_loop3A_166, %parallel_loop3A_167], %parallel_loop3A_165 {strides = array<i32>} : memref<128x128xf32, #tpu.memory_space<vmem>>, vector<16xf32>,
        %parallel_loop3A_169 = arith.index_cast %parallel_loop3A_161 : i32 to index
        %parallel_loop3A_170 = arith.constant 16 : index
        %parallel_loop3A_171 = tpu.vector_load %arg9[%parallel_loop3A_169, %parallel_loop3A_170] {strides = array<i32>} : memref<128x128xf32, #tpu.memory_space<vmem>>, vector<16xf32>,
        %parallel_loop3A_172 = arith.mulf %parallel_loop3A_171, %parallel_loop3A_157 : vector<16xf32>
        %parallel_loop3A_173 = arith.index_cast %parallel_loop3A_161 : i32 to index
        %parallel_loop3A_174 = arith.constant 16 : index
        %parallel_loop3A_175 = tpu.vector_load %arg9[%parallel_loop3A_173, %parallel_loop3A_174] {strides = array<i32>} : memref<128x128xf32, #tpu.memory_space<vmem>>, vector<16xf32>,
        tpu.vector_store %arg9[%parallel_loop3A_173, %parallel_loop3A_174], %parallel_loop3A_172 {strides = array<i32>} : memref<128x128xf32, #tpu.memory_space<vmem>>, vector<16xf32>,
        %parallel_loop3A_176 = arith.index_cast %parallel_loop3A_161 : i32 to index
        %parallel_loop3A_177 = arith.constant 32 : index
        %parallel_loop3A_178 = tpu.vector_load %arg9[%parallel_loop3A_176, %parallel_loop3A_177] {strides = array<i32>} : memref<128x128xf32, #tpu.memory_space<vmem>>, vector<16xf32>,
        %parallel_loop3A_179 = arith.mulf %parallel_loop3A_178, %parallel_loop3A_157 : vector<16xf32>
        %parallel_loop3A_180 = arith.index_cast %parallel_loop3A_161 : i32 to index
        %parallel_loop3A_181 = arith.constant 32 : index
        %parallel_loop3A_182 = tpu.vector_load %arg9[%parallel_loop3A_180, %parallel_loop3A_181] {strides = array<i32>} : memref<128x128xf32, #tpu.memory_space<vmem>>, vector<16xf32>,
        tpu.vector_store %arg9[%parallel_loop3A_180, %parallel_loop3A_181], %parallel_loop3A_179 {strides = array<i32>} : memref<128x128xf32, #tpu.memory_space<vmem>>, vector<16xf32>,
        %parallel_loop3A_183 = arith.index_cast %parallel_loop3A_161 : i32 to index
        %parallel_loop3A_184 = arith.constant 48 : index
        %parallel_loop3A_185 = tpu.vector_load %arg9[%parallel_loop3A_183, %parallel_loop3A_184] {strides = array<i32>} : memref<128x128xf32, #tpu.memory_space<vmem>>, vector<16xf32>,
        %parallel_loop3A_186 = arith.mulf %parallel_loop3A_185, %parallel_loop3A_157 : vector<16xf32>
        %parallel_loop3A_187 = arith.index_cast %parallel_loop3A_161 : i32 to index
        %parallel_loop3A_188 = arith.constant 48 : index
        %parallel_loop3A_189 = tpu.vector_load %arg9[%parallel_loop3A_187, %parallel_loop3A_188] {strides = array<i32>} : memref<128x128xf32, #tpu.memory_space<vmem>>, vector<16xf32>,
        tpu.vector_store %arg9[%parallel_loop3A_187, %parallel_loop3A_188], %parallel_loop3A_186 {strides = array<i32>} : memref<128x128xf32, #tpu.memory_space<vmem>>, vector<16xf32>,
        %parallel_loop3A_190 = arith.index_cast %parallel_loop3A_161 : i32 to index
        %parallel_loop3A_191 = arith.constant 64 : index
        %parallel_loop3A_192 = tpu.vector_load %arg9[%parallel_loop3A_190, %parallel_loop3A_191] {strides = array<i32>} : memref<128x128xf32, #tpu.memory_space<vmem>>, vector<16xf32>,
        %parallel_loop3A_193 = arith.mulf %parallel_loop3A_192, %parallel_loop3A_157 : vector<16xf32>
        %parallel_loop3A_194 = arith.index_cast %parallel_loop3A_161 : i32 to index
        %parallel_loop3A_195 = arith.constant 64 : index
        %parallel_loop3A_196 = tpu.vector_load %arg9[%parallel_loop3A_194, %parallel_loop3A_195] {strides = array<i32>} : memref<128x128xf32, #tpu.memory_space<vmem>>, vector<16xf32>,
        tpu.vector_store %arg9[%parallel_loop3A_194, %parallel_loop3A_195], %parallel_loop3A_193 {strides = array<i32>} : memref<128x128xf32, #tpu.memory_space<vmem>>, vector<16xf32>,
        %parallel_loop3A_197 = arith.index_cast %parallel_loop3A_161 : i32 to index
        %parallel_loop3A_198 = arith.constant 80 : index
        %parallel_loop3A_199 = tpu.vector_load %arg9[%parallel_loop3A_197, %parallel_loop3A_198] {strides = array<i32>} : memref<128x128xf32, #tpu.memory_space<vmem>>, vector<16xf32>,
        %parallel_loop3A_200 = arith.mulf %parallel_loop3A_199, %parallel_loop3A_157 : vector<16xf32>
        %parallel_loop3A_201 = arith.index_cast %parallel_loop3A_161 : i32 to index
        %parallel_loop3A_202 = arith.constant 80 : index
        %parallel_loop3A_203 = tpu.vector_load %arg9[%parallel_loop3A_201, %parallel_loop3A_202] {strides = array<i32>} : memref<128x128xf32, #tpu.memory_space<vmem>>, vector<16xf32>,
        tpu.vector_store %arg9[%parallel_loop3A_201, %parallel_loop3A_202], %parallel_loop3A_200 {strides = array<i32>} : memref<128x128xf32, #tpu.memory_space<vmem>>, vector<16xf32>,
        %parallel_loop3A_204 = arith.index_cast %parallel_loop3A_161 : i32 to index
        %parallel_loop3A_205 = arith.constant 96 : index
        %parallel_loop3A_206 = tpu.vector_load %arg9[%parallel_loop3A_204, %parallel_loop3A_205] {strides = array<i32>} : memref<128x128xf32, #tpu.memory_space<vmem>>, vector<16xf32>,
        %parallel_loop3A_207 = arith.mulf %parallel_loop3A_206, %parallel_loop3A_157 : vector<16xf32>
        %parallel_loop3A_208 = arith.index_cast %parallel_loop3A_161 : i32 to index
        %parallel_loop3A_209 = arith.constant 96 : index
        %parallel_loop3A_210 = tpu.vector_load %arg9[%parallel_loop3A_208, %parallel_loop3A_209] {strides = array<i32>} : memref<128x128xf32, #tpu.memory_space<vmem>>, vector<16xf32>,
        tpu.vector_store %arg9[%parallel_loop3A_208, %parallel_loop3A_209], %parallel_loop3A_207 {strides = array<i32>} : memref<128x128xf32, #tpu.memory_space<vmem>>, vector<16xf32>,
        %parallel_loop3A_211 = arith.index_cast %parallel_loop3A_161 : i32 to index
        %parallel_loop3A_212 = arith.constant 112 : index
        %parallel_loop3A_213 = tpu.vector_load %arg9[%parallel_loop3A_211, %parallel_loop3A_212] {strides = array<i32>} : memref<128x128xf32, #tpu.memory_space<vmem>>, vector<16xf32>,
        %parallel_loop3A_214 = arith.mulf %parallel_loop3A_213, %parallel_loop3A_157 : vector<16xf32>
        %parallel_loop3A_215 = arith.index_cast %parallel_loop3A_161 : i32 to index
        %parallel_loop3A_216 = arith.constant 112 : index
        %parallel_loop3A_217 = tpu.vector_load %arg9[%parallel_loop3A_215, %parallel_loop3A_216] {strides = array<i32>} : memref<128x128xf32, #tpu.memory_space<vmem>>, vector<16xf32>,
        tpu.vector_store %arg9[%parallel_loop3A_215, %parallel_loop3A_216], %parallel_loop3A_214 {strides = array<i32>} : memref<128x128xf32, #tpu.memory_space<vmem>>, vector<16xf32>,
        %parallel_loop3A_218 = arith.constant 1 : i32
        %parallel_loop3A_219 = vector.broadcast %parallel_loop3A_218 : i32 to vector<16xi32>
        %parallel_loop3A_220 = arith.constant 0 : i32
        %parallel_loop3A_221 = vector.broadcast %parallel_loop3A_220 : i32 to vector<16xi32>
        %parallel_loop3A_222 = arith.cmpi slt, %parallel_loop3A_219, %parallel_loop3A_221 : vector<16xi32>
        %parallel_loop3A_223 = arith.constant 16 : i32
        %parallel_loop3A_224 = vector.broadcast %parallel_loop3A_223 : i32 to vector<16xi32>
        %parallel_loop3A_225 = arith.addi %parallel_loop3A_219, %parallel_loop3A_224 : vector<16xi32>
        %parallel_loop3A_226 = arith.select %parallel_loop3A_222, %parallel_loop3A_225, %parallel_loop3A_219 : vector<16xi1>, vector<16xi32>
        %parallel_loop3A_227 = vector.shape_cast %parallel_loop3A_226 : vector<16xi32> to vector<16x1xi32>
        %parallel_loop3A_228 = vector.shape_cast %parallel_loop3A_227 : vector<16x1xi32> to vector<16xi32>
        %parallel_loop3A_229 = tpu.dynamic_gather %parallel_loop3A_145[%parallel_loop3A_228] in [0] : vector<16xf32>, vector<16xi32> -> vector<16xf32>
        %parallel_loop3A_230 = arith.constant 16 : i32
        %parallel_loop3A_231 = arith.muli %parallel_loop3A_111, %parallel_loop3A_230 : i32
        %parallel_loop3A_232 = arith.constant 1 : i32
        %parallel_loop3A_233 = arith.addi %parallel_loop3A_231, %parallel_loop3A_232 : i32
        %parallel_loop3A_234 = arith.index_cast %parallel_loop3A_233 : i32 to index
        %parallel_loop3A_235 = arith.constant 0 : index
        %parallel_loop3A_236 = tpu.vector_load %arg9[%parallel_loop3A_234, %parallel_loop3A_235] {strides = array<i32>} : memref<128x128xf32, #tpu.memory_space<vmem>>, vector<16xf32>,
        %parallel_loop3A_237 = arith.mulf %parallel_loop3A_236, %parallel_loop3A_229 : vector<16xf32>
        %parallel_loop3A_238 = arith.index_cast %parallel_loop3A_233 : i32 to index
        %parallel_loop3A_239 = arith.constant 0 : index
        %parallel_loop3A_240 = tpu.vector_load %arg9[%parallel_loop3A_238, %parallel_loop3A_239] {strides = array<i32>} : memref<128x128xf32, #tpu.memory_space<vmem>>, vector<16xf32>,
        tpu.vector_store %arg9[%parallel_loop3A_238, %parallel_loop3A_239], %parallel_loop3A_237 {strides = array<i32>} : memref<128x128xf32, #tpu.memory_space<vmem>>, vector<16xf32>,
        %parallel_loop3A_241 = arith.index_cast %parallel_loop3A_233 : i32 to index
        %parallel_loop3A_242 = arith.constant 16 : index
        %parallel_loop3A_243 = tpu.vector_load %arg9[%parallel_loop3A_241, %parallel_loop3A_242] {strides = array<i32>} : memref<128x128xf32, #tpu.memory_space<vmem>>, vector<16xf32>,
        %parallel_loop3A_244 = arith.mulf %parallel_loop3A_243, %parallel_loop3A_229 : vector<16xf32>
        %parallel_loop3A_245 = arith.index_cast %parallel_loop3A_233 : i32 to index
        %parallel_loop3A_246 = arith.constant 16 : index
        %parallel_loop3A_247 = tpu.vector_load %arg9[%parallel_loop3A_245, %parallel_loop3A_246] {strides = array<i32>} : memref<128x128xf32, #tpu.memory_space<vmem>>, vector<16xf32>,
        tpu.vector_store %arg9[%parallel_loop3A_245, %parallel_loop3A_246], %parallel_loop3A_244 {strides = array<i32>} : memref<128x128xf32, #tpu.memory_space<vmem>>, vector<16xf32>,
        %parallel_loop3A_248 = arith.index_cast %parallel_loop3A_233 : i32 to index
        %parallel_loop3A_249 = arith.constant 32 : index
        %parallel_loop3A_250 = tpu.vector_load %arg9[%parallel_loop3A_248, %parallel_loop3A_249] {strides = array<i32>} : memref<128x128xf32, #tpu.memory_space<vmem>>, vector<16xf32>,
        %parallel_loop3A_251 = arith.mulf %parallel_loop3A_250, %parallel_loop3A_229 : vector<16xf32>
        %parallel_loop3A_252 = arith.index_cast %parallel_loop3A_233 : i32 to index
        %parallel_loop3A_253 = arith.constant 32 : index
        %parallel_loop3A_254 = tpu.vector_load %arg9[%parallel_loop3A_252, %parallel_loop3A_253] {strides = array<i32>} : memref<128x128xf32, #tpu.memory_space<vmem>>, vector<16xf32>,
        tpu.vector_store %arg9[%parallel_loop3A_252, %parallel_loop3A_253], %parallel_loop3A_251 {strides = array<i32>} : memref<128x128xf32, #tpu.memory_space<vmem>>, vector<16xf32>,
        %parallel_loop3A_255 = arith.index_cast %parallel_loop3A_233 : i32 to index
        %parallel_loop3A_256 = arith.constant 48 : index
        %parallel_loop3A_257 = tpu.vector_load %arg9[%parallel_loop3A_255, %parallel_loop3A_256] {strides = array<i32>} : memref<128x128xf32, #tpu.memory_space<vmem>>, vector<16xf32>,
        %parallel_loop3A_258 = arith.mulf %parallel_loop3A_257, %parallel_loop3A_229 : vector<16xf32>
        %parallel_loop3A_259 = arith.index_cast %parallel_loop3A_233 : i32 to index
        %parallel_loop3A_260 = arith.constant 48 : index
        %parallel_loop3A_261 = tpu.vector_load %arg9[%parallel_loop3A_259, %parallel_loop3A_260] {strides = array<i32>} : memref<128x128xf32, #tpu.memory_space<vmem>>, vector<16xf32>,
        tpu.vector_store %arg9[%parallel_loop3A_259, %parallel_loop3A_260], %parallel_loop3A_258 {strides = array<i32>} : memref<128x128xf32, #tpu.memory_space<vmem>>, vector<16xf32>,
        %parallel_loop3A_262 = arith.index_cast %parallel_loop3A_233 : i32 to index
        %parallel_loop3A_263 = arith.constant 64 : index
        %parallel_loop3A_264 = tpu.vector_load %arg9[%parallel_loop3A_262, %parallel_loop3A_263] {strides = array<i32>} : memref<128x128xf32, #tpu.memory_space<vmem>>, vector<16xf32>,
        %parallel_loop3A_265 = arith.mulf %parallel_loop3A_264, %parallel_loop3A_229 : vector<16xf32>
        %parallel_loop3A_266 = arith.index_cast %parallel_loop3A_233 : i32 to index
        %parallel_loop3A_267 = arith.constant 64 : index
        %parallel_loop3A_268 = tpu.vector_load %arg9[%parallel_loop3A_266, %parallel_loop3A_267] {strides = array<i32>} : memref<128x128xf32, #tpu.memory_space<vmem>>, vector<16xf32>,
        tpu.vector_store %arg9[%parallel_loop3A_266, %parallel_loop3A_267], %parallel_loop3A_265 {strides = array<i32>} : memref<128x128xf32, #tpu.memory_space<vmem>>, vector<16xf32>,
        %parallel_loop3A_269 = arith.index_cast %parallel_loop3A_233 : i32 to index
        %parallel_loop3A_270 = arith.constant 80 : index
        %parallel_loop3A_271 = tpu.vector_load %arg9[%parallel_loop3A_269, %parallel_loop3A_270] {strides = array<i32>} : memref<128x128xf32, #tpu.memory_space<vmem>>, vector<16xf32>,
        %parallel_loop3A_272 = arith.mulf %parallel_loop3A_271, %parallel_loop3A_229 : vector<16xf32>
        %parallel_loop3A_273 = arith.index_cast %parallel_loop3A_233 : i32 to index
        %parallel_loop3A_274 = arith.constant 80 : index
        %parallel_loop3A_275 = tpu.vector_load %arg9[%parallel_loop3A_273, %parallel_loop3A_274] {strides = array<i32>} : memref<128x128xf32, #tpu.memory_space<vmem>>, vector<16xf32>,
        tpu.vector_store %arg9[%parallel_loop3A_273, %parallel_loop3A_274], %parallel_loop3A_272 {strides = array<i32>} : memref<128x128xf32, #tpu.memory_space<vmem>>, vector<16xf32>,
        %parallel_loop3A_276 = arith.index_cast %parallel_loop3A_233 : i32 to index
        %parallel_loop3A_277 = arith.constant 96 : index
        %parallel_loop3A_278 = tpu.vector_load %arg9[%parallel_loop3A_276, %parallel_loop3A_277] {strides = array<i32>} : memref<128x128xf32, #tpu.memory_space<vmem>>, vector<16xf32>,
        %parallel_loop3A_279 = arith.mulf %parallel_loop3A_278, %parallel_loop3A_229 : vector<16xf32>
        %parallel_loop3A_280 = arith.index_cast %parallel_loop3A_233 : i32 to index
        %parallel_loop3A_281 = arith.constant 96 : index
        %parallel_loop3A_282 = tpu.vector_load %arg9[%parallel_loop3A_280, %parallel_loop3A_281] {strides = array<i32>} : memref<128x128xf32, #tpu.memory_space<vmem>>, vector<16xf32>,
        tpu.vector_store %arg9[%parallel_loop3A_280, %parallel_loop3A_281], %parallel_loop3A_279 {strides = array<i32>} : memref<128x128xf32, #tpu.memory_space<vmem>>, vector<16xf32>,
        %parallel_loop3A_283 = arith.index_cast %parallel_loop3A_233 : i32 to index
        %parallel_loop3A_284 = arith.constant 112 : index
        %parallel_loop3A_285 = tpu.vector_load %arg9[%parallel_loop3A_283, %parallel_loop3A_284] {strides = array<i32>} : memref<128x128xf32, #tpu.memory_space<vmem>>, vector<16xf32>,
        %parallel_loop3A_286 = arith.mulf %parallel_loop3A_285, %parallel_loop3A_229 : vector<16xf32>
        %parallel_loop3A_287 = arith.index_cast %parallel_loop3A_233 : i32 to index
        %parallel_loop3A_288 = arith.constant 112 : index
        %parallel_loop3A_289 = tpu.vector_load %arg9[%parallel_loop3A_287, %parallel_loop3A_288] {strides = array<i32>} : memref<128x128xf32, #tpu.memory_space<vmem>>, vector<16xf32>,
        tpu.vector_store %arg9[%parallel_loop3A_287, %parallel_loop3A_288], %parallel_loop3A_286 {strides = array<i32>} : memref<128x128xf32, #tpu.memory_space<vmem>>, vector<16xf32>,
        %parallel_loop3A_290 = arith.constant 2 : i32
        %parallel_loop3A_291 = vector.broadcast %parallel_loop3A_290 : i32 to vector<16xi32>
        %parallel_loop3A_292 = arith.constant 0 : i32
        %parallel_loop3A_293 = vector.broadcast %parallel_loop3A_292 : i32 to vector<16xi32>
        %parallel_loop3A_294 = arith.cmpi slt, %parallel_loop3A_291, %parallel_loop3A_293 : vector<16xi32>
        %parallel_loop3A_295 = arith.constant 16 : i32
        %parallel_loop3A_296 = vector.broadcast %parallel_loop3A_295 : i32 to vector<16xi32>
        %parallel_loop3A_297 = arith.addi %parallel_loop3A_291, %parallel_loop3A_296 : vector<16xi32>
        %parallel_loop3A_298 = arith.select %parallel_loop3A_294, %parallel_loop3A_297, %parallel_loop3A_291 : vector<16xi1>, vector<16xi32>
        %parallel_loop3A_299 = vector.shape_cast %parallel_loop3A_298 : vector<16xi32> to vector<16x1xi32>
        %parallel_loop3A_300 = vector.shape_cast %parallel_loop3A_299 : vector<16x1xi32> to vector<16xi32>
        %parallel_loop3A_301 = tpu.dynamic_gather %parallel_loop3A_145[%parallel_loop3A_300] in [0] : vector<16xf32>, vector<16xi32> -> vector<16xf32>
        %parallel_loop3A_302 = arith.constant 16 : i32
        %parallel_loop3A_303 = arith.muli %parallel_loop3A_111, %parallel_loop3A_302 : i32
        %parallel_loop3A_304 = arith.constant 2 : i32
        %parallel_loop3A_305 = arith.addi %parallel_loop3A_303, %parallel_loop3A_304 : i32
        %parallel_loop3A_306 = arith.index_cast %parallel_loop3A_305 : i32 to index
        %parallel_loop3A_307 = arith.constant 0 : index
        %parallel_loop3A_308 = tpu.vector_load %arg9[%parallel_loop3A_306, %parallel_loop3A_307] {strides = array<i32>} : memref<128x128xf32, #tpu.memory_space<vmem>>, vector<16xf32>,
        %parallel_loop3A_309 = arith.mulf %parallel_loop3A_308, %parallel_loop3A_301 : vector<16xf32>
        %parallel_loop3A_310 = arith.index_cast %parallel_loop3A_305 : i32 to index
        %parallel_loop3A_311 = arith.constant 0 : index
        %parallel_loop3A_312 = tpu.vector_load %arg9[%parallel_loop3A_310, %parallel_loop3A_311] {strides = array<i32>} : memref<128x128xf32, #tpu.memory_space<vmem>>, vector<16xf32>,
        tpu.vector_store %arg9[%parallel_loop3A_310, %parallel_loop3A_311], %parallel_loop3A_309 {strides = array<i32>} : memref<128x128xf32, #tpu.memory_space<vmem>>, vector<16xf32>,
        %parallel_loop3A_313 = arith.index_cast %parallel_loop3A_305 : i32 to index
        %parallel_loop3A_314 = arith.constant 16 : index
        %parallel_loop3A_315 = tpu.vector_load %arg9[%parallel_loop3A_313, %parallel_loop3A_314] {strides = array<i32>} : memref<128x128xf32, #tpu.memory_space<vmem>>, vector<16xf32>,
        %parallel_loop3A_316 = arith.mulf %parallel_loop3A_315, %parallel_loop3A_301 : vector<16xf32>
        %parallel_loop3A_317 = arith.index_cast %parallel_loop3A_305 : i32 to index
        %parallel_loop3A_318 = arith.constant 16 : index
        %parallel_loop3A_319 = tpu.vector_load %arg9[%parallel_loop3A_317, %parallel_loop3A_318] {strides = array<i32>} : memref<128x128xf32, #tpu.memory_space<vmem>>, vector<16xf32>,
        tpu.vector_store %arg9[%parallel_loop3A_317, %parallel_loop3A_318], %parallel_loop3A_316 {strides = array<i32>} : memref<128x128xf32, #tpu.memory_space<vmem>>, vector<16xf32>,
        %parallel_loop3A_320 = arith.index_cast %parallel_loop3A_305 : i32 to index
        %parallel_loop3A_321 = arith.constant 32 : index
        %parallel_loop3A_322 = tpu.vector_load %arg9[%parallel_loop3A_320, %parallel_loop3A_321] {strides = array<i32>} : memref<128x128xf32, #tpu.memory_space<vmem>>, vector<16xf32>,
        %parallel_loop3A_323 = arith.mulf %parallel_loop3A_322, %parallel_loop3A_301 : vector<16xf32>
        %parallel_loop3A_324 = arith.index_cast %parallel_loop3A_305 : i32 to index
        %parallel_loop3A_325 = arith.constant 32 : index
        %parallel_loop3A_326 = tpu.vector_load %arg9[%parallel_loop3A_324, %parallel_loop3A_325] {strides = array<i32>} : memref<128x128xf32, #tpu.memory_space<vmem>>, vector<16xf32>,
        tpu.vector_store %arg9[%parallel_loop3A_324, %parallel_loop3A_325], %parallel_loop3A_323 {strides = array<i32>} : memref<128x128xf32, #tpu.memory_space<vmem>>, vector<16xf32>,
        %parallel_loop3A_327 = arith.index_cast %parallel_loop3A_305 : i32 to index
        %parallel_loop3A_328 = arith.constant 48 : index
        %parallel_loop3A_329 = tpu.vector_load %arg9[%parallel_loop3A_327, %parallel_loop3A_328] {strides = array<i32>} : memref<128x128xf32, #tpu.memory_space<vmem>>, vector<16xf32>,
        %parallel_loop3A_330 = arith.mulf %parallel_loop3A_329, %parallel_loop3A_301 : vector<16xf32>
        %parallel_loop3A_331 = arith.index_cast %parallel_loop3A_305 : i32 to index
        %parallel_loop3A_332 = arith.constant 48 : index
        %parallel_loop3A_333 = tpu.vector_load %arg9[%parallel_loop3A_331, %parallel_loop3A_332] {strides = array<i32>} : memref<128x128xf32, #tpu.memory_space<vmem>>, vector<16xf32>,
        tpu.vector_store %arg9[%parallel_loop3A_331, %parallel_loop3A_332], %parallel_loop3A_330 {strides = array<i32>} : memref<128x128xf32, #tpu.memory_space<vmem>>, vector<16xf32>,
        %parallel_loop3A_334 = arith.index_cast %parallel_loop3A_305 : i32 to index
        %parallel_loop3A_335 = arith.constant 64 : index
        %parallel_loop3A_336 = tpu.vector_load %arg9[%parallel_loop3A_334, %parallel_loop3A_335] {strides = array<i32>} : memref<128x128xf32, #tpu.memory_space<vmem>>, vector<16xf32>,
        %parallel_loop3A_337 = arith.mulf %parallel_loop3A_336, %parallel_loop3A_301 : vector<16xf32>
        %parallel_loop3A_338 = arith.index_cast %parallel_loop3A_305 : i32 to index
        %parallel_loop3A_339 = arith.constant 64 : index
        %parallel_loop3A_340 = tpu.vector_load %arg9[%parallel_loop3A_338, %parallel_loop3A_339] {strides = array<i32>} : memref<128x128xf32, #tpu.memory_space<vmem>>, vector<16xf32>,
        tpu.vector_store %arg9[%parallel_loop3A_338, %parallel_loop3A_339], %parallel_loop3A_337 {strides = array<i32>} : memref<128x128xf32, #tpu.memory_space<vmem>>, vector<16xf32>,
        %parallel_loop3A_341 = arith.index_cast %parallel_loop3A_305 : i32 to index
        %parallel_loop3A_342 = arith.constant 80 : index
        %parallel_loop3A_343 = tpu.vector_load %arg9[%parallel_loop3A_341, %parallel_loop3A_342] {strides = array<i32>} : memref<128x128xf32, #tpu.memory_space<vmem>>, vector<16xf32>,
        %parallel_loop3A_344 = arith.mulf %parallel_loop3A_343, %parallel_loop3A_301 : vector<16xf32>
        %parallel_loop3A_345 = arith.index_cast %parallel_loop3A_305 : i32 to index
        %parallel_loop3A_346 = arith.constant 80 : index
        %parallel_loop3A_347 = tpu.vector_load %arg9[%parallel_loop3A_345, %parallel_loop3A_346] {strides = array<i32>} : memref<128x128xf32, #tpu.memory_space<vmem>>, vector<16xf32>,
        tpu.vector_store %arg9[%parallel_loop3A_345, %parallel_loop3A_346], %parallel_loop3A_344 {strides = array<i32>} : memref<128x128xf32, #tpu.memory_space<vmem>>, vector<16xf32>,
        %parallel_loop3A_348 = arith.index_cast %parallel_loop3A_305 : i32 to index
        %parallel_loop3A_349 = arith.constant 96 : index
        %parallel_loop3A_350 = tpu.vector_load %arg9[%parallel_loop3A_348, %parallel_loop3A_349] {strides = array<i32>} : memref<128x128xf32, #tpu.memory_space<vmem>>, vector<16xf32>,
        %parallel_loop3A_351 = arith.mulf %parallel_loop3A_350, %parallel_loop3A_301 : vector<16xf32>
        %parallel_loop3A_352 = arith.index_cast %parallel_loop3A_305 : i32 to index
        %parallel_loop3A_353 = arith.constant 96 : index
        %parallel_loop3A_354 = tpu.vector_load %arg9[%parallel_loop3A_352, %parallel_loop3A_353] {strides = array<i32>} : memref<128x128xf32, #tpu.memory_space<vmem>>, vector<16xf32>,
        tpu.vector_store %arg9[%parallel_loop3A_352, %parallel_loop3A_353], %parallel_loop3A_351 {strides = array<i32>} : memref<128x128xf32, #tpu.memory_space<vmem>>, vector<16xf32>,
        %parallel_loop3A_355 = arith.index_cast %parallel_loop3A_305 : i32 to index
        %parallel_loop3A_356 = arith.constant 112 : index
        %parallel_loop3A_357 = tpu.vector_load %arg9[%parallel_loop3A_355, %parallel_loop3A_356] {strides = array<i32>} : memref<128x128xf32, #tpu.memory_space<vmem>>, vector<16xf32>,
        %parallel_loop3A_358 = arith.mulf %parallel_loop3A_357, %parallel_loop3A_301 : vector<16xf32>
        %parallel_loop3A_359 = arith.index_cast %parallel_loop3A_305 : i32 to index
        %parallel_loop3A_360 = arith.constant 112 : index
        %parallel_loop3A_361 = tpu.vector_load %arg9[%parallel_loop3A_359, %parallel_loop3A_360] {strides = array<i32>} : memref<128x128xf32, #tpu.memory_space<vmem>>, vector<16xf32>,
        tpu.vector_store %arg9[%parallel_loop3A_359, %parallel_loop3A_360], %parallel_loop3A_358 {strides = array<i32>} : memref<128x128xf32, #tpu.memory_space<vmem>>, vector<16xf32>,
        %parallel_loop3A_362 = arith.constant 3 : i32
        %parallel_loop3A_363 = vector.broadcast %parallel_loop3A_362 : i32 to vector<16xi32>
        %parallel_loop3A_364 = arith.constant 0 : i32
        %parallel_loop3A_365 = vector.broadcast %parallel_loop3A_364 : i32 to vector<16xi32>
        %parallel_loop3A_366 = arith.cmpi slt, %parallel_loop3A_363, %parallel_loop3A_365 : vector<16xi32>
        %parallel_loop3A_367 = arith.constant 16 : i32
        %parallel_loop3A_368 = vector.broadcast %parallel_loop3A_367 : i32 to vector<16xi32>
        %parallel_loop3A_369 = arith.addi %parallel_loop3A_363, %parallel_loop3A_368 : vector<16xi32>
        %parallel_loop3A_370 = arith.select %parallel_loop3A_366, %parallel_loop3A_369, %parallel_loop3A_363 : vector<16xi1>, vector<16xi32>
        %parallel_loop3A_371 = vector.shape_cast %parallel_loop3A_370 : vector<16xi32> to vector<16x1xi32>
        %parallel_loop3A_372 = vector.shape_cast %parallel_loop3A_371 : vector<16x1xi32> to vector<16xi32>
        %parallel_loop3A_373 = tpu.dynamic_gather %parallel_loop3A_145[%parallel_loop3A_372] in [0] : vector<16xf32>, vector<16xi32> -> vector<16xf32>
        %parallel_loop3A_374 = arith.constant 16 : i32
        %parallel_loop3A_375 = arith.muli %parallel_loop3A_111, %parallel_loop3A_374 : i32
        %parallel_loop3A_376 = arith.constant 3 : i32
        %parallel_loop3A_377 = arith.addi %parallel_loop3A_375, %parallel_loop3A_376 : i32
        %parallel_loop3A_378 = arith.index_cast %parallel_loop3A_377 : i32 to index
        %parallel_loop3A_379 = arith.constant 0 : index
        %parallel_loop3A_380 = tpu.vector_load %arg9[%parallel_loop3A_378, %parallel_loop3A_379] {strides = array<i32>} : memref<128x128xf32, #tpu.memory_space<vmem>>, vector<16xf32>,
        %parallel_loop3A_381 = arith.mulf %parallel_loop3A_380, %parallel_loop3A_373 : vector<16xf32>
        %parallel_loop3A_382 = arith.index_cast %parallel_loop3A_377 : i32 to index
        %parallel_loop3A_383 = arith.constant 0 : index
        %parallel_loop3A_384 = tpu.vector_load %arg9[%parallel_loop3A_382, %parallel_loop3A_383] {strides = array<i32>} : memref<128x128xf32, #tpu.memory_space<vmem>>, vector<16xf32>,
        tpu.vector_store %arg9[%parallel_loop3A_382, %parallel_loop3A_383], %parallel_loop3A_381 {strides = array<i32>} : memref<128x128xf32, #tpu.memory_space<vmem>>, vector<16xf32>,
        %parallel_loop3A_385 = arith.index_cast %parallel_loop3A_377 : i32 to index
        %parallel_loop3A_386 = arith.constant 16 : index
        %parallel_loop3A_387 = tpu.vector_load %arg9[%parallel_loop3A_385, %parallel_loop3A_386] {strides = array<i32>} : memref<128x128xf32, #tpu.memory_space<vmem>>, vector<16xf32>,
        %parallel_loop3A_388 = arith.mulf %parallel_loop3A_387, %parallel_loop3A_373 : vector<16xf32>
        %parallel_loop3A_389 = arith.index_cast %parallel_loop3A_377 : i32 to index
        %parallel_loop3A_390 = arith.constant 16 : index
        %parallel_loop3A_391 = tpu.vector_load %arg9[%parallel_loop3A_389, %parallel_loop3A_390] {strides = array<i32>} : memref<128x128xf32, #tpu.memory_space<vmem>>, vector<16xf32>,
        tpu.vector_store %arg9[%parallel_loop3A_389, %parallel_loop3A_390], %parallel_loop3A_388 {strides = array<i32>} : memref<128x128xf32, #tpu.memory_space<vmem>>, vector<16xf32>,
        %parallel_loop3A_392 = arith.index_cast %parallel_loop3A_377 : i32 to index
        %parallel_loop3A_393 = arith.constant 32 : index
        %parallel_loop3A_394 = tpu.vector_load %arg9[%parallel_loop3A_392, %parallel_loop3A_393] {strides = array<i32>} : memref<128x128xf32, #tpu.memory_space<vmem>>, vector<16xf32>,
        %parallel_loop3A_395 = arith.mulf %parallel_loop3A_394, %parallel_loop3A_373 : vector<16xf32>
        %parallel_loop3A_396 = arith.index_cast %parallel_loop3A_377 : i32 to index
        %parallel_loop3A_397 = arith.constant 32 : index
        %parallel_loop3A_398 = tpu.vector_load %arg9[%parallel_loop3A_396, %parallel_loop3A_397] {strides = array<i32>} : memref<128x128xf32, #tpu.memory_space<vmem>>, vector<16xf32>,
        tpu.vector_store %arg9[%parallel_loop3A_396, %parallel_loop3A_397], %parallel_loop3A_395 {strides = array<i32>} : memref<128x128xf32, #tpu.memory_space<vmem>>, vector<16xf32>,
        %parallel_loop3A_399 = arith.index_cast %parallel_loop3A_377 : i32 to index
        %parallel_loop3A_400 = arith.constant 48 : index
        %parallel_loop3A_401 = tpu.vector_load %arg9[%parallel_loop3A_399, %parallel_loop3A_400] {strides = array<i32>} : memref<128x128xf32, #tpu.memory_space<vmem>>, vector<16xf32>,
        %parallel_loop3A_402 = arith.mulf %parallel_loop3A_401, %parallel_loop3A_373 : vector<16xf32>
        %parallel_loop3A_403 = arith.index_cast %parallel_loop3A_377 : i32 to index
        %parallel_loop3A_404 = arith.constant 48 : index
        %parallel_loop3A_405 = tpu.vector_load %arg9[%parallel_loop3A_403, %parallel_loop3A_404] {strides = array<i32>} : memref<128x128xf32, #tpu.memory_space<vmem>>, vector<16xf32>,
        tpu.vector_store %arg9[%parallel_loop3A_403, %parallel_loop3A_404], %parallel_loop3A_402 {strides = array<i32>} : memref<128x128xf32, #tpu.memory_space<vmem>>, vector<16xf32>,
        %parallel_loop3A_406 = arith.index_cast %parallel_loop3A_377 : i32 to index
        %parallel_loop3A_407 = arith.constant 64 : index
        %parallel_loop3A_408 = tpu.vector_load %arg9[%parallel_loop3A_406, %parallel_loop3A_407] {strides = array<i32>} : memref<128x128xf32, #tpu.memory_space<vmem>>, vector<16xf32>,
        %parallel_loop3A_409 = arith.mulf %parallel_loop3A_408, %parallel_loop3A_373 : vector<16xf32>
        %parallel_loop3A_410 = arith.index_cast %parallel_loop3A_377 : i32 to index
        %parallel_loop3A_411 = arith.constant 64 : index
        %parallel_loop3A_412 = tpu.vector_load %arg9[%parallel_loop3A_410, %parallel_loop3A_411] {strides = array<i32>} : memref<128x128xf32, #tpu.memory_space<vmem>>, vector<16xf32>,
        tpu.vector_store %arg9[%parallel_loop3A_410, %parallel_loop3A_411], %parallel_loop3A_409 {strides = array<i32>} : memref<128x128xf32, #tpu.memory_space<vmem>>, vector<16xf32>,
        %parallel_loop3A_413 = arith.index_cast %parallel_loop3A_377 : i32 to index
        %parallel_loop3A_414 = arith.constant 80 : index
        %parallel_loop3A_415 = tpu.vector_load %arg9[%parallel_loop3A_413, %parallel_loop3A_414] {strides = array<i32>} : memref<128x128xf32, #tpu.memory_space<vmem>>, vector<16xf32>,
        %parallel_loop3A_416 = arith.mulf %parallel_loop3A_415, %parallel_loop3A_373 : vector<16xf32>
        %parallel_loop3A_417 = arith.index_cast %parallel_loop3A_377 : i32 to index
        %parallel_loop3A_418 = arith.constant 80 : index
        %parallel_loop3A_419 = tpu.vector_load %arg9[%parallel_loop3A_417, %parallel_loop3A_418] {strides = array<i32>} : memref<128x128xf32, #tpu.memory_space<vmem>>, vector<16xf32>,
        tpu.vector_store %arg9[%parallel_loop3A_417, %parallel_loop3A_418], %parallel_loop3A_416 {strides = array<i32>} : memref<128x128xf32, #tpu.memory_space<vmem>>, vector<16xf32>,
        %parallel_loop3A_420 = arith.index_cast %parallel_loop3A_377 : i32 to index
        %parallel_loop3A_421 = arith.constant 96 : index
        %parallel_loop3A_422 = tpu.vector_load %arg9[%parallel_loop3A_420, %parallel_loop3A_421] {strides = array<i32>} : memref<128x128xf32, #tpu.memory_space<vmem>>, vector<16xf32>,
        %parallel_loop3A_423 = arith.mulf %parallel_loop3A_422, %parallel_loop3A_373 : vector<16xf32>
        %parallel_loop3A_424 = arith.index_cast %parallel_loop3A_377 : i32 to index
        %parallel_loop3A_425 = arith.constant 96 : index
        %parallel_loop3A_426 = tpu.vector_load %arg9[%parallel_loop3A_424, %parallel_loop3A_425] {strides = array<i32>} : memref<128x128xf32, #tpu.memory_space<vmem>>, vector<16xf32>,
        tpu.vector_store %arg9[%parallel_loop3A_424, %parallel_loop3A_425], %parallel_loop3A_423 {strides = array<i32>} : memref<128x128xf32, #tpu.memory_space<vmem>>, vector<16xf32>,
        %parallel_loop3A_427 = arith.index_cast %parallel_loop3A_377 : i32 to index
        %parallel_loop3A_428 = arith.constant 112 : index
        %parallel_loop3A_429 = tpu.vector_load %arg9[%parallel_loop3A_427, %parallel_loop3A_428] {strides = array<i32>} : memref<128x128xf32, #tpu.memory_space<vmem>>, vector<16xf32>,
        %parallel_loop3A_430 = arith.mulf %parallel_loop3A_429, %parallel_loop3A_373 : vector<16xf32>
        %parallel_loop3A_431 = arith.index_cast %parallel_loop3A_377 : i32 to index
        %parallel_loop3A_432 = arith.constant 112 : index
        %parallel_loop3A_433 = tpu.vector_load %arg9[%parallel_loop3A_431, %parallel_loop3A_432] {strides = array<i32>} : memref<128x128xf32, #tpu.memory_space<vmem>>, vector<16xf32>,
        tpu.vector_store %arg9[%parallel_loop3A_431, %parallel_loop3A_432], %parallel_loop3A_430 {strides = array<i32>} : memref<128x128xf32, #tpu.memory_space<vmem>>, vector<16xf32>,
        %parallel_loop3A_434 = arith.constant 4 : i32
        %parallel_loop3A_435 = vector.broadcast %parallel_loop3A_434 : i32 to vector<16xi32>
        %parallel_loop3A_436 = arith.constant 0 : i32
        %parallel_loop3A_437 = vector.broadcast %parallel_loop3A_436 : i32 to vector<16xi32>
        %parallel_loop3A_438 = arith.cmpi slt, %parallel_loop3A_435, %parallel_loop3A_437 : vector<16xi32>
        %parallel_loop3A_439 = arith.constant 16 : i32
        %parallel_loop3A_440 = vector.broadcast %parallel_loop3A_439 : i32 to vector<16xi32>
        %parallel_loop3A_441 = arith.addi %parallel_loop3A_435, %parallel_loop3A_440 : vector<16xi32>
        %parallel_loop3A_442 = arith.select %parallel_loop3A_438, %parallel_loop3A_441, %parallel_loop3A_435 : vector<16xi1>, vector<16xi32>
        %parallel_loop3A_443 = vector.shape_cast %parallel_loop3A_442 : vector<16xi32> to vector<16x1xi32>
        %parallel_loop3A_444 = vector.shape_cast %parallel_loop3A_443 : vector<16x1xi32> to vector<16xi32>
        %parallel_loop3A_445 = tpu.dynamic_gather %parallel_loop3A_145[%parallel_loop3A_444] in [0] : vector<16xf32>, vector<16xi32> -> vector<16xf32>
        %parallel_loop3A_446 = arith.constant 16 : i32
        %parallel_loop3A_447 = arith.muli %parallel_loop3A_111, %parallel_loop3A_446 : i32
        %parallel_loop3A_448 = arith.constant 4 : i32
        %parallel_loop3A_449 = arith.addi %parallel_loop3A_447, %parallel_loop3A_448 : i32
        %parallel_loop3A_450 = arith.index_cast %parallel_loop3A_449 : i32 to index
        %parallel_loop3A_451 = arith.constant 0 : index
        %parallel_loop3A_452 = tpu.vector_load %arg9[%parallel_loop3A_450, %parallel_loop3A_451] {strides = array<i32>} : memref<128x128xf32, #tpu.memory_space<vmem>>, vector<16xf32>,
        %parallel_loop3A_453 = arith.mulf %parallel_loop3A_452, %parallel_loop3A_445 : vector<16xf32>
        %parallel_loop3A_454 = arith.index_cast %parallel_loop3A_449 : i32 to index
        %parallel_loop3A_455 = arith.constant 0 : index
        %parallel_loop3A_456 = tpu.vector_load %arg9[%parallel_loop3A_454, %parallel_loop3A_455] {strides = array<i32>} : memref<128x128xf32, #tpu.memory_space<vmem>>, vector<16xf32>,
        tpu.vector_store %arg9[%parallel_loop3A_454, %parallel_loop3A_455], %parallel_loop3A_453 {strides = array<i32>} : memref<128x128xf32, #tpu.memory_space<vmem>>, vector<16xf32>,
        %parallel_loop3A_457 = arith.index_cast %parallel_loop3A_449 : i32 to index
        %parallel_loop3A_458 = arith.constant 16 : index
        %parallel_loop3A_459 = tpu.vector_load %arg9[%parallel_loop3A_457, %parallel_loop3A_458] {strides = array<i32>} : memref<128x128xf32, #tpu.memory_space<vmem>>, vector<16xf32>,
        %parallel_loop3A_460 = arith.mulf %parallel_loop3A_459, %parallel_loop3A_445 : vector<16xf32>
        %parallel_loop3A_461 = arith.index_cast %parallel_loop3A_449 : i32 to index
        %parallel_loop3A_462 = arith.constant 16 : index
        %parallel_loop3A_463 = tpu.vector_load %arg9[%parallel_loop3A_461, %parallel_loop3A_462] {strides = array<i32>} : memref<128x128xf32, #tpu.memory_space<vmem>>, vector<16xf32>,
        tpu.vector_store %arg9[%parallel_loop3A_461, %parallel_loop3A_462], %parallel_loop3A_460 {strides = array<i32>} : memref<128x128xf32, #tpu.memory_space<vmem>>, vector<16xf32>,
        %parallel_loop3A_464 = arith.index_cast %parallel_loop3A_449 : i32 to index
        %parallel_loop3A_465 = arith.constant 32 : index
        %parallel_loop3A_466 = tpu.vector_load %arg9[%parallel_loop3A_464, %parallel_loop3A_465] {strides = array<i32>} : memref<128x128xf32, #tpu.memory_space<vmem>>, vector<16xf32>,
        %parallel_loop3A_467 = arith.mulf %parallel_loop3A_466, %parallel_loop3A_445 : vector<16xf32>
        %parallel_loop3A_468 = arith.index_cast %parallel_loop3A_449 : i32 to index
        %parallel_loop3A_469 = arith.constant 32 : index
        %parallel_loop3A_470 = tpu.vector_load %arg9[%parallel_loop3A_468, %parallel_loop3A_469] {strides = array<i32>} : memref<128x128xf32, #tpu.memory_space<vmem>>, vector<16xf32>,
        tpu.vector_store %arg9[%parallel_loop3A_468, %parallel_loop3A_469], %parallel_loop3A_467 {strides = array<i32>} : memref<128x128xf32, #tpu.memory_space<vmem>>, vector<16xf32>,
        %parallel_loop3A_471 = arith.index_cast %parallel_loop3A_449 : i32 to index
        %parallel_loop3A_472 = arith.constant 48 : index
        %parallel_loop3A_473 = tpu.vector_load %arg9[%parallel_loop3A_471, %parallel_loop3A_472] {strides = array<i32>} : memref<128x128xf32, #tpu.memory_space<vmem>>, vector<16xf32>,
        %parallel_loop3A_474 = arith.mulf %parallel_loop3A_473, %parallel_loop3A_445 : vector<16xf32>
        %parallel_loop3A_475 = arith.index_cast %parallel_loop3A_449 : i32 to index
        %parallel_loop3A_476 = arith.constant 48 : index
        %parallel_loop3A_477 = tpu.vector_load %arg9[%parallel_loop3A_475, %parallel_loop3A_476] {strides = array<i32>} : memref<128x128xf32, #tpu.memory_space<vmem>>, vector<16xf32>,
        tpu.vector_store %arg9[%parallel_loop3A_475, %parallel_loop3A_476], %parallel_loop3A_474 {strides = array<i32>} : memref<128x128xf32, #tpu.memory_space<vmem>>, vector<16xf32>,
        %parallel_loop3A_478 = arith.index_cast %parallel_loop3A_449 : i32 to index
        %parallel_loop3A_479 = arith.constant 64 : index
        %parallel_loop3A_480 = tpu.vector_load %arg9[%parallel_loop3A_478, %parallel_loop3A_479] {strides = array<i32>} : memref<128x128xf32, #tpu.memory_space<vmem>>, vector<16xf32>,
        %parallel_loop3A_481 = arith.mulf %parallel_loop3A_480, %parallel_loop3A_445 : vector<16xf32>
        %parallel_loop3A_482 = arith.index_cast %parallel_loop3A_449 : i32 to index
        %parallel_loop3A_483 = arith.constant 64 : index
        %parallel_loop3A_484 = tpu.vector_load %arg9[%parallel_loop3A_482, %parallel_loop3A_483] {strides = array<i32>} : memref<128x128xf32, #tpu.memory_space<vmem>>, vector<16xf32>,
        tpu.vector_store %arg9[%parallel_loop3A_482, %parallel_loop3A_483], %parallel_loop3A_481 {strides = array<i32>} : memref<128x128xf32, #tpu.memory_space<vmem>>, vector<16xf32>,
        %parallel_loop3A_485 = arith.index_cast %parallel_loop3A_449 : i32 to index
        %parallel_loop3A_486 = arith.constant 80 : index
        %parallel_loop3A_487 = tpu.vector_load %arg9[%parallel_loop3A_485, %parallel_loop3A_486] {strides = array<i32>} : memref<128x128xf32, #tpu.memory_space<vmem>>, vector<16xf32>,
        %parallel_loop3A_488 = arith.mulf %parallel_loop3A_487, %parallel_loop3A_445 : vector<16xf32>
        %parallel_loop3A_489 = arith.index_cast %parallel_loop3A_449 : i32 to index
        %parallel_loop3A_490 = arith.constant 80 : index
        %parallel_loop3A_491 = tpu.vector_load %arg9[%parallel_loop3A_489, %parallel_loop3A_490] {strides = array<i32>} : memref<128x128xf32, #tpu.memory_space<vmem>>, vector<16xf32>,
        tpu.vector_store %arg9[%parallel_loop3A_489, %parallel_loop3A_490], %parallel_loop3A_488 {strides = array<i32>} : memref<128x128xf32, #tpu.memory_space<vmem>>, vector<16xf32>,
        %parallel_loop3A_492 = arith.index_cast %parallel_loop3A_449 : i32 to index
        %parallel_loop3A_493 = arith.constant 96 : index
        %parallel_loop3A_494 = tpu.vector_load %arg9[%parallel_loop3A_492, %parallel_loop3A_493] {strides = array<i32>} : memref<128x128xf32, #tpu.memory_space<vmem>>, vector<16xf32>,
        %parallel_loop3A_495 = arith.mulf %parallel_loop3A_494, %parallel_loop3A_445 : vector<16xf32>
        %parallel_loop3A_496 = arith.index_cast %parallel_loop3A_449 : i32 to index
        %parallel_loop3A_497 = arith.constant 96 : index
        %parallel_loop3A_498 = tpu.vector_load %arg9[%parallel_loop3A_496, %parallel_loop3A_497] {strides = array<i32>} : memref<128x128xf32, #tpu.memory_space<vmem>>, vector<16xf32>,
        tpu.vector_store %arg9[%parallel_loop3A_496, %parallel_loop3A_497], %parallel_loop3A_495 {strides = array<i32>} : memref<128x128xf32, #tpu.memory_space<vmem>>, vector<16xf32>,
        %parallel_loop3A_499 = arith.index_cast %parallel_loop3A_449 : i32 to index
        %parallel_loop3A_500 = arith.constant 112 : index
        %parallel_loop3A_501 = tpu.vector_load %arg9[%parallel_loop3A_499, %parallel_loop3A_500] {strides = array<i32>} : memref<128x128xf32, #tpu.memory_space<vmem>>, vector<16xf32>,
        %parallel_loop3A_502 = arith.mulf %parallel_loop3A_501, %parallel_loop3A_445 : vector<16xf32>
        %parallel_loop3A_503 = arith.index_cast %parallel_loop3A_449 : i32 to index
        %parallel_loop3A_504 = arith.constant 112 : index
        %parallel_loop3A_505 = tpu.vector_load %arg9[%parallel_loop3A_503, %parallel_loop3A_504] {strides = array<i32>} : memref<128x128xf32, #tpu.memory_space<vmem>>, vector<16xf32>,
        tpu.vector_store %arg9[%parallel_loop3A_503, %parallel_loop3A_504], %parallel_loop3A_502 {strides = array<i32>} : memref<128x128xf32, #tpu.memory_space<vmem>>, vector<16xf32>,
        %parallel_loop3A_506 = arith.constant 5 : i32
        %parallel_loop3A_507 = vector.broadcast %parallel_loop3A_506 : i32 to vector<16xi32>
        %parallel_loop3A_508 = arith.constant 0 : i32
        %parallel_loop3A_509 = vector.broadcast %parallel_loop3A_508 : i32 to vector<16xi32>
        %parallel_loop3A_510 = arith.cmpi slt, %parallel_loop3A_507, %parallel_loop3A_509 : vector<16xi32>
        %parallel_loop3A_511 = arith.constant 16 : i32
        %parallel_loop3A_512 = vector.broadcast %parallel_loop3A_511 : i32 to vector<16xi32>
        %parallel_loop3A_513 = arith.addi %parallel_loop3A_507, %parallel_loop3A_512 : vector<16xi32>
        %parallel_loop3A_514 = arith.select %parallel_loop3A_510, %parallel_loop3A_513, %parallel_loop3A_507 : vector<16xi1>, vector<16xi32>
        %parallel_loop3A_515 = vector.shape_cast %parallel_loop3A_514 : vector<16xi32> to vector<16x1xi32>
        %parallel_loop3A_516 = vector.shape_cast %parallel_loop3A_515 : vector<16x1xi32> to vector<16xi32>
        %parallel_loop3A_517 = tpu.dynamic_gather %parallel_loop3A_145[%parallel_loop3A_516] in [0] : vector<16xf32>, vector<16xi32> -> vector<16xf32>
        %parallel_loop3A_518 = arith.constant 16 : i32
        %parallel_loop3A_519 = arith.muli %parallel_loop3A_111, %parallel_loop3A_518 : i32
        %parallel_loop3A_520 = arith.constant 5 : i32
        %parallel_loop3A_521 = arith.addi %parallel_loop3A_519, %parallel_loop3A_520 : i32
        %parallel_loop3A_522 = arith.index_cast %parallel_loop3A_521 : i32 to index
        %parallel_loop3A_523 = arith.constant 0 : index
        %parallel_loop3A_524 = tpu.vector_load %arg9[%parallel_loop3A_522, %parallel_loop3A_523] {strides = array<i32>} : memref<128x128xf32, #tpu.memory_space<vmem>>, vector<16xf32>,
        %parallel_loop3A_525 = arith.mulf %parallel_loop3A_524, %parallel_loop3A_517 : vector<16xf32>
        %parallel_loop3A_526 = arith.index_cast %parallel_loop3A_521 : i32 to index
        %parallel_loop3A_527 = arith.constant 0 : index
        %parallel_loop3A_528 = tpu.vector_load %arg9[%parallel_loop3A_526, %parallel_loop3A_527] {strides = array<i32>} : memref<128x128xf32, #tpu.memory_space<vmem>>, vector<16xf32>,
        tpu.vector_store %arg9[%parallel_loop3A_526, %parallel_loop3A_527], %parallel_loop3A_525 {strides = array<i32>} : memref<128x128xf32, #tpu.memory_space<vmem>>, vector<16xf32>,
        %parallel_loop3A_529 = arith.index_cast %parallel_loop3A_521 : i32 to index
        %parallel_loop3A_530 = arith.constant 16 : index
        %parallel_loop3A_531 = tpu.vector_load %arg9[%parallel_loop3A_529, %parallel_loop3A_530] {strides = array<i32>} : memref<128x128xf32, #tpu.memory_space<vmem>>, vector<16xf32>,
        %parallel_loop3A_532 = arith.mulf %parallel_loop3A_531, %parallel_loop3A_517 : vector<16xf32>
        %parallel_loop3A_533 = arith.index_cast %parallel_loop3A_521 : i32 to index
        %parallel_loop3A_534 = arith.constant 16 : index
        %parallel_loop3A_535 = tpu.vector_load %arg9[%parallel_loop3A_533, %parallel_loop3A_534] {strides = array<i32>} : memref<128x128xf32, #tpu.memory_space<vmem>>, vector<16xf32>,
        tpu.vector_store %arg9[%parallel_loop3A_533, %parallel_loop3A_534], %parallel_loop3A_532 {strides = array<i32>} : memref<128x128xf32, #tpu.memory_space<vmem>>, vector<16xf32>,
        %parallel_loop3A_536 = arith.index_cast %parallel_loop3A_521 : i32 to index
        %parallel_loop3A_537 = arith.constant 32 : index
        %parallel_loop3A_538 = tpu.vector_load %arg9[%parallel_loop3A_536, %parallel_loop3A_537] {strides = array<i32>} : memref<128x128xf32, #tpu.memory_space<vmem>>, vector<16xf32>,
        %parallel_loop3A_539 = arith.mulf %parallel_loop3A_538, %parallel_loop3A_517 : vector<16xf32>
        %parallel_loop3A_540 = arith.index_cast %parallel_loop3A_521 : i32 to index
        %parallel_loop3A_541 = arith.constant 32 : index
        %parallel_loop3A_542 = tpu.vector_load %arg9[%parallel_loop3A_540, %parallel_loop3A_541] {strides = array<i32>} : memref<128x128xf32, #tpu.memory_space<vmem>>, vector<16xf32>,
        tpu.vector_store %arg9[%parallel_loop3A_540, %parallel_loop3A_541], %parallel_loop3A_539 {strides = array<i32>} : memref<128x128xf32, #tpu.memory_space<vmem>>, vector<16xf32>,
        %parallel_loop3A_543 = arith.index_cast %parallel_loop3A_521 : i32 to index
        %parallel_loop3A_544 = arith.constant 48 : index
        %parallel_loop3A_545 = tpu.vector_load %arg9[%parallel_loop3A_543, %parallel_loop3A_544] {strides = array<i32>} : memref<128x128xf32, #tpu.memory_space<vmem>>, vector<16xf32>,
        %parallel_loop3A_546 = arith.mulf %parallel_loop3A_545, %parallel_loop3A_517 : vector<16xf32>
        %parallel_loop3A_547 = arith.index_cast %parallel_loop3A_521 : i32 to index
        %parallel_loop3A_548 = arith.constant 48 : index
        %parallel_loop3A_549 = tpu.vector_load %arg9[%parallel_loop3A_547, %parallel_loop3A_548] {strides = array<i32>} : memref<128x128xf32, #tpu.memory_space<vmem>>, vector<16xf32>,
        tpu.vector_store %arg9[%parallel_loop3A_547, %parallel_loop3A_548], %parallel_loop3A_546 {strides = array<i32>} : memref<128x128xf32, #tpu.memory_space<vmem>>, vector<16xf32>,
        %parallel_loop3A_550 = arith.index_cast %parallel_loop3A_521 : i32 to index
        %parallel_loop3A_551 = arith.constant 64 : index
        %parallel_loop3A_552 = tpu.vector_load %arg9[%parallel_loop3A_550, %parallel_loop3A_551] {strides = array<i32>} : memref<128x128xf32, #tpu.memory_space<vmem>>, vector<16xf32>,
        %parallel_loop3A_553 = arith.mulf %parallel_loop3A_552, %parallel_loop3A_517 : vector<16xf32>
        %parallel_loop3A_554 = arith.index_cast %parallel_loop3A_521 : i32 to index
        %parallel_loop3A_555 = arith.constant 64 : index
        %parallel_loop3A_556 = tpu.vector_load %arg9[%parallel_loop3A_554, %parallel_loop3A_555] {strides = array<i32>} : memref<128x128xf32, #tpu.memory_space<vmem>>, vector<16xf32>,
        tpu.vector_store %arg9[%parallel_loop3A_554, %parallel_loop3A_555], %parallel_loop3A_553 {strides = array<i32>} : memref<128x128xf32, #tpu.memory_space<vmem>>, vector<16xf32>,
        %parallel_loop3A_557 = arith.index_cast %parallel_loop3A_521 : i32 to index
        %parallel_loop3A_558 = arith.constant 80 : index
        %parallel_loop3A_559 = tpu.vector_load %arg9[%parallel_loop3A_557, %parallel_loop3A_558] {strides = array<i32>} : memref<128x128xf32, #tpu.memory_space<vmem>>, vector<16xf32>,
        %parallel_loop3A_560 = arith.mulf %parallel_loop3A_559, %parallel_loop3A_517 : vector<16xf32>
        %parallel_loop3A_561 = arith.index_cast %parallel_loop3A_521 : i32 to index
        %parallel_loop3A_562 = arith.constant 80 : index
        %parallel_loop3A_563 = tpu.vector_load %arg9[%parallel_loop3A_561, %parallel_loop3A_562] {strides = array<i32>} : memref<128x128xf32, #tpu.memory_space<vmem>>, vector<16xf32>,
        tpu.vector_store %arg9[%parallel_loop3A_561, %parallel_loop3A_562], %parallel_loop3A_560 {strides = array<i32>} : memref<128x128xf32, #tpu.memory_space<vmem>>, vector<16xf32>,
        %parallel_loop3A_564 = arith.index_cast %parallel_loop3A_521 : i32 to index
        %parallel_loop3A_565 = arith.constant 96 : index
        %parallel_loop3A_566 = tpu.vector_load %arg9[%parallel_loop3A_564, %parallel_loop3A_565] {strides = array<i32>} : memref<128x128xf32, #tpu.memory_space<vmem>>, vector<16xf32>,
        %parallel_loop3A_567 = arith.mulf %parallel_loop3A_566, %parallel_loop3A_517 : vector<16xf32>
        %parallel_loop3A_568 = arith.index_cast %parallel_loop3A_521 : i32 to index
        %parallel_loop3A_569 = arith.constant 96 : index
        %parallel_loop3A_570 = tpu.vector_load %arg9[%parallel_loop3A_568, %parallel_loop3A_569] {strides = array<i32>} : memref<128x128xf32, #tpu.memory_space<vmem>>, vector<16xf32>,
        tpu.vector_store %arg9[%parallel_loop3A_568, %parallel_loop3A_569], %parallel_loop3A_567 {strides = array<i32>} : memref<128x128xf32, #tpu.memory_space<vmem>>, vector<16xf32>,
        %parallel_loop3A_571 = arith.index_cast %parallel_loop3A_521 : i32 to index
        %parallel_loop3A_572 = arith.constant 112 : index
        %parallel_loop3A_573 = tpu.vector_load %arg9[%parallel_loop3A_571, %parallel_loop3A_572] {strides = array<i32>} : memref<128x128xf32, #tpu.memory_space<vmem>>, vector<16xf32>,
        %parallel_loop3A_574 = arith.mulf %parallel_loop3A_573, %parallel_loop3A_517 : vector<16xf32>
        %parallel_loop3A_575 = arith.index_cast %parallel_loop3A_521 : i32 to index
        %parallel_loop3A_576 = arith.constant 112 : index
        %parallel_loop3A_577 = tpu.vector_load %arg9[%parallel_loop3A_575, %parallel_loop3A_576] {strides = array<i32>} : memref<128x128xf32, #tpu.memory_space<vmem>>, vector<16xf32>,
        tpu.vector_store %arg9[%parallel_loop3A_575, %parallel_loop3A_576], %parallel_loop3A_574 {strides = array<i32>} : memref<128x128xf32, #tpu.memory_space<vmem>>, vector<16xf32>,
        %parallel_loop3A_578 = arith.constant 6 : i32
        %parallel_loop3A_579 = vector.broadcast %parallel_loop3A_578 : i32 to vector<16xi32>
        %parallel_loop3A_580 = arith.constant 0 : i32
        %parallel_loop3A_581 = vector.broadcast %parallel_loop3A_580 : i32 to vector<16xi32>
        %parallel_loop3A_582 = arith.cmpi slt, %parallel_loop3A_579, %parallel_loop3A_581 : vector<16xi32>
        %parallel_loop3A_583 = arith.constant 16 : i32
        %parallel_loop3A_584 = vector.broadcast %parallel_loop3A_583 : i32 to vector<16xi32>
        %parallel_loop3A_585 = arith.addi %parallel_loop3A_579, %parallel_loop3A_584 : vector<16xi32>
        %parallel_loop3A_586 = arith.select %parallel_loop3A_582, %parallel_loop3A_585, %parallel_loop3A_579 : vector<16xi1>, vector<16xi32>
        %parallel_loop3A_587 = vector.shape_cast %parallel_loop3A_586 : vector<16xi32> to vector<16x1xi32>
        %parallel_loop3A_588 = vector.shape_cast %parallel_loop3A_587 : vector<16x1xi32> to vector<16xi32>
        %parallel_loop3A_589 = tpu.dynamic_gather %parallel_loop3A_145[%parallel_loop3A_588] in [0] : vector<16xf32>, vector<16xi32> -> vector<16xf32>
        %parallel_loop3A_590 = arith.constant 16 : i32
        %parallel_loop3A_591 = arith.muli %parallel_loop3A_111, %parallel_loop3A_590 : i32
        %parallel_loop3A_592 = arith.constant 6 : i32
        %parallel_loop3A_593 = arith.addi %parallel_loop3A_591, %parallel_loop3A_592 : i32
        %parallel_loop3A_594 = arith.index_cast %parallel_loop3A_593 : i32 to index
        %parallel_loop3A_595 = arith.constant 0 : index
        %parallel_loop3A_596 = tpu.vector_load %arg9[%parallel_loop3A_594, %parallel_loop3A_595] {strides = array<i32>} : memref<128x128xf32, #tpu.memory_space<vmem>>, vector<16xf32>,
        %parallel_loop3A_597 = arith.mulf %parallel_loop3A_596, %parallel_loop3A_589 : vector<16xf32>
        %parallel_loop3A_598 = arith.index_cast %parallel_loop3A_593 : i32 to index
        %parallel_loop3A_599 = arith.constant 0 : index
        %parallel_loop3A_600 = tpu.vector_load %arg9[%parallel_loop3A_598, %parallel_loop3A_599] {strides = array<i32>} : memref<128x128xf32, #tpu.memory_space<vmem>>, vector<16xf32>,
        tpu.vector_store %arg9[%parallel_loop3A_598, %parallel_loop3A_599], %parallel_loop3A_597 {strides = array<i32>} : memref<128x128xf32, #tpu.memory_space<vmem>>, vector<16xf32>,
        %parallel_loop3A_601 = arith.index_cast %parallel_loop3A_593 : i32 to index
        %parallel_loop3A_602 = arith.constant 16 : index
        %parallel_loop3A_603 = tpu.vector_load %arg9[%parallel_loop3A_601, %parallel_loop3A_602] {strides = array<i32>} : memref<128x128xf32, #tpu.memory_space<vmem>>, vector<16xf32>,
        %parallel_loop3A_604 = arith.mulf %parallel_loop3A_603, %parallel_loop3A_589 : vector<16xf32>
        %parallel_loop3A_605 = arith.index_cast %parallel_loop3A_593 : i32 to index
        %parallel_loop3A_606 = arith.constant 16 : index
        %parallel_loop3A_607 = tpu.vector_load %arg9[%parallel_loop3A_605, %parallel_loop3A_606] {strides = array<i32>} : memref<128x128xf32, #tpu.memory_space<vmem>>, vector<16xf32>,
        tpu.vector_store %arg9[%parallel_loop3A_605, %parallel_loop3A_606], %parallel_loop3A_604 {strides = array<i32>} : memref<128x128xf32, #tpu.memory_space<vmem>>, vector<16xf32>,
        %parallel_loop3A_608 = arith.index_cast %parallel_loop3A_593 : i32 to index
        %parallel_loop3A_609 = arith.constant 32 : index
        %parallel_loop3A_610 = tpu.vector_load %arg9[%parallel_loop3A_608, %parallel_loop3A_609] {strides = array<i32>} : memref<128x128xf32, #tpu.memory_space<vmem>>, vector<16xf32>,
        %parallel_loop3A_611 = arith.mulf %parallel_loop3A_610, %parallel_loop3A_589 : vector<16xf32>
        %parallel_loop3A_612 = arith.index_cast %parallel_loop3A_593 : i32 to index
        %parallel_loop3A_613 = arith.constant 32 : index
        %parallel_loop3A_614 = tpu.vector_load %arg9[%parallel_loop3A_612, %parallel_loop3A_613] {strides = array<i32>} : memref<128x128xf32, #tpu.memory_space<vmem>>, vector<16xf32>,
        tpu.vector_store %arg9[%parallel_loop3A_612, %parallel_loop3A_613], %parallel_loop3A_611 {strides = array<i32>} : memref<128x128xf32, #tpu.memory_space<vmem>>, vector<16xf32>,
        %parallel_loop3A_615 = arith.index_cast %parallel_loop3A_593 : i32 to index
        %parallel_loop3A_616 = arith.constant 48 : index
        %parallel_loop3A_617 = tpu.vector_load %arg9[%parallel_loop3A_615, %parallel_loop3A_616] {strides = array<i32>} : memref<128x128xf32, #tpu.memory_space<vmem>>, vector<16xf32>,
        %parallel_loop3A_618 = arith.mulf %parallel_loop3A_617, %parallel_loop3A_589 : vector<16xf32>
        %parallel_loop3A_619 = arith.index_cast %parallel_loop3A_593 : i32 to index
        %parallel_loop3A_620 = arith.constant 48 : index
        %parallel_loop3A_621 = tpu.vector_load %arg9[%parallel_loop3A_619, %parallel_loop3A_620] {strides = array<i32>} : memref<128x128xf32, #tpu.memory_space<vmem>>, vector<16xf32>,
        tpu.vector_store %arg9[%parallel_loop3A_619, %parallel_loop3A_620], %parallel_loop3A_618 {strides = array<i32>} : memref<128x128xf32, #tpu.memory_space<vmem>>, vector<16xf32>,
        %parallel_loop3A_622 = arith.index_cast %parallel_loop3A_593 : i32 to index
        %parallel_loop3A_623 = arith.constant 64 : index
        %parallel_loop3A_624 = tpu.vector_load %arg9[%parallel_loop3A_622, %parallel_loop3A_623] {strides = array<i32>} : memref<128x128xf32, #tpu.memory_space<vmem>>, vector<16xf32>,
        %parallel_loop3A_625 = arith.mulf %parallel_loop3A_624, %parallel_loop3A_589 : vector<16xf32>
        %parallel_loop3A_626 = arith.index_cast %parallel_loop3A_593 : i32 to index
        %parallel_loop3A_627 = arith.constant 64 : index
        %parallel_loop3A_628 = tpu.vector_load %arg9[%parallel_loop3A_626, %parallel_loop3A_627] {strides = array<i32>} : memref<128x128xf32, #tpu.memory_space<vmem>>, vector<16xf32>,
        tpu.vector_store %arg9[%parallel_loop3A_626, %parallel_loop3A_627], %parallel_loop3A_625 {strides = array<i32>} : memref<128x128xf32, #tpu.memory_space<vmem>>, vector<16xf32>,
        %parallel_loop3A_629 = arith.index_cast %parallel_loop3A_593 : i32 to index
        %parallel_loop3A_630 = arith.constant 80 : index
        %parallel_loop3A_631 = tpu.vector_load %arg9[%parallel_loop3A_629, %parallel_loop3A_630] {strides = array<i32>} : memref<128x128xf32, #tpu.memory_space<vmem>>, vector<16xf32>,
        %parallel_loop3A_632 = arith.mulf %parallel_loop3A_631, %parallel_loop3A_589 : vector<16xf32>
        %parallel_loop3A_633 = arith.index_cast %parallel_loop3A_593 : i32 to index
        %parallel_loop3A_634 = arith.constant 80 : index
        %parallel_loop3A_635 = tpu.vector_load %arg9[%parallel_loop3A_633, %parallel_loop3A_634] {strides = array<i32>} : memref<128x128xf32, #tpu.memory_space<vmem>>, vector<16xf32>,
        tpu.vector_store %arg9[%parallel_loop3A_633, %parallel_loop3A_634], %parallel_loop3A_632 {strides = array<i32>} : memref<128x128xf32, #tpu.memory_space<vmem>>, vector<16xf32>,
        %parallel_loop3A_636 = arith.index_cast %parallel_loop3A_593 : i32 to index
        %parallel_loop3A_637 = arith.constant 96 : index
        %parallel_loop3A_638 = tpu.vector_load %arg9[%parallel_loop3A_636, %parallel_loop3A_637] {strides = array<i32>} : memref<128x128xf32, #tpu.memory_space<vmem>>, vector<16xf32>,
        %parallel_loop3A_639 = arith.mulf %parallel_loop3A_638, %parallel_loop3A_589 : vector<16xf32>
        %parallel_loop3A_640 = arith.index_cast %parallel_loop3A_593 : i32 to index
        %parallel_loop3A_641 = arith.constant 96 : index
        %parallel_loop3A_642 = tpu.vector_load %arg9[%parallel_loop3A_640, %parallel_loop3A_641] {strides = array<i32>} : memref<128x128xf32, #tpu.memory_space<vmem>>, vector<16xf32>,
        tpu.vector_store %arg9[%parallel_loop3A_640, %parallel_loop3A_641], %parallel_loop3A_639 {strides = array<i32>} : memref<128x128xf32, #tpu.memory_space<vmem>>, vector<16xf32>,
        %parallel_loop3A_643 = arith.index_cast %parallel_loop3A_593 : i32 to index
        %parallel_loop3A_644 = arith.constant 112 : index
        %parallel_loop3A_645 = tpu.vector_load %arg9[%parallel_loop3A_643, %parallel_loop3A_644] {strides = array<i32>} : memref<128x128xf32, #tpu.memory_space<vmem>>, vector<16xf32>,
        %parallel_loop3A_646 = arith.mulf %parallel_loop3A_645, %parallel_loop3A_589 : vector<16xf32>
        %parallel_loop3A_647 = arith.index_cast %parallel_loop3A_593 : i32 to index
        %parallel_loop3A_648 = arith.constant 112 : index
        %parallel_loop3A_649 = tpu.vector_load %arg9[%parallel_loop3A_647, %parallel_loop3A_648] {strides = array<i32>} : memref<128x128xf32, #tpu.memory_space<vmem>>, vector<16xf32>,
        tpu.vector_store %arg9[%parallel_loop3A_647, %parallel_loop3A_648], %parallel_loop3A_646 {strides = array<i32>} : memref<128x128xf32, #tpu.memory_space<vmem>>, vector<16xf32>,
        %parallel_loop3A_650 = arith.constant 7 : i32
        %parallel_loop3A_651 = vector.broadcast %parallel_loop3A_650 : i32 to vector<16xi32>
        %parallel_loop3A_652 = arith.constant 0 : i32
        %parallel_loop3A_653 = vector.broadcast %parallel_loop3A_652 : i32 to vector<16xi32>
        %parallel_loop3A_654 = arith.cmpi slt, %parallel_loop3A_651, %parallel_loop3A_653 : vector<16xi32>
        %parallel_loop3A_655 = arith.constant 16 : i32
        %parallel_loop3A_656 = vector.broadcast %parallel_loop3A_655 : i32 to vector<16xi32>
        %parallel_loop3A_657 = arith.addi %parallel_loop3A_651, %parallel_loop3A_656 : vector<16xi32>
        %parallel_loop3A_658 = arith.select %parallel_loop3A_654, %parallel_loop3A_657, %parallel_loop3A_651 : vector<16xi1>, vector<16xi32>
        %parallel_loop3A_659 = vector.shape_cast %parallel_loop3A_658 : vector<16xi32> to vector<16x1xi32>
        %parallel_loop3A_660 = vector.shape_cast %parallel_loop3A_659 : vector<16x1xi32> to vector<16xi32>
        %parallel_loop3A_661 = tpu.dynamic_gather %parallel_loop3A_145[%parallel_loop3A_660] in [0] : vector<16xf32>, vector<16xi32> -> vector<16xf32>
        %parallel_loop3A_662 = arith.constant 16 : i32
        %parallel_loop3A_663 = arith.muli %parallel_loop3A_111, %parallel_loop3A_662 : i32
        %parallel_loop3A_664 = arith.constant 7 : i32
        %parallel_loop3A_665 = arith.addi %parallel_loop3A_663, %parallel_loop3A_664 : i32
        %parallel_loop3A_666 = arith.index_cast %parallel_loop3A_665 : i32 to index
        %parallel_loop3A_667 = arith.constant 0 : index
        %parallel_loop3A_668 = tpu.vector_load %arg9[%parallel_loop3A_666, %parallel_loop3A_667] {strides = array<i32>} : memref<128x128xf32, #tpu.memory_space<vmem>>, vector<16xf32>,
        %parallel_loop3A_669 = arith.mulf %parallel_loop3A_668, %parallel_loop3A_661 : vector<16xf32>
        %parallel_loop3A_670 = arith.index_cast %parallel_loop3A_665 : i32 to index
        %parallel_loop3A_671 = arith.constant 0 : index
        %parallel_loop3A_672 = tpu.vector_load %arg9[%parallel_loop3A_670, %parallel_loop3A_671] {strides = array<i32>} : memref<128x128xf32, #tpu.memory_space<vmem>>, vector<16xf32>,
        tpu.vector_store %arg9[%parallel_loop3A_670, %parallel_loop3A_671], %parallel_loop3A_669 {strides = array<i32>} : memref<128x128xf32, #tpu.memory_space<vmem>>, vector<16xf32>,
        %parallel_loop3A_673 = arith.index_cast %parallel_loop3A_665 : i32 to index
        %parallel_loop3A_674 = arith.constant 16 : index
        %parallel_loop3A_675 = tpu.vector_load %arg9[%parallel_loop3A_673, %parallel_loop3A_674] {strides = array<i32>} : memref<128x128xf32, #tpu.memory_space<vmem>>, vector<16xf32>,
        %parallel_loop3A_676 = arith.mulf %parallel_loop3A_675, %parallel_loop3A_661 : vector<16xf32>
        %parallel_loop3A_677 = arith.index_cast %parallel_loop3A_665 : i32 to index
        %parallel_loop3A_678 = arith.constant 16 : index
        %parallel_loop3A_679 = tpu.vector_load %arg9[%parallel_loop3A_677, %parallel_loop3A_678] {strides = array<i32>} : memref<128x128xf32, #tpu.memory_space<vmem>>, vector<16xf32>,
        tpu.vector_store %arg9[%parallel_loop3A_677, %parallel_loop3A_678], %parallel_loop3A_676 {strides = array<i32>} : memref<128x128xf32, #tpu.memory_space<vmem>>, vector<16xf32>,
        %parallel_loop3A_680 = arith.index_cast %parallel_loop3A_665 : i32 to index
        %parallel_loop3A_681 = arith.constant 32 : index
        %parallel_loop3A_682 = tpu.vector_load %arg9[%parallel_loop3A_680, %parallel_loop3A_681] {strides = array<i32>} : memref<128x128xf32, #tpu.memory_space<vmem>>, vector<16xf32>,
        %parallel_loop3A_683 = arith.mulf %parallel_loop3A_682, %parallel_loop3A_661 : vector<16xf32>
        %parallel_loop3A_684 = arith.index_cast %parallel_loop3A_665 : i32 to index
        %parallel_loop3A_685 = arith.constant 32 : index
        %parallel_loop3A_686 = tpu.vector_load %arg9[%parallel_loop3A_684, %parallel_loop3A_685] {strides = array<i32>} : memref<128x128xf32, #tpu.memory_space<vmem>>, vector<16xf32>,
        tpu.vector_store %arg9[%parallel_loop3A_684, %parallel_loop3A_685], %parallel_loop3A_683 {strides = array<i32>} : memref<128x128xf32, #tpu.memory_space<vmem>>, vector<16xf32>,
        %parallel_loop3A_687 = arith.index_cast %parallel_loop3A_665 : i32 to index
        %parallel_loop3A_688 = arith.constant 48 : index
        %parallel_loop3A_689 = tpu.vector_load %arg9[%parallel_loop3A_687, %parallel_loop3A_688] {strides = array<i32>} : memref<128x128xf32, #tpu.memory_space<vmem>>, vector<16xf32>,
        %parallel_loop3A_690 = arith.mulf %parallel_loop3A_689, %parallel_loop3A_661 : vector<16xf32>
        %parallel_loop3A_691 = arith.index_cast %parallel_loop3A_665 : i32 to index
        %parallel_loop3A_692 = arith.constant 48 : index
        %parallel_loop3A_693 = tpu.vector_load %arg9[%parallel_loop3A_691, %parallel_loop3A_692] {strides = array<i32>} : memref<128x128xf32, #tpu.memory_space<vmem>>, vector<16xf32>,
        tpu.vector_store %arg9[%parallel_loop3A_691, %parallel_loop3A_692], %parallel_loop3A_690 {strides = array<i32>} : memref<128x128xf32, #tpu.memory_space<vmem>>, vector<16xf32>,
        %parallel_loop3A_694 = arith.index_cast %parallel_loop3A_665 : i32 to index
        %parallel_loop3A_695 = arith.constant 64 : index
        %parallel_loop3A_696 = tpu.vector_load %arg9[%parallel_loop3A_694, %parallel_loop3A_695] {strides = array<i32>} : memref<128x128xf32, #tpu.memory_space<vmem>>, vector<16xf32>,
        %parallel_loop3A_697 = arith.mulf %parallel_loop3A_696, %parallel_loop3A_661 : vector<16xf32>
        %parallel_loop3A_698 = arith.index_cast %parallel_loop3A_665 : i32 to index
        %parallel_loop3A_699 = arith.constant 64 : index
        %parallel_loop3A_700 = tpu.vector_load %arg9[%parallel_loop3A_698, %parallel_loop3A_699] {strides = array<i32>} : memref<128x128xf32, #tpu.memory_space<vmem>>, vector<16xf32>,
        tpu.vector_store %arg9[%parallel_loop3A_698, %parallel_loop3A_699], %parallel_loop3A_697 {strides = array<i32>} : memref<128x128xf32, #tpu.memory_space<vmem>>, vector<16xf32>,
        %parallel_loop3A_701 = arith.index_cast %parallel_loop3A_665 : i32 to index
        %parallel_loop3A_702 = arith.constant 80 : index
        %parallel_loop3A_703 = tpu.vector_load %arg9[%parallel_loop3A_701, %parallel_loop3A_702] {strides = array<i32>} : memref<128x128xf32, #tpu.memory_space<vmem>>, vector<16xf32>,
        %parallel_loop3A_704 = arith.mulf %parallel_loop3A_703, %parallel_loop3A_661 : vector<16xf32>
        %parallel_loop3A_705 = arith.index_cast %parallel_loop3A_665 : i32 to index
        %parallel_loop3A_706 = arith.constant 80 : index
        %parallel_loop3A_707 = tpu.vector_load %arg9[%parallel_loop3A_705, %parallel_loop3A_706] {strides = array<i32>} : memref<128x128xf32, #tpu.memory_space<vmem>>, vector<16xf32>,
        tpu.vector_store %arg9[%parallel_loop3A_705, %parallel_loop3A_706], %parallel_loop3A_704 {strides = array<i32>} : memref<128x128xf32, #tpu.memory_space<vmem>>, vector<16xf32>,
        %parallel_loop3A_708 = arith.index_cast %parallel_loop3A_665 : i32 to index
        %parallel_loop3A_709 = arith.constant 96 : index
        %parallel_loop3A_710 = tpu.vector_load %arg9[%parallel_loop3A_708, %parallel_loop3A_709] {strides = array<i32>} : memref<128x128xf32, #tpu.memory_space<vmem>>, vector<16xf32>,
        %parallel_loop3A_711 = arith.mulf %parallel_loop3A_710, %parallel_loop3A_661 : vector<16xf32>
        %parallel_loop3A_712 = arith.index_cast %parallel_loop3A_665 : i32 to index
        %parallel_loop3A_713 = arith.constant 96 : index
        %parallel_loop3A_714 = tpu.vector_load %arg9[%parallel_loop3A_712, %parallel_loop3A_713] {strides = array<i32>} : memref<128x128xf32, #tpu.memory_space<vmem>>, vector<16xf32>,
        tpu.vector_store %arg9[%parallel_loop3A_712, %parallel_loop3A_713], %parallel_loop3A_711 {strides = array<i32>} : memref<128x128xf32, #tpu.memory_space<vmem>>, vector<16xf32>,
        %parallel_loop3A_715 = arith.index_cast %parallel_loop3A_665 : i32 to index
        %parallel_loop3A_716 = arith.constant 112 : index
        %parallel_loop3A_717 = tpu.vector_load %arg9[%parallel_loop3A_715, %parallel_loop3A_716] {strides = array<i32>} : memref<128x128xf32, #tpu.memory_space<vmem>>, vector<16xf32>,
        %parallel_loop3A_718 = arith.mulf %parallel_loop3A_717, %parallel_loop3A_661 : vector<16xf32>
        %parallel_loop3A_719 = arith.index_cast %parallel_loop3A_665 : i32 to index
        %parallel_loop3A_720 = arith.constant 112 : index
        %parallel_loop3A_721 = tpu.vector_load %arg9[%parallel_loop3A_719, %parallel_loop3A_720] {strides = array<i32>} : memref<128x128xf32, #tpu.memory_space<vmem>>, vector<16xf32>,
        tpu.vector_store %arg9[%parallel_loop3A_719, %parallel_loop3A_720], %parallel_loop3A_718 {strides = array<i32>} : memref<128x128xf32, #tpu.memory_space<vmem>>, vector<16xf32>,
        %parallel_loop3A_722 = arith.constant 8 : i32
        %parallel_loop3A_723 = vector.broadcast %parallel_loop3A_722 : i32 to vector<16xi32>
        %parallel_loop3A_724 = arith.constant 0 : i32
        %parallel_loop3A_725 = vector.broadcast %parallel_loop3A_724 : i32 to vector<16xi32>
        %parallel_loop3A_726 = arith.cmpi slt, %parallel_loop3A_723, %parallel_loop3A_725 : vector<16xi32>
        %parallel_loop3A_727 = arith.constant 16 : i32
        %parallel_loop3A_728 = vector.broadcast %parallel_loop3A_727 : i32 to vector<16xi32>
        %parallel_loop3A_729 = arith.addi %parallel_loop3A_723, %parallel_loop3A_728 : vector<16xi32>
        %parallel_loop3A_730 = arith.select %parallel_loop3A_726, %parallel_loop3A_729, %parallel_loop3A_723 : vector<16xi1>, vector<16xi32>
        %parallel_loop3A_731 = vector.shape_cast %parallel_loop3A_730 : vector<16xi32> to vector<16x1xi32>
        %parallel_loop3A_732 = vector.shape_cast %parallel_loop3A_731 : vector<16x1xi32> to vector<16xi32>
        %parallel_loop3A_733 = tpu.dynamic_gather %parallel_loop3A_145[%parallel_loop3A_732] in [0] : vector<16xf32>, vector<16xi32> -> vector<16xf32>
        %parallel_loop3A_734 = arith.constant 16 : i32
        %parallel_loop3A_735 = arith.muli %parallel_loop3A_111, %parallel_loop3A_734 : i32
        %parallel_loop3A_736 = arith.constant 8 : i32
        %parallel_loop3A_737 = arith.addi %parallel_loop3A_735, %parallel_loop3A_736 : i32
        %parallel_loop3A_738 = arith.index_cast %parallel_loop3A_737 : i32 to index
        %parallel_loop3A_739 = arith.constant 0 : index
        %parallel_loop3A_740 = tpu.vector_load %arg9[%parallel_loop3A_738, %parallel_loop3A_739] {strides = array<i32>} : memref<128x128xf32, #tpu.memory_space<vmem>>, vector<16xf32>,
        %parallel_loop3A_741 = arith.mulf %parallel_loop3A_740, %parallel_loop3A_733 : vector<16xf32>
        %parallel_loop3A_742 = arith.index_cast %parallel_loop3A_737 : i32 to index
        %parallel_loop3A_743 = arith.constant 0 : index
        %parallel_loop3A_744 = tpu.vector_load %arg9[%parallel_loop3A_742, %parallel_loop3A_743] {strides = array<i32>} : memref<128x128xf32, #tpu.memory_space<vmem>>, vector<16xf32>,
        tpu.vector_store %arg9[%parallel_loop3A_742, %parallel_loop3A_743], %parallel_loop3A_741 {strides = array<i32>} : memref<128x128xf32, #tpu.memory_space<vmem>>, vector<16xf32>,
        %parallel_loop3A_745 = arith.index_cast %parallel_loop3A_737 : i32 to index
        %parallel_loop3A_746 = arith.constant 16 : index
        %parallel_loop3A_747 = tpu.vector_load %arg9[%parallel_loop3A_745, %parallel_loop3A_746] {strides = array<i32>} : memref<128x128xf32, #tpu.memory_space<vmem>>, vector<16xf32>,
        %parallel_loop3A_748 = arith.mulf %parallel_loop3A_747, %parallel_loop3A_733 : vector<16xf32>
        %parallel_loop3A_749 = arith.index_cast %parallel_loop3A_737 : i32 to index
        %parallel_loop3A_750 = arith.constant 16 : index
        %parallel_loop3A_751 = tpu.vector_load %arg9[%parallel_loop3A_749, %parallel_loop3A_750] {strides = array<i32>} : memref<128x128xf32, #tpu.memory_space<vmem>>, vector<16xf32>,
        tpu.vector_store %arg9[%parallel_loop3A_749, %parallel_loop3A_750], %parallel_loop3A_748 {strides = array<i32>} : memref<128x128xf32, #tpu.memory_space<vmem>>, vector<16xf32>,
        %parallel_loop3A_752 = arith.index_cast %parallel_loop3A_737 : i32 to index
        %parallel_loop3A_753 = arith.constant 32 : index
        %parallel_loop3A_754 = tpu.vector_load %arg9[%parallel_loop3A_752, %parallel_loop3A_753] {strides = array<i32>} : memref<128x128xf32, #tpu.memory_space<vmem>>, vector<16xf32>,
        %parallel_loop3A_755 = arith.mulf %parallel_loop3A_754, %parallel_loop3A_733 : vector<16xf32>
        %parallel_loop3A_756 = arith.index_cast %parallel_loop3A_737 : i32 to index
        %parallel_loop3A_757 = arith.constant 32 : index
        %parallel_loop3A_758 = tpu.vector_load %arg9[%parallel_loop3A_756, %parallel_loop3A_757] {strides = array<i32>} : memref<128x128xf32, #tpu.memory_space<vmem>>, vector<16xf32>,
        tpu.vector_store %arg9[%parallel_loop3A_756, %parallel_loop3A_757], %parallel_loop3A_755 {strides = array<i32>} : memref<128x128xf32, #tpu.memory_space<vmem>>, vector<16xf32>,
        %parallel_loop3A_759 = arith.index_cast %parallel_loop3A_737 : i32 to index
        %parallel_loop3A_760 = arith.constant 48 : index
        %parallel_loop3A_761 = tpu.vector_load %arg9[%parallel_loop3A_759, %parallel_loop3A_760] {strides = array<i32>} : memref<128x128xf32, #tpu.memory_space<vmem>>, vector<16xf32>,
        %parallel_loop3A_762 = arith.mulf %parallel_loop3A_761, %parallel_loop3A_733 : vector<16xf32>
        %parallel_loop3A_763 = arith.index_cast %parallel_loop3A_737 : i32 to index
        %parallel_loop3A_764 = arith.constant 48 : index
        %parallel_loop3A_765 = tpu.vector_load %arg9[%parallel_loop3A_763, %parallel_loop3A_764] {strides = array<i32>} : memref<128x128xf32, #tpu.memory_space<vmem>>, vector<16xf32>,
        tpu.vector_store %arg9[%parallel_loop3A_763, %parallel_loop3A_764], %parallel_loop3A_762 {strides = array<i32>} : memref<128x128xf32, #tpu.memory_space<vmem>>, vector<16xf32>,
        %parallel_loop3A_766 = arith.index_cast %parallel_loop3A_737 : i32 to index
        %parallel_loop3A_767 = arith.constant 64 : index
        %parallel_loop3A_768 = tpu.vector_load %arg9[%parallel_loop3A_766, %parallel_loop3A_767] {strides = array<i32>} : memref<128x128xf32, #tpu.memory_space<vmem>>, vector<16xf32>,
        %parallel_loop3A_769 = arith.mulf %parallel_loop3A_768, %parallel_loop3A_733 : vector<16xf32>
        %parallel_loop3A_770 = arith.index_cast %parallel_loop3A_737 : i32 to index
        %parallel_loop3A_771 = arith.constant 64 : index
        %parallel_loop3A_772 = tpu.vector_load %arg9[%parallel_loop3A_770, %parallel_loop3A_771] {strides = array<i32>} : memref<128x128xf32, #tpu.memory_space<vmem>>, vector<16xf32>,
        tpu.vector_store %arg9[%parallel_loop3A_770, %parallel_loop3A_771], %parallel_loop3A_769 {strides = array<i32>} : memref<128x128xf32, #tpu.memory_space<vmem>>, vector<16xf32>,
        %parallel_loop3A_773 = arith.index_cast %parallel_loop3A_737 : i32 to index
        %parallel_loop3A_774 = arith.constant 80 : index
        %parallel_loop3A_775 = tpu.vector_load %arg9[%parallel_loop3A_773, %parallel_loop3A_774] {strides = array<i32>} : memref<128x128xf32, #tpu.memory_space<vmem>>, vector<16xf32>,
        %parallel_loop3A_776 = arith.mulf %parallel_loop3A_775, %parallel_loop3A_733 : vector<16xf32>
        %parallel_loop3A_777 = arith.index_cast %parallel_loop3A_737 : i32 to index
        %parallel_loop3A_778 = arith.constant 80 : index
        %parallel_loop3A_779 = tpu.vector_load %arg9[%parallel_loop3A_777, %parallel_loop3A_778] {strides = array<i32>} : memref<128x128xf32, #tpu.memory_space<vmem>>, vector<16xf32>,
        tpu.vector_store %arg9[%parallel_loop3A_777, %parallel_loop3A_778], %parallel_loop3A_776 {strides = array<i32>} : memref<128x128xf32, #tpu.memory_space<vmem>>, vector<16xf32>,
        %parallel_loop3A_780 = arith.index_cast %parallel_loop3A_737 : i32 to index
        %parallel_loop3A_781 = arith.constant 96 : index
        %parallel_loop3A_782 = tpu.vector_load %arg9[%parallel_loop3A_780, %parallel_loop3A_781] {strides = array<i32>} : memref<128x128xf32, #tpu.memory_space<vmem>>, vector<16xf32>,
        %parallel_loop3A_783 = arith.mulf %parallel_loop3A_782, %parallel_loop3A_733 : vector<16xf32>
        %parallel_loop3A_784 = arith.index_cast %parallel_loop3A_737 : i32 to index
        %parallel_loop3A_785 = arith.constant 96 : index
        %parallel_loop3A_786 = tpu.vector_load %arg9[%parallel_loop3A_784, %parallel_loop3A_785] {strides = array<i32>} : memref<128x128xf32, #tpu.memory_space<vmem>>, vector<16xf32>,
        tpu.vector_store %arg9[%parallel_loop3A_784, %parallel_loop3A_785], %parallel_loop3A_783 {strides = array<i32>} : memref<128x128xf32, #tpu.memory_space<vmem>>, vector<16xf32>,
        %parallel_loop3A_787 = arith.index_cast %parallel_loop3A_737 : i32 to index
        %parallel_loop3A_788 = arith.constant 112 : index
        %parallel_loop3A_789 = tpu.vector_load %arg9[%parallel_loop3A_787, %parallel_loop3A_788] {strides = array<i32>} : memref<128x128xf32, #tpu.memory_space<vmem>>, vector<16xf32>,
        %parallel_loop3A_790 = arith.mulf %parallel_loop3A_789, %parallel_loop3A_733 : vector<16xf32>
        %parallel_loop3A_791 = arith.index_cast %parallel_loop3A_737 : i32 to index
        %parallel_loop3A_792 = arith.constant 112 : index
        %parallel_loop3A_793 = tpu.vector_load %arg9[%parallel_loop3A_791, %parallel_loop3A_792] {strides = array<i32>} : memref<128x128xf32, #tpu.memory_space<vmem>>, vector<16xf32>,
        tpu.vector_store %arg9[%parallel_loop3A_791, %parallel_loop3A_792], %parallel_loop3A_790 {strides = array<i32>} : memref<128x128xf32, #tpu.memory_space<vmem>>, vector<16xf32>,
        %parallel_loop3A_794 = arith.constant 9 : i32
        %parallel_loop3A_795 = vector.broadcast %parallel_loop3A_794 : i32 to vector<16xi32>
        %parallel_loop3A_796 = arith.constant 0 : i32
        %parallel_loop3A_797 = vector.broadcast %parallel_loop3A_796 : i32 to vector<16xi32>
        %parallel_loop3A_798 = arith.cmpi slt, %parallel_loop3A_795, %parallel_loop3A_797 : vector<16xi32>
        %parallel_loop3A_799 = arith.constant 16 : i32
        %parallel_loop3A_800 = vector.broadcast %parallel_loop3A_799 : i32 to vector<16xi32>
        %parallel_loop3A_801 = arith.addi %parallel_loop3A_795, %parallel_loop3A_800 : vector<16xi32>
        %parallel_loop3A_802 = arith.select %parallel_loop3A_798, %parallel_loop3A_801, %parallel_loop3A_795 : vector<16xi1>, vector<16xi32>
        %parallel_loop3A_803 = vector.shape_cast %parallel_loop3A_802 : vector<16xi32> to vector<16x1xi32>
        %parallel_loop3A_804 = vector.shape_cast %parallel_loop3A_803 : vector<16x1xi32> to vector<16xi32>
        %parallel_loop3A_805 = tpu.dynamic_gather %parallel_loop3A_145[%parallel_loop3A_804] in [0] : vector<16xf32>, vector<16xi32> -> vector<16xf32>
        %parallel_loop3A_806 = arith.constant 16 : i32
        %parallel_loop3A_807 = arith.muli %parallel_loop3A_111, %parallel_loop3A_806 : i32
        %parallel_loop3A_808 = arith.constant 9 : i32
        %parallel_loop3A_809 = arith.addi %parallel_loop3A_807, %parallel_loop3A_808 : i32
        %parallel_loop3A_810 = arith.index_cast %parallel_loop3A_809 : i32 to index
        %parallel_loop3A_811 = arith.constant 0 : index
        %parallel_loop3A_812 = tpu.vector_load %arg9[%parallel_loop3A_810, %parallel_loop3A_811] {strides = array<i32>} : memref<128x128xf32, #tpu.memory_space<vmem>>, vector<16xf32>,
        %parallel_loop3A_813 = arith.mulf %parallel_loop3A_812, %parallel_loop3A_805 : vector<16xf32>
        %parallel_loop3A_814 = arith.index_cast %parallel_loop3A_809 : i32 to index
        %parallel_loop3A_815 = arith.constant 0 : index
        %parallel_loop3A_816 = tpu.vector_load %arg9[%parallel_loop3A_814, %parallel_loop3A_815] {strides = array<i32>} : memref<128x128xf32, #tpu.memory_space<vmem>>, vector<16xf32>,
        tpu.vector_store %arg9[%parallel_loop3A_814, %parallel_loop3A_815], %parallel_loop3A_813 {strides = array<i32>} : memref<128x128xf32, #tpu.memory_space<vmem>>, vector<16xf32>,
        %parallel_loop3A_817 = arith.index_cast %parallel_loop3A_809 : i32 to index
        %parallel_loop3A_818 = arith.constant 16 : index
        %parallel_loop3A_819 = tpu.vector_load %arg9[%parallel_loop3A_817, %parallel_loop3A_818] {strides = array<i32>} : memref<128x128xf32, #tpu.memory_space<vmem>>, vector<16xf32>,
        %parallel_loop3A_820 = arith.mulf %parallel_loop3A_819, %parallel_loop3A_805 : vector<16xf32>
        %parallel_loop3A_821 = arith.index_cast %parallel_loop3A_809 : i32 to index
        %parallel_loop3A_822 = arith.constant 16 : index
        %parallel_loop3A_823 = tpu.vector_load %arg9[%parallel_loop3A_821, %parallel_loop3A_822] {strides = array<i32>} : memref<128x128xf32, #tpu.memory_space<vmem>>, vector<16xf32>,
        tpu.vector_store %arg9[%parallel_loop3A_821, %parallel_loop3A_822], %parallel_loop3A_820 {strides = array<i32>} : memref<128x128xf32, #tpu.memory_space<vmem>>, vector<16xf32>,
        %parallel_loop3A_824 = arith.index_cast %parallel_loop3A_809 : i32 to index
        %parallel_loop3A_825 = arith.constant 32 : index
        %parallel_loop3A_826 = tpu.vector_load %arg9[%parallel_loop3A_824, %parallel_loop3A_825] {strides = array<i32>} : memref<128x128xf32, #tpu.memory_space<vmem>>, vector<16xf32>,
        %parallel_loop3A_827 = arith.mulf %parallel_loop3A_826, %parallel_loop3A_805 : vector<16xf32>
        %parallel_loop3A_828 = arith.index_cast %parallel_loop3A_809 : i32 to index
        %parallel_loop3A_829 = arith.constant 32 : index
        %parallel_loop3A_830 = tpu.vector_load %arg9[%parallel_loop3A_828, %parallel_loop3A_829] {strides = array<i32>} : memref<128x128xf32, #tpu.memory_space<vmem>>, vector<16xf32>,
        tpu.vector_store %arg9[%parallel_loop3A_828, %parallel_loop3A_829], %parallel_loop3A_827 {strides = array<i32>} : memref<128x128xf32, #tpu.memory_space<vmem>>, vector<16xf32>,
        %parallel_loop3A_831 = arith.index_cast %parallel_loop3A_809 : i32 to index
        %parallel_loop3A_832 = arith.constant 48 : index
        %parallel_loop3A_833 = tpu.vector_load %arg9[%parallel_loop3A_831, %parallel_loop3A_832] {strides = array<i32>} : memref<128x128xf32, #tpu.memory_space<vmem>>, vector<16xf32>,
        %parallel_loop3A_834 = arith.mulf %parallel_loop3A_833, %parallel_loop3A_805 : vector<16xf32>
        %parallel_loop3A_835 = arith.index_cast %parallel_loop3A_809 : i32 to index
        %parallel_loop3A_836 = arith.constant 48 : index
        %parallel_loop3A_837 = tpu.vector_load %arg9[%parallel_loop3A_835, %parallel_loop3A_836] {strides = array<i32>} : memref<128x128xf32, #tpu.memory_space<vmem>>, vector<16xf32>,
        tpu.vector_store %arg9[%parallel_loop3A_835, %parallel_loop3A_836], %parallel_loop3A_834 {strides = array<i32>} : memref<128x128xf32, #tpu.memory_space<vmem>>, vector<16xf32>,
        %parallel_loop3A_838 = arith.index_cast %parallel_loop3A_809 : i32 to index
        %parallel_loop3A_839 = arith.constant 64 : index
        %parallel_loop3A_840 = tpu.vector_load %arg9[%parallel_loop3A_838, %parallel_loop3A_839] {strides = array<i32>} : memref<128x128xf32, #tpu.memory_space<vmem>>, vector<16xf32>,
        %parallel_loop3A_841 = arith.mulf %parallel_loop3A_840, %parallel_loop3A_805 : vector<16xf32>
        %parallel_loop3A_842 = arith.index_cast %parallel_loop3A_809 : i32 to index
        %parallel_loop3A_843 = arith.constant 64 : index
        %parallel_loop3A_844 = tpu.vector_load %arg9[%parallel_loop3A_842, %parallel_loop3A_843] {strides = array<i32>} : memref<128x128xf32, #tpu.memory_space<vmem>>, vector<16xf32>,
        tpu.vector_store %arg9[%parallel_loop3A_842, %parallel_loop3A_843], %parallel_loop3A_841 {strides = array<i32>} : memref<128x128xf32, #tpu.memory_space<vmem>>, vector<16xf32>,
        %parallel_loop3A_845 = arith.index_cast %parallel_loop3A_809 : i32 to index
        %parallel_loop3A_846 = arith.constant 80 : index
        %parallel_loop3A_847 = tpu.vector_load %arg9[%parallel_loop3A_845, %parallel_loop3A_846] {strides = array<i32>} : memref<128x128xf32, #tpu.memory_space<vmem>>, vector<16xf32>,
        %parallel_loop3A_848 = arith.mulf %parallel_loop3A_847, %parallel_loop3A_805 : vector<16xf32>
        %parallel_loop3A_849 = arith.index_cast %parallel_loop3A_809 : i32 to index
        %parallel_loop3A_850 = arith.constant 80 : index
        %parallel_loop3A_851 = tpu.vector_load %arg9[%parallel_loop3A_849, %parallel_loop3A_850] {strides = array<i32>} : memref<128x128xf32, #tpu.memory_space<vmem>>, vector<16xf32>,
        tpu.vector_store %arg9[%parallel_loop3A_849, %parallel_loop3A_850], %parallel_loop3A_848 {strides = array<i32>} : memref<128x128xf32, #tpu.memory_space<vmem>>, vector<16xf32>,
        %parallel_loop3A_852 = arith.index_cast %parallel_loop3A_809 : i32 to index
        %parallel_loop3A_853 = arith.constant 96 : index
        %parallel_loop3A_854 = tpu.vector_load %arg9[%parallel_loop3A_852, %parallel_loop3A_853] {strides = array<i32>} : memref<128x128xf32, #tpu.memory_space<vmem>>, vector<16xf32>,
        %parallel_loop3A_855 = arith.mulf %parallel_loop3A_854, %parallel_loop3A_805 : vector<16xf32>
        %parallel_loop3A_856 = arith.index_cast %parallel_loop3A_809 : i32 to index
        %parallel_loop3A_857 = arith.constant 96 : index
        %parallel_loop3A_858 = tpu.vector_load %arg9[%parallel_loop3A_856, %parallel_loop3A_857] {strides = array<i32>} : memref<128x128xf32, #tpu.memory_space<vmem>>, vector<16xf32>,
        tpu.vector_store %arg9[%parallel_loop3A_856, %parallel_loop3A_857], %parallel_loop3A_855 {strides = array<i32>} : memref<128x128xf32, #tpu.memory_space<vmem>>, vector<16xf32>,
        %parallel_loop3A_859 = arith.index_cast %parallel_loop3A_809 : i32 to index
        %parallel_loop3A_860 = arith.constant 112 : index
        %parallel_loop3A_861 = tpu.vector_load %arg9[%parallel_loop3A_859, %parallel_loop3A_860] {strides = array<i32>} : memref<128x128xf32, #tpu.memory_space<vmem>>, vector<16xf32>,
        %parallel_loop3A_862 = arith.mulf %parallel_loop3A_861, %parallel_loop3A_805 : vector<16xf32>
        %parallel_loop3A_863 = arith.index_cast %parallel_loop3A_809 : i32 to index
        %parallel_loop3A_864 = arith.constant 112 : index
        %parallel_loop3A_865 = tpu.vector_load %arg9[%parallel_loop3A_863, %parallel_loop3A_864] {strides = array<i32>} : memref<128x128xf32, #tpu.memory_space<vmem>>, vector<16xf32>,
        tpu.vector_store %arg9[%parallel_loop3A_863, %parallel_loop3A_864], %parallel_loop3A_862 {strides = array<i32>} : memref<128x128xf32, #tpu.memory_space<vmem>>, vector<16xf32>,
        %parallel_loop3A_866 = arith.constant 10 : i32
        %parallel_loop3A_867 = vector.broadcast %parallel_loop3A_866 : i32 to vector<16xi32>
        %parallel_loop3A_868 = arith.constant 0 : i32
        %parallel_loop3A_869 = vector.broadcast %parallel_loop3A_868 : i32 to vector<16xi32>
        %parallel_loop3A_870 = arith.cmpi slt, %parallel_loop3A_867, %parallel_loop3A_869 : vector<16xi32>
        %parallel_loop3A_871 = arith.constant 16 : i32
        %parallel_loop3A_872 = vector.broadcast %parallel_loop3A_871 : i32 to vector<16xi32>
        %parallel_loop3A_873 = arith.addi %parallel_loop3A_867, %parallel_loop3A_872 : vector<16xi32>
        %parallel_loop3A_874 = arith.select %parallel_loop3A_870, %parallel_loop3A_873, %parallel_loop3A_867 : vector<16xi1>, vector<16xi32>
        %parallel_loop3A_875 = vector.shape_cast %parallel_loop3A_874 : vector<16xi32> to vector<16x1xi32>
        %parallel_loop3A_876 = vector.shape_cast %parallel_loop3A_875 : vector<16x1xi32> to vector<16xi32>
        %parallel_loop3A_877 = tpu.dynamic_gather %parallel_loop3A_145[%parallel_loop3A_876] in [0] : vector<16xf32>, vector<16xi32> -> vector<16xf32>
        %parallel_loop3A_878 = arith.constant 16 : i32
        %parallel_loop3A_879 = arith.muli %parallel_loop3A_111, %parallel_loop3A_878 : i32
        %parallel_loop3A_880 = arith.constant 10 : i32
        %parallel_loop3A_881 = arith.addi %parallel_loop3A_879, %parallel_loop3A_880 : i32
        %parallel_loop3A_882 = arith.index_cast %parallel_loop3A_881 : i32 to index
        %parallel_loop3A_883 = arith.constant 0 : index
        %parallel_loop3A_884 = tpu.vector_load %arg9[%parallel_loop3A_882, %parallel_loop3A_883] {strides = array<i32>} : memref<128x128xf32, #tpu.memory_space<vmem>>, vector<16xf32>,
        %parallel_loop3A_885 = arith.mulf %parallel_loop3A_884, %parallel_loop3A_877 : vector<16xf32>
        %parallel_loop3A_886 = arith.index_cast %parallel_loop3A_881 : i32 to index
        %parallel_loop3A_887 = arith.constant 0 : index
        %parallel_loop3A_888 = tpu.vector_load %arg9[%parallel_loop3A_886, %parallel_loop3A_887] {strides = array<i32>} : memref<128x128xf32, #tpu.memory_space<vmem>>, vector<16xf32>,
        tpu.vector_store %arg9[%parallel_loop3A_886, %parallel_loop3A_887], %parallel_loop3A_885 {strides = array<i32>} : memref<128x128xf32, #tpu.memory_space<vmem>>, vector<16xf32>,
        %parallel_loop3A_889 = arith.index_cast %parallel_loop3A_881 : i32 to index
        %parallel_loop3A_890 = arith.constant 16 : index
        %parallel_loop3A_891 = tpu.vector_load %arg9[%parallel_loop3A_889, %parallel_loop3A_890] {strides = array<i32>} : memref<128x128xf32, #tpu.memory_space<vmem>>, vector<16xf32>,
        %parallel_loop3A_892 = arith.mulf %parallel_loop3A_891, %parallel_loop3A_877 : vector<16xf32>
        %parallel_loop3A_893 = arith.index_cast %parallel_loop3A_881 : i32 to index
        %parallel_loop3A_894 = arith.constant 16 : index
        %parallel_loop3A_895 = tpu.vector_load %arg9[%parallel_loop3A_893, %parallel_loop3A_894] {strides = array<i32>} : memref<128x128xf32, #tpu.memory_space<vmem>>, vector<16xf32>,
        tpu.vector_store %arg9[%parallel_loop3A_893, %parallel_loop3A_894], %parallel_loop3A_892 {strides = array<i32>} : memref<128x128xf32, #tpu.memory_space<vmem>>, vector<16xf32>,
        %parallel_loop3A_896 = arith.index_cast %parallel_loop3A_881 : i32 to index
        %parallel_loop3A_897 = arith.constant 32 : index
        %parallel_loop3A_898 = tpu.vector_load %arg9[%parallel_loop3A_896, %parallel_loop3A_897] {strides = array<i32>} : memref<128x128xf32, #tpu.memory_space<vmem>>, vector<16xf32>,
        %parallel_loop3A_899 = arith.mulf %parallel_loop3A_898, %parallel_loop3A_877 : vector<16xf32>
        %parallel_loop3A_900 = arith.index_cast %parallel_loop3A_881 : i32 to index
        %parallel_loop3A_901 = arith.constant 32 : index
        %parallel_loop3A_902 = tpu.vector_load %arg9[%parallel_loop3A_900, %parallel_loop3A_901] {strides = array<i32>} : memref<128x128xf32, #tpu.memory_space<vmem>>, vector<16xf32>,
        tpu.vector_store %arg9[%parallel_loop3A_900, %parallel_loop3A_901], %parallel_loop3A_899 {strides = array<i32>} : memref<128x128xf32, #tpu.memory_space<vmem>>, vector<16xf32>,
        %parallel_loop3A_903 = arith.index_cast %parallel_loop3A_881 : i32 to index
        %parallel_loop3A_904 = arith.constant 48 : index
        %parallel_loop3A_905 = tpu.vector_load %arg9[%parallel_loop3A_903, %parallel_loop3A_904] {strides = array<i32>} : memref<128x128xf32, #tpu.memory_space<vmem>>, vector<16xf32>,
        %parallel_loop3A_906 = arith.mulf %parallel_loop3A_905, %parallel_loop3A_877 : vector<16xf32>
        %parallel_loop3A_907 = arith.index_cast %parallel_loop3A_881 : i32 to index
        %parallel_loop3A_908 = arith.constant 48 : index
        %parallel_loop3A_909 = tpu.vector_load %arg9[%parallel_loop3A_907, %parallel_loop3A_908] {strides = array<i32>} : memref<128x128xf32, #tpu.memory_space<vmem>>, vector<16xf32>,
        tpu.vector_store %arg9[%parallel_loop3A_907, %parallel_loop3A_908], %parallel_loop3A_906 {strides = array<i32>} : memref<128x128xf32, #tpu.memory_space<vmem>>, vector<16xf32>,
        %parallel_loop3A_910 = arith.index_cast %parallel_loop3A_881 : i32 to index
        %parallel_loop3A_911 = arith.constant 64 : index
        %parallel_loop3A_912 = tpu.vector_load %arg9[%parallel_loop3A_910, %parallel_loop3A_911] {strides = array<i32>} : memref<128x128xf32, #tpu.memory_space<vmem>>, vector<16xf32>,
        %parallel_loop3A_913 = arith.mulf %parallel_loop3A_912, %parallel_loop3A_877 : vector<16xf32>
        %parallel_loop3A_914 = arith.index_cast %parallel_loop3A_881 : i32 to index
        %parallel_loop3A_915 = arith.constant 64 : index
        %parallel_loop3A_916 = tpu.vector_load %arg9[%parallel_loop3A_914, %parallel_loop3A_915] {strides = array<i32>} : memref<128x128xf32, #tpu.memory_space<vmem>>, vector<16xf32>,
        tpu.vector_store %arg9[%parallel_loop3A_914, %parallel_loop3A_915], %parallel_loop3A_913 {strides = array<i32>} : memref<128x128xf32, #tpu.memory_space<vmem>>, vector<16xf32>,
        %parallel_loop3A_917 = arith.index_cast %parallel_loop3A_881 : i32 to index
        %parallel_loop3A_918 = arith.constant 80 : index
        %parallel_loop3A_919 = tpu.vector_load %arg9[%parallel_loop3A_917, %parallel_loop3A_918] {strides = array<i32>} : memref<128x128xf32, #tpu.memory_space<vmem>>, vector<16xf32>,
        %parallel_loop3A_920 = arith.mulf %parallel_loop3A_919, %parallel_loop3A_877 : vector<16xf32>
        %parallel_loop3A_921 = arith.index_cast %parallel_loop3A_881 : i32 to index
        %parallel_loop3A_922 = arith.constant 80 : index
        %parallel_loop3A_923 = tpu.vector_load %arg9[%parallel_loop3A_921, %parallel_loop3A_922] {strides = array<i32>} : memref<128x128xf32, #tpu.memory_space<vmem>>, vector<16xf32>,
        tpu.vector_store %arg9[%parallel_loop3A_921, %parallel_loop3A_922], %parallel_loop3A_920 {strides = array<i32>} : memref<128x128xf32, #tpu.memory_space<vmem>>, vector<16xf32>,
        %parallel_loop3A_924 = arith.index_cast %parallel_loop3A_881 : i32 to index
        %parallel_loop3A_925 = arith.constant 96 : index
        %parallel_loop3A_926 = tpu.vector_load %arg9[%parallel_loop3A_924, %parallel_loop3A_925] {strides = array<i32>} : memref<128x128xf32, #tpu.memory_space<vmem>>, vector<16xf32>,
        %parallel_loop3A_927 = arith.mulf %parallel_loop3A_926, %parallel_loop3A_877 : vector<16xf32>
        %parallel_loop3A_928 = arith.index_cast %parallel_loop3A_881 : i32 to index
        %parallel_loop3A_929 = arith.constant 96 : index
        %parallel_loop3A_930 = tpu.vector_load %arg9[%parallel_loop3A_928, %parallel_loop3A_929] {strides = array<i32>} : memref<128x128xf32, #tpu.memory_space<vmem>>, vector<16xf32>,
        tpu.vector_store %arg9[%parallel_loop3A_928, %parallel_loop3A_929], %parallel_loop3A_927 {strides = array<i32>} : memref<128x128xf32, #tpu.memory_space<vmem>>, vector<16xf32>,
        %parallel_loop3A_931 = arith.index_cast %parallel_loop3A_881 : i32 to index
        %parallel_loop3A_932 = arith.constant 112 : index
        %parallel_loop3A_933 = tpu.vector_load %arg9[%parallel_loop3A_931, %parallel_loop3A_932] {strides = array<i32>} : memref<128x128xf32, #tpu.memory_space<vmem>>, vector<16xf32>,
        %parallel_loop3A_934 = arith.mulf %parallel_loop3A_933, %parallel_loop3A_877 : vector<16xf32>
        %parallel_loop3A_935 = arith.index_cast %parallel_loop3A_881 : i32 to index
        %parallel_loop3A_936 = arith.constant 112 : index
        %parallel_loop3A_937 = tpu.vector_load %arg9[%parallel_loop3A_935, %parallel_loop3A_936] {strides = array<i32>} : memref<128x128xf32, #tpu.memory_space<vmem>>, vector<16xf32>,
        tpu.vector_store %arg9[%parallel_loop3A_935, %parallel_loop3A_936], %parallel_loop3A_934 {strides = array<i32>} : memref<128x128xf32, #tpu.memory_space<vmem>>, vector<16xf32>,
        %parallel_loop3A_938 = arith.constant 11 : i32
        %parallel_loop3A_939 = vector.broadcast %parallel_loop3A_938 : i32 to vector<16xi32>
        %parallel_loop3A_940 = arith.constant 0 : i32
        %parallel_loop3A_941 = vector.broadcast %parallel_loop3A_940 : i32 to vector<16xi32>
        %parallel_loop3A_942 = arith.cmpi slt, %parallel_loop3A_939, %parallel_loop3A_941 : vector<16xi32>
        %parallel_loop3A_943 = arith.constant 16 : i32
        %parallel_loop3A_944 = vector.broadcast %parallel_loop3A_943 : i32 to vector<16xi32>
        %parallel_loop3A_945 = arith.addi %parallel_loop3A_939, %parallel_loop3A_944 : vector<16xi32>
        %parallel_loop3A_946 = arith.select %parallel_loop3A_942, %parallel_loop3A_945, %parallel_loop3A_939 : vector<16xi1>, vector<16xi32>
        %parallel_loop3A_947 = vector.shape_cast %parallel_loop3A_946 : vector<16xi32> to vector<16x1xi32>
        %parallel_loop3A_948 = vector.shape_cast %parallel_loop3A_947 : vector<16x1xi32> to vector<16xi32>
        %parallel_loop3A_949 = tpu.dynamic_gather %parallel_loop3A_145[%parallel_loop3A_948] in [0] : vector<16xf32>, vector<16xi32> -> vector<16xf32>
        %parallel_loop3A_950 = arith.constant 16 : i32
        %parallel_loop3A_951 = arith.muli %parallel_loop3A_111, %parallel_loop3A_950 : i32
        %parallel_loop3A_952 = arith.constant 11 : i32
        %parallel_loop3A_953 = arith.addi %parallel_loop3A_951, %parallel_loop3A_952 : i32
        %parallel_loop3A_954 = arith.index_cast %parallel_loop3A_953 : i32 to index
        %parallel_loop3A_955 = arith.constant 0 : index
        %parallel_loop3A_956 = tpu.vector_load %arg9[%parallel_loop3A_954, %parallel_loop3A_955] {strides = array<i32>} : memref<128x128xf32, #tpu.memory_space<vmem>>, vector<16xf32>,
        %parallel_loop3A_957 = arith.mulf %parallel_loop3A_956, %parallel_loop3A_949 : vector<16xf32>
        %parallel_loop3A_958 = arith.index_cast %parallel_loop3A_953 : i32 to index
        %parallel_loop3A_959 = arith.constant 0 : index
        %parallel_loop3A_960 = tpu.vector_load %arg9[%parallel_loop3A_958, %parallel_loop3A_959] {strides = array<i32>} : memref<128x128xf32, #tpu.memory_space<vmem>>, vector<16xf32>,
        tpu.vector_store %arg9[%parallel_loop3A_958, %parallel_loop3A_959], %parallel_loop3A_957 {strides = array<i32>} : memref<128x128xf32, #tpu.memory_space<vmem>>, vector<16xf32>,
        %parallel_loop3A_961 = arith.index_cast %parallel_loop3A_953 : i32 to index
        %parallel_loop3A_962 = arith.constant 16 : index
        %parallel_loop3A_963 = tpu.vector_load %arg9[%parallel_loop3A_961, %parallel_loop3A_962] {strides = array<i32>} : memref<128x128xf32, #tpu.memory_space<vmem>>, vector<16xf32>,
        %parallel_loop3A_964 = arith.mulf %parallel_loop3A_963, %parallel_loop3A_949 : vector<16xf32>
        %parallel_loop3A_965 = arith.index_cast %parallel_loop3A_953 : i32 to index
        %parallel_loop3A_966 = arith.constant 16 : index
        %parallel_loop3A_967 = tpu.vector_load %arg9[%parallel_loop3A_965, %parallel_loop3A_966] {strides = array<i32>} : memref<128x128xf32, #tpu.memory_space<vmem>>, vector<16xf32>,
        tpu.vector_store %arg9[%parallel_loop3A_965, %parallel_loop3A_966], %parallel_loop3A_964 {strides = array<i32>} : memref<128x128xf32, #tpu.memory_space<vmem>>, vector<16xf32>,
        %parallel_loop3A_968 = arith.index_cast %parallel_loop3A_953 : i32 to index
        %parallel_loop3A_969 = arith.constant 32 : index
        %parallel_loop3A_970 = tpu.vector_load %arg9[%parallel_loop3A_968, %parallel_loop3A_969] {strides = array<i32>} : memref<128x128xf32, #tpu.memory_space<vmem>>, vector<16xf32>,
        %parallel_loop3A_971 = arith.mulf %parallel_loop3A_970, %parallel_loop3A_949 : vector<16xf32>
        %parallel_loop3A_972 = arith.index_cast %parallel_loop3A_953 : i32 to index
        %parallel_loop3A_973 = arith.constant 32 : index
        %parallel_loop3A_974 = tpu.vector_load %arg9[%parallel_loop3A_972, %parallel_loop3A_973] {strides = array<i32>} : memref<128x128xf32, #tpu.memory_space<vmem>>, vector<16xf32>,
        tpu.vector_store %arg9[%parallel_loop3A_972, %parallel_loop3A_973], %parallel_loop3A_971 {strides = array<i32>} : memref<128x128xf32, #tpu.memory_space<vmem>>, vector<16xf32>,
        %parallel_loop3A_975 = arith.index_cast %parallel_loop3A_953 : i32 to index
        %parallel_loop3A_976 = arith.constant 48 : index
        %parallel_loop3A_977 = tpu.vector_load %arg9[%parallel_loop3A_975, %parallel_loop3A_976] {strides = array<i32>} : memref<128x128xf32, #tpu.memory_space<vmem>>, vector<16xf32>,
        %parallel_loop3A_978 = arith.mulf %parallel_loop3A_977, %parallel_loop3A_949 : vector<16xf32>
        %parallel_loop3A_979 = arith.index_cast %parallel_loop3A_953 : i32 to index
        %parallel_loop3A_980 = arith.constant 48 : index
        %parallel_loop3A_981 = tpu.vector_load %arg9[%parallel_loop3A_979, %parallel_loop3A_980] {strides = array<i32>} : memref<128x128xf32, #tpu.memory_space<vmem>>, vector<16xf32>,
        tpu.vector_store %arg9[%parallel_loop3A_979, %parallel_loop3A_980], %parallel_loop3A_978 {strides = array<i32>} : memref<128x128xf32, #tpu.memory_space<vmem>>, vector<16xf32>,
        %parallel_loop3A_982 = arith.index_cast %parallel_loop3A_953 : i32 to index
        %parallel_loop3A_983 = arith.constant 64 : index
        %parallel_loop3A_984 = tpu.vector_load %arg9[%parallel_loop3A_982, %parallel_loop3A_983] {strides = array<i32>} : memref<128x128xf32, #tpu.memory_space<vmem>>, vector<16xf32>,
        %parallel_loop3A_985 = arith.mulf %parallel_loop3A_984, %parallel_loop3A_949 : vector<16xf32>
        %parallel_loop3A_986 = arith.index_cast %parallel_loop3A_953 : i32 to index
        %parallel_loop3A_987 = arith.constant 64 : index
        %parallel_loop3A_988 = tpu.vector_load %arg9[%parallel_loop3A_986, %parallel_loop3A_987] {strides = array<i32>} : memref<128x128xf32, #tpu.memory_space<vmem>>, vector<16xf32>,
        tpu.vector_store %arg9[%parallel_loop3A_986, %parallel_loop3A_987], %parallel_loop3A_985 {strides = array<i32>} : memref<128x128xf32, #tpu.memory_space<vmem>>, vector<16xf32>,
        %parallel_loop3A_989 = arith.index_cast %parallel_loop3A_953 : i32 to index
        %parallel_loop3A_990 = arith.constant 80 : index
        %parallel_loop3A_991 = tpu.vector_load %arg9[%parallel_loop3A_989, %parallel_loop3A_990] {strides = array<i32>} : memref<128x128xf32, #tpu.memory_space<vmem>>, vector<16xf32>,
        %parallel_loop3A_992 = arith.mulf %parallel_loop3A_991, %parallel_loop3A_949 : vector<16xf32>
        %parallel_loop3A_993 = arith.index_cast %parallel_loop3A_953 : i32 to index
        %parallel_loop3A_994 = arith.constant 80 : index
        %parallel_loop3A_995 = tpu.vector_load %arg9[%parallel_loop3A_993, %parallel_loop3A_994] {strides = array<i32>} : memref<128x128xf32, #tpu.memory_space<vmem>>, vector<16xf32>,
        tpu.vector_store %arg9[%parallel_loop3A_993, %parallel_loop3A_994], %parallel_loop3A_992 {strides = array<i32>} : memref<128x128xf32, #tpu.memory_space<vmem>>, vector<16xf32>,
        %parallel_loop3A_996 = arith.index_cast %parallel_loop3A_953 : i32 to index
        %parallel_loop3A_997 = arith.constant 96 : index
        %parallel_loop3A_998 = tpu.vector_load %arg9[%parallel_loop3A_996, %parallel_loop3A_997] {strides = array<i32>} : memref<128x128xf32, #tpu.memory_space<vmem>>, vector<16xf32>,
        %parallel_loop3A_999 = arith.mulf %parallel_loop3A_998, %parallel_loop3A_949 : vector<16xf32>
        %parallel_loop3A_1000 = arith.index_cast %parallel_loop3A_953 : i32 to index
        %parallel_loop3A_1001 = arith.constant 96 : index
        %parallel_loop3A_1002 = tpu.vector_load %arg9[%parallel_loop3A_1000, %parallel_loop3A_1001] {strides = array<i32>} : memref<128x128xf32, #tpu.memory_space<vmem>>, vector<16xf32>,
        tpu.vector_store %arg9[%parallel_loop3A_1000, %parallel_loop3A_1001], %parallel_loop3A_999 {strides = array<i32>} : memref<128x128xf32, #tpu.memory_space<vmem>>, vector<16xf32>,
        %parallel_loop3A_1003 = arith.index_cast %parallel_loop3A_953 : i32 to index
        %parallel_loop3A_1004 = arith.constant 112 : index
        %parallel_loop3A_1005 = tpu.vector_load %arg9[%parallel_loop3A_1003, %parallel_loop3A_1004] {strides = array<i32>} : memref<128x128xf32, #tpu.memory_space<vmem>>, vector<16xf32>,
        %parallel_loop3A_1006 = arith.mulf %parallel_loop3A_1005, %parallel_loop3A_949 : vector<16xf32>
        %parallel_loop3A_1007 = arith.index_cast %parallel_loop3A_953 : i32 to index
        %parallel_loop3A_1008 = arith.constant 112 : index
        %parallel_loop3A_1009 = tpu.vector_load %arg9[%parallel_loop3A_1007, %parallel_loop3A_1008] {strides = array<i32>} : memref<128x128xf32, #tpu.memory_space<vmem>>, vector<16xf32>,
        tpu.vector_store %arg9[%parallel_loop3A_1007, %parallel_loop3A_1008], %parallel_loop3A_1006 {strides = array<i32>} : memref<128x128xf32, #tpu.memory_space<vmem>>, vector<16xf32>,
        %parallel_loop3A_1010 = arith.constant 12 : i32
        %parallel_loop3A_1011 = vector.broadcast %parallel_loop3A_1010 : i32 to vector<16xi32>
        %parallel_loop3A_1012 = arith.constant 0 : i32
        %parallel_loop3A_1013 = vector.broadcast %parallel_loop3A_1012 : i32 to vector<16xi32>
        %parallel_loop3A_1014 = arith.cmpi slt, %parallel_loop3A_1011, %parallel_loop3A_1013 : vector<16xi32>
        %parallel_loop3A_1015 = arith.constant 16 : i32
        %parallel_loop3A_1016 = vector.broadcast %parallel_loop3A_1015 : i32 to vector<16xi32>
        %parallel_loop3A_1017 = arith.addi %parallel_loop3A_1011, %parallel_loop3A_1016 : vector<16xi32>
        %parallel_loop3A_1018 = arith.select %parallel_loop3A_1014, %parallel_loop3A_1017, %parallel_loop3A_1011 : vector<16xi1>, vector<16xi32>
        %parallel_loop3A_1019 = vector.shape_cast %parallel_loop3A_1018 : vector<16xi32> to vector<16x1xi32>
        %parallel_loop3A_1020 = vector.shape_cast %parallel_loop3A_1019 : vector<16x1xi32> to vector<16xi32>
        %parallel_loop3A_1021 = tpu.dynamic_gather %parallel_loop3A_145[%parallel_loop3A_1020] in [0] : vector<16xf32>, vector<16xi32> -> vector<16xf32>
        %parallel_loop3A_1022 = arith.constant 16 : i32
        %parallel_loop3A_1023 = arith.muli %parallel_loop3A_111, %parallel_loop3A_1022 : i32
        %parallel_loop3A_1024 = arith.constant 12 : i32
        %parallel_loop3A_1025 = arith.addi %parallel_loop3A_1023, %parallel_loop3A_1024 : i32
        %parallel_loop3A_1026 = arith.index_cast %parallel_loop3A_1025 : i32 to index
        %parallel_loop3A_1027 = arith.constant 0 : index
        %parallel_loop3A_1028 = tpu.vector_load %arg9[%parallel_loop3A_1026, %parallel_loop3A_1027] {strides = array<i32>} : memref<128x128xf32, #tpu.memory_space<vmem>>, vector<16xf32>,
        %parallel_loop3A_1029 = arith.mulf %parallel_loop3A_1028, %parallel_loop3A_1021 : vector<16xf32>
        %parallel_loop3A_1030 = arith.index_cast %parallel_loop3A_1025 : i32 to index
        %parallel_loop3A_1031 = arith.constant 0 : index
        %parallel_loop3A_1032 = tpu.vector_load %arg9[%parallel_loop3A_1030, %parallel_loop3A_1031] {strides = array<i32>} : memref<128x128xf32, #tpu.memory_space<vmem>>, vector<16xf32>,
        tpu.vector_store %arg9[%parallel_loop3A_1030, %parallel_loop3A_1031], %parallel_loop3A_1029 {strides = array<i32>} : memref<128x128xf32, #tpu.memory_space<vmem>>, vector<16xf32>,
        %parallel_loop3A_1033 = arith.index_cast %parallel_loop3A_1025 : i32 to index
        %parallel_loop3A_1034 = arith.constant 16 : index
        %parallel_loop3A_1035 = tpu.vector_load %arg9[%parallel_loop3A_1033, %parallel_loop3A_1034] {strides = array<i32>} : memref<128x128xf32, #tpu.memory_space<vmem>>, vector<16xf32>,
        %parallel_loop3A_1036 = arith.mulf %parallel_loop3A_1035, %parallel_loop3A_1021 : vector<16xf32>
        %parallel_loop3A_1037 = arith.index_cast %parallel_loop3A_1025 : i32 to index
        %parallel_loop3A_1038 = arith.constant 16 : index
        %parallel_loop3A_1039 = tpu.vector_load %arg9[%parallel_loop3A_1037, %parallel_loop3A_1038] {strides = array<i32>} : memref<128x128xf32, #tpu.memory_space<vmem>>, vector<16xf32>,
        tpu.vector_store %arg9[%parallel_loop3A_1037, %parallel_loop3A_1038], %parallel_loop3A_1036 {strides = array<i32>} : memref<128x128xf32, #tpu.memory_space<vmem>>, vector<16xf32>,
        %parallel_loop3A_1040 = arith.index_cast %parallel_loop3A_1025 : i32 to index
        %parallel_loop3A_1041 = arith.constant 32 : index
        %parallel_loop3A_1042 = tpu.vector_load %arg9[%parallel_loop3A_1040, %parallel_loop3A_1041] {strides = array<i32>} : memref<128x128xf32, #tpu.memory_space<vmem>>, vector<16xf32>,
        %parallel_loop3A_1043 = arith.mulf %parallel_loop3A_1042, %parallel_loop3A_1021 : vector<16xf32>
        %parallel_loop3A_1044 = arith.index_cast %parallel_loop3A_1025 : i32 to index
        %parallel_loop3A_1045 = arith.constant 32 : index
        %parallel_loop3A_1046 = tpu.vector_load %arg9[%parallel_loop3A_1044, %parallel_loop3A_1045] {strides = array<i32>} : memref<128x128xf32, #tpu.memory_space<vmem>>, vector<16xf32>,
        tpu.vector_store %arg9[%parallel_loop3A_1044, %parallel_loop3A_1045], %parallel_loop3A_1043 {strides = array<i32>} : memref<128x128xf32, #tpu.memory_space<vmem>>, vector<16xf32>,
        %parallel_loop3A_1047 = arith.index_cast %parallel_loop3A_1025 : i32 to index
        %parallel_loop3A_1048 = arith.constant 48 : index
        %parallel_loop3A_1049 = tpu.vector_load %arg9[%parallel_loop3A_1047, %parallel_loop3A_1048] {strides = array<i32>} : memref<128x128xf32, #tpu.memory_space<vmem>>, vector<16xf32>,
        %parallel_loop3A_1050 = arith.mulf %parallel_loop3A_1049, %parallel_loop3A_1021 : vector<16xf32>
        %parallel_loop3A_1051 = arith.index_cast %parallel_loop3A_1025 : i32 to index
        %parallel_loop3A_1052 = arith.constant 48 : index
        %parallel_loop3A_1053 = tpu.vector_load %arg9[%parallel_loop3A_1051, %parallel_loop3A_1052] {strides = array<i32>} : memref<128x128xf32, #tpu.memory_space<vmem>>, vector<16xf32>,
        tpu.vector_store %arg9[%parallel_loop3A_1051, %parallel_loop3A_1052], %parallel_loop3A_1050 {strides = array<i32>} : memref<128x128xf32, #tpu.memory_space<vmem>>, vector<16xf32>,
        %parallel_loop3A_1054 = arith.index_cast %parallel_loop3A_1025 : i32 to index
        %parallel_loop3A_1055 = arith.constant 64 : index
        %parallel_loop3A_1056 = tpu.vector_load %arg9[%parallel_loop3A_1054, %parallel_loop3A_1055] {strides = array<i32>} : memref<128x128xf32, #tpu.memory_space<vmem>>, vector<16xf32>,
        %parallel_loop3A_1057 = arith.mulf %parallel_loop3A_1056, %parallel_loop3A_1021 : vector<16xf32>
        %parallel_loop3A_1058 = arith.index_cast %parallel_loop3A_1025 : i32 to index
        %parallel_loop3A_1059 = arith.constant 64 : index
        %parallel_loop3A_1060 = tpu.vector_load %arg9[%parallel_loop3A_1058, %parallel_loop3A_1059] {strides = array<i32>} : memref<128x128xf32, #tpu.memory_space<vmem>>, vector<16xf32>,
        tpu.vector_store %arg9[%parallel_loop3A_1058, %parallel_loop3A_1059], %parallel_loop3A_1057 {strides = array<i32>} : memref<128x128xf32, #tpu.memory_space<vmem>>, vector<16xf32>,
        %parallel_loop3A_1061 = arith.index_cast %parallel_loop3A_1025 : i32 to index
        %parallel_loop3A_1062 = arith.constant 80 : index
        %parallel_loop3A_1063 = tpu.vector_load %arg9[%parallel_loop3A_1061, %parallel_loop3A_1062] {strides = array<i32>} : memref<128x128xf32, #tpu.memory_space<vmem>>, vector<16xf32>,
        %parallel_loop3A_1064 = arith.mulf %parallel_loop3A_1063, %parallel_loop3A_1021 : vector<16xf32>
        %parallel_loop3A_1065 = arith.index_cast %parallel_loop3A_1025 : i32 to index
        %parallel_loop3A_1066 = arith.constant 80 : index
        %parallel_loop3A_1067 = tpu.vector_load %arg9[%parallel_loop3A_1065, %parallel_loop3A_1066] {strides = array<i32>} : memref<128x128xf32, #tpu.memory_space<vmem>>, vector<16xf32>,
        tpu.vector_store %arg9[%parallel_loop3A_1065, %parallel_loop3A_1066], %parallel_loop3A_1064 {strides = array<i32>} : memref<128x128xf32, #tpu.memory_space<vmem>>, vector<16xf32>,
        %parallel_loop3A_1068 = arith.index_cast %parallel_loop3A_1025 : i32 to index
        %parallel_loop3A_1069 = arith.constant 96 : index
        %parallel_loop3A_1070 = tpu.vector_load %arg9[%parallel_loop3A_1068, %parallel_loop3A_1069] {strides = array<i32>} : memref<128x128xf32, #tpu.memory_space<vmem>>, vector<16xf32>,
        %parallel_loop3A_1071 = arith.mulf %parallel_loop3A_1070, %parallel_loop3A_1021 : vector<16xf32>
        %parallel_loop3A_1072 = arith.index_cast %parallel_loop3A_1025 : i32 to index
        %parallel_loop3A_1073 = arith.constant 96 : index
        %parallel_loop3A_1074 = tpu.vector_load %arg9[%parallel_loop3A_1072, %parallel_loop3A_1073] {strides = array<i32>} : memref<128x128xf32, #tpu.memory_space<vmem>>, vector<16xf32>,
        tpu.vector_store %arg9[%parallel_loop3A_1072, %parallel_loop3A_1073], %parallel_loop3A_1071 {strides = array<i32>} : memref<128x128xf32, #tpu.memory_space<vmem>>, vector<16xf32>,
        %parallel_loop3A_1075 = arith.index_cast %parallel_loop3A_1025 : i32 to index
        %parallel_loop3A_1076 = arith.constant 112 : index
        %parallel_loop3A_1077 = tpu.vector_load %arg9[%parallel_loop3A_1075, %parallel_loop3A_1076] {strides = array<i32>} : memref<128x128xf32, #tpu.memory_space<vmem>>, vector<16xf32>,
        %parallel_loop3A_1078 = arith.mulf %parallel_loop3A_1077, %parallel_loop3A_1021 : vector<16xf32>
        %parallel_loop3A_1079 = arith.index_cast %parallel_loop3A_1025 : i32 to index
        %parallel_loop3A_1080 = arith.constant 112 : index
        %parallel_loop3A_1081 = tpu.vector_load %arg9[%parallel_loop3A_1079, %parallel_loop3A_1080] {strides = array<i32>} : memref<128x128xf32, #tpu.memory_space<vmem>>, vector<16xf32>,
        tpu.vector_store %arg9[%parallel_loop3A_1079, %parallel_loop3A_1080], %parallel_loop3A_1078 {strides = array<i32>} : memref<128x128xf32, #tpu.memory_space<vmem>>, vector<16xf32>,
        %parallel_loop3A_1082 = arith.constant 13 : i32
        %parallel_loop3A_1083 = vector.broadcast %parallel_loop3A_1082 : i32 to vector<16xi32>
        %parallel_loop3A_1084 = arith.constant 0 : i32
        %parallel_loop3A_1085 = vector.broadcast %parallel_loop3A_1084 : i32 to vector<16xi32>
        %parallel_loop3A_1086 = arith.cmpi slt, %parallel_loop3A_1083, %parallel_loop3A_1085 : vector<16xi32>
        %parallel_loop3A_1087 = arith.constant 16 : i32
        %parallel_loop3A_1088 = vector.broadcast %parallel_loop3A_1087 : i32 to vector<16xi32>
        %parallel_loop3A_1089 = arith.addi %parallel_loop3A_1083, %parallel_loop3A_1088 : vector<16xi32>
        %parallel_loop3A_1090 = arith.select %parallel_loop3A_1086, %parallel_loop3A_1089, %parallel_loop3A_1083 : vector<16xi1>, vector<16xi32>
        %parallel_loop3A_1091 = vector.shape_cast %parallel_loop3A_1090 : vector<16xi32> to vector<16x1xi32>
        %parallel_loop3A_1092 = vector.shape_cast %parallel_loop3A_1091 : vector<16x1xi32> to vector<16xi32>
        %parallel_loop3A_1093 = tpu.dynamic_gather %parallel_loop3A_145[%parallel_loop3A_1092] in [0] : vector<16xf32>, vector<16xi32> -> vector<16xf32>
        %parallel_loop3A_1094 = arith.constant 16 : i32
        %parallel_loop3A_1095 = arith.muli %parallel_loop3A_111, %parallel_loop3A_1094 : i32
        %parallel_loop3A_1096 = arith.constant 13 : i32
        %parallel_loop3A_1097 = arith.addi %parallel_loop3A_1095, %parallel_loop3A_1096 : i32
        %parallel_loop3A_1098 = arith.index_cast %parallel_loop3A_1097 : i32 to index
        %parallel_loop3A_1099 = arith.constant 0 : index
        %parallel_loop3A_1100 = tpu.vector_load %arg9[%parallel_loop3A_1098, %parallel_loop3A_1099] {strides = array<i32>} : memref<128x128xf32, #tpu.memory_space<vmem>>, vector<16xf32>,
        %parallel_loop3A_1101 = arith.mulf %parallel_loop3A_1100, %parallel_loop3A_1093 : vector<16xf32>
        %parallel_loop3A_1102 = arith.index_cast %parallel_loop3A_1097 : i32 to index
        %parallel_loop3A_1103 = arith.constant 0 : index
        %parallel_loop3A_1104 = tpu.vector_load %arg9[%parallel_loop3A_1102, %parallel_loop3A_1103] {strides = array<i32>} : memref<128x128xf32, #tpu.memory_space<vmem>>, vector<16xf32>,
        tpu.vector_store %arg9[%parallel_loop3A_1102, %parallel_loop3A_1103], %parallel_loop3A_1101 {strides = array<i32>} : memref<128x128xf32, #tpu.memory_space<vmem>>, vector<16xf32>,
        %parallel_loop3A_1105 = arith.index_cast %parallel_loop3A_1097 : i32 to index
        %parallel_loop3A_1106 = arith.constant 16 : index
        %parallel_loop3A_1107 = tpu.vector_load %arg9[%parallel_loop3A_1105, %parallel_loop3A_1106] {strides = array<i32>} : memref<128x128xf32, #tpu.memory_space<vmem>>, vector<16xf32>,
        %parallel_loop3A_1108 = arith.mulf %parallel_loop3A_1107, %parallel_loop3A_1093 : vector<16xf32>
        %parallel_loop3A_1109 = arith.index_cast %parallel_loop3A_1097 : i32 to index
        %parallel_loop3A_1110 = arith.constant 16 : index
        %parallel_loop3A_1111 = tpu.vector_load %arg9[%parallel_loop3A_1109, %parallel_loop3A_1110] {strides = array<i32>} : memref<128x128xf32, #tpu.memory_space<vmem>>, vector<16xf32>,
        tpu.vector_store %arg9[%parallel_loop3A_1109, %parallel_loop3A_1110], %parallel_loop3A_1108 {strides = array<i32>} : memref<128x128xf32, #tpu.memory_space<vmem>>, vector<16xf32>,
        %parallel_loop3A_1112 = arith.index_cast %parallel_loop3A_1097 : i32 to index
        %parallel_loop3A_1113 = arith.constant 32 : index
        %parallel_loop3A_1114 = tpu.vector_load %arg9[%parallel_loop3A_1112, %parallel_loop3A_1113] {strides = array<i32>} : memref<128x128xf32, #tpu.memory_space<vmem>>, vector<16xf32>,
        %parallel_loop3A_1115 = arith.mulf %parallel_loop3A_1114, %parallel_loop3A_1093 : vector<16xf32>
        %parallel_loop3A_1116 = arith.index_cast %parallel_loop3A_1097 : i32 to index
        %parallel_loop3A_1117 = arith.constant 32 : index
        %parallel_loop3A_1118 = tpu.vector_load %arg9[%parallel_loop3A_1116, %parallel_loop3A_1117] {strides = array<i32>} : memref<128x128xf32, #tpu.memory_space<vmem>>, vector<16xf32>,
        tpu.vector_store %arg9[%parallel_loop3A_1116, %parallel_loop3A_1117], %parallel_loop3A_1115 {strides = array<i32>} : memref<128x128xf32, #tpu.memory_space<vmem>>, vector<16xf32>,
        %parallel_loop3A_1119 = arith.index_cast %parallel_loop3A_1097 : i32 to index
        %parallel_loop3A_1120 = arith.constant 48 : index
        %parallel_loop3A_1121 = tpu.vector_load %arg9[%parallel_loop3A_1119, %parallel_loop3A_1120] {strides = array<i32>} : memref<128x128xf32, #tpu.memory_space<vmem>>, vector<16xf32>,
        %parallel_loop3A_1122 = arith.mulf %parallel_loop3A_1121, %parallel_loop3A_1093 : vector<16xf32>
        %parallel_loop3A_1123 = arith.index_cast %parallel_loop3A_1097 : i32 to index
        %parallel_loop3A_1124 = arith.constant 48 : index
        %parallel_loop3A_1125 = tpu.vector_load %arg9[%parallel_loop3A_1123, %parallel_loop3A_1124] {strides = array<i32>} : memref<128x128xf32, #tpu.memory_space<vmem>>, vector<16xf32>,
        tpu.vector_store %arg9[%parallel_loop3A_1123, %parallel_loop3A_1124], %parallel_loop3A_1122 {strides = array<i32>} : memref<128x128xf32, #tpu.memory_space<vmem>>, vector<16xf32>,
        %parallel_loop3A_1126 = arith.index_cast %parallel_loop3A_1097 : i32 to index
        %parallel_loop3A_1127 = arith.constant 64 : index
        %parallel_loop3A_1128 = tpu.vector_load %arg9[%parallel_loop3A_1126, %parallel_loop3A_1127] {strides = array<i32>} : memref<128x128xf32, #tpu.memory_space<vmem>>, vector<16xf32>,
        %parallel_loop3A_1129 = arith.mulf %parallel_loop3A_1128, %parallel_loop3A_1093 : vector<16xf32>
        %parallel_loop3A_1130 = arith.index_cast %parallel_loop3A_1097 : i32 to index
        %parallel_loop3A_1131 = arith.constant 64 : index
        %parallel_loop3A_1132 = tpu.vector_load %arg9[%parallel_loop3A_1130, %parallel_loop3A_1131] {strides = array<i32>} : memref<128x128xf32, #tpu.memory_space<vmem>>, vector<16xf32>,
        tpu.vector_store %arg9[%parallel_loop3A_1130, %parallel_loop3A_1131], %parallel_loop3A_1129 {strides = array<i32>} : memref<128x128xf32, #tpu.memory_space<vmem>>, vector<16xf32>,
        %parallel_loop3A_1133 = arith.index_cast %parallel_loop3A_1097 : i32 to index
        %parallel_loop3A_1134 = arith.constant 80 : index
        %parallel_loop3A_1135 = tpu.vector_load %arg9[%parallel_loop3A_1133, %parallel_loop3A_1134] {strides = array<i32>} : memref<128x128xf32, #tpu.memory_space<vmem>>, vector<16xf32>,
        %parallel_loop3A_1136 = arith.mulf %parallel_loop3A_1135, %parallel_loop3A_1093 : vector<16xf32>
        %parallel_loop3A_1137 = arith.index_cast %parallel_loop3A_1097 : i32 to index
        %parallel_loop3A_1138 = arith.constant 80 : index
        %parallel_loop3A_1139 = tpu.vector_load %arg9[%parallel_loop3A_1137, %parallel_loop3A_1138] {strides = array<i32>} : memref<128x128xf32, #tpu.memory_space<vmem>>, vector<16xf32>,
        tpu.vector_store %arg9[%parallel_loop3A_1137, %parallel_loop3A_1138], %parallel_loop3A_1136 {strides = array<i32>} : memref<128x128xf32, #tpu.memory_space<vmem>>, vector<16xf32>,
        %parallel_loop3A_1140 = arith.index_cast %parallel_loop3A_1097 : i32 to index
        %parallel_loop3A_1141 = arith.constant 96 : index
        %parallel_loop3A_1142 = tpu.vector_load %arg9[%parallel_loop3A_1140, %parallel_loop3A_1141] {strides = array<i32>} : memref<128x128xf32, #tpu.memory_space<vmem>>, vector<16xf32>,
        %parallel_loop3A_1143 = arith.mulf %parallel_loop3A_1142, %parallel_loop3A_1093 : vector<16xf32>
        %parallel_loop3A_1144 = arith.index_cast %parallel_loop3A_1097 : i32 to index
        %parallel_loop3A_1145 = arith.constant 96 : index
        %parallel_loop3A_1146 = tpu.vector_load %arg9[%parallel_loop3A_1144, %parallel_loop3A_1145] {strides = array<i32>} : memref<128x128xf32, #tpu.memory_space<vmem>>, vector<16xf32>,
        tpu.vector_store %arg9[%parallel_loop3A_1144, %parallel_loop3A_1145], %parallel_loop3A_1143 {strides = array<i32>} : memref<128x128xf32, #tpu.memory_space<vmem>>, vector<16xf32>,
        %parallel_loop3A_1147 = arith.index_cast %parallel_loop3A_1097 : i32 to index
        %parallel_loop3A_1148 = arith.constant 112 : index
        %parallel_loop3A_1149 = tpu.vector_load %arg9[%parallel_loop3A_1147, %parallel_loop3A_1148] {strides = array<i32>} : memref<128x128xf32, #tpu.memory_space<vmem>>, vector<16xf32>,
        %parallel_loop3A_1150 = arith.mulf %parallel_loop3A_1149, %parallel_loop3A_1093 : vector<16xf32>
        %parallel_loop3A_1151 = arith.index_cast %parallel_loop3A_1097 : i32 to index
        %parallel_loop3A_1152 = arith.constant 112 : index
        %parallel_loop3A_1153 = tpu.vector_load %arg9[%parallel_loop3A_1151, %parallel_loop3A_1152] {strides = array<i32>} : memref<128x128xf32, #tpu.memory_space<vmem>>, vector<16xf32>,
        tpu.vector_store %arg9[%parallel_loop3A_1151, %parallel_loop3A_1152], %parallel_loop3A_1150 {strides = array<i32>} : memref<128x128xf32, #tpu.memory_space<vmem>>, vector<16xf32>,
        %parallel_loop3A_1154 = arith.constant 14 : i32
        %parallel_loop3A_1155 = vector.broadcast %parallel_loop3A_1154 : i32 to vector<16xi32>
        %parallel_loop3A_1156 = arith.constant 0 : i32
        %parallel_loop3A_1157 = vector.broadcast %parallel_loop3A_1156 : i32 to vector<16xi32>
        %parallel_loop3A_1158 = arith.cmpi slt, %parallel_loop3A_1155, %parallel_loop3A_1157 : vector<16xi32>
        %parallel_loop3A_1159 = arith.constant 16 : i32
        %parallel_loop3A_1160 = vector.broadcast %parallel_loop3A_1159 : i32 to vector<16xi32>
        %parallel_loop3A_1161 = arith.addi %parallel_loop3A_1155, %parallel_loop3A_1160 : vector<16xi32>
        %parallel_loop3A_1162 = arith.select %parallel_loop3A_1158, %parallel_loop3A_1161, %parallel_loop3A_1155 : vector<16xi1>, vector<16xi32>
        %parallel_loop3A_1163 = vector.shape_cast %parallel_loop3A_1162 : vector<16xi32> to vector<16x1xi32>
        %parallel_loop3A_1164 = vector.shape_cast %parallel_loop3A_1163 : vector<16x1xi32> to vector<16xi32>
        %parallel_loop3A_1165 = tpu.dynamic_gather %parallel_loop3A_145[%parallel_loop3A_1164] in [0] : vector<16xf32>, vector<16xi32> -> vector<16xf32>
        %parallel_loop3A_1166 = arith.constant 16 : i32
        %parallel_loop3A_1167 = arith.muli %parallel_loop3A_111, %parallel_loop3A_1166 : i32
        %parallel_loop3A_1168 = arith.constant 14 : i32
        %parallel_loop3A_1169 = arith.addi %parallel_loop3A_1167, %parallel_loop3A_1168 : i32
        %parallel_loop3A_1170 = arith.index_cast %parallel_loop3A_1169 : i32 to index
        %parallel_loop3A_1171 = arith.constant 0 : index
        %parallel_loop3A_1172 = tpu.vector_load %arg9[%parallel_loop3A_1170, %parallel_loop3A_1171] {strides = array<i32>} : memref<128x128xf32, #tpu.memory_space<vmem>>, vector<16xf32>,
        %parallel_loop3A_1173 = arith.mulf %parallel_loop3A_1172, %parallel_loop3A_1165 : vector<16xf32>
        %parallel_loop3A_1174 = arith.index_cast %parallel_loop3A_1169 : i32 to index
        %parallel_loop3A_1175 = arith.constant 0 : index
        %parallel_loop3A_1176 = tpu.vector_load %arg9[%parallel_loop3A_1174, %parallel_loop3A_1175] {strides = array<i32>} : memref<128x128xf32, #tpu.memory_space<vmem>>, vector<16xf32>,
        tpu.vector_store %arg9[%parallel_loop3A_1174, %parallel_loop3A_1175], %parallel_loop3A_1173 {strides = array<i32>} : memref<128x128xf32, #tpu.memory_space<vmem>>, vector<16xf32>,
        %parallel_loop3A_1177 = arith.index_cast %parallel_loop3A_1169 : i32 to index
        %parallel_loop3A_1178 = arith.constant 16 : index
        %parallel_loop3A_1179 = tpu.vector_load %arg9[%parallel_loop3A_1177, %parallel_loop3A_1178] {strides = array<i32>} : memref<128x128xf32, #tpu.memory_space<vmem>>, vector<16xf32>,
        %parallel_loop3A_1180 = arith.mulf %parallel_loop3A_1179, %parallel_loop3A_1165 : vector<16xf32>
        %parallel_loop3A_1181 = arith.index_cast %parallel_loop3A_1169 : i32 to index
        %parallel_loop3A_1182 = arith.constant 16 : index
        %parallel_loop3A_1183 = tpu.vector_load %arg9[%parallel_loop3A_1181, %parallel_loop3A_1182] {strides = array<i32>} : memref<128x128xf32, #tpu.memory_space<vmem>>, vector<16xf32>,
        tpu.vector_store %arg9[%parallel_loop3A_1181, %parallel_loop3A_1182], %parallel_loop3A_1180 {strides = array<i32>} : memref<128x128xf32, #tpu.memory_space<vmem>>, vector<16xf32>,
        %parallel_loop3A_1184 = arith.index_cast %parallel_loop3A_1169 : i32 to index
        %parallel_loop3A_1185 = arith.constant 32 : index
        %parallel_loop3A_1186 = tpu.vector_load %arg9[%parallel_loop3A_1184, %parallel_loop3A_1185] {strides = array<i32>} : memref<128x128xf32, #tpu.memory_space<vmem>>, vector<16xf32>,
        %parallel_loop3A_1187 = arith.mulf %parallel_loop3A_1186, %parallel_loop3A_1165 : vector<16xf32>
        %parallel_loop3A_1188 = arith.index_cast %parallel_loop3A_1169 : i32 to index
        %parallel_loop3A_1189 = arith.constant 32 : index
        %parallel_loop3A_1190 = tpu.vector_load %arg9[%parallel_loop3A_1188, %parallel_loop3A_1189] {strides = array<i32>} : memref<128x128xf32, #tpu.memory_space<vmem>>, vector<16xf32>,
        tpu.vector_store %arg9[%parallel_loop3A_1188, %parallel_loop3A_1189], %parallel_loop3A_1187 {strides = array<i32>} : memref<128x128xf32, #tpu.memory_space<vmem>>, vector<16xf32>,
        %parallel_loop3A_1191 = arith.index_cast %parallel_loop3A_1169 : i32 to index
        %parallel_loop3A_1192 = arith.constant 48 : index
        %parallel_loop3A_1193 = tpu.vector_load %arg9[%parallel_loop3A_1191, %parallel_loop3A_1192] {strides = array<i32>} : memref<128x128xf32, #tpu.memory_space<vmem>>, vector<16xf32>,
        %parallel_loop3A_1194 = arith.mulf %parallel_loop3A_1193, %parallel_loop3A_1165 : vector<16xf32>
        %parallel_loop3A_1195 = arith.index_cast %parallel_loop3A_1169 : i32 to index
        %parallel_loop3A_1196 = arith.constant 48 : index
        %parallel_loop3A_1197 = tpu.vector_load %arg9[%parallel_loop3A_1195, %parallel_loop3A_1196] {strides = array<i32>} : memref<128x128xf32, #tpu.memory_space<vmem>>, vector<16xf32>,
        tpu.vector_store %arg9[%parallel_loop3A_1195, %parallel_loop3A_1196], %parallel_loop3A_1194 {strides = array<i32>} : memref<128x128xf32, #tpu.memory_space<vmem>>, vector<16xf32>,
        %parallel_loop3A_1198 = arith.index_cast %parallel_loop3A_1169 : i32 to index
        %parallel_loop3A_1199 = arith.constant 64 : index
        %parallel_loop3A_1200 = tpu.vector_load %arg9[%parallel_loop3A_1198, %parallel_loop3A_1199] {strides = array<i32>} : memref<128x128xf32, #tpu.memory_space<vmem>>, vector<16xf32>,
        %parallel_loop3A_1201 = arith.mulf %parallel_loop3A_1200, %parallel_loop3A_1165 : vector<16xf32>
        %parallel_loop3A_1202 = arith.index_cast %parallel_loop3A_1169 : i32 to index
        %parallel_loop3A_1203 = arith.constant 64 : index
        %parallel_loop3A_1204 = tpu.vector_load %arg9[%parallel_loop3A_1202, %parallel_loop3A_1203] {strides = array<i32>} : memref<128x128xf32, #tpu.memory_space<vmem>>, vector<16xf32>,
        tpu.vector_store %arg9[%parallel_loop3A_1202, %parallel_loop3A_1203], %parallel_loop3A_1201 {strides = array<i32>} : memref<128x128xf32, #tpu.memory_space<vmem>>, vector<16xf32>,
        %parallel_loop3A_1205 = arith.index_cast %parallel_loop3A_1169 : i32 to index
        %parallel_loop3A_1206 = arith.constant 80 : index
        %parallel_loop3A_1207 = tpu.vector_load %arg9[%parallel_loop3A_1205, %parallel_loop3A_1206] {strides = array<i32>} : memref<128x128xf32, #tpu.memory_space<vmem>>, vector<16xf32>,
        %parallel_loop3A_1208 = arith.mulf %parallel_loop3A_1207, %parallel_loop3A_1165 : vector<16xf32>
        %parallel_loop3A_1209 = arith.index_cast %parallel_loop3A_1169 : i32 to index
        %parallel_loop3A_1210 = arith.constant 80 : index
        %parallel_loop3A_1211 = tpu.vector_load %arg9[%parallel_loop3A_1209, %parallel_loop3A_1210] {strides = array<i32>} : memref<128x128xf32, #tpu.memory_space<vmem>>, vector<16xf32>,
        tpu.vector_store %arg9[%parallel_loop3A_1209, %parallel_loop3A_1210], %parallel_loop3A_1208 {strides = array<i32>} : memref<128x128xf32, #tpu.memory_space<vmem>>, vector<16xf32>,
        %parallel_loop3A_1212 = arith.index_cast %parallel_loop3A_1169 : i32 to index
        %parallel_loop3A_1213 = arith.constant 96 : index
        %parallel_loop3A_1214 = tpu.vector_load %arg9[%parallel_loop3A_1212, %parallel_loop3A_1213] {strides = array<i32>} : memref<128x128xf32, #tpu.memory_space<vmem>>, vector<16xf32>,
        %parallel_loop3A_1215 = arith.mulf %parallel_loop3A_1214, %parallel_loop3A_1165 : vector<16xf32>
        %parallel_loop3A_1216 = arith.index_cast %parallel_loop3A_1169 : i32 to index
        %parallel_loop3A_1217 = arith.constant 96 : index
        %parallel_loop3A_1218 = tpu.vector_load %arg9[%parallel_loop3A_1216, %parallel_loop3A_1217] {strides = array<i32>} : memref<128x128xf32, #tpu.memory_space<vmem>>, vector<16xf32>,
        tpu.vector_store %arg9[%parallel_loop3A_1216, %parallel_loop3A_1217], %parallel_loop3A_1215 {strides = array<i32>} : memref<128x128xf32, #tpu.memory_space<vmem>>, vector<16xf32>,
        %parallel_loop3A_1219 = arith.index_cast %parallel_loop3A_1169 : i32 to index
        %parallel_loop3A_1220 = arith.constant 112 : index
        %parallel_loop3A_1221 = tpu.vector_load %arg9[%parallel_loop3A_1219, %parallel_loop3A_1220] {strides = array<i32>} : memref<128x128xf32, #tpu.memory_space<vmem>>, vector<16xf32>,
        %parallel_loop3A_1222 = arith.mulf %parallel_loop3A_1221, %parallel_loop3A_1165 : vector<16xf32>
        %parallel_loop3A_1223 = arith.index_cast %parallel_loop3A_1169 : i32 to index
        %parallel_loop3A_1224 = arith.constant 112 : index
        %parallel_loop3A_1225 = tpu.vector_load %arg9[%parallel_loop3A_1223, %parallel_loop3A_1224] {strides = array<i32>} : memref<128x128xf32, #tpu.memory_space<vmem>>, vector<16xf32>,
        tpu.vector_store %arg9[%parallel_loop3A_1223, %parallel_loop3A_1224], %parallel_loop3A_1222 {strides = array<i32>} : memref<128x128xf32, #tpu.memory_space<vmem>>, vector<16xf32>,
        %parallel_loop3A_1226 = arith.constant 15 : i32
        %parallel_loop3A_1227 = vector.broadcast %parallel_loop3A_1226 : i32 to vector<16xi32>
        %parallel_loop3A_1228 = arith.constant 0 : i32
        %parallel_loop3A_1229 = vector.broadcast %parallel_loop3A_1228 : i32 to vector<16xi32>
        %parallel_loop3A_1230 = arith.cmpi slt, %parallel_loop3A_1227, %parallel_loop3A_1229 : vector<16xi32>
        %parallel_loop3A_1231 = arith.constant 16 : i32
        %parallel_loop3A_1232 = vector.broadcast %parallel_loop3A_1231 : i32 to vector<16xi32>
        %parallel_loop3A_1233 = arith.addi %parallel_loop3A_1227, %parallel_loop3A_1232 : vector<16xi32>
        %parallel_loop3A_1234 = arith.select %parallel_loop3A_1230, %parallel_loop3A_1233, %parallel_loop3A_1227 : vector<16xi1>, vector<16xi32>
        %parallel_loop3A_1235 = vector.shape_cast %parallel_loop3A_1234 : vector<16xi32> to vector<16x1xi32>
        %parallel_loop3A_1236 = vector.shape_cast %parallel_loop3A_1235 : vector<16x1xi32> to vector<16xi32>
        %parallel_loop3A_1237 = tpu.dynamic_gather %parallel_loop3A_145[%parallel_loop3A_1236] in [0] : vector<16xf32>, vector<16xi32> -> vector<16xf32>
        %parallel_loop3A_1238 = arith.constant 16 : i32
        %parallel_loop3A_1239 = arith.muli %parallel_loop3A_111, %parallel_loop3A_1238 : i32
        %parallel_loop3A_1240 = arith.constant 15 : i32
        %parallel_loop3A_1241 = arith.addi %parallel_loop3A_1239, %parallel_loop3A_1240 : i32
        %parallel_loop3A_1242 = arith.index_cast %parallel_loop3A_1241 : i32 to index
        %parallel_loop3A_1243 = arith.constant 0 : index
        %parallel_loop3A_1244 = tpu.vector_load %arg9[%parallel_loop3A_1242, %parallel_loop3A_1243] {strides = array<i32>} : memref<128x128xf32, #tpu.memory_space<vmem>>, vector<16xf32>,
        %parallel_loop3A_1245 = arith.mulf %parallel_loop3A_1244, %parallel_loop3A_1237 : vector<16xf32>
        %parallel_loop3A_1246 = arith.index_cast %parallel_loop3A_1241 : i32 to index
        %parallel_loop3A_1247 = arith.constant 0 : index
        %parallel_loop3A_1248 = tpu.vector_load %arg9[%parallel_loop3A_1246, %parallel_loop3A_1247] {strides = array<i32>} : memref<128x128xf32, #tpu.memory_space<vmem>>, vector<16xf32>,
        tpu.vector_store %arg9[%parallel_loop3A_1246, %parallel_loop3A_1247], %parallel_loop3A_1245 {strides = array<i32>} : memref<128x128xf32, #tpu.memory_space<vmem>>, vector<16xf32>,
        %parallel_loop3A_1249 = arith.index_cast %parallel_loop3A_1241 : i32 to index
        %parallel_loop3A_1250 = arith.constant 16 : index
        %parallel_loop3A_1251 = tpu.vector_load %arg9[%parallel_loop3A_1249, %parallel_loop3A_1250] {strides = array<i32>} : memref<128x128xf32, #tpu.memory_space<vmem>>, vector<16xf32>,
        %parallel_loop3A_1252 = arith.mulf %parallel_loop3A_1251, %parallel_loop3A_1237 : vector<16xf32>
        %parallel_loop3A_1253 = arith.index_cast %parallel_loop3A_1241 : i32 to index
        %parallel_loop3A_1254 = arith.constant 16 : index
        %parallel_loop3A_1255 = tpu.vector_load %arg9[%parallel_loop3A_1253, %parallel_loop3A_1254] {strides = array<i32>} : memref<128x128xf32, #tpu.memory_space<vmem>>, vector<16xf32>,
        tpu.vector_store %arg9[%parallel_loop3A_1253, %parallel_loop3A_1254], %parallel_loop3A_1252 {strides = array<i32>} : memref<128x128xf32, #tpu.memory_space<vmem>>, vector<16xf32>,
        %parallel_loop3A_1256 = arith.index_cast %parallel_loop3A_1241 : i32 to index
        %parallel_loop3A_1257 = arith.constant 32 : index
        %parallel_loop3A_1258 = tpu.vector_load %arg9[%parallel_loop3A_1256, %parallel_loop3A_1257] {strides = array<i32>} : memref<128x128xf32, #tpu.memory_space<vmem>>, vector<16xf32>,
        %parallel_loop3A_1259 = arith.mulf %parallel_loop3A_1258, %parallel_loop3A_1237 : vector<16xf32>
        %parallel_loop3A_1260 = arith.index_cast %parallel_loop3A_1241 : i32 to index
        %parallel_loop3A_1261 = arith.constant 32 : index
        %parallel_loop3A_1262 = tpu.vector_load %arg9[%parallel_loop3A_1260, %parallel_loop3A_1261] {strides = array<i32>} : memref<128x128xf32, #tpu.memory_space<vmem>>, vector<16xf32>,
        tpu.vector_store %arg9[%parallel_loop3A_1260, %parallel_loop3A_1261], %parallel_loop3A_1259 {strides = array<i32>} : memref<128x128xf32, #tpu.memory_space<vmem>>, vector<16xf32>,
        %parallel_loop3A_1263 = arith.index_cast %parallel_loop3A_1241 : i32 to index
        %parallel_loop3A_1264 = arith.constant 48 : index
        %parallel_loop3A_1265 = tpu.vector_load %arg9[%parallel_loop3A_1263, %parallel_loop3A_1264] {strides = array<i32>} : memref<128x128xf32, #tpu.memory_space<vmem>>, vector<16xf32>,
        %parallel_loop3A_1266 = arith.mulf %parallel_loop3A_1265, %parallel_loop3A_1237 : vector<16xf32>
        %parallel_loop3A_1267 = arith.index_cast %parallel_loop3A_1241 : i32 to index
        %parallel_loop3A_1268 = arith.constant 48 : index
        %parallel_loop3A_1269 = tpu.vector_load %arg9[%parallel_loop3A_1267, %parallel_loop3A_1268] {strides = array<i32>} : memref<128x128xf32, #tpu.memory_space<vmem>>, vector<16xf32>,
        tpu.vector_store %arg9[%parallel_loop3A_1267, %parallel_loop3A_1268], %parallel_loop3A_1266 {strides = array<i32>} : memref<128x128xf32, #tpu.memory_space<vmem>>, vector<16xf32>,
        %parallel_loop3A_1270 = arith.index_cast %parallel_loop3A_1241 : i32 to index
        %parallel_loop3A_1271 = arith.constant 64 : index
        %parallel_loop3A_1272 = tpu.vector_load %arg9[%parallel_loop3A_1270, %parallel_loop3A_1271] {strides = array<i32>} : memref<128x128xf32, #tpu.memory_space<vmem>>, vector<16xf32>,
        %parallel_loop3A_1273 = arith.mulf %parallel_loop3A_1272, %parallel_loop3A_1237 : vector<16xf32>
        %parallel_loop3A_1274 = arith.index_cast %parallel_loop3A_1241 : i32 to index
        %parallel_loop3A_1275 = arith.constant 64 : index
        %parallel_loop3A_1276 = tpu.vector_load %arg9[%parallel_loop3A_1274, %parallel_loop3A_1275] {strides = array<i32>} : memref<128x128xf32, #tpu.memory_space<vmem>>, vector<16xf32>,
        tpu.vector_store %arg9[%parallel_loop3A_1274, %parallel_loop3A_1275], %parallel_loop3A_1273 {strides = array<i32>} : memref<128x128xf32, #tpu.memory_space<vmem>>, vector<16xf32>,
        %parallel_loop3A_1277 = arith.index_cast %parallel_loop3A_1241 : i32 to index
        %parallel_loop3A_1278 = arith.constant 80 : index
        %parallel_loop3A_1279 = tpu.vector_load %arg9[%parallel_loop3A_1277, %parallel_loop3A_1278] {strides = array<i32>} : memref<128x128xf32, #tpu.memory_space<vmem>>, vector<16xf32>,
        %parallel_loop3A_1280 = arith.mulf %parallel_loop3A_1279, %parallel_loop3A_1237 : vector<16xf32>
        %parallel_loop3A_1281 = arith.index_cast %parallel_loop3A_1241 : i32 to index
        %parallel_loop3A_1282 = arith.constant 80 : index
        %parallel_loop3A_1283 = tpu.vector_load %arg9[%parallel_loop3A_1281, %parallel_loop3A_1282] {strides = array<i32>} : memref<128x128xf32, #tpu.memory_space<vmem>>, vector<16xf32>,
        tpu.vector_store %arg9[%parallel_loop3A_1281, %parallel_loop3A_1282], %parallel_loop3A_1280 {strides = array<i32>} : memref<128x128xf32, #tpu.memory_space<vmem>>, vector<16xf32>,
        %parallel_loop3A_1284 = arith.index_cast %parallel_loop3A_1241 : i32 to index
        %parallel_loop3A_1285 = arith.constant 96 : index
        %parallel_loop3A_1286 = tpu.vector_load %arg9[%parallel_loop3A_1284, %parallel_loop3A_1285] {strides = array<i32>} : memref<128x128xf32, #tpu.memory_space<vmem>>, vector<16xf32>,
        %parallel_loop3A_1287 = arith.mulf %parallel_loop3A_1286, %parallel_loop3A_1237 : vector<16xf32>
        %parallel_loop3A_1288 = arith.index_cast %parallel_loop3A_1241 : i32 to index
        %parallel_loop3A_1289 = arith.constant 96 : index
        %parallel_loop3A_1290 = tpu.vector_load %arg9[%parallel_loop3A_1288, %parallel_loop3A_1289] {strides = array<i32>} : memref<128x128xf32, #tpu.memory_space<vmem>>, vector<16xf32>,
        tpu.vector_store %arg9[%parallel_loop3A_1288, %parallel_loop3A_1289], %parallel_loop3A_1287 {strides = array<i32>} : memref<128x128xf32, #tpu.memory_space<vmem>>, vector<16xf32>,
        %parallel_loop3A_1291 = arith.index_cast %parallel_loop3A_1241 : i32 to index
        %parallel_loop3A_1292 = arith.constant 112 : index
        %parallel_loop3A_1293 = tpu.vector_load %arg9[%parallel_loop3A_1291, %parallel_loop3A_1292] {strides = array<i32>} : memref<128x128xf32, #tpu.memory_space<vmem>>, vector<16xf32>,
        %parallel_loop3A_1294 = arith.mulf %parallel_loop3A_1293, %parallel_loop3A_1237 : vector<16xf32>
        %parallel_loop3A_1295 = arith.index_cast %parallel_loop3A_1241 : i32 to index
        %parallel_loop3A_1296 = arith.constant 112 : index
        %parallel_loop3A_1297 = tpu.vector_load %arg9[%parallel_loop3A_1295, %parallel_loop3A_1296] {strides = array<i32>} : memref<128x128xf32, #tpu.memory_space<vmem>>, vector<16xf32>,
        tpu.vector_store %arg9[%parallel_loop3A_1295, %parallel_loop3A_1296], %parallel_loop3A_1294 {strides = array<i32>} : memref<128x128xf32, #tpu.memory_space<vmem>>, vector<16xf32>,
      } {sc.loop_unroll_factor = 2 : i64, sc.parallel_access}
      %run_scoped3A = arith.constant 1 : i32
      "tpu.region"() ({
        %run_scoped3A_111 = tpu.sem_alloc : memref<!tpu.dma_semaphore, #tpu.memory_space<semaphore_mem>>
        %dma_start3A_112 = arith.constant 0 : i32
        %dma_start3A_113 = tpu.memref_slice %arg6[%run_scoped3A, %dma_start3A_112] : memref<3x128xi32, #tpu.memory_space<vmem>> -> memref<1x128xi32, #tpu.memory_space<vmem>>
        %dma_start3A_114 = tpu.memref_squeeze %dma_start3A_113 : memref<1x128xi32, #tpu.memory_space<vmem>> -> memref<128xi32, #tpu.memory_space<vmem>>
        %dma_start3A_115 = arith.constant 0 : i32
        %dma_start3A_116 = arith.constant 0 : i32
        %dma_start3A_117 = tpu.memref_slice %arg11[%dma_start3A_115, %dma_start3A_116] : memref<10240x128xf32, #tpu.memory_space<vmem_shared>> -> memref<10240x128xf32, #tpu.memory_space<vmem_shared>>
        tpu.enqueue_indirect_dma source(%arg9 : memref<128x128xf32, #tpu.memory_space<vmem>>) target(%dma_start3A_117 : memref<10240x128xf32, #tpu.memory_space<vmem_shared>>) offsets(%dma_start3A_114 : memref<128xi32, #tpu.memory_space<vmem>>) semaphore(%run_scoped3A_111 : memref<!tpu.dma_semaphore, #tpu.memory_space<semaphore_mem>>) {add = true}
        %dma_wait3A_118 = arith.constant 0 : i32
        %dma_wait3A_119 = tpu.memref_slice %arg6[%run_scoped3A, %dma_wait3A_118] : memref<3x128xi32, #tpu.memory_space<vmem>> -> memref<1x128xi32, #tpu.memory_space<vmem>>
        %dma_wait3A_120 = tpu.memref_squeeze %dma_wait3A_119 : memref<1x128xi32, #tpu.memory_space<vmem>> -> memref<128xi32, #tpu.memory_space<vmem>>
        %dma_wait3A_121 = arith.constant 0 : i32
        %dma_wait3A_122 = arith.constant 0 : i32
        %dma_wait3A_123 = tpu.memref_slice %arg11[%dma_wait3A_121, %dma_wait3A_122] : memref<10240x128xf32, #tpu.memory_space<vmem_shared>> -> memref<10240x128xf32, #tpu.memory_space<vmem_shared>>
        tpu.wait_indirect_dma semaphore(%run_scoped3A_111 : memref<!tpu.dma_semaphore, #tpu.memory_space<semaphore_mem>>) src(%arg9 : memref<128x128xf32, #tpu.memory_space<vmem>>) dst(%dma_wait3A_123 : memref<10240x128xf32, #tpu.memory_space<vmem_shared>>)
        tpu.yield
      }) : () -> ()
      %add3A_74 = arith.constant 2 : i32
      %add3A_75 = arith.addi %mul3A_61, %add3A_74 : i32
      %lt3A_76 = arith.constant 40 : i32
      %lt3A_77 = arith.cmpi slt, %add3A_75, %lt3A_76 : i32
      %convert_element_type3A_78 = arith.extui %lt3A_77 : i1 to i32
      %cond3A_79 = arith.constant 0 : i32
      %cond3A_80 = arith.cmpi ne, %convert_element_type3A_78, %cond3A_79 : i32
      scf.if %cond3A_80 {
        %add3A_111 = arith.addi %mul3A_2, %mul3A_61 : i32
        %add3A_112 = arith.constant 2 : i32
        %add3A_113 = arith.addi %add3A_111, %add3A_112 : i32
        %dma_start3A_114 = arith.constant 0 : i32
        %dma_start3A_115 = arith.constant 0 : i32
        %dma_start3A_116 = tpu.memref_slice %arg3[%add3A_113, %dma_start3A_114, %dma_start3A_115] : memref<1280x3x128xi32, #tpu.memory_space<hbm>> -> memref<1x3x128xi32, #tpu.memory_space<hbm>>
        %dma_start3A_117 = tpu.memref_squeeze %dma_start3A_116 : memref<1x3x128xi32, #tpu.memory_space<hbm>> -> memref<3x128xi32, #tpu.memory_space<hbm>>
        %dma_start3A_118 = arith.constant 0 : i32
        %dma_start3A_119 = arith.constant 0 : i32
        %dma_start3A_120 = tpu.memref_slice %arg3[%add3A_113, %dma_start3A_118, %dma_start3A_119] : memref<1280x3x128xi32, #tpu.memory_space<hbm>> -> memref<1x3x128xi32, #tpu.memory_space<hbm>>
        %dma_start3A_121 = tpu.memref_squeeze %dma_start3A_120 : memref<1x3x128xi32, #tpu.memory_space<hbm>> -> memref<3x128xi32, #tpu.memory_space<hbm>>
        tpu.enqueue_dma source(%dma_start3A_121 : memref<3x128xi32, #tpu.memory_space<hbm>>) target(%arg6 : memref<3x128xi32, #tpu.memory_space<vmem>>) target_semaphore(%arg13 : memref<!tpu.dma_semaphore, #tpu.memory_space<semaphore_mem>>)
      } else {
      }
      %mul3A_81 = arith.constant 2 : i32
      %mul3A_82 = arith.muli %mul3A_81, %scan3A_58 : i32
      %add3A_83 = arith.constant 1 : i32
      %add3A_84 = arith.addi %mul3A_82, %add3A_83 : i32
      %dma_wait3A_85 = arith.constant 0 : i32
      %dma_wait3A_86 = arith.constant 0 : i32
      %dma_wait3A_87 = tpu.memref_slice %arg7[%dma_wait3A_85, %dma_wait3A_86] : memref<3x128xi32, #tpu.memory_space<vmem>> -> memref<1x128xi32, #tpu.memory_space<vmem>>
      %dma_wait3A_88 = tpu.memref_squeeze %dma_wait3A_87 : memref<1x128xi32, #tpu.memory_space<vmem>> -> memref<128xi32, #tpu.memory_space<vmem>>
      %dma_wait3A_89 = arith.constant 0 : i32
      %dma_wait3A_90 = arith.constant 0 : i32
      %dma_wait3A_91 = tpu.memref_slice %arg2[%dma_wait3A_89, %dma_wait3A_90] : memref<80000x128xf32, #tpu.memory_space<hbm>> -> memref<80000x128xf32, #tpu.memory_space<hbm>>
      tpu.wait_indirect_dma semaphore(%arg12 : memref<!tpu.dma_semaphore, #tpu.memory_space<semaphore_mem>>) src(%dma_wait3A_91 : memref<80000x128xf32, #tpu.memory_space<hbm>>) dst(%arg10 : memref<128x128xf32, #tpu.memory_space<vmem>>)
      %add3A_92 = arith.constant 1 : i32
      %add3A_93 = arith.addi %add3A_84, %add3A_92 : i32
      %lt3A_94 = arith.constant 40 : i32
      %lt3A_95 = arith.cmpi slt, %add3A_93, %lt3A_94 : i32
      %convert_element_type3A_96 = arith.extui %lt3A_95 : i1 to i32
      %cond3A_97 = arith.constant 0 : i32
      %cond3A_98 = arith.cmpi ne, %convert_element_type3A_96, %cond3A_97 : i32
      scf.if %cond3A_98 {
        %dma_wait3A_111 = arith.constant 0 : i32
        %dma_wait3A_112 = arith.constant 0 : i32
        %dma_wait3A_113 = tpu.memref_slice %arg3[%mul3A_2, %dma_wait3A_111, %dma_wait3A_112] : memref<1280x3x128xi32, #tpu.memory_space<hbm>> -> memref<1x3x128xi32, #tpu.memory_space<hbm>>
        %dma_wait3A_114 = tpu.memref_squeeze %dma_wait3A_113 : memref<1x3x128xi32, #tpu.memory_space<hbm>> -> memref<3x128xi32, #tpu.memory_space<hbm>>
        %dma_wait3A_115 = arith.constant 0 : i32
        %dma_wait3A_116 = arith.constant 0 : i32
        %dma_wait3A_117 = tpu.memref_slice %arg3[%mul3A_2, %dma_wait3A_115, %dma_wait3A_116] : memref<1280x3x128xi32, #tpu.memory_space<hbm>> -> memref<1x3x128xi32, #tpu.memory_space<hbm>>
        %dma_wait3A_118 = tpu.memref_squeeze %dma_wait3A_117 : memref<1x3x128xi32, #tpu.memory_space<hbm>> -> memref<3x128xi32, #tpu.memory_space<hbm>>
        tpu.wait_dma2 semaphore(%arg13 : memref<!tpu.dma_semaphore, #tpu.memory_space<semaphore_mem>>) src(%dma_wait3A_118 : memref<3x128xi32, #tpu.memory_space<hbm>>) dst(%arg6 : memref<3x128xi32, #tpu.memory_space<vmem>>)
        %dma_start3A_119 = arith.constant 0 : i32
        %dma_start3A_120 = arith.constant 0 : i32
        %dma_start3A_121 = tpu.memref_slice %arg6[%dma_start3A_119, %dma_start3A_120] : memref<3x128xi32, #tpu.memory_space<vmem>> -> memref<1x128xi32, #tpu.memory_space<vmem>>
        %dma_start3A_122 = tpu.memref_squeeze %dma_start3A_121 : memref<1x128xi32, #tpu.memory_space<vmem>> -> memref<128xi32, #tpu.memory_space<vmem>>
        %dma_start3A_123 = arith.constant 0 : i32
        %dma_start3A_124 = arith.constant 0 : i32
        %dma_start3A_125 = tpu.memref_slice %arg2[%dma_start3A_123, %dma_start3A_124] : memref<80000x128xf32, #tpu.memory_space<hbm>> -> memref<80000x128xf32, #tpu.memory_space<hbm>>
        tpu.enqueue_indirect_dma source(%dma_start3A_125 : memref<80000x128xf32, #tpu.memory_space<hbm>>) target(%arg9 : memref<128x128xf32, #tpu.memory_space<vmem>>) offsets(%dma_start3A_122 : memref<128xi32, #tpu.memory_space<vmem>>) semaphore(%arg12 : memref<!tpu.dma_semaphore, #tpu.memory_space<semaphore_mem>>)
      } else {
      }
      %parallel_loop3A_99 = arith.constant 0 : i32
      %parallel_loop3A_100 = arith.constant 8 : i32
      %parallel_loop3A_101 = arith.constant 1 : i32
      scf.for %parallel_loop3A_111 = %parallel_loop3A_99 to %parallel_loop3A_100 step %parallel_loop3A_101  : i32 {
        %parallel_loop3A_112 = arith.constant 16 : i32
        %parallel_loop3A_113 = arith.muli %parallel_loop3A_111, %parallel_loop3A_112 : i32
        %parallel_loop3A_114 = arith.constant 0 : i32
        %parallel_loop3A_115 = arith.index_cast %parallel_loop3A_114 : i32 to index
        %parallel_loop3A_116 = arith.index_cast %parallel_loop3A_113 : i32 to index
        %parallel_loop3A_117 = tpu.vector_load %arg7[%parallel_loop3A_115, %parallel_loop3A_116] {strides = array<i32>} : memref<3x128xi32, #tpu.memory_space<vmem>>, vector<16xi32>,
        %parallel_loop3A_118 = arith.constant 16 : i32
        %parallel_loop3A_119 = arith.muli %parallel_loop3A_111, %parallel_loop3A_118 : i32
        %parallel_loop3A_120 = arith.constant 1 : i32
        %parallel_loop3A_121 = arith.index_cast %parallel_loop3A_120 : i32 to index
        %parallel_loop3A_122 = arith.index_cast %parallel_loop3A_119 : i32 to index
        %parallel_loop3A_123 = tpu.vector_load %arg7[%parallel_loop3A_121, %parallel_loop3A_122] {strides = array<i32>} : memref<3x128xi32, #tpu.memory_space<vmem>>, vector<16xi32>,
        %parallel_loop3A_124 = arith.constant 16 : i32
        %parallel_loop3A_125 = arith.muli %parallel_loop3A_111, %parallel_loop3A_124 : i32
        %parallel_loop3A_126 = arith.constant 2 : i32
        %parallel_loop3A_127 = arith.index_cast %parallel_loop3A_126 : i32 to index
        %parallel_loop3A_128 = arith.index_cast %parallel_loop3A_125 : i32 to index
        %parallel_loop3A_129 = tpu.vector_load %arg7[%parallel_loop3A_127, %parallel_loop3A_128] {strides = array<i32>} : memref<3x128xi32, #tpu.memory_space<vmem>>, vector<16xi32>,
        %parallel_loop3A_130 = vector.bitcast %parallel_loop3A_129 : vector<16xi32> to vector<16xf32>
        %parallel_loop3A_131 = arith.constant 3 : i32
        %parallel_loop3A_132 = vector.broadcast %parallel_loop3A_131 : i32 to vector<16xi32>
        %parallel_loop3A_133 = arith.shrui %parallel_loop3A_117, %parallel_loop3A_132 : vector<16xi32>
        %parallel_loop3A_134 = tpu.vector_load_idx %arg8[%parallel_loop3A_133] : memref<10000xi32, #tpu.memory_space<vmem>>[vector<16xi32>], vector<16xi32>,
        %parallel_loop3A_135 = tpu.vector_load_idx %arg8[%parallel_loop3A_123] : memref<10000xi32, #tpu.memory_space<vmem>>[vector<16xi32>], vector<16xi32>,
        %parallel_loop3A_136 = arith.constant 16 : i32
        %parallel_loop3A_137 = vector.broadcast %parallel_loop3A_136 : i32 to vector<16xi32>
        %parallel_loop3A_138 = arith.shli %parallel_loop3A_134, %parallel_loop3A_137 : vector<16xi32>
        %parallel_loop3A_139 = vector.bitcast %parallel_loop3A_138 : vector<16xi32> to vector<16xf32>
        %parallel_loop3A_140 = arith.addf %parallel_loop3A_139, %parallel_loop3A_130 : vector<16xf32>
        %parallel_loop3A_141 = arith.constant -65536 : i32
        %parallel_loop3A_142 = vector.broadcast %parallel_loop3A_141 : i32 to vector<16xi32>
        %parallel_loop3A_143 = arith.andi %parallel_loop3A_135, %parallel_loop3A_142 : vector<16xi32>
        %parallel_loop3A_144 = vector.bitcast %parallel_loop3A_143 : vector<16xi32> to vector<16xf32>
        %parallel_loop3A_145 = arith.addf %parallel_loop3A_140, %parallel_loop3A_144 : vector<16xf32>
        %parallel_loop3A_146 = arith.constant 0 : i32
        %parallel_loop3A_147 = vector.broadcast %parallel_loop3A_146 : i32 to vector<16xi32>
        %parallel_loop3A_148 = arith.constant 0 : i32
        %parallel_loop3A_149 = vector.broadcast %parallel_loop3A_148 : i32 to vector<16xi32>
        %parallel_loop3A_150 = arith.cmpi slt, %parallel_loop3A_147, %parallel_loop3A_149 : vector<16xi32>
        %parallel_loop3A_151 = arith.constant 16 : i32
        %parallel_loop3A_152 = vector.broadcast %parallel_loop3A_151 : i32 to vector<16xi32>
        %parallel_loop3A_153 = arith.addi %parallel_loop3A_147, %parallel_loop3A_152 : vector<16xi32>
        %parallel_loop3A_154 = arith.select %parallel_loop3A_150, %parallel_loop3A_153, %parallel_loop3A_147 : vector<16xi1>, vector<16xi32>
        %parallel_loop3A_155 = vector.shape_cast %parallel_loop3A_154 : vector<16xi32> to vector<16x1xi32>
        %parallel_loop3A_156 = vector.shape_cast %parallel_loop3A_155 : vector<16x1xi32> to vector<16xi32>
        %parallel_loop3A_157 = tpu.dynamic_gather %parallel_loop3A_145[%parallel_loop3A_156] in [0] : vector<16xf32>, vector<16xi32> -> vector<16xf32>
        %parallel_loop3A_158 = arith.constant 16 : i32
        %parallel_loop3A_159 = arith.muli %parallel_loop3A_111, %parallel_loop3A_158 : i32
        %parallel_loop3A_160 = arith.constant 0 : i32
        %parallel_loop3A_161 = arith.addi %parallel_loop3A_159, %parallel_loop3A_160 : i32
        %parallel_loop3A_162 = arith.index_cast %parallel_loop3A_161 : i32 to index
        %parallel_loop3A_163 = arith.constant 0 : index
        %parallel_loop3A_164 = tpu.vector_load %arg10[%parallel_loop3A_162, %parallel_loop3A_163] {strides = array<i32>} : memref<128x128xf32, #tpu.memory_space<vmem>>, vector<16xf32>,
        %parallel_loop3A_165 = arith.mulf %parallel_loop3A_164, %parallel_loop3A_157 : vector<16xf32>
        %parallel_loop3A_166 = arith.index_cast %parallel_loop3A_161 : i32 to index
        %parallel_loop3A_167 = arith.constant 0 : index
        %parallel_loop3A_168 = tpu.vector_load %arg10[%parallel_loop3A_166, %parallel_loop3A_167] {strides = array<i32>} : memref<128x128xf32, #tpu.memory_space<vmem>>, vector<16xf32>,
        tpu.vector_store %arg10[%parallel_loop3A_166, %parallel_loop3A_167], %parallel_loop3A_165 {strides = array<i32>} : memref<128x128xf32, #tpu.memory_space<vmem>>, vector<16xf32>,
        %parallel_loop3A_169 = arith.index_cast %parallel_loop3A_161 : i32 to index
        %parallel_loop3A_170 = arith.constant 16 : index
        %parallel_loop3A_171 = tpu.vector_load %arg10[%parallel_loop3A_169, %parallel_loop3A_170] {strides = array<i32>} : memref<128x128xf32, #tpu.memory_space<vmem>>, vector<16xf32>,
        %parallel_loop3A_172 = arith.mulf %parallel_loop3A_171, %parallel_loop3A_157 : vector<16xf32>
        %parallel_loop3A_173 = arith.index_cast %parallel_loop3A_161 : i32 to index
        %parallel_loop3A_174 = arith.constant 16 : index
        %parallel_loop3A_175 = tpu.vector_load %arg10[%parallel_loop3A_173, %parallel_loop3A_174] {strides = array<i32>} : memref<128x128xf32, #tpu.memory_space<vmem>>, vector<16xf32>,
        tpu.vector_store %arg10[%parallel_loop3A_173, %parallel_loop3A_174], %parallel_loop3A_172 {strides = array<i32>} : memref<128x128xf32, #tpu.memory_space<vmem>>, vector<16xf32>,
        %parallel_loop3A_176 = arith.index_cast %parallel_loop3A_161 : i32 to index
        %parallel_loop3A_177 = arith.constant 32 : index
        %parallel_loop3A_178 = tpu.vector_load %arg10[%parallel_loop3A_176, %parallel_loop3A_177] {strides = array<i32>} : memref<128x128xf32, #tpu.memory_space<vmem>>, vector<16xf32>,
        %parallel_loop3A_179 = arith.mulf %parallel_loop3A_178, %parallel_loop3A_157 : vector<16xf32>
        %parallel_loop3A_180 = arith.index_cast %parallel_loop3A_161 : i32 to index
        %parallel_loop3A_181 = arith.constant 32 : index
        %parallel_loop3A_182 = tpu.vector_load %arg10[%parallel_loop3A_180, %parallel_loop3A_181] {strides = array<i32>} : memref<128x128xf32, #tpu.memory_space<vmem>>, vector<16xf32>,
        tpu.vector_store %arg10[%parallel_loop3A_180, %parallel_loop3A_181], %parallel_loop3A_179 {strides = array<i32>} : memref<128x128xf32, #tpu.memory_space<vmem>>, vector<16xf32>,
        %parallel_loop3A_183 = arith.index_cast %parallel_loop3A_161 : i32 to index
        %parallel_loop3A_184 = arith.constant 48 : index
        %parallel_loop3A_185 = tpu.vector_load %arg10[%parallel_loop3A_183, %parallel_loop3A_184] {strides = array<i32>} : memref<128x128xf32, #tpu.memory_space<vmem>>, vector<16xf32>,
        %parallel_loop3A_186 = arith.mulf %parallel_loop3A_185, %parallel_loop3A_157 : vector<16xf32>
        %parallel_loop3A_187 = arith.index_cast %parallel_loop3A_161 : i32 to index
        %parallel_loop3A_188 = arith.constant 48 : index
        %parallel_loop3A_189 = tpu.vector_load %arg10[%parallel_loop3A_187, %parallel_loop3A_188] {strides = array<i32>} : memref<128x128xf32, #tpu.memory_space<vmem>>, vector<16xf32>,
        tpu.vector_store %arg10[%parallel_loop3A_187, %parallel_loop3A_188], %parallel_loop3A_186 {strides = array<i32>} : memref<128x128xf32, #tpu.memory_space<vmem>>, vector<16xf32>,
        %parallel_loop3A_190 = arith.index_cast %parallel_loop3A_161 : i32 to index
        %parallel_loop3A_191 = arith.constant 64 : index
        %parallel_loop3A_192 = tpu.vector_load %arg10[%parallel_loop3A_190, %parallel_loop3A_191] {strides = array<i32>} : memref<128x128xf32, #tpu.memory_space<vmem>>, vector<16xf32>,
        %parallel_loop3A_193 = arith.mulf %parallel_loop3A_192, %parallel_loop3A_157 : vector<16xf32>
        %parallel_loop3A_194 = arith.index_cast %parallel_loop3A_161 : i32 to index
        %parallel_loop3A_195 = arith.constant 64 : index
        %parallel_loop3A_196 = tpu.vector_load %arg10[%parallel_loop3A_194, %parallel_loop3A_195] {strides = array<i32>} : memref<128x128xf32, #tpu.memory_space<vmem>>, vector<16xf32>,
        tpu.vector_store %arg10[%parallel_loop3A_194, %parallel_loop3A_195], %parallel_loop3A_193 {strides = array<i32>} : memref<128x128xf32, #tpu.memory_space<vmem>>, vector<16xf32>,
        %parallel_loop3A_197 = arith.index_cast %parallel_loop3A_161 : i32 to index
        %parallel_loop3A_198 = arith.constant 80 : index
        %parallel_loop3A_199 = tpu.vector_load %arg10[%parallel_loop3A_197, %parallel_loop3A_198] {strides = array<i32>} : memref<128x128xf32, #tpu.memory_space<vmem>>, vector<16xf32>,
        %parallel_loop3A_200 = arith.mulf %parallel_loop3A_199, %parallel_loop3A_157 : vector<16xf32>
        %parallel_loop3A_201 = arith.index_cast %parallel_loop3A_161 : i32 to index
        %parallel_loop3A_202 = arith.constant 80 : index
        %parallel_loop3A_203 = tpu.vector_load %arg10[%parallel_loop3A_201, %parallel_loop3A_202] {strides = array<i32>} : memref<128x128xf32, #tpu.memory_space<vmem>>, vector<16xf32>,
        tpu.vector_store %arg10[%parallel_loop3A_201, %parallel_loop3A_202], %parallel_loop3A_200 {strides = array<i32>} : memref<128x128xf32, #tpu.memory_space<vmem>>, vector<16xf32>,
        %parallel_loop3A_204 = arith.index_cast %parallel_loop3A_161 : i32 to index
        %parallel_loop3A_205 = arith.constant 96 : index
        %parallel_loop3A_206 = tpu.vector_load %arg10[%parallel_loop3A_204, %parallel_loop3A_205] {strides = array<i32>} : memref<128x128xf32, #tpu.memory_space<vmem>>, vector<16xf32>,
        %parallel_loop3A_207 = arith.mulf %parallel_loop3A_206, %parallel_loop3A_157 : vector<16xf32>
        %parallel_loop3A_208 = arith.index_cast %parallel_loop3A_161 : i32 to index
        %parallel_loop3A_209 = arith.constant 96 : index
        %parallel_loop3A_210 = tpu.vector_load %arg10[%parallel_loop3A_208, %parallel_loop3A_209] {strides = array<i32>} : memref<128x128xf32, #tpu.memory_space<vmem>>, vector<16xf32>,
        tpu.vector_store %arg10[%parallel_loop3A_208, %parallel_loop3A_209], %parallel_loop3A_207 {strides = array<i32>} : memref<128x128xf32, #tpu.memory_space<vmem>>, vector<16xf32>,
        %parallel_loop3A_211 = arith.index_cast %parallel_loop3A_161 : i32 to index
        %parallel_loop3A_212 = arith.constant 112 : index
        %parallel_loop3A_213 = tpu.vector_load %arg10[%parallel_loop3A_211, %parallel_loop3A_212] {strides = array<i32>} : memref<128x128xf32, #tpu.memory_space<vmem>>, vector<16xf32>,
        %parallel_loop3A_214 = arith.mulf %parallel_loop3A_213, %parallel_loop3A_157 : vector<16xf32>
        %parallel_loop3A_215 = arith.index_cast %parallel_loop3A_161 : i32 to index
        %parallel_loop3A_216 = arith.constant 112 : index
        %parallel_loop3A_217 = tpu.vector_load %arg10[%parallel_loop3A_215, %parallel_loop3A_216] {strides = array<i32>} : memref<128x128xf32, #tpu.memory_space<vmem>>, vector<16xf32>,
        tpu.vector_store %arg10[%parallel_loop3A_215, %parallel_loop3A_216], %parallel_loop3A_214 {strides = array<i32>} : memref<128x128xf32, #tpu.memory_space<vmem>>, vector<16xf32>,
        %parallel_loop3A_218 = arith.constant 1 : i32
        %parallel_loop3A_219 = vector.broadcast %parallel_loop3A_218 : i32 to vector<16xi32>
        %parallel_loop3A_220 = arith.constant 0 : i32
        %parallel_loop3A_221 = vector.broadcast %parallel_loop3A_220 : i32 to vector<16xi32>
        %parallel_loop3A_222 = arith.cmpi slt, %parallel_loop3A_219, %parallel_loop3A_221 : vector<16xi32>
        %parallel_loop3A_223 = arith.constant 16 : i32
        %parallel_loop3A_224 = vector.broadcast %parallel_loop3A_223 : i32 to vector<16xi32>
        %parallel_loop3A_225 = arith.addi %parallel_loop3A_219, %parallel_loop3A_224 : vector<16xi32>
        %parallel_loop3A_226 = arith.select %parallel_loop3A_222, %parallel_loop3A_225, %parallel_loop3A_219 : vector<16xi1>, vector<16xi32>
        %parallel_loop3A_227 = vector.shape_cast %parallel_loop3A_226 : vector<16xi32> to vector<16x1xi32>
        %parallel_loop3A_228 = vector.shape_cast %parallel_loop3A_227 : vector<16x1xi32> to vector<16xi32>
        %parallel_loop3A_229 = tpu.dynamic_gather %parallel_loop3A_145[%parallel_loop3A_228] in [0] : vector<16xf32>, vector<16xi32> -> vector<16xf32>
        %parallel_loop3A_230 = arith.constant 16 : i32
        %parallel_loop3A_231 = arith.muli %parallel_loop3A_111, %parallel_loop3A_230 : i32
        %parallel_loop3A_232 = arith.constant 1 : i32
        %parallel_loop3A_233 = arith.addi %parallel_loop3A_231, %parallel_loop3A_232 : i32
        %parallel_loop3A_234 = arith.index_cast %parallel_loop3A_233 : i32 to index
        %parallel_loop3A_235 = arith.constant 0 : index
        %parallel_loop3A_236 = tpu.vector_load %arg10[%parallel_loop3A_234, %parallel_loop3A_235] {strides = array<i32>} : memref<128x128xf32, #tpu.memory_space<vmem>>, vector<16xf32>,
        %parallel_loop3A_237 = arith.mulf %parallel_loop3A_236, %parallel_loop3A_229 : vector<16xf32>
        %parallel_loop3A_238 = arith.index_cast %parallel_loop3A_233 : i32 to index
        %parallel_loop3A_239 = arith.constant 0 : index
        %parallel_loop3A_240 = tpu.vector_load %arg10[%parallel_loop3A_238, %parallel_loop3A_239] {strides = array<i32>} : memref<128x128xf32, #tpu.memory_space<vmem>>, vector<16xf32>,
        tpu.vector_store %arg10[%parallel_loop3A_238, %parallel_loop3A_239], %parallel_loop3A_237 {strides = array<i32>} : memref<128x128xf32, #tpu.memory_space<vmem>>, vector<16xf32>,
        %parallel_loop3A_241 = arith.index_cast %parallel_loop3A_233 : i32 to index
        %parallel_loop3A_242 = arith.constant 16 : index
        %parallel_loop3A_243 = tpu.vector_load %arg10[%parallel_loop3A_241, %parallel_loop3A_242] {strides = array<i32>} : memref<128x128xf32, #tpu.memory_space<vmem>>, vector<16xf32>,
        %parallel_loop3A_244 = arith.mulf %parallel_loop3A_243, %parallel_loop3A_229 : vector<16xf32>
        %parallel_loop3A_245 = arith.index_cast %parallel_loop3A_233 : i32 to index
        %parallel_loop3A_246 = arith.constant 16 : index
        %parallel_loop3A_247 = tpu.vector_load %arg10[%parallel_loop3A_245, %parallel_loop3A_246] {strides = array<i32>} : memref<128x128xf32, #tpu.memory_space<vmem>>, vector<16xf32>,
        tpu.vector_store %arg10[%parallel_loop3A_245, %parallel_loop3A_246], %parallel_loop3A_244 {strides = array<i32>} : memref<128x128xf32, #tpu.memory_space<vmem>>, vector<16xf32>,
        %parallel_loop3A_248 = arith.index_cast %parallel_loop3A_233 : i32 to index
        %parallel_loop3A_249 = arith.constant 32 : index
        %parallel_loop3A_250 = tpu.vector_load %arg10[%parallel_loop3A_248, %parallel_loop3A_249] {strides = array<i32>} : memref<128x128xf32, #tpu.memory_space<vmem>>, vector<16xf32>,
        %parallel_loop3A_251 = arith.mulf %parallel_loop3A_250, %parallel_loop3A_229 : vector<16xf32>
        %parallel_loop3A_252 = arith.index_cast %parallel_loop3A_233 : i32 to index
        %parallel_loop3A_253 = arith.constant 32 : index
        %parallel_loop3A_254 = tpu.vector_load %arg10[%parallel_loop3A_252, %parallel_loop3A_253] {strides = array<i32>} : memref<128x128xf32, #tpu.memory_space<vmem>>, vector<16xf32>,
        tpu.vector_store %arg10[%parallel_loop3A_252, %parallel_loop3A_253], %parallel_loop3A_251 {strides = array<i32>} : memref<128x128xf32, #tpu.memory_space<vmem>>, vector<16xf32>,
        %parallel_loop3A_255 = arith.index_cast %parallel_loop3A_233 : i32 to index
        %parallel_loop3A_256 = arith.constant 48 : index
        %parallel_loop3A_257 = tpu.vector_load %arg10[%parallel_loop3A_255, %parallel_loop3A_256] {strides = array<i32>} : memref<128x128xf32, #tpu.memory_space<vmem>>, vector<16xf32>,
        %parallel_loop3A_258 = arith.mulf %parallel_loop3A_257, %parallel_loop3A_229 : vector<16xf32>
        %parallel_loop3A_259 = arith.index_cast %parallel_loop3A_233 : i32 to index
        %parallel_loop3A_260 = arith.constant 48 : index
        %parallel_loop3A_261 = tpu.vector_load %arg10[%parallel_loop3A_259, %parallel_loop3A_260] {strides = array<i32>} : memref<128x128xf32, #tpu.memory_space<vmem>>, vector<16xf32>,
        tpu.vector_store %arg10[%parallel_loop3A_259, %parallel_loop3A_260], %parallel_loop3A_258 {strides = array<i32>} : memref<128x128xf32, #tpu.memory_space<vmem>>, vector<16xf32>,
        %parallel_loop3A_262 = arith.index_cast %parallel_loop3A_233 : i32 to index
        %parallel_loop3A_263 = arith.constant 64 : index
        %parallel_loop3A_264 = tpu.vector_load %arg10[%parallel_loop3A_262, %parallel_loop3A_263] {strides = array<i32>} : memref<128x128xf32, #tpu.memory_space<vmem>>, vector<16xf32>,
        %parallel_loop3A_265 = arith.mulf %parallel_loop3A_264, %parallel_loop3A_229 : vector<16xf32>
        %parallel_loop3A_266 = arith.index_cast %parallel_loop3A_233 : i32 to index
        %parallel_loop3A_267 = arith.constant 64 : index
        %parallel_loop3A_268 = tpu.vector_load %arg10[%parallel_loop3A_266, %parallel_loop3A_267] {strides = array<i32>} : memref<128x128xf32, #tpu.memory_space<vmem>>, vector<16xf32>,
        tpu.vector_store %arg10[%parallel_loop3A_266, %parallel_loop3A_267], %parallel_loop3A_265 {strides = array<i32>} : memref<128x128xf32, #tpu.memory_space<vmem>>, vector<16xf32>,
        %parallel_loop3A_269 = arith.index_cast %parallel_loop3A_233 : i32 to index
        %parallel_loop3A_270 = arith.constant 80 : index
        %parallel_loop3A_271 = tpu.vector_load %arg10[%parallel_loop3A_269, %parallel_loop3A_270] {strides = array<i32>} : memref<128x128xf32, #tpu.memory_space<vmem>>, vector<16xf32>,
        %parallel_loop3A_272 = arith.mulf %parallel_loop3A_271, %parallel_loop3A_229 : vector<16xf32>
        %parallel_loop3A_273 = arith.index_cast %parallel_loop3A_233 : i32 to index
        %parallel_loop3A_274 = arith.constant 80 : index
        %parallel_loop3A_275 = tpu.vector_load %arg10[%parallel_loop3A_273, %parallel_loop3A_274] {strides = array<i32>} : memref<128x128xf32, #tpu.memory_space<vmem>>, vector<16xf32>,
        tpu.vector_store %arg10[%parallel_loop3A_273, %parallel_loop3A_274], %parallel_loop3A_272 {strides = array<i32>} : memref<128x128xf32, #tpu.memory_space<vmem>>, vector<16xf32>,
        %parallel_loop3A_276 = arith.index_cast %parallel_loop3A_233 : i32 to index
        %parallel_loop3A_277 = arith.constant 96 : index
        %parallel_loop3A_278 = tpu.vector_load %arg10[%parallel_loop3A_276, %parallel_loop3A_277] {strides = array<i32>} : memref<128x128xf32, #tpu.memory_space<vmem>>, vector<16xf32>,
        %parallel_loop3A_279 = arith.mulf %parallel_loop3A_278, %parallel_loop3A_229 : vector<16xf32>
        %parallel_loop3A_280 = arith.index_cast %parallel_loop3A_233 : i32 to index
        %parallel_loop3A_281 = arith.constant 96 : index
        %parallel_loop3A_282 = tpu.vector_load %arg10[%parallel_loop3A_280, %parallel_loop3A_281] {strides = array<i32>} : memref<128x128xf32, #tpu.memory_space<vmem>>, vector<16xf32>,
        tpu.vector_store %arg10[%parallel_loop3A_280, %parallel_loop3A_281], %parallel_loop3A_279 {strides = array<i32>} : memref<128x128xf32, #tpu.memory_space<vmem>>, vector<16xf32>,
        %parallel_loop3A_283 = arith.index_cast %parallel_loop3A_233 : i32 to index
        %parallel_loop3A_284 = arith.constant 112 : index
        %parallel_loop3A_285 = tpu.vector_load %arg10[%parallel_loop3A_283, %parallel_loop3A_284] {strides = array<i32>} : memref<128x128xf32, #tpu.memory_space<vmem>>, vector<16xf32>,
        %parallel_loop3A_286 = arith.mulf %parallel_loop3A_285, %parallel_loop3A_229 : vector<16xf32>
        %parallel_loop3A_287 = arith.index_cast %parallel_loop3A_233 : i32 to index
        %parallel_loop3A_288 = arith.constant 112 : index
        %parallel_loop3A_289 = tpu.vector_load %arg10[%parallel_loop3A_287, %parallel_loop3A_288] {strides = array<i32>} : memref<128x128xf32, #tpu.memory_space<vmem>>, vector<16xf32>,
        tpu.vector_store %arg10[%parallel_loop3A_287, %parallel_loop3A_288], %parallel_loop3A_286 {strides = array<i32>} : memref<128x128xf32, #tpu.memory_space<vmem>>, vector<16xf32>,
        %parallel_loop3A_290 = arith.constant 2 : i32
        %parallel_loop3A_291 = vector.broadcast %parallel_loop3A_290 : i32 to vector<16xi32>
        %parallel_loop3A_292 = arith.constant 0 : i32
        %parallel_loop3A_293 = vector.broadcast %parallel_loop3A_292 : i32 to vector<16xi32>
        %parallel_loop3A_294 = arith.cmpi slt, %parallel_loop3A_291, %parallel_loop3A_293 : vector<16xi32>
        %parallel_loop3A_295 = arith.constant 16 : i32
        %parallel_loop3A_296 = vector.broadcast %parallel_loop3A_295 : i32 to vector<16xi32>
        %parallel_loop3A_297 = arith.addi %parallel_loop3A_291, %parallel_loop3A_296 : vector<16xi32>
        %parallel_loop3A_298 = arith.select %parallel_loop3A_294, %parallel_loop3A_297, %parallel_loop3A_291 : vector<16xi1>, vector<16xi32>
        %parallel_loop3A_299 = vector.shape_cast %parallel_loop3A_298 : vector<16xi32> to vector<16x1xi32>
        %parallel_loop3A_300 = vector.shape_cast %parallel_loop3A_299 : vector<16x1xi32> to vector<16xi32>
        %parallel_loop3A_301 = tpu.dynamic_gather %parallel_loop3A_145[%parallel_loop3A_300] in [0] : vector<16xf32>, vector<16xi32> -> vector<16xf32>
        %parallel_loop3A_302 = arith.constant 16 : i32
        %parallel_loop3A_303 = arith.muli %parallel_loop3A_111, %parallel_loop3A_302 : i32
        %parallel_loop3A_304 = arith.constant 2 : i32
        %parallel_loop3A_305 = arith.addi %parallel_loop3A_303, %parallel_loop3A_304 : i32
        %parallel_loop3A_306 = arith.index_cast %parallel_loop3A_305 : i32 to index
        %parallel_loop3A_307 = arith.constant 0 : index
        %parallel_loop3A_308 = tpu.vector_load %arg10[%parallel_loop3A_306, %parallel_loop3A_307] {strides = array<i32>} : memref<128x128xf32, #tpu.memory_space<vmem>>, vector<16xf32>,
        %parallel_loop3A_309 = arith.mulf %parallel_loop3A_308, %parallel_loop3A_301 : vector<16xf32>
        %parallel_loop3A_310 = arith.index_cast %parallel_loop3A_305 : i32 to index
        %parallel_loop3A_311 = arith.constant 0 : index
        %parallel_loop3A_312 = tpu.vector_load %arg10[%parallel_loop3A_310, %parallel_loop3A_311] {strides = array<i32>} : memref<128x128xf32, #tpu.memory_space<vmem>>, vector<16xf32>,
        tpu.vector_store %arg10[%parallel_loop3A_310, %parallel_loop3A_311], %parallel_loop3A_309 {strides = array<i32>} : memref<128x128xf32, #tpu.memory_space<vmem>>, vector<16xf32>,
        %parallel_loop3A_313 = arith.index_cast %parallel_loop3A_305 : i32 to index
        %parallel_loop3A_314 = arith.constant 16 : index
        %parallel_loop3A_315 = tpu.vector_load %arg10[%parallel_loop3A_313, %parallel_loop3A_314] {strides = array<i32>} : memref<128x128xf32, #tpu.memory_space<vmem>>, vector<16xf32>,
        %parallel_loop3A_316 = arith.mulf %parallel_loop3A_315, %parallel_loop3A_301 : vector<16xf32>
        %parallel_loop3A_317 = arith.index_cast %parallel_loop3A_305 : i32 to index
        %parallel_loop3A_318 = arith.constant 16 : index
        %parallel_loop3A_319 = tpu.vector_load %arg10[%parallel_loop3A_317, %parallel_loop3A_318] {strides = array<i32>} : memref<128x128xf32, #tpu.memory_space<vmem>>, vector<16xf32>,
        tpu.vector_store %arg10[%parallel_loop3A_317, %parallel_loop3A_318], %parallel_loop3A_316 {strides = array<i32>} : memref<128x128xf32, #tpu.memory_space<vmem>>, vector<16xf32>,
        %parallel_loop3A_320 = arith.index_cast %parallel_loop3A_305 : i32 to index
        %parallel_loop3A_321 = arith.constant 32 : index
        %parallel_loop3A_322 = tpu.vector_load %arg10[%parallel_loop3A_320, %parallel_loop3A_321] {strides = array<i32>} : memref<128x128xf32, #tpu.memory_space<vmem>>, vector<16xf32>,
        %parallel_loop3A_323 = arith.mulf %parallel_loop3A_322, %parallel_loop3A_301 : vector<16xf32>
        %parallel_loop3A_324 = arith.index_cast %parallel_loop3A_305 : i32 to index
        %parallel_loop3A_325 = arith.constant 32 : index
        %parallel_loop3A_326 = tpu.vector_load %arg10[%parallel_loop3A_324, %parallel_loop3A_325] {strides = array<i32>} : memref<128x128xf32, #tpu.memory_space<vmem>>, vector<16xf32>,
        tpu.vector_store %arg10[%parallel_loop3A_324, %parallel_loop3A_325], %parallel_loop3A_323 {strides = array<i32>} : memref<128x128xf32, #tpu.memory_space<vmem>>, vector<16xf32>,
        %parallel_loop3A_327 = arith.index_cast %parallel_loop3A_305 : i32 to index
        %parallel_loop3A_328 = arith.constant 48 : index
        %parallel_loop3A_329 = tpu.vector_load %arg10[%parallel_loop3A_327, %parallel_loop3A_328] {strides = array<i32>} : memref<128x128xf32, #tpu.memory_space<vmem>>, vector<16xf32>,
        %parallel_loop3A_330 = arith.mulf %parallel_loop3A_329, %parallel_loop3A_301 : vector<16xf32>
        %parallel_loop3A_331 = arith.index_cast %parallel_loop3A_305 : i32 to index
        %parallel_loop3A_332 = arith.constant 48 : index
        %parallel_loop3A_333 = tpu.vector_load %arg10[%parallel_loop3A_331, %parallel_loop3A_332] {strides = array<i32>} : memref<128x128xf32, #tpu.memory_space<vmem>>, vector<16xf32>,
        tpu.vector_store %arg10[%parallel_loop3A_331, %parallel_loop3A_332], %parallel_loop3A_330 {strides = array<i32>} : memref<128x128xf32, #tpu.memory_space<vmem>>, vector<16xf32>,
        %parallel_loop3A_334 = arith.index_cast %parallel_loop3A_305 : i32 to index
        %parallel_loop3A_335 = arith.constant 64 : index
        %parallel_loop3A_336 = tpu.vector_load %arg10[%parallel_loop3A_334, %parallel_loop3A_335] {strides = array<i32>} : memref<128x128xf32, #tpu.memory_space<vmem>>, vector<16xf32>,
        %parallel_loop3A_337 = arith.mulf %parallel_loop3A_336, %parallel_loop3A_301 : vector<16xf32>
        %parallel_loop3A_338 = arith.index_cast %parallel_loop3A_305 : i32 to index
        %parallel_loop3A_339 = arith.constant 64 : index
        %parallel_loop3A_340 = tpu.vector_load %arg10[%parallel_loop3A_338, %parallel_loop3A_339] {strides = array<i32>} : memref<128x128xf32, #tpu.memory_space<vmem>>, vector<16xf32>,
        tpu.vector_store %arg10[%parallel_loop3A_338, %parallel_loop3A_339], %parallel_loop3A_337 {strides = array<i32>} : memref<128x128xf32, #tpu.memory_space<vmem>>, vector<16xf32>,
        %parallel_loop3A_341 = arith.index_cast %parallel_loop3A_305 : i32 to index
        %parallel_loop3A_342 = arith.constant 80 : index
        %parallel_loop3A_343 = tpu.vector_load %arg10[%parallel_loop3A_341, %parallel_loop3A_342] {strides = array<i32>} : memref<128x128xf32, #tpu.memory_space<vmem>>, vector<16xf32>,
        %parallel_loop3A_344 = arith.mulf %parallel_loop3A_343, %parallel_loop3A_301 : vector<16xf32>
        %parallel_loop3A_345 = arith.index_cast %parallel_loop3A_305 : i32 to index
        %parallel_loop3A_346 = arith.constant 80 : index
        %parallel_loop3A_347 = tpu.vector_load %arg10[%parallel_loop3A_345, %parallel_loop3A_346] {strides = array<i32>} : memref<128x128xf32, #tpu.memory_space<vmem>>, vector<16xf32>,
        tpu.vector_store %arg10[%parallel_loop3A_345, %parallel_loop3A_346], %parallel_loop3A_344 {strides = array<i32>} : memref<128x128xf32, #tpu.memory_space<vmem>>, vector<16xf32>,
        %parallel_loop3A_348 = arith.index_cast %parallel_loop3A_305 : i32 to index
        %parallel_loop3A_349 = arith.constant 96 : index
        %parallel_loop3A_350 = tpu.vector_load %arg10[%parallel_loop3A_348, %parallel_loop3A_349] {strides = array<i32>} : memref<128x128xf32, #tpu.memory_space<vmem>>, vector<16xf32>,
        %parallel_loop3A_351 = arith.mulf %parallel_loop3A_350, %parallel_loop3A_301 : vector<16xf32>
        %parallel_loop3A_352 = arith.index_cast %parallel_loop3A_305 : i32 to index
        %parallel_loop3A_353 = arith.constant 96 : index
        %parallel_loop3A_354 = tpu.vector_load %arg10[%parallel_loop3A_352, %parallel_loop3A_353] {strides = array<i32>} : memref<128x128xf32, #tpu.memory_space<vmem>>, vector<16xf32>,
        tpu.vector_store %arg10[%parallel_loop3A_352, %parallel_loop3A_353], %parallel_loop3A_351 {strides = array<i32>} : memref<128x128xf32, #tpu.memory_space<vmem>>, vector<16xf32>,
        %parallel_loop3A_355 = arith.index_cast %parallel_loop3A_305 : i32 to index
        %parallel_loop3A_356 = arith.constant 112 : index
        %parallel_loop3A_357 = tpu.vector_load %arg10[%parallel_loop3A_355, %parallel_loop3A_356] {strides = array<i32>} : memref<128x128xf32, #tpu.memory_space<vmem>>, vector<16xf32>,
        %parallel_loop3A_358 = arith.mulf %parallel_loop3A_357, %parallel_loop3A_301 : vector<16xf32>
        %parallel_loop3A_359 = arith.index_cast %parallel_loop3A_305 : i32 to index
        %parallel_loop3A_360 = arith.constant 112 : index
        %parallel_loop3A_361 = tpu.vector_load %arg10[%parallel_loop3A_359, %parallel_loop3A_360] {strides = array<i32>} : memref<128x128xf32, #tpu.memory_space<vmem>>, vector<16xf32>,
        tpu.vector_store %arg10[%parallel_loop3A_359, %parallel_loop3A_360], %parallel_loop3A_358 {strides = array<i32>} : memref<128x128xf32, #tpu.memory_space<vmem>>, vector<16xf32>,
        %parallel_loop3A_362 = arith.constant 3 : i32
        %parallel_loop3A_363 = vector.broadcast %parallel_loop3A_362 : i32 to vector<16xi32>
        %parallel_loop3A_364 = arith.constant 0 : i32
        %parallel_loop3A_365 = vector.broadcast %parallel_loop3A_364 : i32 to vector<16xi32>
        %parallel_loop3A_366 = arith.cmpi slt, %parallel_loop3A_363, %parallel_loop3A_365 : vector<16xi32>
        %parallel_loop3A_367 = arith.constant 16 : i32
        %parallel_loop3A_368 = vector.broadcast %parallel_loop3A_367 : i32 to vector<16xi32>
        %parallel_loop3A_369 = arith.addi %parallel_loop3A_363, %parallel_loop3A_368 : vector<16xi32>
        %parallel_loop3A_370 = arith.select %parallel_loop3A_366, %parallel_loop3A_369, %parallel_loop3A_363 : vector<16xi1>, vector<16xi32>
        %parallel_loop3A_371 = vector.shape_cast %parallel_loop3A_370 : vector<16xi32> to vector<16x1xi32>
        %parallel_loop3A_372 = vector.shape_cast %parallel_loop3A_371 : vector<16x1xi32> to vector<16xi32>
        %parallel_loop3A_373 = tpu.dynamic_gather %parallel_loop3A_145[%parallel_loop3A_372] in [0] : vector<16xf32>, vector<16xi32> -> vector<16xf32>
        %parallel_loop3A_374 = arith.constant 16 : i32
        %parallel_loop3A_375 = arith.muli %parallel_loop3A_111, %parallel_loop3A_374 : i32
        %parallel_loop3A_376 = arith.constant 3 : i32
        %parallel_loop3A_377 = arith.addi %parallel_loop3A_375, %parallel_loop3A_376 : i32
        %parallel_loop3A_378 = arith.index_cast %parallel_loop3A_377 : i32 to index
        %parallel_loop3A_379 = arith.constant 0 : index
        %parallel_loop3A_380 = tpu.vector_load %arg10[%parallel_loop3A_378, %parallel_loop3A_379] {strides = array<i32>} : memref<128x128xf32, #tpu.memory_space<vmem>>, vector<16xf32>,
        %parallel_loop3A_381 = arith.mulf %parallel_loop3A_380, %parallel_loop3A_373 : vector<16xf32>
        %parallel_loop3A_382 = arith.index_cast %parallel_loop3A_377 : i32 to index
        %parallel_loop3A_383 = arith.constant 0 : index
        %parallel_loop3A_384 = tpu.vector_load %arg10[%parallel_loop3A_382, %parallel_loop3A_383] {strides = array<i32>} : memref<128x128xf32, #tpu.memory_space<vmem>>, vector<16xf32>,
        tpu.vector_store %arg10[%parallel_loop3A_382, %parallel_loop3A_383], %parallel_loop3A_381 {strides = array<i32>} : memref<128x128xf32, #tpu.memory_space<vmem>>, vector<16xf32>,
        %parallel_loop3A_385 = arith.index_cast %parallel_loop3A_377 : i32 to index
        %parallel_loop3A_386 = arith.constant 16 : index
        %parallel_loop3A_387 = tpu.vector_load %arg10[%parallel_loop3A_385, %parallel_loop3A_386] {strides = array<i32>} : memref<128x128xf32, #tpu.memory_space<vmem>>, vector<16xf32>,
        %parallel_loop3A_388 = arith.mulf %parallel_loop3A_387, %parallel_loop3A_373 : vector<16xf32>
        %parallel_loop3A_389 = arith.index_cast %parallel_loop3A_377 : i32 to index
        %parallel_loop3A_390 = arith.constant 16 : index
        %parallel_loop3A_391 = tpu.vector_load %arg10[%parallel_loop3A_389, %parallel_loop3A_390] {strides = array<i32>} : memref<128x128xf32, #tpu.memory_space<vmem>>, vector<16xf32>,
        tpu.vector_store %arg10[%parallel_loop3A_389, %parallel_loop3A_390], %parallel_loop3A_388 {strides = array<i32>} : memref<128x128xf32, #tpu.memory_space<vmem>>, vector<16xf32>,
        %parallel_loop3A_392 = arith.index_cast %parallel_loop3A_377 : i32 to index
        %parallel_loop3A_393 = arith.constant 32 : index
        %parallel_loop3A_394 = tpu.vector_load %arg10[%parallel_loop3A_392, %parallel_loop3A_393] {strides = array<i32>} : memref<128x128xf32, #tpu.memory_space<vmem>>, vector<16xf32>,
        %parallel_loop3A_395 = arith.mulf %parallel_loop3A_394, %parallel_loop3A_373 : vector<16xf32>
        %parallel_loop3A_396 = arith.index_cast %parallel_loop3A_377 : i32 to index
        %parallel_loop3A_397 = arith.constant 32 : index
        %parallel_loop3A_398 = tpu.vector_load %arg10[%parallel_loop3A_396, %parallel_loop3A_397] {strides = array<i32>} : memref<128x128xf32, #tpu.memory_space<vmem>>, vector<16xf32>,
        tpu.vector_store %arg10[%parallel_loop3A_396, %parallel_loop3A_397], %parallel_loop3A_395 {strides = array<i32>} : memref<128x128xf32, #tpu.memory_space<vmem>>, vector<16xf32>,
        %parallel_loop3A_399 = arith.index_cast %parallel_loop3A_377 : i32 to index
        %parallel_loop3A_400 = arith.constant 48 : index
        %parallel_loop3A_401 = tpu.vector_load %arg10[%parallel_loop3A_399, %parallel_loop3A_400] {strides = array<i32>} : memref<128x128xf32, #tpu.memory_space<vmem>>, vector<16xf32>,
        %parallel_loop3A_402 = arith.mulf %parallel_loop3A_401, %parallel_loop3A_373 : vector<16xf32>
        %parallel_loop3A_403 = arith.index_cast %parallel_loop3A_377 : i32 to index
        %parallel_loop3A_404 = arith.constant 48 : index
        %parallel_loop3A_405 = tpu.vector_load %arg10[%parallel_loop3A_403, %parallel_loop3A_404] {strides = array<i32>} : memref<128x128xf32, #tpu.memory_space<vmem>>, vector<16xf32>,
        tpu.vector_store %arg10[%parallel_loop3A_403, %parallel_loop3A_404], %parallel_loop3A_402 {strides = array<i32>} : memref<128x128xf32, #tpu.memory_space<vmem>>, vector<16xf32>,
        %parallel_loop3A_406 = arith.index_cast %parallel_loop3A_377 : i32 to index
        %parallel_loop3A_407 = arith.constant 64 : index
        %parallel_loop3A_408 = tpu.vector_load %arg10[%parallel_loop3A_406, %parallel_loop3A_407] {strides = array<i32>} : memref<128x128xf32, #tpu.memory_space<vmem>>, vector<16xf32>,
        %parallel_loop3A_409 = arith.mulf %parallel_loop3A_408, %parallel_loop3A_373 : vector<16xf32>
        %parallel_loop3A_410 = arith.index_cast %parallel_loop3A_377 : i32 to index
        %parallel_loop3A_411 = arith.constant 64 : index
        %parallel_loop3A_412 = tpu.vector_load %arg10[%parallel_loop3A_410, %parallel_loop3A_411] {strides = array<i32>} : memref<128x128xf32, #tpu.memory_space<vmem>>, vector<16xf32>,
        tpu.vector_store %arg10[%parallel_loop3A_410, %parallel_loop3A_411], %parallel_loop3A_409 {strides = array<i32>} : memref<128x128xf32, #tpu.memory_space<vmem>>, vector<16xf32>,
        %parallel_loop3A_413 = arith.index_cast %parallel_loop3A_377 : i32 to index
        %parallel_loop3A_414 = arith.constant 80 : index
        %parallel_loop3A_415 = tpu.vector_load %arg10[%parallel_loop3A_413, %parallel_loop3A_414] {strides = array<i32>} : memref<128x128xf32, #tpu.memory_space<vmem>>, vector<16xf32>,
        %parallel_loop3A_416 = arith.mulf %parallel_loop3A_415, %parallel_loop3A_373 : vector<16xf32>
        %parallel_loop3A_417 = arith.index_cast %parallel_loop3A_377 : i32 to index
        %parallel_loop3A_418 = arith.constant 80 : index
        %parallel_loop3A_419 = tpu.vector_load %arg10[%parallel_loop3A_417, %parallel_loop3A_418] {strides = array<i32>} : memref<128x128xf32, #tpu.memory_space<vmem>>, vector<16xf32>,
        tpu.vector_store %arg10[%parallel_loop3A_417, %parallel_loop3A_418], %parallel_loop3A_416 {strides = array<i32>} : memref<128x128xf32, #tpu.memory_space<vmem>>, vector<16xf32>,
        %parallel_loop3A_420 = arith.index_cast %parallel_loop3A_377 : i32 to index
        %parallel_loop3A_421 = arith.constant 96 : index
        %parallel_loop3A_422 = tpu.vector_load %arg10[%parallel_loop3A_420, %parallel_loop3A_421] {strides = array<i32>} : memref<128x128xf32, #tpu.memory_space<vmem>>, vector<16xf32>,
        %parallel_loop3A_423 = arith.mulf %parallel_loop3A_422, %parallel_loop3A_373 : vector<16xf32>
        %parallel_loop3A_424 = arith.index_cast %parallel_loop3A_377 : i32 to index
        %parallel_loop3A_425 = arith.constant 96 : index
        %parallel_loop3A_426 = tpu.vector_load %arg10[%parallel_loop3A_424, %parallel_loop3A_425] {strides = array<i32>} : memref<128x128xf32, #tpu.memory_space<vmem>>, vector<16xf32>,
        tpu.vector_store %arg10[%parallel_loop3A_424, %parallel_loop3A_425], %parallel_loop3A_423 {strides = array<i32>} : memref<128x128xf32, #tpu.memory_space<vmem>>, vector<16xf32>,
        %parallel_loop3A_427 = arith.index_cast %parallel_loop3A_377 : i32 to index
        %parallel_loop3A_428 = arith.constant 112 : index
        %parallel_loop3A_429 = tpu.vector_load %arg10[%parallel_loop3A_427, %parallel_loop3A_428] {strides = array<i32>} : memref<128x128xf32, #tpu.memory_space<vmem>>, vector<16xf32>,
        %parallel_loop3A_430 = arith.mulf %parallel_loop3A_429, %parallel_loop3A_373 : vector<16xf32>
        %parallel_loop3A_431 = arith.index_cast %parallel_loop3A_377 : i32 to index
        %parallel_loop3A_432 = arith.constant 112 : index
        %parallel_loop3A_433 = tpu.vector_load %arg10[%parallel_loop3A_431, %parallel_loop3A_432] {strides = array<i32>} : memref<128x128xf32, #tpu.memory_space<vmem>>, vector<16xf32>,
        tpu.vector_store %arg10[%parallel_loop3A_431, %parallel_loop3A_432], %parallel_loop3A_430 {strides = array<i32>} : memref<128x128xf32, #tpu.memory_space<vmem>>, vector<16xf32>,
        %parallel_loop3A_434 = arith.constant 4 : i32
        %parallel_loop3A_435 = vector.broadcast %parallel_loop3A_434 : i32 to vector<16xi32>
        %parallel_loop3A_436 = arith.constant 0 : i32
        %parallel_loop3A_437 = vector.broadcast %parallel_loop3A_436 : i32 to vector<16xi32>
        %parallel_loop3A_438 = arith.cmpi slt, %parallel_loop3A_435, %parallel_loop3A_437 : vector<16xi32>
        %parallel_loop3A_439 = arith.constant 16 : i32
        %parallel_loop3A_440 = vector.broadcast %parallel_loop3A_439 : i32 to vector<16xi32>
        %parallel_loop3A_441 = arith.addi %parallel_loop3A_435, %parallel_loop3A_440 : vector<16xi32>
        %parallel_loop3A_442 = arith.select %parallel_loop3A_438, %parallel_loop3A_441, %parallel_loop3A_435 : vector<16xi1>, vector<16xi32>
        %parallel_loop3A_443 = vector.shape_cast %parallel_loop3A_442 : vector<16xi32> to vector<16x1xi32>
        %parallel_loop3A_444 = vector.shape_cast %parallel_loop3A_443 : vector<16x1xi32> to vector<16xi32>
        %parallel_loop3A_445 = tpu.dynamic_gather %parallel_loop3A_145[%parallel_loop3A_444] in [0] : vector<16xf32>, vector<16xi32> -> vector<16xf32>
        %parallel_loop3A_446 = arith.constant 16 : i32
        %parallel_loop3A_447 = arith.muli %parallel_loop3A_111, %parallel_loop3A_446 : i32
        %parallel_loop3A_448 = arith.constant 4 : i32
        %parallel_loop3A_449 = arith.addi %parallel_loop3A_447, %parallel_loop3A_448 : i32
        %parallel_loop3A_450 = arith.index_cast %parallel_loop3A_449 : i32 to index
        %parallel_loop3A_451 = arith.constant 0 : index
        %parallel_loop3A_452 = tpu.vector_load %arg10[%parallel_loop3A_450, %parallel_loop3A_451] {strides = array<i32>} : memref<128x128xf32, #tpu.memory_space<vmem>>, vector<16xf32>,
        %parallel_loop3A_453 = arith.mulf %parallel_loop3A_452, %parallel_loop3A_445 : vector<16xf32>
        %parallel_loop3A_454 = arith.index_cast %parallel_loop3A_449 : i32 to index
        %parallel_loop3A_455 = arith.constant 0 : index
        %parallel_loop3A_456 = tpu.vector_load %arg10[%parallel_loop3A_454, %parallel_loop3A_455] {strides = array<i32>} : memref<128x128xf32, #tpu.memory_space<vmem>>, vector<16xf32>,
        tpu.vector_store %arg10[%parallel_loop3A_454, %parallel_loop3A_455], %parallel_loop3A_453 {strides = array<i32>} : memref<128x128xf32, #tpu.memory_space<vmem>>, vector<16xf32>,
        %parallel_loop3A_457 = arith.index_cast %parallel_loop3A_449 : i32 to index
        %parallel_loop3A_458 = arith.constant 16 : index
        %parallel_loop3A_459 = tpu.vector_load %arg10[%parallel_loop3A_457, %parallel_loop3A_458] {strides = array<i32>} : memref<128x128xf32, #tpu.memory_space<vmem>>, vector<16xf32>,
        %parallel_loop3A_460 = arith.mulf %parallel_loop3A_459, %parallel_loop3A_445 : vector<16xf32>
        %parallel_loop3A_461 = arith.index_cast %parallel_loop3A_449 : i32 to index
        %parallel_loop3A_462 = arith.constant 16 : index
        %parallel_loop3A_463 = tpu.vector_load %arg10[%parallel_loop3A_461, %parallel_loop3A_462] {strides = array<i32>} : memref<128x128xf32, #tpu.memory_space<vmem>>, vector<16xf32>,
        tpu.vector_store %arg10[%parallel_loop3A_461, %parallel_loop3A_462], %parallel_loop3A_460 {strides = array<i32>} : memref<128x128xf32, #tpu.memory_space<vmem>>, vector<16xf32>,
        %parallel_loop3A_464 = arith.index_cast %parallel_loop3A_449 : i32 to index
        %parallel_loop3A_465 = arith.constant 32 : index
        %parallel_loop3A_466 = tpu.vector_load %arg10[%parallel_loop3A_464, %parallel_loop3A_465] {strides = array<i32>} : memref<128x128xf32, #tpu.memory_space<vmem>>, vector<16xf32>,
        %parallel_loop3A_467 = arith.mulf %parallel_loop3A_466, %parallel_loop3A_445 : vector<16xf32>
        %parallel_loop3A_468 = arith.index_cast %parallel_loop3A_449 : i32 to index
        %parallel_loop3A_469 = arith.constant 32 : index
        %parallel_loop3A_470 = tpu.vector_load %arg10[%parallel_loop3A_468, %parallel_loop3A_469] {strides = array<i32>} : memref<128x128xf32, #tpu.memory_space<vmem>>, vector<16xf32>,
        tpu.vector_store %arg10[%parallel_loop3A_468, %parallel_loop3A_469], %parallel_loop3A_467 {strides = array<i32>} : memref<128x128xf32, #tpu.memory_space<vmem>>, vector<16xf32>,
        %parallel_loop3A_471 = arith.index_cast %parallel_loop3A_449 : i32 to index
        %parallel_loop3A_472 = arith.constant 48 : index
        %parallel_loop3A_473 = tpu.vector_load %arg10[%parallel_loop3A_471, %parallel_loop3A_472] {strides = array<i32>} : memref<128x128xf32, #tpu.memory_space<vmem>>, vector<16xf32>,
        %parallel_loop3A_474 = arith.mulf %parallel_loop3A_473, %parallel_loop3A_445 : vector<16xf32>
        %parallel_loop3A_475 = arith.index_cast %parallel_loop3A_449 : i32 to index
        %parallel_loop3A_476 = arith.constant 48 : index
        %parallel_loop3A_477 = tpu.vector_load %arg10[%parallel_loop3A_475, %parallel_loop3A_476] {strides = array<i32>} : memref<128x128xf32, #tpu.memory_space<vmem>>, vector<16xf32>,
        tpu.vector_store %arg10[%parallel_loop3A_475, %parallel_loop3A_476], %parallel_loop3A_474 {strides = array<i32>} : memref<128x128xf32, #tpu.memory_space<vmem>>, vector<16xf32>,
        %parallel_loop3A_478 = arith.index_cast %parallel_loop3A_449 : i32 to index
        %parallel_loop3A_479 = arith.constant 64 : index
        %parallel_loop3A_480 = tpu.vector_load %arg10[%parallel_loop3A_478, %parallel_loop3A_479] {strides = array<i32>} : memref<128x128xf32, #tpu.memory_space<vmem>>, vector<16xf32>,
        %parallel_loop3A_481 = arith.mulf %parallel_loop3A_480, %parallel_loop3A_445 : vector<16xf32>
        %parallel_loop3A_482 = arith.index_cast %parallel_loop3A_449 : i32 to index
        %parallel_loop3A_483 = arith.constant 64 : index
        %parallel_loop3A_484 = tpu.vector_load %arg10[%parallel_loop3A_482, %parallel_loop3A_483] {strides = array<i32>} : memref<128x128xf32, #tpu.memory_space<vmem>>, vector<16xf32>,
        tpu.vector_store %arg10[%parallel_loop3A_482, %parallel_loop3A_483], %parallel_loop3A_481 {strides = array<i32>} : memref<128x128xf32, #tpu.memory_space<vmem>>, vector<16xf32>,
        %parallel_loop3A_485 = arith.index_cast %parallel_loop3A_449 : i32 to index
        %parallel_loop3A_486 = arith.constant 80 : index
        %parallel_loop3A_487 = tpu.vector_load %arg10[%parallel_loop3A_485, %parallel_loop3A_486] {strides = array<i32>} : memref<128x128xf32, #tpu.memory_space<vmem>>, vector<16xf32>,
        %parallel_loop3A_488 = arith.mulf %parallel_loop3A_487, %parallel_loop3A_445 : vector<16xf32>
        %parallel_loop3A_489 = arith.index_cast %parallel_loop3A_449 : i32 to index
        %parallel_loop3A_490 = arith.constant 80 : index
        %parallel_loop3A_491 = tpu.vector_load %arg10[%parallel_loop3A_489, %parallel_loop3A_490] {strides = array<i32>} : memref<128x128xf32, #tpu.memory_space<vmem>>, vector<16xf32>,
        tpu.vector_store %arg10[%parallel_loop3A_489, %parallel_loop3A_490], %parallel_loop3A_488 {strides = array<i32>} : memref<128x128xf32, #tpu.memory_space<vmem>>, vector<16xf32>,
        %parallel_loop3A_492 = arith.index_cast %parallel_loop3A_449 : i32 to index
        %parallel_loop3A_493 = arith.constant 96 : index
        %parallel_loop3A_494 = tpu.vector_load %arg10[%parallel_loop3A_492, %parallel_loop3A_493] {strides = array<i32>} : memref<128x128xf32, #tpu.memory_space<vmem>>, vector<16xf32>,
        %parallel_loop3A_495 = arith.mulf %parallel_loop3A_494, %parallel_loop3A_445 : vector<16xf32>
        %parallel_loop3A_496 = arith.index_cast %parallel_loop3A_449 : i32 to index
        %parallel_loop3A_497 = arith.constant 96 : index
        %parallel_loop3A_498 = tpu.vector_load %arg10[%parallel_loop3A_496, %parallel_loop3A_497] {strides = array<i32>} : memref<128x128xf32, #tpu.memory_space<vmem>>, vector<16xf32>,
        tpu.vector_store %arg10[%parallel_loop3A_496, %parallel_loop3A_497], %parallel_loop3A_495 {strides = array<i32>} : memref<128x128xf32, #tpu.memory_space<vmem>>, vector<16xf32>,
        %parallel_loop3A_499 = arith.index_cast %parallel_loop3A_449 : i32 to index
        %parallel_loop3A_500 = arith.constant 112 : index
        %parallel_loop3A_501 = tpu.vector_load %arg10[%parallel_loop3A_499, %parallel_loop3A_500] {strides = array<i32>} : memref<128x128xf32, #tpu.memory_space<vmem>>, vector<16xf32>,
        %parallel_loop3A_502 = arith.mulf %parallel_loop3A_501, %parallel_loop3A_445 : vector<16xf32>
        %parallel_loop3A_503 = arith.index_cast %parallel_loop3A_449 : i32 to index
        %parallel_loop3A_504 = arith.constant 112 : index
        %parallel_loop3A_505 = tpu.vector_load %arg10[%parallel_loop3A_503, %parallel_loop3A_504] {strides = array<i32>} : memref<128x128xf32, #tpu.memory_space<vmem>>, vector<16xf32>,
        tpu.vector_store %arg10[%parallel_loop3A_503, %parallel_loop3A_504], %parallel_loop3A_502 {strides = array<i32>} : memref<128x128xf32, #tpu.memory_space<vmem>>, vector<16xf32>,
        %parallel_loop3A_506 = arith.constant 5 : i32
        %parallel_loop3A_507 = vector.broadcast %parallel_loop3A_506 : i32 to vector<16xi32>
        %parallel_loop3A_508 = arith.constant 0 : i32
        %parallel_loop3A_509 = vector.broadcast %parallel_loop3A_508 : i32 to vector<16xi32>
        %parallel_loop3A_510 = arith.cmpi slt, %parallel_loop3A_507, %parallel_loop3A_509 : vector<16xi32>
        %parallel_loop3A_511 = arith.constant 16 : i32
        %parallel_loop3A_512 = vector.broadcast %parallel_loop3A_511 : i32 to vector<16xi32>
        %parallel_loop3A_513 = arith.addi %parallel_loop3A_507, %parallel_loop3A_512 : vector<16xi32>
        %parallel_loop3A_514 = arith.select %parallel_loop3A_510, %parallel_loop3A_513, %parallel_loop3A_507 : vector<16xi1>, vector<16xi32>
        %parallel_loop3A_515 = vector.shape_cast %parallel_loop3A_514 : vector<16xi32> to vector<16x1xi32>
        %parallel_loop3A_516 = vector.shape_cast %parallel_loop3A_515 : vector<16x1xi32> to vector<16xi32>
        %parallel_loop3A_517 = tpu.dynamic_gather %parallel_loop3A_145[%parallel_loop3A_516] in [0] : vector<16xf32>, vector<16xi32> -> vector<16xf32>
        %parallel_loop3A_518 = arith.constant 16 : i32
        %parallel_loop3A_519 = arith.muli %parallel_loop3A_111, %parallel_loop3A_518 : i32
        %parallel_loop3A_520 = arith.constant 5 : i32
        %parallel_loop3A_521 = arith.addi %parallel_loop3A_519, %parallel_loop3A_520 : i32
        %parallel_loop3A_522 = arith.index_cast %parallel_loop3A_521 : i32 to index
        %parallel_loop3A_523 = arith.constant 0 : index
        %parallel_loop3A_524 = tpu.vector_load %arg10[%parallel_loop3A_522, %parallel_loop3A_523] {strides = array<i32>} : memref<128x128xf32, #tpu.memory_space<vmem>>, vector<16xf32>,
        %parallel_loop3A_525 = arith.mulf %parallel_loop3A_524, %parallel_loop3A_517 : vector<16xf32>
        %parallel_loop3A_526 = arith.index_cast %parallel_loop3A_521 : i32 to index
        %parallel_loop3A_527 = arith.constant 0 : index
        %parallel_loop3A_528 = tpu.vector_load %arg10[%parallel_loop3A_526, %parallel_loop3A_527] {strides = array<i32>} : memref<128x128xf32, #tpu.memory_space<vmem>>, vector<16xf32>,
        tpu.vector_store %arg10[%parallel_loop3A_526, %parallel_loop3A_527], %parallel_loop3A_525 {strides = array<i32>} : memref<128x128xf32, #tpu.memory_space<vmem>>, vector<16xf32>,
        %parallel_loop3A_529 = arith.index_cast %parallel_loop3A_521 : i32 to index
        %parallel_loop3A_530 = arith.constant 16 : index
        %parallel_loop3A_531 = tpu.vector_load %arg10[%parallel_loop3A_529, %parallel_loop3A_530] {strides = array<i32>} : memref<128x128xf32, #tpu.memory_space<vmem>>, vector<16xf32>,
        %parallel_loop3A_532 = arith.mulf %parallel_loop3A_531, %parallel_loop3A_517 : vector<16xf32>
        %parallel_loop3A_533 = arith.index_cast %parallel_loop3A_521 : i32 to index
        %parallel_loop3A_534 = arith.constant 16 : index
        %parallel_loop3A_535 = tpu.vector_load %arg10[%parallel_loop3A_533, %parallel_loop3A_534] {strides = array<i32>} : memref<128x128xf32, #tpu.memory_space<vmem>>, vector<16xf32>,
        tpu.vector_store %arg10[%parallel_loop3A_533, %parallel_loop3A_534], %parallel_loop3A_532 {strides = array<i32>} : memref<128x128xf32, #tpu.memory_space<vmem>>, vector<16xf32>,
        %parallel_loop3A_536 = arith.index_cast %parallel_loop3A_521 : i32 to index
        %parallel_loop3A_537 = arith.constant 32 : index
        %parallel_loop3A_538 = tpu.vector_load %arg10[%parallel_loop3A_536, %parallel_loop3A_537] {strides = array<i32>} : memref<128x128xf32, #tpu.memory_space<vmem>>, vector<16xf32>,
        %parallel_loop3A_539 = arith.mulf %parallel_loop3A_538, %parallel_loop3A_517 : vector<16xf32>
        %parallel_loop3A_540 = arith.index_cast %parallel_loop3A_521 : i32 to index
        %parallel_loop3A_541 = arith.constant 32 : index
        %parallel_loop3A_542 = tpu.vector_load %arg10[%parallel_loop3A_540, %parallel_loop3A_541] {strides = array<i32>} : memref<128x128xf32, #tpu.memory_space<vmem>>, vector<16xf32>,
        tpu.vector_store %arg10[%parallel_loop3A_540, %parallel_loop3A_541], %parallel_loop3A_539 {strides = array<i32>} : memref<128x128xf32, #tpu.memory_space<vmem>>, vector<16xf32>,
        %parallel_loop3A_543 = arith.index_cast %parallel_loop3A_521 : i32 to index
        %parallel_loop3A_544 = arith.constant 48 : index
        %parallel_loop3A_545 = tpu.vector_load %arg10[%parallel_loop3A_543, %parallel_loop3A_544] {strides = array<i32>} : memref<128x128xf32, #tpu.memory_space<vmem>>, vector<16xf32>,
        %parallel_loop3A_546 = arith.mulf %parallel_loop3A_545, %parallel_loop3A_517 : vector<16xf32>
        %parallel_loop3A_547 = arith.index_cast %parallel_loop3A_521 : i32 to index
        %parallel_loop3A_548 = arith.constant 48 : index
        %parallel_loop3A_549 = tpu.vector_load %arg10[%parallel_loop3A_547, %parallel_loop3A_548] {strides = array<i32>} : memref<128x128xf32, #tpu.memory_space<vmem>>, vector<16xf32>,
        tpu.vector_store %arg10[%parallel_loop3A_547, %parallel_loop3A_548], %parallel_loop3A_546 {strides = array<i32>} : memref<128x128xf32, #tpu.memory_space<vmem>>, vector<16xf32>,
        %parallel_loop3A_550 = arith.index_cast %parallel_loop3A_521 : i32 to index
        %parallel_loop3A_551 = arith.constant 64 : index
        %parallel_loop3A_552 = tpu.vector_load %arg10[%parallel_loop3A_550, %parallel_loop3A_551] {strides = array<i32>} : memref<128x128xf32, #tpu.memory_space<vmem>>, vector<16xf32>,
        %parallel_loop3A_553 = arith.mulf %parallel_loop3A_552, %parallel_loop3A_517 : vector<16xf32>
        %parallel_loop3A_554 = arith.index_cast %parallel_loop3A_521 : i32 to index
        %parallel_loop3A_555 = arith.constant 64 : index
        %parallel_loop3A_556 = tpu.vector_load %arg10[%parallel_loop3A_554, %parallel_loop3A_555] {strides = array<i32>} : memref<128x128xf32, #tpu.memory_space<vmem>>, vector<16xf32>,
        tpu.vector_store %arg10[%parallel_loop3A_554, %parallel_loop3A_555], %parallel_loop3A_553 {strides = array<i32>} : memref<128x128xf32, #tpu.memory_space<vmem>>, vector<16xf32>,
        %parallel_loop3A_557 = arith.index_cast %parallel_loop3A_521 : i32 to index
        %parallel_loop3A_558 = arith.constant 80 : index
        %parallel_loop3A_559 = tpu.vector_load %arg10[%parallel_loop3A_557, %parallel_loop3A_558] {strides = array<i32>} : memref<128x128xf32, #tpu.memory_space<vmem>>, vector<16xf32>,
        %parallel_loop3A_560 = arith.mulf %parallel_loop3A_559, %parallel_loop3A_517 : vector<16xf32>
        %parallel_loop3A_561 = arith.index_cast %parallel_loop3A_521 : i32 to index
        %parallel_loop3A_562 = arith.constant 80 : index
        %parallel_loop3A_563 = tpu.vector_load %arg10[%parallel_loop3A_561, %parallel_loop3A_562] {strides = array<i32>} : memref<128x128xf32, #tpu.memory_space<vmem>>, vector<16xf32>,
        tpu.vector_store %arg10[%parallel_loop3A_561, %parallel_loop3A_562], %parallel_loop3A_560 {strides = array<i32>} : memref<128x128xf32, #tpu.memory_space<vmem>>, vector<16xf32>,
        %parallel_loop3A_564 = arith.index_cast %parallel_loop3A_521 : i32 to index
        %parallel_loop3A_565 = arith.constant 96 : index
        %parallel_loop3A_566 = tpu.vector_load %arg10[%parallel_loop3A_564, %parallel_loop3A_565] {strides = array<i32>} : memref<128x128xf32, #tpu.memory_space<vmem>>, vector<16xf32>,
        %parallel_loop3A_567 = arith.mulf %parallel_loop3A_566, %parallel_loop3A_517 : vector<16xf32>
        %parallel_loop3A_568 = arith.index_cast %parallel_loop3A_521 : i32 to index
        %parallel_loop3A_569 = arith.constant 96 : index
        %parallel_loop3A_570 = tpu.vector_load %arg10[%parallel_loop3A_568, %parallel_loop3A_569] {strides = array<i32>} : memref<128x128xf32, #tpu.memory_space<vmem>>, vector<16xf32>,
        tpu.vector_store %arg10[%parallel_loop3A_568, %parallel_loop3A_569], %parallel_loop3A_567 {strides = array<i32>} : memref<128x128xf32, #tpu.memory_space<vmem>>, vector<16xf32>,
        %parallel_loop3A_571 = arith.index_cast %parallel_loop3A_521 : i32 to index
        %parallel_loop3A_572 = arith.constant 112 : index
        %parallel_loop3A_573 = tpu.vector_load %arg10[%parallel_loop3A_571, %parallel_loop3A_572] {strides = array<i32>} : memref<128x128xf32, #tpu.memory_space<vmem>>, vector<16xf32>,
        %parallel_loop3A_574 = arith.mulf %parallel_loop3A_573, %parallel_loop3A_517 : vector<16xf32>
        %parallel_loop3A_575 = arith.index_cast %parallel_loop3A_521 : i32 to index
        %parallel_loop3A_576 = arith.constant 112 : index
        %parallel_loop3A_577 = tpu.vector_load %arg10[%parallel_loop3A_575, %parallel_loop3A_576] {strides = array<i32>} : memref<128x128xf32, #tpu.memory_space<vmem>>, vector<16xf32>,
        tpu.vector_store %arg10[%parallel_loop3A_575, %parallel_loop3A_576], %parallel_loop3A_574 {strides = array<i32>} : memref<128x128xf32, #tpu.memory_space<vmem>>, vector<16xf32>,
        %parallel_loop3A_578 = arith.constant 6 : i32
        %parallel_loop3A_579 = vector.broadcast %parallel_loop3A_578 : i32 to vector<16xi32>
        %parallel_loop3A_580 = arith.constant 0 : i32
        %parallel_loop3A_581 = vector.broadcast %parallel_loop3A_580 : i32 to vector<16xi32>
        %parallel_loop3A_582 = arith.cmpi slt, %parallel_loop3A_579, %parallel_loop3A_581 : vector<16xi32>
        %parallel_loop3A_583 = arith.constant 16 : i32
        %parallel_loop3A_584 = vector.broadcast %parallel_loop3A_583 : i32 to vector<16xi32>
        %parallel_loop3A_585 = arith.addi %parallel_loop3A_579, %parallel_loop3A_584 : vector<16xi32>
        %parallel_loop3A_586 = arith.select %parallel_loop3A_582, %parallel_loop3A_585, %parallel_loop3A_579 : vector<16xi1>, vector<16xi32>
        %parallel_loop3A_587 = vector.shape_cast %parallel_loop3A_586 : vector<16xi32> to vector<16x1xi32>
        %parallel_loop3A_588 = vector.shape_cast %parallel_loop3A_587 : vector<16x1xi32> to vector<16xi32>
        %parallel_loop3A_589 = tpu.dynamic_gather %parallel_loop3A_145[%parallel_loop3A_588] in [0] : vector<16xf32>, vector<16xi32> -> vector<16xf32>
        %parallel_loop3A_590 = arith.constant 16 : i32
        %parallel_loop3A_591 = arith.muli %parallel_loop3A_111, %parallel_loop3A_590 : i32
        %parallel_loop3A_592 = arith.constant 6 : i32
        %parallel_loop3A_593 = arith.addi %parallel_loop3A_591, %parallel_loop3A_592 : i32
        %parallel_loop3A_594 = arith.index_cast %parallel_loop3A_593 : i32 to index
        %parallel_loop3A_595 = arith.constant 0 : index
        %parallel_loop3A_596 = tpu.vector_load %arg10[%parallel_loop3A_594, %parallel_loop3A_595] {strides = array<i32>} : memref<128x128xf32, #tpu.memory_space<vmem>>, vector<16xf32>,
        %parallel_loop3A_597 = arith.mulf %parallel_loop3A_596, %parallel_loop3A_589 : vector<16xf32>
        %parallel_loop3A_598 = arith.index_cast %parallel_loop3A_593 : i32 to index
        %parallel_loop3A_599 = arith.constant 0 : index
        %parallel_loop3A_600 = tpu.vector_load %arg10[%parallel_loop3A_598, %parallel_loop3A_599] {strides = array<i32>} : memref<128x128xf32, #tpu.memory_space<vmem>>, vector<16xf32>,
        tpu.vector_store %arg10[%parallel_loop3A_598, %parallel_loop3A_599], %parallel_loop3A_597 {strides = array<i32>} : memref<128x128xf32, #tpu.memory_space<vmem>>, vector<16xf32>,
        %parallel_loop3A_601 = arith.index_cast %parallel_loop3A_593 : i32 to index
        %parallel_loop3A_602 = arith.constant 16 : index
        %parallel_loop3A_603 = tpu.vector_load %arg10[%parallel_loop3A_601, %parallel_loop3A_602] {strides = array<i32>} : memref<128x128xf32, #tpu.memory_space<vmem>>, vector<16xf32>,
        %parallel_loop3A_604 = arith.mulf %parallel_loop3A_603, %parallel_loop3A_589 : vector<16xf32>
        %parallel_loop3A_605 = arith.index_cast %parallel_loop3A_593 : i32 to index
        %parallel_loop3A_606 = arith.constant 16 : index
        %parallel_loop3A_607 = tpu.vector_load %arg10[%parallel_loop3A_605, %parallel_loop3A_606] {strides = array<i32>} : memref<128x128xf32, #tpu.memory_space<vmem>>, vector<16xf32>,
        tpu.vector_store %arg10[%parallel_loop3A_605, %parallel_loop3A_606], %parallel_loop3A_604 {strides = array<i32>} : memref<128x128xf32, #tpu.memory_space<vmem>>, vector<16xf32>,
        %parallel_loop3A_608 = arith.index_cast %parallel_loop3A_593 : i32 to index
        %parallel_loop3A_609 = arith.constant 32 : index
        %parallel_loop3A_610 = tpu.vector_load %arg10[%parallel_loop3A_608, %parallel_loop3A_609] {strides = array<i32>} : memref<128x128xf32, #tpu.memory_space<vmem>>, vector<16xf32>,
        %parallel_loop3A_611 = arith.mulf %parallel_loop3A_610, %parallel_loop3A_589 : vector<16xf32>
        %parallel_loop3A_612 = arith.index_cast %parallel_loop3A_593 : i32 to index
        %parallel_loop3A_613 = arith.constant 32 : index
        %parallel_loop3A_614 = tpu.vector_load %arg10[%parallel_loop3A_612, %parallel_loop3A_613] {strides = array<i32>} : memref<128x128xf32, #tpu.memory_space<vmem>>, vector<16xf32>,
        tpu.vector_store %arg10[%parallel_loop3A_612, %parallel_loop3A_613], %parallel_loop3A_611 {strides = array<i32>} : memref<128x128xf32, #tpu.memory_space<vmem>>, vector<16xf32>,
        %parallel_loop3A_615 = arith.index_cast %parallel_loop3A_593 : i32 to index
        %parallel_loop3A_616 = arith.constant 48 : index
        %parallel_loop3A_617 = tpu.vector_load %arg10[%parallel_loop3A_615, %parallel_loop3A_616] {strides = array<i32>} : memref<128x128xf32, #tpu.memory_space<vmem>>, vector<16xf32>,
        %parallel_loop3A_618 = arith.mulf %parallel_loop3A_617, %parallel_loop3A_589 : vector<16xf32>
        %parallel_loop3A_619 = arith.index_cast %parallel_loop3A_593 : i32 to index
        %parallel_loop3A_620 = arith.constant 48 : index
        %parallel_loop3A_621 = tpu.vector_load %arg10[%parallel_loop3A_619, %parallel_loop3A_620] {strides = array<i32>} : memref<128x128xf32, #tpu.memory_space<vmem>>, vector<16xf32>,
        tpu.vector_store %arg10[%parallel_loop3A_619, %parallel_loop3A_620], %parallel_loop3A_618 {strides = array<i32>} : memref<128x128xf32, #tpu.memory_space<vmem>>, vector<16xf32>,
        %parallel_loop3A_622 = arith.index_cast %parallel_loop3A_593 : i32 to index
        %parallel_loop3A_623 = arith.constant 64 : index
        %parallel_loop3A_624 = tpu.vector_load %arg10[%parallel_loop3A_622, %parallel_loop3A_623] {strides = array<i32>} : memref<128x128xf32, #tpu.memory_space<vmem>>, vector<16xf32>,
        %parallel_loop3A_625 = arith.mulf %parallel_loop3A_624, %parallel_loop3A_589 : vector<16xf32>
        %parallel_loop3A_626 = arith.index_cast %parallel_loop3A_593 : i32 to index
        %parallel_loop3A_627 = arith.constant 64 : index
        %parallel_loop3A_628 = tpu.vector_load %arg10[%parallel_loop3A_626, %parallel_loop3A_627] {strides = array<i32>} : memref<128x128xf32, #tpu.memory_space<vmem>>, vector<16xf32>,
        tpu.vector_store %arg10[%parallel_loop3A_626, %parallel_loop3A_627], %parallel_loop3A_625 {strides = array<i32>} : memref<128x128xf32, #tpu.memory_space<vmem>>, vector<16xf32>,
        %parallel_loop3A_629 = arith.index_cast %parallel_loop3A_593 : i32 to index
        %parallel_loop3A_630 = arith.constant 80 : index
        %parallel_loop3A_631 = tpu.vector_load %arg10[%parallel_loop3A_629, %parallel_loop3A_630] {strides = array<i32>} : memref<128x128xf32, #tpu.memory_space<vmem>>, vector<16xf32>,
        %parallel_loop3A_632 = arith.mulf %parallel_loop3A_631, %parallel_loop3A_589 : vector<16xf32>
        %parallel_loop3A_633 = arith.index_cast %parallel_loop3A_593 : i32 to index
        %parallel_loop3A_634 = arith.constant 80 : index
        %parallel_loop3A_635 = tpu.vector_load %arg10[%parallel_loop3A_633, %parallel_loop3A_634] {strides = array<i32>} : memref<128x128xf32, #tpu.memory_space<vmem>>, vector<16xf32>,
        tpu.vector_store %arg10[%parallel_loop3A_633, %parallel_loop3A_634], %parallel_loop3A_632 {strides = array<i32>} : memref<128x128xf32, #tpu.memory_space<vmem>>, vector<16xf32>,
        %parallel_loop3A_636 = arith.index_cast %parallel_loop3A_593 : i32 to index
        %parallel_loop3A_637 = arith.constant 96 : index
        %parallel_loop3A_638 = tpu.vector_load %arg10[%parallel_loop3A_636, %parallel_loop3A_637] {strides = array<i32>} : memref<128x128xf32, #tpu.memory_space<vmem>>, vector<16xf32>,
        %parallel_loop3A_639 = arith.mulf %parallel_loop3A_638, %parallel_loop3A_589 : vector<16xf32>
        %parallel_loop3A_640 = arith.index_cast %parallel_loop3A_593 : i32 to index
        %parallel_loop3A_641 = arith.constant 96 : index
        %parallel_loop3A_642 = tpu.vector_load %arg10[%parallel_loop3A_640, %parallel_loop3A_641] {strides = array<i32>} : memref<128x128xf32, #tpu.memory_space<vmem>>, vector<16xf32>,
        tpu.vector_store %arg10[%parallel_loop3A_640, %parallel_loop3A_641], %parallel_loop3A_639 {strides = array<i32>} : memref<128x128xf32, #tpu.memory_space<vmem>>, vector<16xf32>,
        %parallel_loop3A_643 = arith.index_cast %parallel_loop3A_593 : i32 to index
        %parallel_loop3A_644 = arith.constant 112 : index
        %parallel_loop3A_645 = tpu.vector_load %arg10[%parallel_loop3A_643, %parallel_loop3A_644] {strides = array<i32>} : memref<128x128xf32, #tpu.memory_space<vmem>>, vector<16xf32>,
        %parallel_loop3A_646 = arith.mulf %parallel_loop3A_645, %parallel_loop3A_589 : vector<16xf32>
        %parallel_loop3A_647 = arith.index_cast %parallel_loop3A_593 : i32 to index
        %parallel_loop3A_648 = arith.constant 112 : index
        %parallel_loop3A_649 = tpu.vector_load %arg10[%parallel_loop3A_647, %parallel_loop3A_648] {strides = array<i32>} : memref<128x128xf32, #tpu.memory_space<vmem>>, vector<16xf32>,
        tpu.vector_store %arg10[%parallel_loop3A_647, %parallel_loop3A_648], %parallel_loop3A_646 {strides = array<i32>} : memref<128x128xf32, #tpu.memory_space<vmem>>, vector<16xf32>,
        %parallel_loop3A_650 = arith.constant 7 : i32
        %parallel_loop3A_651 = vector.broadcast %parallel_loop3A_650 : i32 to vector<16xi32>
        %parallel_loop3A_652 = arith.constant 0 : i32
        %parallel_loop3A_653 = vector.broadcast %parallel_loop3A_652 : i32 to vector<16xi32>
        %parallel_loop3A_654 = arith.cmpi slt, %parallel_loop3A_651, %parallel_loop3A_653 : vector<16xi32>
        %parallel_loop3A_655 = arith.constant 16 : i32
        %parallel_loop3A_656 = vector.broadcast %parallel_loop3A_655 : i32 to vector<16xi32>
        %parallel_loop3A_657 = arith.addi %parallel_loop3A_651, %parallel_loop3A_656 : vector<16xi32>
        %parallel_loop3A_658 = arith.select %parallel_loop3A_654, %parallel_loop3A_657, %parallel_loop3A_651 : vector<16xi1>, vector<16xi32>
        %parallel_loop3A_659 = vector.shape_cast %parallel_loop3A_658 : vector<16xi32> to vector<16x1xi32>
        %parallel_loop3A_660 = vector.shape_cast %parallel_loop3A_659 : vector<16x1xi32> to vector<16xi32>
        %parallel_loop3A_661 = tpu.dynamic_gather %parallel_loop3A_145[%parallel_loop3A_660] in [0] : vector<16xf32>, vector<16xi32> -> vector<16xf32>
        %parallel_loop3A_662 = arith.constant 16 : i32
        %parallel_loop3A_663 = arith.muli %parallel_loop3A_111, %parallel_loop3A_662 : i32
        %parallel_loop3A_664 = arith.constant 7 : i32
        %parallel_loop3A_665 = arith.addi %parallel_loop3A_663, %parallel_loop3A_664 : i32
        %parallel_loop3A_666 = arith.index_cast %parallel_loop3A_665 : i32 to index
        %parallel_loop3A_667 = arith.constant 0 : index
        %parallel_loop3A_668 = tpu.vector_load %arg10[%parallel_loop3A_666, %parallel_loop3A_667] {strides = array<i32>} : memref<128x128xf32, #tpu.memory_space<vmem>>, vector<16xf32>,
        %parallel_loop3A_669 = arith.mulf %parallel_loop3A_668, %parallel_loop3A_661 : vector<16xf32>
        %parallel_loop3A_670 = arith.index_cast %parallel_loop3A_665 : i32 to index
        %parallel_loop3A_671 = arith.constant 0 : index
        %parallel_loop3A_672 = tpu.vector_load %arg10[%parallel_loop3A_670, %parallel_loop3A_671] {strides = array<i32>} : memref<128x128xf32, #tpu.memory_space<vmem>>, vector<16xf32>,
        tpu.vector_store %arg10[%parallel_loop3A_670, %parallel_loop3A_671], %parallel_loop3A_669 {strides = array<i32>} : memref<128x128xf32, #tpu.memory_space<vmem>>, vector<16xf32>,
        %parallel_loop3A_673 = arith.index_cast %parallel_loop3A_665 : i32 to index
        %parallel_loop3A_674 = arith.constant 16 : index
        %parallel_loop3A_675 = tpu.vector_load %arg10[%parallel_loop3A_673, %parallel_loop3A_674] {strides = array<i32>} : memref<128x128xf32, #tpu.memory_space<vmem>>, vector<16xf32>,
        %parallel_loop3A_676 = arith.mulf %parallel_loop3A_675, %parallel_loop3A_661 : vector<16xf32>
        %parallel_loop3A_677 = arith.index_cast %parallel_loop3A_665 : i32 to index
        %parallel_loop3A_678 = arith.constant 16 : index
        %parallel_loop3A_679 = tpu.vector_load %arg10[%parallel_loop3A_677, %parallel_loop3A_678] {strides = array<i32>} : memref<128x128xf32, #tpu.memory_space<vmem>>, vector<16xf32>,
        tpu.vector_store %arg10[%parallel_loop3A_677, %parallel_loop3A_678], %parallel_loop3A_676 {strides = array<i32>} : memref<128x128xf32, #tpu.memory_space<vmem>>, vector<16xf32>,
        %parallel_loop3A_680 = arith.index_cast %parallel_loop3A_665 : i32 to index
        %parallel_loop3A_681 = arith.constant 32 : index
        %parallel_loop3A_682 = tpu.vector_load %arg10[%parallel_loop3A_680, %parallel_loop3A_681] {strides = array<i32>} : memref<128x128xf32, #tpu.memory_space<vmem>>, vector<16xf32>,
        %parallel_loop3A_683 = arith.mulf %parallel_loop3A_682, %parallel_loop3A_661 : vector<16xf32>
        %parallel_loop3A_684 = arith.index_cast %parallel_loop3A_665 : i32 to index
        %parallel_loop3A_685 = arith.constant 32 : index
        %parallel_loop3A_686 = tpu.vector_load %arg10[%parallel_loop3A_684, %parallel_loop3A_685] {strides = array<i32>} : memref<128x128xf32, #tpu.memory_space<vmem>>, vector<16xf32>,
        tpu.vector_store %arg10[%parallel_loop3A_684, %parallel_loop3A_685], %parallel_loop3A_683 {strides = array<i32>} : memref<128x128xf32, #tpu.memory_space<vmem>>, vector<16xf32>,
        %parallel_loop3A_687 = arith.index_cast %parallel_loop3A_665 : i32 to index
        %parallel_loop3A_688 = arith.constant 48 : index
        %parallel_loop3A_689 = tpu.vector_load %arg10[%parallel_loop3A_687, %parallel_loop3A_688] {strides = array<i32>} : memref<128x128xf32, #tpu.memory_space<vmem>>, vector<16xf32>,
        %parallel_loop3A_690 = arith.mulf %parallel_loop3A_689, %parallel_loop3A_661 : vector<16xf32>
        %parallel_loop3A_691 = arith.index_cast %parallel_loop3A_665 : i32 to index
        %parallel_loop3A_692 = arith.constant 48 : index
        %parallel_loop3A_693 = tpu.vector_load %arg10[%parallel_loop3A_691, %parallel_loop3A_692] {strides = array<i32>} : memref<128x128xf32, #tpu.memory_space<vmem>>, vector<16xf32>,
        tpu.vector_store %arg10[%parallel_loop3A_691, %parallel_loop3A_692], %parallel_loop3A_690 {strides = array<i32>} : memref<128x128xf32, #tpu.memory_space<vmem>>, vector<16xf32>,
        %parallel_loop3A_694 = arith.index_cast %parallel_loop3A_665 : i32 to index
        %parallel_loop3A_695 = arith.constant 64 : index
        %parallel_loop3A_696 = tpu.vector_load %arg10[%parallel_loop3A_694, %parallel_loop3A_695] {strides = array<i32>} : memref<128x128xf32, #tpu.memory_space<vmem>>, vector<16xf32>,
        %parallel_loop3A_697 = arith.mulf %parallel_loop3A_696, %parallel_loop3A_661 : vector<16xf32>
        %parallel_loop3A_698 = arith.index_cast %parallel_loop3A_665 : i32 to index
        %parallel_loop3A_699 = arith.constant 64 : index
        %parallel_loop3A_700 = tpu.vector_load %arg10[%parallel_loop3A_698, %parallel_loop3A_699] {strides = array<i32>} : memref<128x128xf32, #tpu.memory_space<vmem>>, vector<16xf32>,
        tpu.vector_store %arg10[%parallel_loop3A_698, %parallel_loop3A_699], %parallel_loop3A_697 {strides = array<i32>} : memref<128x128xf32, #tpu.memory_space<vmem>>, vector<16xf32>,
        %parallel_loop3A_701 = arith.index_cast %parallel_loop3A_665 : i32 to index
        %parallel_loop3A_702 = arith.constant 80 : index
        %parallel_loop3A_703 = tpu.vector_load %arg10[%parallel_loop3A_701, %parallel_loop3A_702] {strides = array<i32>} : memref<128x128xf32, #tpu.memory_space<vmem>>, vector<16xf32>,
        %parallel_loop3A_704 = arith.mulf %parallel_loop3A_703, %parallel_loop3A_661 : vector<16xf32>
        %parallel_loop3A_705 = arith.index_cast %parallel_loop3A_665 : i32 to index
        %parallel_loop3A_706 = arith.constant 80 : index
        %parallel_loop3A_707 = tpu.vector_load %arg10[%parallel_loop3A_705, %parallel_loop3A_706] {strides = array<i32>} : memref<128x128xf32, #tpu.memory_space<vmem>>, vector<16xf32>,
        tpu.vector_store %arg10[%parallel_loop3A_705, %parallel_loop3A_706], %parallel_loop3A_704 {strides = array<i32>} : memref<128x128xf32, #tpu.memory_space<vmem>>, vector<16xf32>,
        %parallel_loop3A_708 = arith.index_cast %parallel_loop3A_665 : i32 to index
        %parallel_loop3A_709 = arith.constant 96 : index
        %parallel_loop3A_710 = tpu.vector_load %arg10[%parallel_loop3A_708, %parallel_loop3A_709] {strides = array<i32>} : memref<128x128xf32, #tpu.memory_space<vmem>>, vector<16xf32>,
        %parallel_loop3A_711 = arith.mulf %parallel_loop3A_710, %parallel_loop3A_661 : vector<16xf32>
        %parallel_loop3A_712 = arith.index_cast %parallel_loop3A_665 : i32 to index
        %parallel_loop3A_713 = arith.constant 96 : index
        %parallel_loop3A_714 = tpu.vector_load %arg10[%parallel_loop3A_712, %parallel_loop3A_713] {strides = array<i32>} : memref<128x128xf32, #tpu.memory_space<vmem>>, vector<16xf32>,
        tpu.vector_store %arg10[%parallel_loop3A_712, %parallel_loop3A_713], %parallel_loop3A_711 {strides = array<i32>} : memref<128x128xf32, #tpu.memory_space<vmem>>, vector<16xf32>,
        %parallel_loop3A_715 = arith.index_cast %parallel_loop3A_665 : i32 to index
        %parallel_loop3A_716 = arith.constant 112 : index
        %parallel_loop3A_717 = tpu.vector_load %arg10[%parallel_loop3A_715, %parallel_loop3A_716] {strides = array<i32>} : memref<128x128xf32, #tpu.memory_space<vmem>>, vector<16xf32>,
        %parallel_loop3A_718 = arith.mulf %parallel_loop3A_717, %parallel_loop3A_661 : vector<16xf32>
        %parallel_loop3A_719 = arith.index_cast %parallel_loop3A_665 : i32 to index
        %parallel_loop3A_720 = arith.constant 112 : index
        %parallel_loop3A_721 = tpu.vector_load %arg10[%parallel_loop3A_719, %parallel_loop3A_720] {strides = array<i32>} : memref<128x128xf32, #tpu.memory_space<vmem>>, vector<16xf32>,
        tpu.vector_store %arg10[%parallel_loop3A_719, %parallel_loop3A_720], %parallel_loop3A_718 {strides = array<i32>} : memref<128x128xf32, #tpu.memory_space<vmem>>, vector<16xf32>,
        %parallel_loop3A_722 = arith.constant 8 : i32
        %parallel_loop3A_723 = vector.broadcast %parallel_loop3A_722 : i32 to vector<16xi32>
        %parallel_loop3A_724 = arith.constant 0 : i32
        %parallel_loop3A_725 = vector.broadcast %parallel_loop3A_724 : i32 to vector<16xi32>
        %parallel_loop3A_726 = arith.cmpi slt, %parallel_loop3A_723, %parallel_loop3A_725 : vector<16xi32>
        %parallel_loop3A_727 = arith.constant 16 : i32
        %parallel_loop3A_728 = vector.broadcast %parallel_loop3A_727 : i32 to vector<16xi32>
        %parallel_loop3A_729 = arith.addi %parallel_loop3A_723, %parallel_loop3A_728 : vector<16xi32>
        %parallel_loop3A_730 = arith.select %parallel_loop3A_726, %parallel_loop3A_729, %parallel_loop3A_723 : vector<16xi1>, vector<16xi32>
        %parallel_loop3A_731 = vector.shape_cast %parallel_loop3A_730 : vector<16xi32> to vector<16x1xi32>
        %parallel_loop3A_732 = vector.shape_cast %parallel_loop3A_731 : vector<16x1xi32> to vector<16xi32>
        %parallel_loop3A_733 = tpu.dynamic_gather %parallel_loop3A_145[%parallel_loop3A_732] in [0] : vector<16xf32>, vector<16xi32> -> vector<16xf32>
        %parallel_loop3A_734 = arith.constant 16 : i32
        %parallel_loop3A_735 = arith.muli %parallel_loop3A_111, %parallel_loop3A_734 : i32
        %parallel_loop3A_736 = arith.constant 8 : i32
        %parallel_loop3A_737 = arith.addi %parallel_loop3A_735, %parallel_loop3A_736 : i32
        %parallel_loop3A_738 = arith.index_cast %parallel_loop3A_737 : i32 to index
        %parallel_loop3A_739 = arith.constant 0 : index
        %parallel_loop3A_740 = tpu.vector_load %arg10[%parallel_loop3A_738, %parallel_loop3A_739] {strides = array<i32>} : memref<128x128xf32, #tpu.memory_space<vmem>>, vector<16xf32>,
        %parallel_loop3A_741 = arith.mulf %parallel_loop3A_740, %parallel_loop3A_733 : vector<16xf32>
        %parallel_loop3A_742 = arith.index_cast %parallel_loop3A_737 : i32 to index
        %parallel_loop3A_743 = arith.constant 0 : index
        %parallel_loop3A_744 = tpu.vector_load %arg10[%parallel_loop3A_742, %parallel_loop3A_743] {strides = array<i32>} : memref<128x128xf32, #tpu.memory_space<vmem>>, vector<16xf32>,
        tpu.vector_store %arg10[%parallel_loop3A_742, %parallel_loop3A_743], %parallel_loop3A_741 {strides = array<i32>} : memref<128x128xf32, #tpu.memory_space<vmem>>, vector<16xf32>,
        %parallel_loop3A_745 = arith.index_cast %parallel_loop3A_737 : i32 to index
        %parallel_loop3A_746 = arith.constant 16 : index
        %parallel_loop3A_747 = tpu.vector_load %arg10[%parallel_loop3A_745, %parallel_loop3A_746] {strides = array<i32>} : memref<128x128xf32, #tpu.memory_space<vmem>>, vector<16xf32>,
        %parallel_loop3A_748 = arith.mulf %parallel_loop3A_747, %parallel_loop3A_733 : vector<16xf32>
        %parallel_loop3A_749 = arith.index_cast %parallel_loop3A_737 : i32 to index
        %parallel_loop3A_750 = arith.constant 16 : index
        %parallel_loop3A_751 = tpu.vector_load %arg10[%parallel_loop3A_749, %parallel_loop3A_750] {strides = array<i32>} : memref<128x128xf32, #tpu.memory_space<vmem>>, vector<16xf32>,
        tpu.vector_store %arg10[%parallel_loop3A_749, %parallel_loop3A_750], %parallel_loop3A_748 {strides = array<i32>} : memref<128x128xf32, #tpu.memory_space<vmem>>, vector<16xf32>,
        %parallel_loop3A_752 = arith.index_cast %parallel_loop3A_737 : i32 to index
        %parallel_loop3A_753 = arith.constant 32 : index
        %parallel_loop3A_754 = tpu.vector_load %arg10[%parallel_loop3A_752, %parallel_loop3A_753] {strides = array<i32>} : memref<128x128xf32, #tpu.memory_space<vmem>>, vector<16xf32>,
        %parallel_loop3A_755 = arith.mulf %parallel_loop3A_754, %parallel_loop3A_733 : vector<16xf32>
        %parallel_loop3A_756 = arith.index_cast %parallel_loop3A_737 : i32 to index
        %parallel_loop3A_757 = arith.constant 32 : index
        %parallel_loop3A_758 = tpu.vector_load %arg10[%parallel_loop3A_756, %parallel_loop3A_757] {strides = array<i32>} : memref<128x128xf32, #tpu.memory_space<vmem>>, vector<16xf32>,
        tpu.vector_store %arg10[%parallel_loop3A_756, %parallel_loop3A_757], %parallel_loop3A_755 {strides = array<i32>} : memref<128x128xf32, #tpu.memory_space<vmem>>, vector<16xf32>,
        %parallel_loop3A_759 = arith.index_cast %parallel_loop3A_737 : i32 to index
        %parallel_loop3A_760 = arith.constant 48 : index
        %parallel_loop3A_761 = tpu.vector_load %arg10[%parallel_loop3A_759, %parallel_loop3A_760] {strides = array<i32>} : memref<128x128xf32, #tpu.memory_space<vmem>>, vector<16xf32>,
        %parallel_loop3A_762 = arith.mulf %parallel_loop3A_761, %parallel_loop3A_733 : vector<16xf32>
        %parallel_loop3A_763 = arith.index_cast %parallel_loop3A_737 : i32 to index
        %parallel_loop3A_764 = arith.constant 48 : index
        %parallel_loop3A_765 = tpu.vector_load %arg10[%parallel_loop3A_763, %parallel_loop3A_764] {strides = array<i32>} : memref<128x128xf32, #tpu.memory_space<vmem>>, vector<16xf32>,
        tpu.vector_store %arg10[%parallel_loop3A_763, %parallel_loop3A_764], %parallel_loop3A_762 {strides = array<i32>} : memref<128x128xf32, #tpu.memory_space<vmem>>, vector<16xf32>,
        %parallel_loop3A_766 = arith.index_cast %parallel_loop3A_737 : i32 to index
        %parallel_loop3A_767 = arith.constant 64 : index
        %parallel_loop3A_768 = tpu.vector_load %arg10[%parallel_loop3A_766, %parallel_loop3A_767] {strides = array<i32>} : memref<128x128xf32, #tpu.memory_space<vmem>>, vector<16xf32>,
        %parallel_loop3A_769 = arith.mulf %parallel_loop3A_768, %parallel_loop3A_733 : vector<16xf32>
        %parallel_loop3A_770 = arith.index_cast %parallel_loop3A_737 : i32 to index
        %parallel_loop3A_771 = arith.constant 64 : index
        %parallel_loop3A_772 = tpu.vector_load %arg10[%parallel_loop3A_770, %parallel_loop3A_771] {strides = array<i32>} : memref<128x128xf32, #tpu.memory_space<vmem>>, vector<16xf32>,
        tpu.vector_store %arg10[%parallel_loop3A_770, %parallel_loop3A_771], %parallel_loop3A_769 {strides = array<i32>} : memref<128x128xf32, #tpu.memory_space<vmem>>, vector<16xf32>,
        %parallel_loop3A_773 = arith.index_cast %parallel_loop3A_737 : i32 to index
        %parallel_loop3A_774 = arith.constant 80 : index
        %parallel_loop3A_775 = tpu.vector_load %arg10[%parallel_loop3A_773, %parallel_loop3A_774] {strides = array<i32>} : memref<128x128xf32, #tpu.memory_space<vmem>>, vector<16xf32>,
        %parallel_loop3A_776 = arith.mulf %parallel_loop3A_775, %parallel_loop3A_733 : vector<16xf32>
        %parallel_loop3A_777 = arith.index_cast %parallel_loop3A_737 : i32 to index
        %parallel_loop3A_778 = arith.constant 80 : index
        %parallel_loop3A_779 = tpu.vector_load %arg10[%parallel_loop3A_777, %parallel_loop3A_778] {strides = array<i32>} : memref<128x128xf32, #tpu.memory_space<vmem>>, vector<16xf32>,
        tpu.vector_store %arg10[%parallel_loop3A_777, %parallel_loop3A_778], %parallel_loop3A_776 {strides = array<i32>} : memref<128x128xf32, #tpu.memory_space<vmem>>, vector<16xf32>,
        %parallel_loop3A_780 = arith.index_cast %parallel_loop3A_737 : i32 to index
        %parallel_loop3A_781 = arith.constant 96 : index
        %parallel_loop3A_782 = tpu.vector_load %arg10[%parallel_loop3A_780, %parallel_loop3A_781] {strides = array<i32>} : memref<128x128xf32, #tpu.memory_space<vmem>>, vector<16xf32>,
        %parallel_loop3A_783 = arith.mulf %parallel_loop3A_782, %parallel_loop3A_733 : vector<16xf32>
        %parallel_loop3A_784 = arith.index_cast %parallel_loop3A_737 : i32 to index
        %parallel_loop3A_785 = arith.constant 96 : index
        %parallel_loop3A_786 = tpu.vector_load %arg10[%parallel_loop3A_784, %parallel_loop3A_785] {strides = array<i32>} : memref<128x128xf32, #tpu.memory_space<vmem>>, vector<16xf32>,
        tpu.vector_store %arg10[%parallel_loop3A_784, %parallel_loop3A_785], %parallel_loop3A_783 {strides = array<i32>} : memref<128x128xf32, #tpu.memory_space<vmem>>, vector<16xf32>,
        %parallel_loop3A_787 = arith.index_cast %parallel_loop3A_737 : i32 to index
        %parallel_loop3A_788 = arith.constant 112 : index
        %parallel_loop3A_789 = tpu.vector_load %arg10[%parallel_loop3A_787, %parallel_loop3A_788] {strides = array<i32>} : memref<128x128xf32, #tpu.memory_space<vmem>>, vector<16xf32>,
        %parallel_loop3A_790 = arith.mulf %parallel_loop3A_789, %parallel_loop3A_733 : vector<16xf32>
        %parallel_loop3A_791 = arith.index_cast %parallel_loop3A_737 : i32 to index
        %parallel_loop3A_792 = arith.constant 112 : index
        %parallel_loop3A_793 = tpu.vector_load %arg10[%parallel_loop3A_791, %parallel_loop3A_792] {strides = array<i32>} : memref<128x128xf32, #tpu.memory_space<vmem>>, vector<16xf32>,
        tpu.vector_store %arg10[%parallel_loop3A_791, %parallel_loop3A_792], %parallel_loop3A_790 {strides = array<i32>} : memref<128x128xf32, #tpu.memory_space<vmem>>, vector<16xf32>,
        %parallel_loop3A_794 = arith.constant 9 : i32
        %parallel_loop3A_795 = vector.broadcast %parallel_loop3A_794 : i32 to vector<16xi32>
        %parallel_loop3A_796 = arith.constant 0 : i32
        %parallel_loop3A_797 = vector.broadcast %parallel_loop3A_796 : i32 to vector<16xi32>
        %parallel_loop3A_798 = arith.cmpi slt, %parallel_loop3A_795, %parallel_loop3A_797 : vector<16xi32>
        %parallel_loop3A_799 = arith.constant 16 : i32
        %parallel_loop3A_800 = vector.broadcast %parallel_loop3A_799 : i32 to vector<16xi32>
        %parallel_loop3A_801 = arith.addi %parallel_loop3A_795, %parallel_loop3A_800 : vector<16xi32>
        %parallel_loop3A_802 = arith.select %parallel_loop3A_798, %parallel_loop3A_801, %parallel_loop3A_795 : vector<16xi1>, vector<16xi32>
        %parallel_loop3A_803 = vector.shape_cast %parallel_loop3A_802 : vector<16xi32> to vector<16x1xi32>
        %parallel_loop3A_804 = vector.shape_cast %parallel_loop3A_803 : vector<16x1xi32> to vector<16xi32>
        %parallel_loop3A_805 = tpu.dynamic_gather %parallel_loop3A_145[%parallel_loop3A_804] in [0] : vector<16xf32>, vector<16xi32> -> vector<16xf32>
        %parallel_loop3A_806 = arith.constant 16 : i32
        %parallel_loop3A_807 = arith.muli %parallel_loop3A_111, %parallel_loop3A_806 : i32
        %parallel_loop3A_808 = arith.constant 9 : i32
        %parallel_loop3A_809 = arith.addi %parallel_loop3A_807, %parallel_loop3A_808 : i32
        %parallel_loop3A_810 = arith.index_cast %parallel_loop3A_809 : i32 to index
        %parallel_loop3A_811 = arith.constant 0 : index
        %parallel_loop3A_812 = tpu.vector_load %arg10[%parallel_loop3A_810, %parallel_loop3A_811] {strides = array<i32>} : memref<128x128xf32, #tpu.memory_space<vmem>>, vector<16xf32>,
        %parallel_loop3A_813 = arith.mulf %parallel_loop3A_812, %parallel_loop3A_805 : vector<16xf32>
        %parallel_loop3A_814 = arith.index_cast %parallel_loop3A_809 : i32 to index
        %parallel_loop3A_815 = arith.constant 0 : index
        %parallel_loop3A_816 = tpu.vector_load %arg10[%parallel_loop3A_814, %parallel_loop3A_815] {strides = array<i32>} : memref<128x128xf32, #tpu.memory_space<vmem>>, vector<16xf32>,
        tpu.vector_store %arg10[%parallel_loop3A_814, %parallel_loop3A_815], %parallel_loop3A_813 {strides = array<i32>} : memref<128x128xf32, #tpu.memory_space<vmem>>, vector<16xf32>,
        %parallel_loop3A_817 = arith.index_cast %parallel_loop3A_809 : i32 to index
        %parallel_loop3A_818 = arith.constant 16 : index
        %parallel_loop3A_819 = tpu.vector_load %arg10[%parallel_loop3A_817, %parallel_loop3A_818] {strides = array<i32>} : memref<128x128xf32, #tpu.memory_space<vmem>>, vector<16xf32>,
        %parallel_loop3A_820 = arith.mulf %parallel_loop3A_819, %parallel_loop3A_805 : vector<16xf32>
        %parallel_loop3A_821 = arith.index_cast %parallel_loop3A_809 : i32 to index
        %parallel_loop3A_822 = arith.constant 16 : index
        %parallel_loop3A_823 = tpu.vector_load %arg10[%parallel_loop3A_821, %parallel_loop3A_822] {strides = array<i32>} : memref<128x128xf32, #tpu.memory_space<vmem>>, vector<16xf32>,
        tpu.vector_store %arg10[%parallel_loop3A_821, %parallel_loop3A_822], %parallel_loop3A_820 {strides = array<i32>} : memref<128x128xf32, #tpu.memory_space<vmem>>, vector<16xf32>,
        %parallel_loop3A_824 = arith.index_cast %parallel_loop3A_809 : i32 to index
        %parallel_loop3A_825 = arith.constant 32 : index
        %parallel_loop3A_826 = tpu.vector_load %arg10[%parallel_loop3A_824, %parallel_loop3A_825] {strides = array<i32>} : memref<128x128xf32, #tpu.memory_space<vmem>>, vector<16xf32>,
        %parallel_loop3A_827 = arith.mulf %parallel_loop3A_826, %parallel_loop3A_805 : vector<16xf32>
        %parallel_loop3A_828 = arith.index_cast %parallel_loop3A_809 : i32 to index
        %parallel_loop3A_829 = arith.constant 32 : index
        %parallel_loop3A_830 = tpu.vector_load %arg10[%parallel_loop3A_828, %parallel_loop3A_829] {strides = array<i32>} : memref<128x128xf32, #tpu.memory_space<vmem>>, vector<16xf32>,
        tpu.vector_store %arg10[%parallel_loop3A_828, %parallel_loop3A_829], %parallel_loop3A_827 {strides = array<i32>} : memref<128x128xf32, #tpu.memory_space<vmem>>, vector<16xf32>,
        %parallel_loop3A_831 = arith.index_cast %parallel_loop3A_809 : i32 to index
        %parallel_loop3A_832 = arith.constant 48 : index
        %parallel_loop3A_833 = tpu.vector_load %arg10[%parallel_loop3A_831, %parallel_loop3A_832] {strides = array<i32>} : memref<128x128xf32, #tpu.memory_space<vmem>>, vector<16xf32>,
        %parallel_loop3A_834 = arith.mulf %parallel_loop3A_833, %parallel_loop3A_805 : vector<16xf32>
        %parallel_loop3A_835 = arith.index_cast %parallel_loop3A_809 : i32 to index
        %parallel_loop3A_836 = arith.constant 48 : index
        %parallel_loop3A_837 = tpu.vector_load %arg10[%parallel_loop3A_835, %parallel_loop3A_836] {strides = array<i32>} : memref<128x128xf32, #tpu.memory_space<vmem>>, vector<16xf32>,
        tpu.vector_store %arg10[%parallel_loop3A_835, %parallel_loop3A_836], %parallel_loop3A_834 {strides = array<i32>} : memref<128x128xf32, #tpu.memory_space<vmem>>, vector<16xf32>,
        %parallel_loop3A_838 = arith.index_cast %parallel_loop3A_809 : i32 to index
        %parallel_loop3A_839 = arith.constant 64 : index
        %parallel_loop3A_840 = tpu.vector_load %arg10[%parallel_loop3A_838, %parallel_loop3A_839] {strides = array<i32>} : memref<128x128xf32, #tpu.memory_space<vmem>>, vector<16xf32>,
        %parallel_loop3A_841 = arith.mulf %parallel_loop3A_840, %parallel_loop3A_805 : vector<16xf32>
        %parallel_loop3A_842 = arith.index_cast %parallel_loop3A_809 : i32 to index
        %parallel_loop3A_843 = arith.constant 64 : index
        %parallel_loop3A_844 = tpu.vector_load %arg10[%parallel_loop3A_842, %parallel_loop3A_843] {strides = array<i32>} : memref<128x128xf32, #tpu.memory_space<vmem>>, vector<16xf32>,
        tpu.vector_store %arg10[%parallel_loop3A_842, %parallel_loop3A_843], %parallel_loop3A_841 {strides = array<i32>} : memref<128x128xf32, #tpu.memory_space<vmem>>, vector<16xf32>,
        %parallel_loop3A_845 = arith.index_cast %parallel_loop3A_809 : i32 to index
        %parallel_loop3A_846 = arith.constant 80 : index
        %parallel_loop3A_847 = tpu.vector_load %arg10[%parallel_loop3A_845, %parallel_loop3A_846] {strides = array<i32>} : memref<128x128xf32, #tpu.memory_space<vmem>>, vector<16xf32>,
        %parallel_loop3A_848 = arith.mulf %parallel_loop3A_847, %parallel_loop3A_805 : vector<16xf32>
        %parallel_loop3A_849 = arith.index_cast %parallel_loop3A_809 : i32 to index
        %parallel_loop3A_850 = arith.constant 80 : index
        %parallel_loop3A_851 = tpu.vector_load %arg10[%parallel_loop3A_849, %parallel_loop3A_850] {strides = array<i32>} : memref<128x128xf32, #tpu.memory_space<vmem>>, vector<16xf32>,
        tpu.vector_store %arg10[%parallel_loop3A_849, %parallel_loop3A_850], %parallel_loop3A_848 {strides = array<i32>} : memref<128x128xf32, #tpu.memory_space<vmem>>, vector<16xf32>,
        %parallel_loop3A_852 = arith.index_cast %parallel_loop3A_809 : i32 to index
        %parallel_loop3A_853 = arith.constant 96 : index
        %parallel_loop3A_854 = tpu.vector_load %arg10[%parallel_loop3A_852, %parallel_loop3A_853] {strides = array<i32>} : memref<128x128xf32, #tpu.memory_space<vmem>>, vector<16xf32>,
        %parallel_loop3A_855 = arith.mulf %parallel_loop3A_854, %parallel_loop3A_805 : vector<16xf32>
        %parallel_loop3A_856 = arith.index_cast %parallel_loop3A_809 : i32 to index
        %parallel_loop3A_857 = arith.constant 96 : index
        %parallel_loop3A_858 = tpu.vector_load %arg10[%parallel_loop3A_856, %parallel_loop3A_857] {strides = array<i32>} : memref<128x128xf32, #tpu.memory_space<vmem>>, vector<16xf32>,
        tpu.vector_store %arg10[%parallel_loop3A_856, %parallel_loop3A_857], %parallel_loop3A_855 {strides = array<i32>} : memref<128x128xf32, #tpu.memory_space<vmem>>, vector<16xf32>,
        %parallel_loop3A_859 = arith.index_cast %parallel_loop3A_809 : i32 to index
        %parallel_loop3A_860 = arith.constant 112 : index
        %parallel_loop3A_861 = tpu.vector_load %arg10[%parallel_loop3A_859, %parallel_loop3A_860] {strides = array<i32>} : memref<128x128xf32, #tpu.memory_space<vmem>>, vector<16xf32>,
        %parallel_loop3A_862 = arith.mulf %parallel_loop3A_861, %parallel_loop3A_805 : vector<16xf32>
        %parallel_loop3A_863 = arith.index_cast %parallel_loop3A_809 : i32 to index
        %parallel_loop3A_864 = arith.constant 112 : index
        %parallel_loop3A_865 = tpu.vector_load %arg10[%parallel_loop3A_863, %parallel_loop3A_864] {strides = array<i32>} : memref<128x128xf32, #tpu.memory_space<vmem>>, vector<16xf32>,
        tpu.vector_store %arg10[%parallel_loop3A_863, %parallel_loop3A_864], %parallel_loop3A_862 {strides = array<i32>} : memref<128x128xf32, #tpu.memory_space<vmem>>, vector<16xf32>,
        %parallel_loop3A_866 = arith.constant 10 : i32
        %parallel_loop3A_867 = vector.broadcast %parallel_loop3A_866 : i32 to vector<16xi32>
        %parallel_loop3A_868 = arith.constant 0 : i32
        %parallel_loop3A_869 = vector.broadcast %parallel_loop3A_868 : i32 to vector<16xi32>
        %parallel_loop3A_870 = arith.cmpi slt, %parallel_loop3A_867, %parallel_loop3A_869 : vector<16xi32>
        %parallel_loop3A_871 = arith.constant 16 : i32
        %parallel_loop3A_872 = vector.broadcast %parallel_loop3A_871 : i32 to vector<16xi32>
        %parallel_loop3A_873 = arith.addi %parallel_loop3A_867, %parallel_loop3A_872 : vector<16xi32>
        %parallel_loop3A_874 = arith.select %parallel_loop3A_870, %parallel_loop3A_873, %parallel_loop3A_867 : vector<16xi1>, vector<16xi32>
        %parallel_loop3A_875 = vector.shape_cast %parallel_loop3A_874 : vector<16xi32> to vector<16x1xi32>
        %parallel_loop3A_876 = vector.shape_cast %parallel_loop3A_875 : vector<16x1xi32> to vector<16xi32>
        %parallel_loop3A_877 = tpu.dynamic_gather %parallel_loop3A_145[%parallel_loop3A_876] in [0] : vector<16xf32>, vector<16xi32> -> vector<16xf32>
        %parallel_loop3A_878 = arith.constant 16 : i32
        %parallel_loop3A_879 = arith.muli %parallel_loop3A_111, %parallel_loop3A_878 : i32
        %parallel_loop3A_880 = arith.constant 10 : i32
        %parallel_loop3A_881 = arith.addi %parallel_loop3A_879, %parallel_loop3A_880 : i32
        %parallel_loop3A_882 = arith.index_cast %parallel_loop3A_881 : i32 to index
        %parallel_loop3A_883 = arith.constant 0 : index
        %parallel_loop3A_884 = tpu.vector_load %arg10[%parallel_loop3A_882, %parallel_loop3A_883] {strides = array<i32>} : memref<128x128xf32, #tpu.memory_space<vmem>>, vector<16xf32>,
        %parallel_loop3A_885 = arith.mulf %parallel_loop3A_884, %parallel_loop3A_877 : vector<16xf32>
        %parallel_loop3A_886 = arith.index_cast %parallel_loop3A_881 : i32 to index
        %parallel_loop3A_887 = arith.constant 0 : index
        %parallel_loop3A_888 = tpu.vector_load %arg10[%parallel_loop3A_886, %parallel_loop3A_887] {strides = array<i32>} : memref<128x128xf32, #tpu.memory_space<vmem>>, vector<16xf32>,
        tpu.vector_store %arg10[%parallel_loop3A_886, %parallel_loop3A_887], %parallel_loop3A_885 {strides = array<i32>} : memref<128x128xf32, #tpu.memory_space<vmem>>, vector<16xf32>,
        %parallel_loop3A_889 = arith.index_cast %parallel_loop3A_881 : i32 to index
        %parallel_loop3A_890 = arith.constant 16 : index
        %parallel_loop3A_891 = tpu.vector_load %arg10[%parallel_loop3A_889, %parallel_loop3A_890] {strides = array<i32>} : memref<128x128xf32, #tpu.memory_space<vmem>>, vector<16xf32>,
        %parallel_loop3A_892 = arith.mulf %parallel_loop3A_891, %parallel_loop3A_877 : vector<16xf32>
        %parallel_loop3A_893 = arith.index_cast %parallel_loop3A_881 : i32 to index
        %parallel_loop3A_894 = arith.constant 16 : index
        %parallel_loop3A_895 = tpu.vector_load %arg10[%parallel_loop3A_893, %parallel_loop3A_894] {strides = array<i32>} : memref<128x128xf32, #tpu.memory_space<vmem>>, vector<16xf32>,
        tpu.vector_store %arg10[%parallel_loop3A_893, %parallel_loop3A_894], %parallel_loop3A_892 {strides = array<i32>} : memref<128x128xf32, #tpu.memory_space<vmem>>, vector<16xf32>,
        %parallel_loop3A_896 = arith.index_cast %parallel_loop3A_881 : i32 to index
        %parallel_loop3A_897 = arith.constant 32 : index
        %parallel_loop3A_898 = tpu.vector_load %arg10[%parallel_loop3A_896, %parallel_loop3A_897] {strides = array<i32>} : memref<128x128xf32, #tpu.memory_space<vmem>>, vector<16xf32>,
        %parallel_loop3A_899 = arith.mulf %parallel_loop3A_898, %parallel_loop3A_877 : vector<16xf32>
        %parallel_loop3A_900 = arith.index_cast %parallel_loop3A_881 : i32 to index
        %parallel_loop3A_901 = arith.constant 32 : index
        %parallel_loop3A_902 = tpu.vector_load %arg10[%parallel_loop3A_900, %parallel_loop3A_901] {strides = array<i32>} : memref<128x128xf32, #tpu.memory_space<vmem>>, vector<16xf32>,
        tpu.vector_store %arg10[%parallel_loop3A_900, %parallel_loop3A_901], %parallel_loop3A_899 {strides = array<i32>} : memref<128x128xf32, #tpu.memory_space<vmem>>, vector<16xf32>,
        %parallel_loop3A_903 = arith.index_cast %parallel_loop3A_881 : i32 to index
        %parallel_loop3A_904 = arith.constant 48 : index
        %parallel_loop3A_905 = tpu.vector_load %arg10[%parallel_loop3A_903, %parallel_loop3A_904] {strides = array<i32>} : memref<128x128xf32, #tpu.memory_space<vmem>>, vector<16xf32>,
        %parallel_loop3A_906 = arith.mulf %parallel_loop3A_905, %parallel_loop3A_877 : vector<16xf32>
        %parallel_loop3A_907 = arith.index_cast %parallel_loop3A_881 : i32 to index
        %parallel_loop3A_908 = arith.constant 48 : index
        %parallel_loop3A_909 = tpu.vector_load %arg10[%parallel_loop3A_907, %parallel_loop3A_908] {strides = array<i32>} : memref<128x128xf32, #tpu.memory_space<vmem>>, vector<16xf32>,
        tpu.vector_store %arg10[%parallel_loop3A_907, %parallel_loop3A_908], %parallel_loop3A_906 {strides = array<i32>} : memref<128x128xf32, #tpu.memory_space<vmem>>, vector<16xf32>,
        %parallel_loop3A_910 = arith.index_cast %parallel_loop3A_881 : i32 to index
        %parallel_loop3A_911 = arith.constant 64 : index
        %parallel_loop3A_912 = tpu.vector_load %arg10[%parallel_loop3A_910, %parallel_loop3A_911] {strides = array<i32>} : memref<128x128xf32, #tpu.memory_space<vmem>>, vector<16xf32>,
        %parallel_loop3A_913 = arith.mulf %parallel_loop3A_912, %parallel_loop3A_877 : vector<16xf32>
        %parallel_loop3A_914 = arith.index_cast %parallel_loop3A_881 : i32 to index
        %parallel_loop3A_915 = arith.constant 64 : index
        %parallel_loop3A_916 = tpu.vector_load %arg10[%parallel_loop3A_914, %parallel_loop3A_915] {strides = array<i32>} : memref<128x128xf32, #tpu.memory_space<vmem>>, vector<16xf32>,
        tpu.vector_store %arg10[%parallel_loop3A_914, %parallel_loop3A_915], %parallel_loop3A_913 {strides = array<i32>} : memref<128x128xf32, #tpu.memory_space<vmem>>, vector<16xf32>,
        %parallel_loop3A_917 = arith.index_cast %parallel_loop3A_881 : i32 to index
        %parallel_loop3A_918 = arith.constant 80 : index
        %parallel_loop3A_919 = tpu.vector_load %arg10[%parallel_loop3A_917, %parallel_loop3A_918] {strides = array<i32>} : memref<128x128xf32, #tpu.memory_space<vmem>>, vector<16xf32>,
        %parallel_loop3A_920 = arith.mulf %parallel_loop3A_919, %parallel_loop3A_877 : vector<16xf32>
        %parallel_loop3A_921 = arith.index_cast %parallel_loop3A_881 : i32 to index
        %parallel_loop3A_922 = arith.constant 80 : index
        %parallel_loop3A_923 = tpu.vector_load %arg10[%parallel_loop3A_921, %parallel_loop3A_922] {strides = array<i32>} : memref<128x128xf32, #tpu.memory_space<vmem>>, vector<16xf32>,
        tpu.vector_store %arg10[%parallel_loop3A_921, %parallel_loop3A_922], %parallel_loop3A_920 {strides = array<i32>} : memref<128x128xf32, #tpu.memory_space<vmem>>, vector<16xf32>,
        %parallel_loop3A_924 = arith.index_cast %parallel_loop3A_881 : i32 to index
        %parallel_loop3A_925 = arith.constant 96 : index
        %parallel_loop3A_926 = tpu.vector_load %arg10[%parallel_loop3A_924, %parallel_loop3A_925] {strides = array<i32>} : memref<128x128xf32, #tpu.memory_space<vmem>>, vector<16xf32>,
        %parallel_loop3A_927 = arith.mulf %parallel_loop3A_926, %parallel_loop3A_877 : vector<16xf32>
        %parallel_loop3A_928 = arith.index_cast %parallel_loop3A_881 : i32 to index
        %parallel_loop3A_929 = arith.constant 96 : index
        %parallel_loop3A_930 = tpu.vector_load %arg10[%parallel_loop3A_928, %parallel_loop3A_929] {strides = array<i32>} : memref<128x128xf32, #tpu.memory_space<vmem>>, vector<16xf32>,
        tpu.vector_store %arg10[%parallel_loop3A_928, %parallel_loop3A_929], %parallel_loop3A_927 {strides = array<i32>} : memref<128x128xf32, #tpu.memory_space<vmem>>, vector<16xf32>,
        %parallel_loop3A_931 = arith.index_cast %parallel_loop3A_881 : i32 to index
        %parallel_loop3A_932 = arith.constant 112 : index
        %parallel_loop3A_933 = tpu.vector_load %arg10[%parallel_loop3A_931, %parallel_loop3A_932] {strides = array<i32>} : memref<128x128xf32, #tpu.memory_space<vmem>>, vector<16xf32>,
        %parallel_loop3A_934 = arith.mulf %parallel_loop3A_933, %parallel_loop3A_877 : vector<16xf32>
        %parallel_loop3A_935 = arith.index_cast %parallel_loop3A_881 : i32 to index
        %parallel_loop3A_936 = arith.constant 112 : index
        %parallel_loop3A_937 = tpu.vector_load %arg10[%parallel_loop3A_935, %parallel_loop3A_936] {strides = array<i32>} : memref<128x128xf32, #tpu.memory_space<vmem>>, vector<16xf32>,
        tpu.vector_store %arg10[%parallel_loop3A_935, %parallel_loop3A_936], %parallel_loop3A_934 {strides = array<i32>} : memref<128x128xf32, #tpu.memory_space<vmem>>, vector<16xf32>,
        %parallel_loop3A_938 = arith.constant 11 : i32
        %parallel_loop3A_939 = vector.broadcast %parallel_loop3A_938 : i32 to vector<16xi32>
        %parallel_loop3A_940 = arith.constant 0 : i32
        %parallel_loop3A_941 = vector.broadcast %parallel_loop3A_940 : i32 to vector<16xi32>
        %parallel_loop3A_942 = arith.cmpi slt, %parallel_loop3A_939, %parallel_loop3A_941 : vector<16xi32>
        %parallel_loop3A_943 = arith.constant 16 : i32
        %parallel_loop3A_944 = vector.broadcast %parallel_loop3A_943 : i32 to vector<16xi32>
        %parallel_loop3A_945 = arith.addi %parallel_loop3A_939, %parallel_loop3A_944 : vector<16xi32>
        %parallel_loop3A_946 = arith.select %parallel_loop3A_942, %parallel_loop3A_945, %parallel_loop3A_939 : vector<16xi1>, vector<16xi32>
        %parallel_loop3A_947 = vector.shape_cast %parallel_loop3A_946 : vector<16xi32> to vector<16x1xi32>
        %parallel_loop3A_948 = vector.shape_cast %parallel_loop3A_947 : vector<16x1xi32> to vector<16xi32>
        %parallel_loop3A_949 = tpu.dynamic_gather %parallel_loop3A_145[%parallel_loop3A_948] in [0] : vector<16xf32>, vector<16xi32> -> vector<16xf32>
        %parallel_loop3A_950 = arith.constant 16 : i32
        %parallel_loop3A_951 = arith.muli %parallel_loop3A_111, %parallel_loop3A_950 : i32
        %parallel_loop3A_952 = arith.constant 11 : i32
        %parallel_loop3A_953 = arith.addi %parallel_loop3A_951, %parallel_loop3A_952 : i32
        %parallel_loop3A_954 = arith.index_cast %parallel_loop3A_953 : i32 to index
        %parallel_loop3A_955 = arith.constant 0 : index
        %parallel_loop3A_956 = tpu.vector_load %arg10[%parallel_loop3A_954, %parallel_loop3A_955] {strides = array<i32>} : memref<128x128xf32, #tpu.memory_space<vmem>>, vector<16xf32>,
        %parallel_loop3A_957 = arith.mulf %parallel_loop3A_956, %parallel_loop3A_949 : vector<16xf32>
        %parallel_loop3A_958 = arith.index_cast %parallel_loop3A_953 : i32 to index
        %parallel_loop3A_959 = arith.constant 0 : index
        %parallel_loop3A_960 = tpu.vector_load %arg10[%parallel_loop3A_958, %parallel_loop3A_959] {strides = array<i32>} : memref<128x128xf32, #tpu.memory_space<vmem>>, vector<16xf32>,
        tpu.vector_store %arg10[%parallel_loop3A_958, %parallel_loop3A_959], %parallel_loop3A_957 {strides = array<i32>} : memref<128x128xf32, #tpu.memory_space<vmem>>, vector<16xf32>,
        %parallel_loop3A_961 = arith.index_cast %parallel_loop3A_953 : i32 to index
        %parallel_loop3A_962 = arith.constant 16 : index
        %parallel_loop3A_963 = tpu.vector_load %arg10[%parallel_loop3A_961, %parallel_loop3A_962] {strides = array<i32>} : memref<128x128xf32, #tpu.memory_space<vmem>>, vector<16xf32>,
        %parallel_loop3A_964 = arith.mulf %parallel_loop3A_963, %parallel_loop3A_949 : vector<16xf32>
        %parallel_loop3A_965 = arith.index_cast %parallel_loop3A_953 : i32 to index
        %parallel_loop3A_966 = arith.constant 16 : index
        %parallel_loop3A_967 = tpu.vector_load %arg10[%parallel_loop3A_965, %parallel_loop3A_966] {strides = array<i32>} : memref<128x128xf32, #tpu.memory_space<vmem>>, vector<16xf32>,
        tpu.vector_store %arg10[%parallel_loop3A_965, %parallel_loop3A_966], %parallel_loop3A_964 {strides = array<i32>} : memref<128x128xf32, #tpu.memory_space<vmem>>, vector<16xf32>,
        %parallel_loop3A_968 = arith.index_cast %parallel_loop3A_953 : i32 to index
        %parallel_loop3A_969 = arith.constant 32 : index
        %parallel_loop3A_970 = tpu.vector_load %arg10[%parallel_loop3A_968, %parallel_loop3A_969] {strides = array<i32>} : memref<128x128xf32, #tpu.memory_space<vmem>>, vector<16xf32>,
        %parallel_loop3A_971 = arith.mulf %parallel_loop3A_970, %parallel_loop3A_949 : vector<16xf32>
        %parallel_loop3A_972 = arith.index_cast %parallel_loop3A_953 : i32 to index
        %parallel_loop3A_973 = arith.constant 32 : index
        %parallel_loop3A_974 = tpu.vector_load %arg10[%parallel_loop3A_972, %parallel_loop3A_973] {strides = array<i32>} : memref<128x128xf32, #tpu.memory_space<vmem>>, vector<16xf32>,
        tpu.vector_store %arg10[%parallel_loop3A_972, %parallel_loop3A_973], %parallel_loop3A_971 {strides = array<i32>} : memref<128x128xf32, #tpu.memory_space<vmem>>, vector<16xf32>,
        %parallel_loop3A_975 = arith.index_cast %parallel_loop3A_953 : i32 to index
        %parallel_loop3A_976 = arith.constant 48 : index
        %parallel_loop3A_977 = tpu.vector_load %arg10[%parallel_loop3A_975, %parallel_loop3A_976] {strides = array<i32>} : memref<128x128xf32, #tpu.memory_space<vmem>>, vector<16xf32>,
        %parallel_loop3A_978 = arith.mulf %parallel_loop3A_977, %parallel_loop3A_949 : vector<16xf32>
        %parallel_loop3A_979 = arith.index_cast %parallel_loop3A_953 : i32 to index
        %parallel_loop3A_980 = arith.constant 48 : index
        %parallel_loop3A_981 = tpu.vector_load %arg10[%parallel_loop3A_979, %parallel_loop3A_980] {strides = array<i32>} : memref<128x128xf32, #tpu.memory_space<vmem>>, vector<16xf32>,
        tpu.vector_store %arg10[%parallel_loop3A_979, %parallel_loop3A_980], %parallel_loop3A_978 {strides = array<i32>} : memref<128x128xf32, #tpu.memory_space<vmem>>, vector<16xf32>,
        %parallel_loop3A_982 = arith.index_cast %parallel_loop3A_953 : i32 to index
        %parallel_loop3A_983 = arith.constant 64 : index
        %parallel_loop3A_984 = tpu.vector_load %arg10[%parallel_loop3A_982, %parallel_loop3A_983] {strides = array<i32>} : memref<128x128xf32, #tpu.memory_space<vmem>>, vector<16xf32>,
        %parallel_loop3A_985 = arith.mulf %parallel_loop3A_984, %parallel_loop3A_949 : vector<16xf32>
        %parallel_loop3A_986 = arith.index_cast %parallel_loop3A_953 : i32 to index
        %parallel_loop3A_987 = arith.constant 64 : index
        %parallel_loop3A_988 = tpu.vector_load %arg10[%parallel_loop3A_986, %parallel_loop3A_987] {strides = array<i32>} : memref<128x128xf32, #tpu.memory_space<vmem>>, vector<16xf32>,
        tpu.vector_store %arg10[%parallel_loop3A_986, %parallel_loop3A_987], %parallel_loop3A_985 {strides = array<i32>} : memref<128x128xf32, #tpu.memory_space<vmem>>, vector<16xf32>,
        %parallel_loop3A_989 = arith.index_cast %parallel_loop3A_953 : i32 to index
        %parallel_loop3A_990 = arith.constant 80 : index
        %parallel_loop3A_991 = tpu.vector_load %arg10[%parallel_loop3A_989, %parallel_loop3A_990] {strides = array<i32>} : memref<128x128xf32, #tpu.memory_space<vmem>>, vector<16xf32>,
        %parallel_loop3A_992 = arith.mulf %parallel_loop3A_991, %parallel_loop3A_949 : vector<16xf32>
        %parallel_loop3A_993 = arith.index_cast %parallel_loop3A_953 : i32 to index
        %parallel_loop3A_994 = arith.constant 80 : index
        %parallel_loop3A_995 = tpu.vector_load %arg10[%parallel_loop3A_993, %parallel_loop3A_994] {strides = array<i32>} : memref<128x128xf32, #tpu.memory_space<vmem>>, vector<16xf32>,
        tpu.vector_store %arg10[%parallel_loop3A_993, %parallel_loop3A_994], %parallel_loop3A_992 {strides = array<i32>} : memref<128x128xf32, #tpu.memory_space<vmem>>, vector<16xf32>,
        %parallel_loop3A_996 = arith.index_cast %parallel_loop3A_953 : i32 to index
        %parallel_loop3A_997 = arith.constant 96 : index
        %parallel_loop3A_998 = tpu.vector_load %arg10[%parallel_loop3A_996, %parallel_loop3A_997] {strides = array<i32>} : memref<128x128xf32, #tpu.memory_space<vmem>>, vector<16xf32>,
        %parallel_loop3A_999 = arith.mulf %parallel_loop3A_998, %parallel_loop3A_949 : vector<16xf32>
        %parallel_loop3A_1000 = arith.index_cast %parallel_loop3A_953 : i32 to index
        %parallel_loop3A_1001 = arith.constant 96 : index
        %parallel_loop3A_1002 = tpu.vector_load %arg10[%parallel_loop3A_1000, %parallel_loop3A_1001] {strides = array<i32>} : memref<128x128xf32, #tpu.memory_space<vmem>>, vector<16xf32>,
        tpu.vector_store %arg10[%parallel_loop3A_1000, %parallel_loop3A_1001], %parallel_loop3A_999 {strides = array<i32>} : memref<128x128xf32, #tpu.memory_space<vmem>>, vector<16xf32>,
        %parallel_loop3A_1003 = arith.index_cast %parallel_loop3A_953 : i32 to index
        %parallel_loop3A_1004 = arith.constant 112 : index
        %parallel_loop3A_1005 = tpu.vector_load %arg10[%parallel_loop3A_1003, %parallel_loop3A_1004] {strides = array<i32>} : memref<128x128xf32, #tpu.memory_space<vmem>>, vector<16xf32>,
        %parallel_loop3A_1006 = arith.mulf %parallel_loop3A_1005, %parallel_loop3A_949 : vector<16xf32>
        %parallel_loop3A_1007 = arith.index_cast %parallel_loop3A_953 : i32 to index
        %parallel_loop3A_1008 = arith.constant 112 : index
        %parallel_loop3A_1009 = tpu.vector_load %arg10[%parallel_loop3A_1007, %parallel_loop3A_1008] {strides = array<i32>} : memref<128x128xf32, #tpu.memory_space<vmem>>, vector<16xf32>,
        tpu.vector_store %arg10[%parallel_loop3A_1007, %parallel_loop3A_1008], %parallel_loop3A_1006 {strides = array<i32>} : memref<128x128xf32, #tpu.memory_space<vmem>>, vector<16xf32>,
        %parallel_loop3A_1010 = arith.constant 12 : i32
        %parallel_loop3A_1011 = vector.broadcast %parallel_loop3A_1010 : i32 to vector<16xi32>
        %parallel_loop3A_1012 = arith.constant 0 : i32
        %parallel_loop3A_1013 = vector.broadcast %parallel_loop3A_1012 : i32 to vector<16xi32>
        %parallel_loop3A_1014 = arith.cmpi slt, %parallel_loop3A_1011, %parallel_loop3A_1013 : vector<16xi32>
        %parallel_loop3A_1015 = arith.constant 16 : i32
        %parallel_loop3A_1016 = vector.broadcast %parallel_loop3A_1015 : i32 to vector<16xi32>
        %parallel_loop3A_1017 = arith.addi %parallel_loop3A_1011, %parallel_loop3A_1016 : vector<16xi32>
        %parallel_loop3A_1018 = arith.select %parallel_loop3A_1014, %parallel_loop3A_1017, %parallel_loop3A_1011 : vector<16xi1>, vector<16xi32>
        %parallel_loop3A_1019 = vector.shape_cast %parallel_loop3A_1018 : vector<16xi32> to vector<16x1xi32>
        %parallel_loop3A_1020 = vector.shape_cast %parallel_loop3A_1019 : vector<16x1xi32> to vector<16xi32>
        %parallel_loop3A_1021 = tpu.dynamic_gather %parallel_loop3A_145[%parallel_loop3A_1020] in [0] : vector<16xf32>, vector<16xi32> -> vector<16xf32>
        %parallel_loop3A_1022 = arith.constant 16 : i32
        %parallel_loop3A_1023 = arith.muli %parallel_loop3A_111, %parallel_loop3A_1022 : i32
        %parallel_loop3A_1024 = arith.constant 12 : i32
        %parallel_loop3A_1025 = arith.addi %parallel_loop3A_1023, %parallel_loop3A_1024 : i32
        %parallel_loop3A_1026 = arith.index_cast %parallel_loop3A_1025 : i32 to index
        %parallel_loop3A_1027 = arith.constant 0 : index
        %parallel_loop3A_1028 = tpu.vector_load %arg10[%parallel_loop3A_1026, %parallel_loop3A_1027] {strides = array<i32>} : memref<128x128xf32, #tpu.memory_space<vmem>>, vector<16xf32>,
        %parallel_loop3A_1029 = arith.mulf %parallel_loop3A_1028, %parallel_loop3A_1021 : vector<16xf32>
        %parallel_loop3A_1030 = arith.index_cast %parallel_loop3A_1025 : i32 to index
        %parallel_loop3A_1031 = arith.constant 0 : index
        %parallel_loop3A_1032 = tpu.vector_load %arg10[%parallel_loop3A_1030, %parallel_loop3A_1031] {strides = array<i32>} : memref<128x128xf32, #tpu.memory_space<vmem>>, vector<16xf32>,
        tpu.vector_store %arg10[%parallel_loop3A_1030, %parallel_loop3A_1031], %parallel_loop3A_1029 {strides = array<i32>} : memref<128x128xf32, #tpu.memory_space<vmem>>, vector<16xf32>,
        %parallel_loop3A_1033 = arith.index_cast %parallel_loop3A_1025 : i32 to index
        %parallel_loop3A_1034 = arith.constant 16 : index
        %parallel_loop3A_1035 = tpu.vector_load %arg10[%parallel_loop3A_1033, %parallel_loop3A_1034] {strides = array<i32>} : memref<128x128xf32, #tpu.memory_space<vmem>>, vector<16xf32>,
        %parallel_loop3A_1036 = arith.mulf %parallel_loop3A_1035, %parallel_loop3A_1021 : vector<16xf32>
        %parallel_loop3A_1037 = arith.index_cast %parallel_loop3A_1025 : i32 to index
        %parallel_loop3A_1038 = arith.constant 16 : index
        %parallel_loop3A_1039 = tpu.vector_load %arg10[%parallel_loop3A_1037, %parallel_loop3A_1038] {strides = array<i32>} : memref<128x128xf32, #tpu.memory_space<vmem>>, vector<16xf32>,
        tpu.vector_store %arg10[%parallel_loop3A_1037, %parallel_loop3A_1038], %parallel_loop3A_1036 {strides = array<i32>} : memref<128x128xf32, #tpu.memory_space<vmem>>, vector<16xf32>,
        %parallel_loop3A_1040 = arith.index_cast %parallel_loop3A_1025 : i32 to index
        %parallel_loop3A_1041 = arith.constant 32 : index
        %parallel_loop3A_1042 = tpu.vector_load %arg10[%parallel_loop3A_1040, %parallel_loop3A_1041] {strides = array<i32>} : memref<128x128xf32, #tpu.memory_space<vmem>>, vector<16xf32>,
        %parallel_loop3A_1043 = arith.mulf %parallel_loop3A_1042, %parallel_loop3A_1021 : vector<16xf32>
        %parallel_loop3A_1044 = arith.index_cast %parallel_loop3A_1025 : i32 to index
        %parallel_loop3A_1045 = arith.constant 32 : index
        %parallel_loop3A_1046 = tpu.vector_load %arg10[%parallel_loop3A_1044, %parallel_loop3A_1045] {strides = array<i32>} : memref<128x128xf32, #tpu.memory_space<vmem>>, vector<16xf32>,
        tpu.vector_store %arg10[%parallel_loop3A_1044, %parallel_loop3A_1045], %parallel_loop3A_1043 {strides = array<i32>} : memref<128x128xf32, #tpu.memory_space<vmem>>, vector<16xf32>,
        %parallel_loop3A_1047 = arith.index_cast %parallel_loop3A_1025 : i32 to index
        %parallel_loop3A_1048 = arith.constant 48 : index
        %parallel_loop3A_1049 = tpu.vector_load %arg10[%parallel_loop3A_1047, %parallel_loop3A_1048] {strides = array<i32>} : memref<128x128xf32, #tpu.memory_space<vmem>>, vector<16xf32>,
        %parallel_loop3A_1050 = arith.mulf %parallel_loop3A_1049, %parallel_loop3A_1021 : vector<16xf32>
        %parallel_loop3A_1051 = arith.index_cast %parallel_loop3A_1025 : i32 to index
        %parallel_loop3A_1052 = arith.constant 48 : index
        %parallel_loop3A_1053 = tpu.vector_load %arg10[%parallel_loop3A_1051, %parallel_loop3A_1052] {strides = array<i32>} : memref<128x128xf32, #tpu.memory_space<vmem>>, vector<16xf32>,
        tpu.vector_store %arg10[%parallel_loop3A_1051, %parallel_loop3A_1052], %parallel_loop3A_1050 {strides = array<i32>} : memref<128x128xf32, #tpu.memory_space<vmem>>, vector<16xf32>,
        %parallel_loop3A_1054 = arith.index_cast %parallel_loop3A_1025 : i32 to index
        %parallel_loop3A_1055 = arith.constant 64 : index
        %parallel_loop3A_1056 = tpu.vector_load %arg10[%parallel_loop3A_1054, %parallel_loop3A_1055] {strides = array<i32>} : memref<128x128xf32, #tpu.memory_space<vmem>>, vector<16xf32>,
        %parallel_loop3A_1057 = arith.mulf %parallel_loop3A_1056, %parallel_loop3A_1021 : vector<16xf32>
        %parallel_loop3A_1058 = arith.index_cast %parallel_loop3A_1025 : i32 to index
        %parallel_loop3A_1059 = arith.constant 64 : index
        %parallel_loop3A_1060 = tpu.vector_load %arg10[%parallel_loop3A_1058, %parallel_loop3A_1059] {strides = array<i32>} : memref<128x128xf32, #tpu.memory_space<vmem>>, vector<16xf32>,
        tpu.vector_store %arg10[%parallel_loop3A_1058, %parallel_loop3A_1059], %parallel_loop3A_1057 {strides = array<i32>} : memref<128x128xf32, #tpu.memory_space<vmem>>, vector<16xf32>,
        %parallel_loop3A_1061 = arith.index_cast %parallel_loop3A_1025 : i32 to index
        %parallel_loop3A_1062 = arith.constant 80 : index
        %parallel_loop3A_1063 = tpu.vector_load %arg10[%parallel_loop3A_1061, %parallel_loop3A_1062] {strides = array<i32>} : memref<128x128xf32, #tpu.memory_space<vmem>>, vector<16xf32>,
        %parallel_loop3A_1064 = arith.mulf %parallel_loop3A_1063, %parallel_loop3A_1021 : vector<16xf32>
        %parallel_loop3A_1065 = arith.index_cast %parallel_loop3A_1025 : i32 to index
        %parallel_loop3A_1066 = arith.constant 80 : index
        %parallel_loop3A_1067 = tpu.vector_load %arg10[%parallel_loop3A_1065, %parallel_loop3A_1066] {strides = array<i32>} : memref<128x128xf32, #tpu.memory_space<vmem>>, vector<16xf32>,
        tpu.vector_store %arg10[%parallel_loop3A_1065, %parallel_loop3A_1066], %parallel_loop3A_1064 {strides = array<i32>} : memref<128x128xf32, #tpu.memory_space<vmem>>, vector<16xf32>,
        %parallel_loop3A_1068 = arith.index_cast %parallel_loop3A_1025 : i32 to index
        %parallel_loop3A_1069 = arith.constant 96 : index
        %parallel_loop3A_1070 = tpu.vector_load %arg10[%parallel_loop3A_1068, %parallel_loop3A_1069] {strides = array<i32>} : memref<128x128xf32, #tpu.memory_space<vmem>>, vector<16xf32>,
        %parallel_loop3A_1071 = arith.mulf %parallel_loop3A_1070, %parallel_loop3A_1021 : vector<16xf32>
        %parallel_loop3A_1072 = arith.index_cast %parallel_loop3A_1025 : i32 to index
        %parallel_loop3A_1073 = arith.constant 96 : index
        %parallel_loop3A_1074 = tpu.vector_load %arg10[%parallel_loop3A_1072, %parallel_loop3A_1073] {strides = array<i32>} : memref<128x128xf32, #tpu.memory_space<vmem>>, vector<16xf32>,
        tpu.vector_store %arg10[%parallel_loop3A_1072, %parallel_loop3A_1073], %parallel_loop3A_1071 {strides = array<i32>} : memref<128x128xf32, #tpu.memory_space<vmem>>, vector<16xf32>,
        %parallel_loop3A_1075 = arith.index_cast %parallel_loop3A_1025 : i32 to index
        %parallel_loop3A_1076 = arith.constant 112 : index
        %parallel_loop3A_1077 = tpu.vector_load %arg10[%parallel_loop3A_1075, %parallel_loop3A_1076] {strides = array<i32>} : memref<128x128xf32, #tpu.memory_space<vmem>>, vector<16xf32>,
        %parallel_loop3A_1078 = arith.mulf %parallel_loop3A_1077, %parallel_loop3A_1021 : vector<16xf32>
        %parallel_loop3A_1079 = arith.index_cast %parallel_loop3A_1025 : i32 to index
        %parallel_loop3A_1080 = arith.constant 112 : index
        %parallel_loop3A_1081 = tpu.vector_load %arg10[%parallel_loop3A_1079, %parallel_loop3A_1080] {strides = array<i32>} : memref<128x128xf32, #tpu.memory_space<vmem>>, vector<16xf32>,
        tpu.vector_store %arg10[%parallel_loop3A_1079, %parallel_loop3A_1080], %parallel_loop3A_1078 {strides = array<i32>} : memref<128x128xf32, #tpu.memory_space<vmem>>, vector<16xf32>,
        %parallel_loop3A_1082 = arith.constant 13 : i32
        %parallel_loop3A_1083 = vector.broadcast %parallel_loop3A_1082 : i32 to vector<16xi32>
        %parallel_loop3A_1084 = arith.constant 0 : i32
        %parallel_loop3A_1085 = vector.broadcast %parallel_loop3A_1084 : i32 to vector<16xi32>
        %parallel_loop3A_1086 = arith.cmpi slt, %parallel_loop3A_1083, %parallel_loop3A_1085 : vector<16xi32>
        %parallel_loop3A_1087 = arith.constant 16 : i32
        %parallel_loop3A_1088 = vector.broadcast %parallel_loop3A_1087 : i32 to vector<16xi32>
        %parallel_loop3A_1089 = arith.addi %parallel_loop3A_1083, %parallel_loop3A_1088 : vector<16xi32>
        %parallel_loop3A_1090 = arith.select %parallel_loop3A_1086, %parallel_loop3A_1089, %parallel_loop3A_1083 : vector<16xi1>, vector<16xi32>
        %parallel_loop3A_1091 = vector.shape_cast %parallel_loop3A_1090 : vector<16xi32> to vector<16x1xi32>
        %parallel_loop3A_1092 = vector.shape_cast %parallel_loop3A_1091 : vector<16x1xi32> to vector<16xi32>
        %parallel_loop3A_1093 = tpu.dynamic_gather %parallel_loop3A_145[%parallel_loop3A_1092] in [0] : vector<16xf32>, vector<16xi32> -> vector<16xf32>
        %parallel_loop3A_1094 = arith.constant 16 : i32
        %parallel_loop3A_1095 = arith.muli %parallel_loop3A_111, %parallel_loop3A_1094 : i32
        %parallel_loop3A_1096 = arith.constant 13 : i32
        %parallel_loop3A_1097 = arith.addi %parallel_loop3A_1095, %parallel_loop3A_1096 : i32
        %parallel_loop3A_1098 = arith.index_cast %parallel_loop3A_1097 : i32 to index
        %parallel_loop3A_1099 = arith.constant 0 : index
        %parallel_loop3A_1100 = tpu.vector_load %arg10[%parallel_loop3A_1098, %parallel_loop3A_1099] {strides = array<i32>} : memref<128x128xf32, #tpu.memory_space<vmem>>, vector<16xf32>,
        %parallel_loop3A_1101 = arith.mulf %parallel_loop3A_1100, %parallel_loop3A_1093 : vector<16xf32>
        %parallel_loop3A_1102 = arith.index_cast %parallel_loop3A_1097 : i32 to index
        %parallel_loop3A_1103 = arith.constant 0 : index
        %parallel_loop3A_1104 = tpu.vector_load %arg10[%parallel_loop3A_1102, %parallel_loop3A_1103] {strides = array<i32>} : memref<128x128xf32, #tpu.memory_space<vmem>>, vector<16xf32>,
        tpu.vector_store %arg10[%parallel_loop3A_1102, %parallel_loop3A_1103], %parallel_loop3A_1101 {strides = array<i32>} : memref<128x128xf32, #tpu.memory_space<vmem>>, vector<16xf32>,
        %parallel_loop3A_1105 = arith.index_cast %parallel_loop3A_1097 : i32 to index
        %parallel_loop3A_1106 = arith.constant 16 : index
        %parallel_loop3A_1107 = tpu.vector_load %arg10[%parallel_loop3A_1105, %parallel_loop3A_1106] {strides = array<i32>} : memref<128x128xf32, #tpu.memory_space<vmem>>, vector<16xf32>,
        %parallel_loop3A_1108 = arith.mulf %parallel_loop3A_1107, %parallel_loop3A_1093 : vector<16xf32>
        %parallel_loop3A_1109 = arith.index_cast %parallel_loop3A_1097 : i32 to index
        %parallel_loop3A_1110 = arith.constant 16 : index
        %parallel_loop3A_1111 = tpu.vector_load %arg10[%parallel_loop3A_1109, %parallel_loop3A_1110] {strides = array<i32>} : memref<128x128xf32, #tpu.memory_space<vmem>>, vector<16xf32>,
        tpu.vector_store %arg10[%parallel_loop3A_1109, %parallel_loop3A_1110], %parallel_loop3A_1108 {strides = array<i32>} : memref<128x128xf32, #tpu.memory_space<vmem>>, vector<16xf32>,
        %parallel_loop3A_1112 = arith.index_cast %parallel_loop3A_1097 : i32 to index
        %parallel_loop3A_1113 = arith.constant 32 : index
        %parallel_loop3A_1114 = tpu.vector_load %arg10[%parallel_loop3A_1112, %parallel_loop3A_1113] {strides = array<i32>} : memref<128x128xf32, #tpu.memory_space<vmem>>, vector<16xf32>,
        %parallel_loop3A_1115 = arith.mulf %parallel_loop3A_1114, %parallel_loop3A_1093 : vector<16xf32>
        %parallel_loop3A_1116 = arith.index_cast %parallel_loop3A_1097 : i32 to index
        %parallel_loop3A_1117 = arith.constant 32 : index
        %parallel_loop3A_1118 = tpu.vector_load %arg10[%parallel_loop3A_1116, %parallel_loop3A_1117] {strides = array<i32>} : memref<128x128xf32, #tpu.memory_space<vmem>>, vector<16xf32>,
        tpu.vector_store %arg10[%parallel_loop3A_1116, %parallel_loop3A_1117], %parallel_loop3A_1115 {strides = array<i32>} : memref<128x128xf32, #tpu.memory_space<vmem>>, vector<16xf32>,
        %parallel_loop3A_1119 = arith.index_cast %parallel_loop3A_1097 : i32 to index
        %parallel_loop3A_1120 = arith.constant 48 : index
        %parallel_loop3A_1121 = tpu.vector_load %arg10[%parallel_loop3A_1119, %parallel_loop3A_1120] {strides = array<i32>} : memref<128x128xf32, #tpu.memory_space<vmem>>, vector<16xf32>,
        %parallel_loop3A_1122 = arith.mulf %parallel_loop3A_1121, %parallel_loop3A_1093 : vector<16xf32>
        %parallel_loop3A_1123 = arith.index_cast %parallel_loop3A_1097 : i32 to index
        %parallel_loop3A_1124 = arith.constant 48 : index
        %parallel_loop3A_1125 = tpu.vector_load %arg10[%parallel_loop3A_1123, %parallel_loop3A_1124] {strides = array<i32>} : memref<128x128xf32, #tpu.memory_space<vmem>>, vector<16xf32>,
        tpu.vector_store %arg10[%parallel_loop3A_1123, %parallel_loop3A_1124], %parallel_loop3A_1122 {strides = array<i32>} : memref<128x128xf32, #tpu.memory_space<vmem>>, vector<16xf32>,
        %parallel_loop3A_1126 = arith.index_cast %parallel_loop3A_1097 : i32 to index
        %parallel_loop3A_1127 = arith.constant 64 : index
        %parallel_loop3A_1128 = tpu.vector_load %arg10[%parallel_loop3A_1126, %parallel_loop3A_1127] {strides = array<i32>} : memref<128x128xf32, #tpu.memory_space<vmem>>, vector<16xf32>,
        %parallel_loop3A_1129 = arith.mulf %parallel_loop3A_1128, %parallel_loop3A_1093 : vector<16xf32>
        %parallel_loop3A_1130 = arith.index_cast %parallel_loop3A_1097 : i32 to index
        %parallel_loop3A_1131 = arith.constant 64 : index
        %parallel_loop3A_1132 = tpu.vector_load %arg10[%parallel_loop3A_1130, %parallel_loop3A_1131] {strides = array<i32>} : memref<128x128xf32, #tpu.memory_space<vmem>>, vector<16xf32>,
        tpu.vector_store %arg10[%parallel_loop3A_1130, %parallel_loop3A_1131], %parallel_loop3A_1129 {strides = array<i32>} : memref<128x128xf32, #tpu.memory_space<vmem>>, vector<16xf32>,
        %parallel_loop3A_1133 = arith.index_cast %parallel_loop3A_1097 : i32 to index
        %parallel_loop3A_1134 = arith.constant 80 : index
        %parallel_loop3A_1135 = tpu.vector_load %arg10[%parallel_loop3A_1133, %parallel_loop3A_1134] {strides = array<i32>} : memref<128x128xf32, #tpu.memory_space<vmem>>, vector<16xf32>,
        %parallel_loop3A_1136 = arith.mulf %parallel_loop3A_1135, %parallel_loop3A_1093 : vector<16xf32>
        %parallel_loop3A_1137 = arith.index_cast %parallel_loop3A_1097 : i32 to index
        %parallel_loop3A_1138 = arith.constant 80 : index
        %parallel_loop3A_1139 = tpu.vector_load %arg10[%parallel_loop3A_1137, %parallel_loop3A_1138] {strides = array<i32>} : memref<128x128xf32, #tpu.memory_space<vmem>>, vector<16xf32>,
        tpu.vector_store %arg10[%parallel_loop3A_1137, %parallel_loop3A_1138], %parallel_loop3A_1136 {strides = array<i32>} : memref<128x128xf32, #tpu.memory_space<vmem>>, vector<16xf32>,
        %parallel_loop3A_1140 = arith.index_cast %parallel_loop3A_1097 : i32 to index
        %parallel_loop3A_1141 = arith.constant 96 : index
        %parallel_loop3A_1142 = tpu.vector_load %arg10[%parallel_loop3A_1140, %parallel_loop3A_1141] {strides = array<i32>} : memref<128x128xf32, #tpu.memory_space<vmem>>, vector<16xf32>,
        %parallel_loop3A_1143 = arith.mulf %parallel_loop3A_1142, %parallel_loop3A_1093 : vector<16xf32>
        %parallel_loop3A_1144 = arith.index_cast %parallel_loop3A_1097 : i32 to index
        %parallel_loop3A_1145 = arith.constant 96 : index
        %parallel_loop3A_1146 = tpu.vector_load %arg10[%parallel_loop3A_1144, %parallel_loop3A_1145] {strides = array<i32>} : memref<128x128xf32, #tpu.memory_space<vmem>>, vector<16xf32>,
        tpu.vector_store %arg10[%parallel_loop3A_1144, %parallel_loop3A_1145], %parallel_loop3A_1143 {strides = array<i32>} : memref<128x128xf32, #tpu.memory_space<vmem>>, vector<16xf32>,
        %parallel_loop3A_1147 = arith.index_cast %parallel_loop3A_1097 : i32 to index
        %parallel_loop3A_1148 = arith.constant 112 : index
        %parallel_loop3A_1149 = tpu.vector_load %arg10[%parallel_loop3A_1147, %parallel_loop3A_1148] {strides = array<i32>} : memref<128x128xf32, #tpu.memory_space<vmem>>, vector<16xf32>,
        %parallel_loop3A_1150 = arith.mulf %parallel_loop3A_1149, %parallel_loop3A_1093 : vector<16xf32>
        %parallel_loop3A_1151 = arith.index_cast %parallel_loop3A_1097 : i32 to index
        %parallel_loop3A_1152 = arith.constant 112 : index
        %parallel_loop3A_1153 = tpu.vector_load %arg10[%parallel_loop3A_1151, %parallel_loop3A_1152] {strides = array<i32>} : memref<128x128xf32, #tpu.memory_space<vmem>>, vector<16xf32>,
        tpu.vector_store %arg10[%parallel_loop3A_1151, %parallel_loop3A_1152], %parallel_loop3A_1150 {strides = array<i32>} : memref<128x128xf32, #tpu.memory_space<vmem>>, vector<16xf32>,
        %parallel_loop3A_1154 = arith.constant 14 : i32
        %parallel_loop3A_1155 = vector.broadcast %parallel_loop3A_1154 : i32 to vector<16xi32>
        %parallel_loop3A_1156 = arith.constant 0 : i32
        %parallel_loop3A_1157 = vector.broadcast %parallel_loop3A_1156 : i32 to vector<16xi32>
        %parallel_loop3A_1158 = arith.cmpi slt, %parallel_loop3A_1155, %parallel_loop3A_1157 : vector<16xi32>
        %parallel_loop3A_1159 = arith.constant 16 : i32
        %parallel_loop3A_1160 = vector.broadcast %parallel_loop3A_1159 : i32 to vector<16xi32>
        %parallel_loop3A_1161 = arith.addi %parallel_loop3A_1155, %parallel_loop3A_1160 : vector<16xi32>
        %parallel_loop3A_1162 = arith.select %parallel_loop3A_1158, %parallel_loop3A_1161, %parallel_loop3A_1155 : vector<16xi1>, vector<16xi32>
        %parallel_loop3A_1163 = vector.shape_cast %parallel_loop3A_1162 : vector<16xi32> to vector<16x1xi32>
        %parallel_loop3A_1164 = vector.shape_cast %parallel_loop3A_1163 : vector<16x1xi32> to vector<16xi32>
        %parallel_loop3A_1165 = tpu.dynamic_gather %parallel_loop3A_145[%parallel_loop3A_1164] in [0] : vector<16xf32>, vector<16xi32> -> vector<16xf32>
        %parallel_loop3A_1166 = arith.constant 16 : i32
        %parallel_loop3A_1167 = arith.muli %parallel_loop3A_111, %parallel_loop3A_1166 : i32
        %parallel_loop3A_1168 = arith.constant 14 : i32
        %parallel_loop3A_1169 = arith.addi %parallel_loop3A_1167, %parallel_loop3A_1168 : i32
        %parallel_loop3A_1170 = arith.index_cast %parallel_loop3A_1169 : i32 to index
        %parallel_loop3A_1171 = arith.constant 0 : index
        %parallel_loop3A_1172 = tpu.vector_load %arg10[%parallel_loop3A_1170, %parallel_loop3A_1171] {strides = array<i32>} : memref<128x128xf32, #tpu.memory_space<vmem>>, vector<16xf32>,
        %parallel_loop3A_1173 = arith.mulf %parallel_loop3A_1172, %parallel_loop3A_1165 : vector<16xf32>
        %parallel_loop3A_1174 = arith.index_cast %parallel_loop3A_1169 : i32 to index
        %parallel_loop3A_1175 = arith.constant 0 : index
        %parallel_loop3A_1176 = tpu.vector_load %arg10[%parallel_loop3A_1174, %parallel_loop3A_1175] {strides = array<i32>} : memref<128x128xf32, #tpu.memory_space<vmem>>, vector<16xf32>,
        tpu.vector_store %arg10[%parallel_loop3A_1174, %parallel_loop3A_1175], %parallel_loop3A_1173 {strides = array<i32>} : memref<128x128xf32, #tpu.memory_space<vmem>>, vector<16xf32>,
        %parallel_loop3A_1177 = arith.index_cast %parallel_loop3A_1169 : i32 to index
        %parallel_loop3A_1178 = arith.constant 16 : index
        %parallel_loop3A_1179 = tpu.vector_load %arg10[%parallel_loop3A_1177, %parallel_loop3A_1178] {strides = array<i32>} : memref<128x128xf32, #tpu.memory_space<vmem>>, vector<16xf32>,
        %parallel_loop3A_1180 = arith.mulf %parallel_loop3A_1179, %parallel_loop3A_1165 : vector<16xf32>
        %parallel_loop3A_1181 = arith.index_cast %parallel_loop3A_1169 : i32 to index
        %parallel_loop3A_1182 = arith.constant 16 : index
        %parallel_loop3A_1183 = tpu.vector_load %arg10[%parallel_loop3A_1181, %parallel_loop3A_1182] {strides = array<i32>} : memref<128x128xf32, #tpu.memory_space<vmem>>, vector<16xf32>,
        tpu.vector_store %arg10[%parallel_loop3A_1181, %parallel_loop3A_1182], %parallel_loop3A_1180 {strides = array<i32>} : memref<128x128xf32, #tpu.memory_space<vmem>>, vector<16xf32>,
        %parallel_loop3A_1184 = arith.index_cast %parallel_loop3A_1169 : i32 to index
        %parallel_loop3A_1185 = arith.constant 32 : index
        %parallel_loop3A_1186 = tpu.vector_load %arg10[%parallel_loop3A_1184, %parallel_loop3A_1185] {strides = array<i32>} : memref<128x128xf32, #tpu.memory_space<vmem>>, vector<16xf32>,
        %parallel_loop3A_1187 = arith.mulf %parallel_loop3A_1186, %parallel_loop3A_1165 : vector<16xf32>
        %parallel_loop3A_1188 = arith.index_cast %parallel_loop3A_1169 : i32 to index
        %parallel_loop3A_1189 = arith.constant 32 : index
        %parallel_loop3A_1190 = tpu.vector_load %arg10[%parallel_loop3A_1188, %parallel_loop3A_1189] {strides = array<i32>} : memref<128x128xf32, #tpu.memory_space<vmem>>, vector<16xf32>,
        tpu.vector_store %arg10[%parallel_loop3A_1188, %parallel_loop3A_1189], %parallel_loop3A_1187 {strides = array<i32>} : memref<128x128xf32, #tpu.memory_space<vmem>>, vector<16xf32>,
        %parallel_loop3A_1191 = arith.index_cast %parallel_loop3A_1169 : i32 to index
        %parallel_loop3A_1192 = arith.constant 48 : index
        %parallel_loop3A_1193 = tpu.vector_load %arg10[%parallel_loop3A_1191, %parallel_loop3A_1192] {strides = array<i32>} : memref<128x128xf32, #tpu.memory_space<vmem>>, vector<16xf32>,
        %parallel_loop3A_1194 = arith.mulf %parallel_loop3A_1193, %parallel_loop3A_1165 : vector<16xf32>
        %parallel_loop3A_1195 = arith.index_cast %parallel_loop3A_1169 : i32 to index
        %parallel_loop3A_1196 = arith.constant 48 : index
        %parallel_loop3A_1197 = tpu.vector_load %arg10[%parallel_loop3A_1195, %parallel_loop3A_1196] {strides = array<i32>} : memref<128x128xf32, #tpu.memory_space<vmem>>, vector<16xf32>,
        tpu.vector_store %arg10[%parallel_loop3A_1195, %parallel_loop3A_1196], %parallel_loop3A_1194 {strides = array<i32>} : memref<128x128xf32, #tpu.memory_space<vmem>>, vector<16xf32>,
        %parallel_loop3A_1198 = arith.index_cast %parallel_loop3A_1169 : i32 to index
        %parallel_loop3A_1199 = arith.constant 64 : index
        %parallel_loop3A_1200 = tpu.vector_load %arg10[%parallel_loop3A_1198, %parallel_loop3A_1199] {strides = array<i32>} : memref<128x128xf32, #tpu.memory_space<vmem>>, vector<16xf32>,
        %parallel_loop3A_1201 = arith.mulf %parallel_loop3A_1200, %parallel_loop3A_1165 : vector<16xf32>
        %parallel_loop3A_1202 = arith.index_cast %parallel_loop3A_1169 : i32 to index
        %parallel_loop3A_1203 = arith.constant 64 : index
        %parallel_loop3A_1204 = tpu.vector_load %arg10[%parallel_loop3A_1202, %parallel_loop3A_1203] {strides = array<i32>} : memref<128x128xf32, #tpu.memory_space<vmem>>, vector<16xf32>,
        tpu.vector_store %arg10[%parallel_loop3A_1202, %parallel_loop3A_1203], %parallel_loop3A_1201 {strides = array<i32>} : memref<128x128xf32, #tpu.memory_space<vmem>>, vector<16xf32>,
        %parallel_loop3A_1205 = arith.index_cast %parallel_loop3A_1169 : i32 to index
        %parallel_loop3A_1206 = arith.constant 80 : index
        %parallel_loop3A_1207 = tpu.vector_load %arg10[%parallel_loop3A_1205, %parallel_loop3A_1206] {strides = array<i32>} : memref<128x128xf32, #tpu.memory_space<vmem>>, vector<16xf32>,
        %parallel_loop3A_1208 = arith.mulf %parallel_loop3A_1207, %parallel_loop3A_1165 : vector<16xf32>
        %parallel_loop3A_1209 = arith.index_cast %parallel_loop3A_1169 : i32 to index
        %parallel_loop3A_1210 = arith.constant 80 : index
        %parallel_loop3A_1211 = tpu.vector_load %arg10[%parallel_loop3A_1209, %parallel_loop3A_1210] {strides = array<i32>} : memref<128x128xf32, #tpu.memory_space<vmem>>, vector<16xf32>,
        tpu.vector_store %arg10[%parallel_loop3A_1209, %parallel_loop3A_1210], %parallel_loop3A_1208 {strides = array<i32>} : memref<128x128xf32, #tpu.memory_space<vmem>>, vector<16xf32>,
        %parallel_loop3A_1212 = arith.index_cast %parallel_loop3A_1169 : i32 to index
        %parallel_loop3A_1213 = arith.constant 96 : index
        %parallel_loop3A_1214 = tpu.vector_load %arg10[%parallel_loop3A_1212, %parallel_loop3A_1213] {strides = array<i32>} : memref<128x128xf32, #tpu.memory_space<vmem>>, vector<16xf32>,
        %parallel_loop3A_1215 = arith.mulf %parallel_loop3A_1214, %parallel_loop3A_1165 : vector<16xf32>
        %parallel_loop3A_1216 = arith.index_cast %parallel_loop3A_1169 : i32 to index
        %parallel_loop3A_1217 = arith.constant 96 : index
        %parallel_loop3A_1218 = tpu.vector_load %arg10[%parallel_loop3A_1216, %parallel_loop3A_1217] {strides = array<i32>} : memref<128x128xf32, #tpu.memory_space<vmem>>, vector<16xf32>,
        tpu.vector_store %arg10[%parallel_loop3A_1216, %parallel_loop3A_1217], %parallel_loop3A_1215 {strides = array<i32>} : memref<128x128xf32, #tpu.memory_space<vmem>>, vector<16xf32>,
        %parallel_loop3A_1219 = arith.index_cast %parallel_loop3A_1169 : i32 to index
        %parallel_loop3A_1220 = arith.constant 112 : index
        %parallel_loop3A_1221 = tpu.vector_load %arg10[%parallel_loop3A_1219, %parallel_loop3A_1220] {strides = array<i32>} : memref<128x128xf32, #tpu.memory_space<vmem>>, vector<16xf32>,
        %parallel_loop3A_1222 = arith.mulf %parallel_loop3A_1221, %parallel_loop3A_1165 : vector<16xf32>
        %parallel_loop3A_1223 = arith.index_cast %parallel_loop3A_1169 : i32 to index
        %parallel_loop3A_1224 = arith.constant 112 : index
        %parallel_loop3A_1225 = tpu.vector_load %arg10[%parallel_loop3A_1223, %parallel_loop3A_1224] {strides = array<i32>} : memref<128x128xf32, #tpu.memory_space<vmem>>, vector<16xf32>,
        tpu.vector_store %arg10[%parallel_loop3A_1223, %parallel_loop3A_1224], %parallel_loop3A_1222 {strides = array<i32>} : memref<128x128xf32, #tpu.memory_space<vmem>>, vector<16xf32>,
        %parallel_loop3A_1226 = arith.constant 15 : i32
        %parallel_loop3A_1227 = vector.broadcast %parallel_loop3A_1226 : i32 to vector<16xi32>
        %parallel_loop3A_1228 = arith.constant 0 : i32
        %parallel_loop3A_1229 = vector.broadcast %parallel_loop3A_1228 : i32 to vector<16xi32>
        %parallel_loop3A_1230 = arith.cmpi slt, %parallel_loop3A_1227, %parallel_loop3A_1229 : vector<16xi32>
        %parallel_loop3A_1231 = arith.constant 16 : i32
        %parallel_loop3A_1232 = vector.broadcast %parallel_loop3A_1231 : i32 to vector<16xi32>
        %parallel_loop3A_1233 = arith.addi %parallel_loop3A_1227, %parallel_loop3A_1232 : vector<16xi32>
        %parallel_loop3A_1234 = arith.select %parallel_loop3A_1230, %parallel_loop3A_1233, %parallel_loop3A_1227 : vector<16xi1>, vector<16xi32>
        %parallel_loop3A_1235 = vector.shape_cast %parallel_loop3A_1234 : vector<16xi32> to vector<16x1xi32>
        %parallel_loop3A_1236 = vector.shape_cast %parallel_loop3A_1235 : vector<16x1xi32> to vector<16xi32>
        %parallel_loop3A_1237 = tpu.dynamic_gather %parallel_loop3A_145[%parallel_loop3A_1236] in [0] : vector<16xf32>, vector<16xi32> -> vector<16xf32>
        %parallel_loop3A_1238 = arith.constant 16 : i32
        %parallel_loop3A_1239 = arith.muli %parallel_loop3A_111, %parallel_loop3A_1238 : i32
        %parallel_loop3A_1240 = arith.constant 15 : i32
        %parallel_loop3A_1241 = arith.addi %parallel_loop3A_1239, %parallel_loop3A_1240 : i32
        %parallel_loop3A_1242 = arith.index_cast %parallel_loop3A_1241 : i32 to index
        %parallel_loop3A_1243 = arith.constant 0 : index
        %parallel_loop3A_1244 = tpu.vector_load %arg10[%parallel_loop3A_1242, %parallel_loop3A_1243] {strides = array<i32>} : memref<128x128xf32, #tpu.memory_space<vmem>>, vector<16xf32>,
        %parallel_loop3A_1245 = arith.mulf %parallel_loop3A_1244, %parallel_loop3A_1237 : vector<16xf32>
        %parallel_loop3A_1246 = arith.index_cast %parallel_loop3A_1241 : i32 to index
        %parallel_loop3A_1247 = arith.constant 0 : index
        %parallel_loop3A_1248 = tpu.vector_load %arg10[%parallel_loop3A_1246, %parallel_loop3A_1247] {strides = array<i32>} : memref<128x128xf32, #tpu.memory_space<vmem>>, vector<16xf32>,
        tpu.vector_store %arg10[%parallel_loop3A_1246, %parallel_loop3A_1247], %parallel_loop3A_1245 {strides = array<i32>} : memref<128x128xf32, #tpu.memory_space<vmem>>, vector<16xf32>,
        %parallel_loop3A_1249 = arith.index_cast %parallel_loop3A_1241 : i32 to index
        %parallel_loop3A_1250 = arith.constant 16 : index
        %parallel_loop3A_1251 = tpu.vector_load %arg10[%parallel_loop3A_1249, %parallel_loop3A_1250] {strides = array<i32>} : memref<128x128xf32, #tpu.memory_space<vmem>>, vector<16xf32>,
        %parallel_loop3A_1252 = arith.mulf %parallel_loop3A_1251, %parallel_loop3A_1237 : vector<16xf32>
        %parallel_loop3A_1253 = arith.index_cast %parallel_loop3A_1241 : i32 to index
        %parallel_loop3A_1254 = arith.constant 16 : index
        %parallel_loop3A_1255 = tpu.vector_load %arg10[%parallel_loop3A_1253, %parallel_loop3A_1254] {strides = array<i32>} : memref<128x128xf32, #tpu.memory_space<vmem>>, vector<16xf32>,
        tpu.vector_store %arg10[%parallel_loop3A_1253, %parallel_loop3A_1254], %parallel_loop3A_1252 {strides = array<i32>} : memref<128x128xf32, #tpu.memory_space<vmem>>, vector<16xf32>,
        %parallel_loop3A_1256 = arith.index_cast %parallel_loop3A_1241 : i32 to index
        %parallel_loop3A_1257 = arith.constant 32 : index
        %parallel_loop3A_1258 = tpu.vector_load %arg10[%parallel_loop3A_1256, %parallel_loop3A_1257] {strides = array<i32>} : memref<128x128xf32, #tpu.memory_space<vmem>>, vector<16xf32>,
        %parallel_loop3A_1259 = arith.mulf %parallel_loop3A_1258, %parallel_loop3A_1237 : vector<16xf32>
        %parallel_loop3A_1260 = arith.index_cast %parallel_loop3A_1241 : i32 to index
        %parallel_loop3A_1261 = arith.constant 32 : index
        %parallel_loop3A_1262 = tpu.vector_load %arg10[%parallel_loop3A_1260, %parallel_loop3A_1261] {strides = array<i32>} : memref<128x128xf32, #tpu.memory_space<vmem>>, vector<16xf32>,
        tpu.vector_store %arg10[%parallel_loop3A_1260, %parallel_loop3A_1261], %parallel_loop3A_1259 {strides = array<i32>} : memref<128x128xf32, #tpu.memory_space<vmem>>, vector<16xf32>,
        %parallel_loop3A_1263 = arith.index_cast %parallel_loop3A_1241 : i32 to index
        %parallel_loop3A_1264 = arith.constant 48 : index
        %parallel_loop3A_1265 = tpu.vector_load %arg10[%parallel_loop3A_1263, %parallel_loop3A_1264] {strides = array<i32>} : memref<128x128xf32, #tpu.memory_space<vmem>>, vector<16xf32>,
        %parallel_loop3A_1266 = arith.mulf %parallel_loop3A_1265, %parallel_loop3A_1237 : vector<16xf32>
        %parallel_loop3A_1267 = arith.index_cast %parallel_loop3A_1241 : i32 to index
        %parallel_loop3A_1268 = arith.constant 48 : index
        %parallel_loop3A_1269 = tpu.vector_load %arg10[%parallel_loop3A_1267, %parallel_loop3A_1268] {strides = array<i32>} : memref<128x128xf32, #tpu.memory_space<vmem>>, vector<16xf32>,
        tpu.vector_store %arg10[%parallel_loop3A_1267, %parallel_loop3A_1268], %parallel_loop3A_1266 {strides = array<i32>} : memref<128x128xf32, #tpu.memory_space<vmem>>, vector<16xf32>,
        %parallel_loop3A_1270 = arith.index_cast %parallel_loop3A_1241 : i32 to index
        %parallel_loop3A_1271 = arith.constant 64 : index
        %parallel_loop3A_1272 = tpu.vector_load %arg10[%parallel_loop3A_1270, %parallel_loop3A_1271] {strides = array<i32>} : memref<128x128xf32, #tpu.memory_space<vmem>>, vector<16xf32>,
        %parallel_loop3A_1273 = arith.mulf %parallel_loop3A_1272, %parallel_loop3A_1237 : vector<16xf32>
        %parallel_loop3A_1274 = arith.index_cast %parallel_loop3A_1241 : i32 to index
        %parallel_loop3A_1275 = arith.constant 64 : index
        %parallel_loop3A_1276 = tpu.vector_load %arg10[%parallel_loop3A_1274, %parallel_loop3A_1275] {strides = array<i32>} : memref<128x128xf32, #tpu.memory_space<vmem>>, vector<16xf32>,
        tpu.vector_store %arg10[%parallel_loop3A_1274, %parallel_loop3A_1275], %parallel_loop3A_1273 {strides = array<i32>} : memref<128x128xf32, #tpu.memory_space<vmem>>, vector<16xf32>,
        %parallel_loop3A_1277 = arith.index_cast %parallel_loop3A_1241 : i32 to index
        %parallel_loop3A_1278 = arith.constant 80 : index
        %parallel_loop3A_1279 = tpu.vector_load %arg10[%parallel_loop3A_1277, %parallel_loop3A_1278] {strides = array<i32>} : memref<128x128xf32, #tpu.memory_space<vmem>>, vector<16xf32>,
        %parallel_loop3A_1280 = arith.mulf %parallel_loop3A_1279, %parallel_loop3A_1237 : vector<16xf32>
        %parallel_loop3A_1281 = arith.index_cast %parallel_loop3A_1241 : i32 to index
        %parallel_loop3A_1282 = arith.constant 80 : index
        %parallel_loop3A_1283 = tpu.vector_load %arg10[%parallel_loop3A_1281, %parallel_loop3A_1282] {strides = array<i32>} : memref<128x128xf32, #tpu.memory_space<vmem>>, vector<16xf32>,
        tpu.vector_store %arg10[%parallel_loop3A_1281, %parallel_loop3A_1282], %parallel_loop3A_1280 {strides = array<i32>} : memref<128x128xf32, #tpu.memory_space<vmem>>, vector<16xf32>,
        %parallel_loop3A_1284 = arith.index_cast %parallel_loop3A_1241 : i32 to index
        %parallel_loop3A_1285 = arith.constant 96 : index
        %parallel_loop3A_1286 = tpu.vector_load %arg10[%parallel_loop3A_1284, %parallel_loop3A_1285] {strides = array<i32>} : memref<128x128xf32, #tpu.memory_space<vmem>>, vector<16xf32>,
        %parallel_loop3A_1287 = arith.mulf %parallel_loop3A_1286, %parallel_loop3A_1237 : vector<16xf32>
        %parallel_loop3A_1288 = arith.index_cast %parallel_loop3A_1241 : i32 to index
        %parallel_loop3A_1289 = arith.constant 96 : index
        %parallel_loop3A_1290 = tpu.vector_load %arg10[%parallel_loop3A_1288, %parallel_loop3A_1289] {strides = array<i32>} : memref<128x128xf32, #tpu.memory_space<vmem>>, vector<16xf32>,
        tpu.vector_store %arg10[%parallel_loop3A_1288, %parallel_loop3A_1289], %parallel_loop3A_1287 {strides = array<i32>} : memref<128x128xf32, #tpu.memory_space<vmem>>, vector<16xf32>,
        %parallel_loop3A_1291 = arith.index_cast %parallel_loop3A_1241 : i32 to index
        %parallel_loop3A_1292 = arith.constant 112 : index
        %parallel_loop3A_1293 = tpu.vector_load %arg10[%parallel_loop3A_1291, %parallel_loop3A_1292] {strides = array<i32>} : memref<128x128xf32, #tpu.memory_space<vmem>>, vector<16xf32>,
        %parallel_loop3A_1294 = arith.mulf %parallel_loop3A_1293, %parallel_loop3A_1237 : vector<16xf32>
        %parallel_loop3A_1295 = arith.index_cast %parallel_loop3A_1241 : i32 to index
        %parallel_loop3A_1296 = arith.constant 112 : index
        %parallel_loop3A_1297 = tpu.vector_load %arg10[%parallel_loop3A_1295, %parallel_loop3A_1296] {strides = array<i32>} : memref<128x128xf32, #tpu.memory_space<vmem>>, vector<16xf32>,
        tpu.vector_store %arg10[%parallel_loop3A_1295, %parallel_loop3A_1296], %parallel_loop3A_1294 {strides = array<i32>} : memref<128x128xf32, #tpu.memory_space<vmem>>, vector<16xf32>,
      } {sc.loop_unroll_factor = 2 : i64, sc.parallel_access}
      %run_scoped3A_102 = arith.constant 1 : i32
      "tpu.region"() ({
        %run_scoped3A_111 = tpu.sem_alloc : memref<!tpu.dma_semaphore, #tpu.memory_space<semaphore_mem>>
        %dma_start3A_112 = arith.constant 0 : i32
        %dma_start3A_113 = tpu.memref_slice %arg7[%run_scoped3A_102, %dma_start3A_112] : memref<3x128xi32, #tpu.memory_space<vmem>> -> memref<1x128xi32, #tpu.memory_space<vmem>>
        %dma_start3A_114 = tpu.memref_squeeze %dma_start3A_113 : memref<1x128xi32, #tpu.memory_space<vmem>> -> memref<128xi32, #tpu.memory_space<vmem>>
        %dma_start3A_115 = arith.constant 0 : i32
        %dma_start3A_116 = arith.constant 0 : i32
        %dma_start3A_117 = tpu.memref_slice %arg11[%dma_start3A_115, %dma_start3A_116] : memref<10240x128xf32, #tpu.memory_space<vmem_shared>> -> memref<10240x128xf32, #tpu.memory_space<vmem_shared>>
        tpu.enqueue_indirect_dma source(%arg10 : memref<128x128xf32, #tpu.memory_space<vmem>>) target(%dma_start3A_117 : memref<10240x128xf32, #tpu.memory_space<vmem_shared>>) offsets(%dma_start3A_114 : memref<128xi32, #tpu.memory_space<vmem>>) semaphore(%run_scoped3A_111 : memref<!tpu.dma_semaphore, #tpu.memory_space<semaphore_mem>>) {add = true}
        %dma_wait3A_118 = arith.constant 0 : i32
        %dma_wait3A_119 = tpu.memref_slice %arg7[%run_scoped3A_102, %dma_wait3A_118] : memref<3x128xi32, #tpu.memory_space<vmem>> -> memref<1x128xi32, #tpu.memory_space<vmem>>
        %dma_wait3A_120 = tpu.memref_squeeze %dma_wait3A_119 : memref<1x128xi32, #tpu.memory_space<vmem>> -> memref<128xi32, #tpu.memory_space<vmem>>
        %dma_wait3A_121 = arith.constant 0 : i32
        %dma_wait3A_122 = arith.constant 0 : i32
        %dma_wait3A_123 = tpu.memref_slice %arg11[%dma_wait3A_121, %dma_wait3A_122] : memref<10240x128xf32, #tpu.memory_space<vmem_shared>> -> memref<10240x128xf32, #tpu.memory_space<vmem_shared>>
        tpu.wait_indirect_dma semaphore(%run_scoped3A_111 : memref<!tpu.dma_semaphore, #tpu.memory_space<semaphore_mem>>) src(%arg10 : memref<128x128xf32, #tpu.memory_space<vmem>>) dst(%dma_wait3A_123 : memref<10240x128xf32, #tpu.memory_space<vmem_shared>>)
        tpu.yield
      }) : () -> ()
      %add3A_103 = arith.constant 2 : i32
      %add3A_104 = arith.addi %add3A_84, %add3A_103 : i32
      %lt3A_105 = arith.constant 40 : i32
      %lt3A_106 = arith.cmpi slt, %add3A_104, %lt3A_105 : i32
      %convert_element_type3A_107 = arith.extui %lt3A_106 : i1 to i32
      %cond3A_108 = arith.constant 0 : i32
      %cond3A_109 = arith.cmpi ne, %convert_element_type3A_107, %cond3A_108 : i32
      scf.if %cond3A_109 {
        %add3A_111 = arith.addi %mul3A_2, %add3A_84 : i32
        %add3A_112 = arith.constant 2 : i32
        %add3A_113 = arith.addi %add3A_111, %add3A_112 : i32
        %dma_start3A_114 = arith.constant 0 : i32
        %dma_start3A_115 = arith.constant 0 : i32
        %dma_start3A_116 = tpu.memref_slice %arg3[%add3A_113, %dma_start3A_114, %dma_start3A_115] : memref<1280x3x128xi32, #tpu.memory_space<hbm>> -> memref<1x3x128xi32, #tpu.memory_space<hbm>>
        %dma_start3A_117 = tpu.memref_squeeze %dma_start3A_116 : memref<1x3x128xi32, #tpu.memory_space<hbm>> -> memref<3x128xi32, #tpu.memory_space<hbm>>
        %dma_start3A_118 = arith.constant 0 : i32
        %dma_start3A_119 = arith.constant 0 : i32
        %dma_start3A_120 = tpu.memref_slice %arg3[%add3A_113, %dma_start3A_118, %dma_start3A_119] : memref<1280x3x128xi32, #tpu.memory_space<hbm>> -> memref<1x3x128xi32, #tpu.memory_space<hbm>>
        %dma_start3A_121 = tpu.memref_squeeze %dma_start3A_120 : memref<1x3x128xi32, #tpu.memory_space<hbm>> -> memref<3x128xi32, #tpu.memory_space<hbm>>
        tpu.enqueue_dma source(%dma_start3A_121 : memref<3x128xi32, #tpu.memory_space<hbm>>) target(%arg7 : memref<3x128xi32, #tpu.memory_space<vmem>>) target_semaphore(%arg13 : memref<!tpu.dma_semaphore, #tpu.memory_space<semaphore_mem>>)
      } else {
      }
      %scan3A_110 = arith.constant 0 : i32
      scf.yield %scan3A_110 : i32
    }
    %scan3A_52 = arith.constant 20 : i32
    %barrier3A_53 = arith.constant 0 : index
    tpu.barrier barrier_id(%barrier3A_53)
    %mul3A_54 = arith.constant 640 : i32
    %mul3A_55 = arith.muli %arg1, %mul3A_54 : i32
    %mul3A_56 = arith.constant 640 : i32
    %mul3A_57 = arith.muli %arg1, %mul3A_56 : i32
    "tpu.region"() ({
      %run_scoped3A = tpu.sem_alloc : memref<!tpu.dma_semaphore, #tpu.memory_space<semaphore_mem>>
      %dma_start3A_58 = arith.constant 0 : i32
      %dma_start3A_59 = tpu.memref_slice %arg5[%arg0, %mul3A_57, %dma_start3A_58] : memref<2x10240x128xf32, #tpu.memory_space<hbm>> -> memref<1x640x128xf32, #tpu.memory_space<hbm>>
      %dma_start3A_60 = tpu.memref_squeeze %dma_start3A_59 : memref<1x640x128xf32, #tpu.memory_space<hbm>> -> memref<640x128xf32, #tpu.memory_space<hbm>>
      %dma_start3A_61 = arith.constant 0 : i32
      %dma_start3A_62 = tpu.memref_slice %arg11[%mul3A_55, %dma_start3A_61] : memref<10240x128xf32, #tpu.memory_space<vmem_shared>> -> memref<640x128xf32, #tpu.memory_space<vmem_shared>>
      tpu.enqueue_dma source(%dma_start3A_62 : memref<640x128xf32, #tpu.memory_space<vmem_shared>>) target(%dma_start3A_60 : memref<640x128xf32, #tpu.memory_space<hbm>>) target_semaphore(%run_scoped3A : memref<!tpu.dma_semaphore, #tpu.memory_space<semaphore_mem>>)
      %dma_wait3A = arith.constant 0 : i32
      %dma_wait3A_63 = tpu.memref_slice %arg5[%arg0, %mul3A_57, %dma_wait3A] : memref<2x10240x128xf32, #tpu.memory_space<hbm>> -> memref<1x640x128xf32, #tpu.memory_space<hbm>>
      %dma_wait3A_64 = tpu.memref_squeeze %dma_wait3A_63 : memref<1x640x128xf32, #tpu.memory_space<hbm>> -> memref<640x128xf32, #tpu.memory_space<hbm>>
      %dma_wait3A_65 = arith.constant 0 : i32
      %dma_wait3A_66 = tpu.memref_slice %arg11[%mul3A_55, %dma_wait3A_65] : memref<10240x128xf32, #tpu.memory_space<vmem_shared>> -> memref<640x128xf32, #tpu.memory_space<vmem_shared>>
      tpu.wait_dma2 semaphore(%run_scoped3A : memref<!tpu.dma_semaphore, #tpu.memory_space<semaphore_mem>>) src(%dma_wait3A_66 : memref<640x128xf32, #tpu.memory_space<vmem_shared>>) dst(%dma_wait3A_64 : memref<640x128xf32, #tpu.memory_space<hbm>>)
      tpu.yield
    }) : () -> ()
    return
  }
}

module attributes {stable_mosaic.version = 14 : i64} {
  func.func @_t2_body(%arg0: i32, %arg1: memref<80x256x128xf32, #tpu.memory_space<vmem>>, %arg2: memref<128x128xf32, #tpu.memory_space<vmem>>, %arg3: memref<1x384xf32, #tpu.memory_space<vmem>>, %arg4: memref<80x256xf32, #tpu.memory_space<vmem>>) attributes {dimension_semantics = [#tpu.dimension_semantics<arbitrary>], iteration_bounds = array<i64: 8>, scalar_prefetch = 0 : i64, scratch_operands = 0 : i64, tpu.core_type = #tpu.core_type<tc>, window_params = [{transform_indices = @transform_0, window_bounds = array<i64: 80, 256, 128>}, {pipeline_mode = #tpu.pipeline_mode<synchronous>, transform_indices = @transform_1, window_bounds = array<i64: 128, 128>}, {pipeline_mode = #tpu.pipeline_mode<synchronous>, transform_indices = @transform_2, window_bounds = array<i64: 1, 384>}, {transform_indices = @transform_3, window_bounds = array<i64: 80, 256>}]} {
    %get3A = arith.constant 0 : index
    %get3A_0 = arith.constant 0 : index
    %get3A_1 = vector.load %arg3[%get3A, %get3A_0] : memref<1x384xf32, #tpu.memory_space<vmem>>, vector<1x384xf32>
    %reshape3A = vector.shape_cast %get3A_1 : vector<1x384xf32> to vector<3x128xf32>
    %get3A_2 = arith.constant 0 : index
    %get3A_3 = arith.constant 0 : index
    %get3A_4 = vector.load %arg2[%get3A_2, %get3A_3] : memref<128x128xf32, #tpu.memory_space<vmem>>, vector<128x128xf32>
    %dot_general3A = arith.constant dense<0.000000e+00> : vector<3x128xf32>
    %dot_general3A_5 = tpu.matmul %reshape3A, %get3A_4, %dot_general3A {dimension_numbers = #tpu.dot_dimension_numbers<[1], [0], [0], [1], [0, 0, 1, 1], [], []>, transpose_lhs_hint = false} : vector<3x128xf32>, vector<128x128xf32>, vector<3x128xf32> -> vector<3x128xf32>
    %slice3A = vector.extract_strided_slice %dot_general3A_5 {offsets = [1, 0], sizes = [1, 128], strides = [1, 1]} : vector<3x128xf32> to vector<1x128xf32>
    %squeeze3A = vector.shape_cast %slice3A : vector<1x128xf32> to vector<128xf32>
    %get3A_6 = arith.constant 0 : index
    %get3A_7 = arith.constant 0 : index
    %get3A_8 = arith.constant 0 : index
    %get3A_9 = vector.load %arg1[%get3A_6, %get3A_7, %get3A_8] : memref<80x256x128xf32, #tpu.memory_space<vmem>>, vector<80x256x128xf32>
    %broadcast_in_dim3A = vector.shape_cast %squeeze3A : vector<128xf32> to vector<1x1x128xf32>
    %mul3A = vector.broadcast %broadcast_in_dim3A : vector<1x1x128xf32> to vector<80x256x128xf32>
    %mul3A_10 = arith.mulf %get3A_9, %mul3A : vector<80x256x128xf32>
    %reduce_sum3A = arith.constant dense<0.000000e+00> : vector<80x256xf32>
    %reduce_sum3A_11 = vector.multi_reduction <add>, %mul3A_10, %reduce_sum3A [2] : vector<80x256x128xf32> to vector<80x256xf32>
    %swap3A = arith.constant 0 : index
    %swap3A_12 = arith.constant 0 : index
    %swap3A_13 = vector.load %arg4[%swap3A, %swap3A_12] : memref<80x256xf32, #tpu.memory_space<vmem>>, vector<80x256xf32>
    tpu.vector_store %arg4[%swap3A, %swap3A_12], %reduce_sum3A_11 {strides = array<i32>} : memref<80x256xf32, #tpu.memory_space<vmem>>, vector<80x256xf32>,
    return
  }
  func.func @transform_0(%arg0: i32) -> (i32, i32, i32) {
    %c0_i32 = arith.constant 0 : i32
    %c0_i32_0 = arith.constant 0 : i32
    %c0_i32_1 = arith.constant 0 : i32
    return %arg0, %c0_i32, %c0_i32_0 : i32, i32, i32
  }
  func.func @transform_1(%arg0: i32) -> (i32, i32) {
    %c0_i32 = arith.constant 0 : i32
    %c0_i32_0 = arith.constant 0 : i32
    %c0_i32_1 = arith.constant 0 : i32
    return %c0_i32, %c0_i32_0 : i32, i32
  }
  func.func @transform_2(%arg0: i32) -> (i32, i32) {
    %c0_i32 = arith.constant 0 : i32
    %c0_i32_0 = arith.constant 0 : i32
    %c0_i32_1 = arith.constant 0 : i32
    return %c0_i32, %c0_i32_0 : i32, i32
  }
  func.func @transform_3(%arg0: i32) -> (i32, i32) {
    %c0_i32 = arith.constant 0 : i32
    %c0_i32_0 = arith.constant 0 : i32
    return %arg0, %c0_i32 : i32, i32
  }
}

module attributes {stable_mosaic.version = 14 : i64} {
  func.func @_t1_body(%arg0: i32, %arg1: memref<2000x128xf32, #tpu.memory_space<vmem>>, %arg2: memref<8x128x128xf32, #tpu.memory_space<vmem>>, %arg3: memref<128x128xf32, #tpu.memory_space<vmem>>, %arg4: memref<1x384xf32, #tpu.memory_space<vmem>>, %arg5: memref<2000x8x128xf32, #tpu.memory_space<vmem>>, %arg6: memref<2000x128xf32, #tpu.memory_space<vmem>>) attributes {dimension_semantics = [#tpu.dimension_semantics<arbitrary>], iteration_bounds = array<i64: 5>, scalar_prefetch = 0 : i64, scratch_operands = 0 : i64, tpu.core_type = #tpu.core_type<tc>, window_params = [{transform_indices = @transform_0, window_bounds = array<i64: 2000, 128>}, {pipeline_mode = #tpu.pipeline_mode<synchronous>, transform_indices = @transform_1, window_bounds = array<i64: 8, 128, 128>}, {pipeline_mode = #tpu.pipeline_mode<synchronous>, transform_indices = @transform_2, window_bounds = array<i64: 128, 128>}, {pipeline_mode = #tpu.pipeline_mode<synchronous>, transform_indices = @transform_3, window_bounds = array<i64: 1, 384>}, {transform_indices = @transform_4, window_bounds = array<i64: 2000, 8, 128>}, {transform_indices = @transform_5, window_bounds = array<i64: 2000, 128>}]} {
    %get3A = arith.constant 0 : index
    %get3A_0 = arith.constant 0 : index
    %get3A_1 = vector.load %arg1[%get3A, %get3A_0] : memref<2000x128xf32, #tpu.memory_space<vmem>>, vector<2000x128xf32>
    %get3A_2 = arith.constant 0 : index
    %get3A_3 = arith.constant 0 : index
    %get3A_4 = vector.load %arg4[%get3A_2, %get3A_3] : memref<1x384xf32, #tpu.memory_space<vmem>>, vector<1x384xf32>
    %reshape3A = vector.shape_cast %get3A_4 : vector<1x384xf32> to vector<3x128xf32>
    %get3A_5 = arith.constant 0 : index
    %get3A_6 = arith.constant 0 : index
    %get3A_7 = vector.load %arg3[%get3A_5, %get3A_6] : memref<128x128xf32, #tpu.memory_space<vmem>>, vector<128x128xf32>
    %dot_general3A = arith.constant dense<0.000000e+00> : vector<3x128xf32>
    %dot_general3A_8 = tpu.matmul %reshape3A, %get3A_7, %dot_general3A {dimension_numbers = #tpu.dot_dimension_numbers<[1], [0], [0], [1], [0, 0, 1, 1], [], []>, transpose_lhs_hint = false} : vector<3x128xf32>, vector<128x128xf32>, vector<3x128xf32> -> vector<3x128xf32>
    %broadcast_in_dim3A = arith.constant 0.000000e+00 : f32
    %broadcast_in_dim3A_9 = vector.broadcast %broadcast_in_dim3A : f32 to vector<125x128xf32>
    %concatenate3A = tpu.concatenate %dot_general3A_8, %broadcast_in_dim3A_9 in 0 : vector<3x128xf32>, vector<125x128xf32> -> vector<128x128xf32>
    %transpose3A = tpu.transpose %concatenate3A, [1, 0] : vector<128x128xf32> -> vector<128x128xf32>
    %dot_general3A_10 = arith.constant dense<0.000000e+00> : vector<2000x128xf32>
    %dot_general3A_11 = tpu.matmul %get3A_1, %transpose3A, %dot_general3A_10 {dimension_numbers = #tpu.dot_dimension_numbers<[1], [0], [0], [1], [0, 0, 1, 1], [], []>, transpose_lhs_hint = false} : vector<2000x128xf32>, vector<128x128xf32>, vector<2000x128xf32> -> vector<2000x128xf32>
    %swap3A = arith.constant 0 : index
    %swap3A_12 = arith.constant 0 : index
    %swap3A_13 = vector.load %arg6[%swap3A, %swap3A_12] : memref<2000x128xf32, #tpu.memory_space<vmem>>, vector<2000x128xf32>
    tpu.vector_store %arg6[%swap3A, %swap3A_12], %dot_general3A_11 {strides = array<i32>} : memref<2000x128xf32, #tpu.memory_space<vmem>>, vector<2000x128xf32>,
    %get3A_14 = arith.constant 0 : index
    %get3A_15 = arith.constant 0 : index
    %get3A_16 = arith.constant 0 : index
    %get3A_17 = vector.load %arg2[%get3A_14, %get3A_15, %get3A_16] : memref<8x128x128xf32, #tpu.memory_space<vmem>>, vector<1x128x128xf32>
    %get3A_18 = vector.shape_cast %get3A_17 : vector<1x128x128xf32> to vector<128x128xf32>
    %dot_general3A_19 = arith.constant dense<0.000000e+00> : vector<2000x128xf32>
    %dot_general3A_20 = tpu.matmul %get3A_1, %get3A_18, %dot_general3A_19 {dimension_numbers = #tpu.dot_dimension_numbers<[1], [0], [0], [1], [0, 0, 1, 1], [], []>, transpose_lhs_hint = false} : vector<2000x128xf32>, vector<128x128xf32>, vector<2000x128xf32> -> vector<2000x128xf32>
    %swap3A_21 = arith.constant 0 : index
    %swap3A_22 = arith.constant 0 : index
    %swap3A_23 = arith.constant 0 : index
    %swap3A_24 = vector.load %arg5[%swap3A_21, %swap3A_22, %swap3A_23] : memref<2000x8x128xf32, #tpu.memory_space<vmem>>, vector<2000x1x128xf32>
    %swap3A_25 = vector.shape_cast %swap3A_24 : vector<2000x1x128xf32> to vector<2000x128xf32>
    %swap3A_26 = vector.shape_cast %dot_general3A_20 : vector<2000x128xf32> to vector<2000x1x128xf32>
    tpu.vector_store %arg5[%swap3A_21, %swap3A_22, %swap3A_23], %swap3A_26 {strides = array<i32>} : memref<2000x8x128xf32, #tpu.memory_space<vmem>>, vector<2000x1x128xf32>,
    %get3A_27 = arith.constant 1 : index
    %get3A_28 = arith.constant 0 : index
    %get3A_29 = arith.constant 0 : index
    %get3A_30 = vector.load %arg2[%get3A_27, %get3A_28, %get3A_29] : memref<8x128x128xf32, #tpu.memory_space<vmem>>, vector<1x128x128xf32>
    %get3A_31 = vector.shape_cast %get3A_30 : vector<1x128x128xf32> to vector<128x128xf32>
    %dot_general3A_32 = arith.constant dense<0.000000e+00> : vector<2000x128xf32>
    %dot_general3A_33 = tpu.matmul %get3A_1, %get3A_31, %dot_general3A_32 {dimension_numbers = #tpu.dot_dimension_numbers<[1], [0], [0], [1], [0, 0, 1, 1], [], []>, transpose_lhs_hint = false} : vector<2000x128xf32>, vector<128x128xf32>, vector<2000x128xf32> -> vector<2000x128xf32>
    %swap3A_34 = arith.constant 0 : index
    %swap3A_35 = arith.constant 1 : index
    %swap3A_36 = arith.constant 0 : index
    %swap3A_37 = vector.load %arg5[%swap3A_34, %swap3A_35, %swap3A_36] : memref<2000x8x128xf32, #tpu.memory_space<vmem>>, vector<2000x1x128xf32>
    %swap3A_38 = vector.shape_cast %swap3A_37 : vector<2000x1x128xf32> to vector<2000x128xf32>
    %swap3A_39 = vector.shape_cast %dot_general3A_33 : vector<2000x128xf32> to vector<2000x1x128xf32>
    tpu.vector_store %arg5[%swap3A_34, %swap3A_35, %swap3A_36], %swap3A_39 {strides = array<i32>} : memref<2000x8x128xf32, #tpu.memory_space<vmem>>, vector<2000x1x128xf32>,
    %get3A_40 = arith.constant 2 : index
    %get3A_41 = arith.constant 0 : index
    %get3A_42 = arith.constant 0 : index
    %get3A_43 = vector.load %arg2[%get3A_40, %get3A_41, %get3A_42] : memref<8x128x128xf32, #tpu.memory_space<vmem>>, vector<1x128x128xf32>
    %get3A_44 = vector.shape_cast %get3A_43 : vector<1x128x128xf32> to vector<128x128xf32>
    %dot_general3A_45 = arith.constant dense<0.000000e+00> : vector<2000x128xf32>
    %dot_general3A_46 = tpu.matmul %get3A_1, %get3A_44, %dot_general3A_45 {dimension_numbers = #tpu.dot_dimension_numbers<[1], [0], [0], [1], [0, 0, 1, 1], [], []>, transpose_lhs_hint = false} : vector<2000x128xf32>, vector<128x128xf32>, vector<2000x128xf32> -> vector<2000x128xf32>
    %swap3A_47 = arith.constant 0 : index
    %swap3A_48 = arith.constant 2 : index
    %swap3A_49 = arith.constant 0 : index
    %swap3A_50 = vector.load %arg5[%swap3A_47, %swap3A_48, %swap3A_49] : memref<2000x8x128xf32, #tpu.memory_space<vmem>>, vector<2000x1x128xf32>
    %swap3A_51 = vector.shape_cast %swap3A_50 : vector<2000x1x128xf32> to vector<2000x128xf32>
    %swap3A_52 = vector.shape_cast %dot_general3A_46 : vector<2000x128xf32> to vector<2000x1x128xf32>
    tpu.vector_store %arg5[%swap3A_47, %swap3A_48, %swap3A_49], %swap3A_52 {strides = array<i32>} : memref<2000x8x128xf32, #tpu.memory_space<vmem>>, vector<2000x1x128xf32>,
    %get3A_53 = arith.constant 3 : index
    %get3A_54 = arith.constant 0 : index
    %get3A_55 = arith.constant 0 : index
    %get3A_56 = vector.load %arg2[%get3A_53, %get3A_54, %get3A_55] : memref<8x128x128xf32, #tpu.memory_space<vmem>>, vector<1x128x128xf32>
    %get3A_57 = vector.shape_cast %get3A_56 : vector<1x128x128xf32> to vector<128x128xf32>
    %dot_general3A_58 = arith.constant dense<0.000000e+00> : vector<2000x128xf32>
    %dot_general3A_59 = tpu.matmul %get3A_1, %get3A_57, %dot_general3A_58 {dimension_numbers = #tpu.dot_dimension_numbers<[1], [0], [0], [1], [0, 0, 1, 1], [], []>, transpose_lhs_hint = false} : vector<2000x128xf32>, vector<128x128xf32>, vector<2000x128xf32> -> vector<2000x128xf32>
    %swap3A_60 = arith.constant 0 : index
    %swap3A_61 = arith.constant 3 : index
    %swap3A_62 = arith.constant 0 : index
    %swap3A_63 = vector.load %arg5[%swap3A_60, %swap3A_61, %swap3A_62] : memref<2000x8x128xf32, #tpu.memory_space<vmem>>, vector<2000x1x128xf32>
    %swap3A_64 = vector.shape_cast %swap3A_63 : vector<2000x1x128xf32> to vector<2000x128xf32>
    %swap3A_65 = vector.shape_cast %dot_general3A_59 : vector<2000x128xf32> to vector<2000x1x128xf32>
    tpu.vector_store %arg5[%swap3A_60, %swap3A_61, %swap3A_62], %swap3A_65 {strides = array<i32>} : memref<2000x8x128xf32, #tpu.memory_space<vmem>>, vector<2000x1x128xf32>,
    %get3A_66 = arith.constant 4 : index
    %get3A_67 = arith.constant 0 : index
    %get3A_68 = arith.constant 0 : index
    %get3A_69 = vector.load %arg2[%get3A_66, %get3A_67, %get3A_68] : memref<8x128x128xf32, #tpu.memory_space<vmem>>, vector<1x128x128xf32>
    %get3A_70 = vector.shape_cast %get3A_69 : vector<1x128x128xf32> to vector<128x128xf32>
    %dot_general3A_71 = arith.constant dense<0.000000e+00> : vector<2000x128xf32>
    %dot_general3A_72 = tpu.matmul %get3A_1, %get3A_70, %dot_general3A_71 {dimension_numbers = #tpu.dot_dimension_numbers<[1], [0], [0], [1], [0, 0, 1, 1], [], []>, transpose_lhs_hint = false} : vector<2000x128xf32>, vector<128x128xf32>, vector<2000x128xf32> -> vector<2000x128xf32>
    %swap3A_73 = arith.constant 0 : index
    %swap3A_74 = arith.constant 4 : index
    %swap3A_75 = arith.constant 0 : index
    %swap3A_76 = vector.load %arg5[%swap3A_73, %swap3A_74, %swap3A_75] : memref<2000x8x128xf32, #tpu.memory_space<vmem>>, vector<2000x1x128xf32>
    %swap3A_77 = vector.shape_cast %swap3A_76 : vector<2000x1x128xf32> to vector<2000x128xf32>
    %swap3A_78 = vector.shape_cast %dot_general3A_72 : vector<2000x128xf32> to vector<2000x1x128xf32>
    tpu.vector_store %arg5[%swap3A_73, %swap3A_74, %swap3A_75], %swap3A_78 {strides = array<i32>} : memref<2000x8x128xf32, #tpu.memory_space<vmem>>, vector<2000x1x128xf32>,
    %get3A_79 = arith.constant 5 : index
    %get3A_80 = arith.constant 0 : index
    %get3A_81 = arith.constant 0 : index
    %get3A_82 = vector.load %arg2[%get3A_79, %get3A_80, %get3A_81] : memref<8x128x128xf32, #tpu.memory_space<vmem>>, vector<1x128x128xf32>
    %get3A_83 = vector.shape_cast %get3A_82 : vector<1x128x128xf32> to vector<128x128xf32>
    %dot_general3A_84 = arith.constant dense<0.000000e+00> : vector<2000x128xf32>
    %dot_general3A_85 = tpu.matmul %get3A_1, %get3A_83, %dot_general3A_84 {dimension_numbers = #tpu.dot_dimension_numbers<[1], [0], [0], [1], [0, 0, 1, 1], [], []>, transpose_lhs_hint = false} : vector<2000x128xf32>, vector<128x128xf32>, vector<2000x128xf32> -> vector<2000x128xf32>
    %swap3A_86 = arith.constant 0 : index
    %swap3A_87 = arith.constant 5 : index
    %swap3A_88 = arith.constant 0 : index
    %swap3A_89 = vector.load %arg5[%swap3A_86, %swap3A_87, %swap3A_88] : memref<2000x8x128xf32, #tpu.memory_space<vmem>>, vector<2000x1x128xf32>
    %swap3A_90 = vector.shape_cast %swap3A_89 : vector<2000x1x128xf32> to vector<2000x128xf32>
    %swap3A_91 = vector.shape_cast %dot_general3A_85 : vector<2000x128xf32> to vector<2000x1x128xf32>
    tpu.vector_store %arg5[%swap3A_86, %swap3A_87, %swap3A_88], %swap3A_91 {strides = array<i32>} : memref<2000x8x128xf32, #tpu.memory_space<vmem>>, vector<2000x1x128xf32>,
    %get3A_92 = arith.constant 6 : index
    %get3A_93 = arith.constant 0 : index
    %get3A_94 = arith.constant 0 : index
    %get3A_95 = vector.load %arg2[%get3A_92, %get3A_93, %get3A_94] : memref<8x128x128xf32, #tpu.memory_space<vmem>>, vector<1x128x128xf32>
    %get3A_96 = vector.shape_cast %get3A_95 : vector<1x128x128xf32> to vector<128x128xf32>
    %dot_general3A_97 = arith.constant dense<0.000000e+00> : vector<2000x128xf32>
    %dot_general3A_98 = tpu.matmul %get3A_1, %get3A_96, %dot_general3A_97 {dimension_numbers = #tpu.dot_dimension_numbers<[1], [0], [0], [1], [0, 0, 1, 1], [], []>, transpose_lhs_hint = false} : vector<2000x128xf32>, vector<128x128xf32>, vector<2000x128xf32> -> vector<2000x128xf32>
    %swap3A_99 = arith.constant 0 : index
    %swap3A_100 = arith.constant 6 : index
    %swap3A_101 = arith.constant 0 : index
    %swap3A_102 = vector.load %arg5[%swap3A_99, %swap3A_100, %swap3A_101] : memref<2000x8x128xf32, #tpu.memory_space<vmem>>, vector<2000x1x128xf32>
    %swap3A_103 = vector.shape_cast %swap3A_102 : vector<2000x1x128xf32> to vector<2000x128xf32>
    %swap3A_104 = vector.shape_cast %dot_general3A_98 : vector<2000x128xf32> to vector<2000x1x128xf32>
    tpu.vector_store %arg5[%swap3A_99, %swap3A_100, %swap3A_101], %swap3A_104 {strides = array<i32>} : memref<2000x8x128xf32, #tpu.memory_space<vmem>>, vector<2000x1x128xf32>,
    %get3A_105 = arith.constant 7 : index
    %get3A_106 = arith.constant 0 : index
    %get3A_107 = arith.constant 0 : index
    %get3A_108 = vector.load %arg2[%get3A_105, %get3A_106, %get3A_107] : memref<8x128x128xf32, #tpu.memory_space<vmem>>, vector<1x128x128xf32>
    %get3A_109 = vector.shape_cast %get3A_108 : vector<1x128x128xf32> to vector<128x128xf32>
    %dot_general3A_110 = arith.constant dense<0.000000e+00> : vector<2000x128xf32>
    %dot_general3A_111 = tpu.matmul %get3A_1, %get3A_109, %dot_general3A_110 {dimension_numbers = #tpu.dot_dimension_numbers<[1], [0], [0], [1], [0, 0, 1, 1], [], []>, transpose_lhs_hint = false} : vector<2000x128xf32>, vector<128x128xf32>, vector<2000x128xf32> -> vector<2000x128xf32>
    %swap3A_112 = arith.constant 0 : index
    %swap3A_113 = arith.constant 7 : index
    %swap3A_114 = arith.constant 0 : index
    %swap3A_115 = vector.load %arg5[%swap3A_112, %swap3A_113, %swap3A_114] : memref<2000x8x128xf32, #tpu.memory_space<vmem>>, vector<2000x1x128xf32>
    %swap3A_116 = vector.shape_cast %swap3A_115 : vector<2000x1x128xf32> to vector<2000x128xf32>
    %swap3A_117 = vector.shape_cast %dot_general3A_111 : vector<2000x128xf32> to vector<2000x1x128xf32>
    tpu.vector_store %arg5[%swap3A_112, %swap3A_113, %swap3A_114], %swap3A_117 {strides = array<i32>} : memref<2000x8x128xf32, #tpu.memory_space<vmem>>, vector<2000x1x128xf32>,
    return
  }
  func.func @transform_0(%arg0: i32) -> (i32, i32) {
    %c0_i32 = arith.constant 0 : i32
    %c0_i32_0 = arith.constant 0 : i32
    return %arg0, %c0_i32 : i32, i32
  }
  func.func @transform_1(%arg0: i32) -> (i32, i32, i32) {
    %c0_i32 = arith.constant 0 : i32
    %c0_i32_0 = arith.constant 0 : i32
    %c0_i32_1 = arith.constant 0 : i32
    %c0_i32_2 = arith.constant 0 : i32
    return %c0_i32, %c0_i32_0, %c0_i32_1 : i32, i32, i32
  }
  func.func @transform_2(%arg0: i32) -> (i32, i32) {
    %c0_i32 = arith.constant 0 : i32
    %c0_i32_0 = arith.constant 0 : i32
    %c0_i32_1 = arith.constant 0 : i32
    return %c0_i32, %c0_i32_0 : i32, i32
  }
  func.func @transform_3(%arg0: i32) -> (i32, i32) {
    %c0_i32 = arith.constant 0 : i32
    %c0_i32_0 = arith.constant 0 : i32
    %c0_i32_1 = arith.constant 0 : i32
    return %c0_i32, %c0_i32_0 : i32, i32
  }
  func.func @transform_4(%arg0: i32) -> (i32, i32, i32) {
    %c0_i32 = arith.constant 0 : i32
    %c0_i32_0 = arith.constant 0 : i32
    %c0_i32_1 = arith.constant 0 : i32
    return %arg0, %c0_i32, %c0_i32_0 : i32, i32, i32
  }
  func.func @transform_5(%arg0: i32) -> (i32, i32) {
    %c0_i32 = arith.constant 0 : i32
    %c0_i32_0 = arith.constant 0 : i32
    return %arg0, %c0_i32 : i32, i32
  }
}

module attributes {stable_mosaic.version = 14 : i64} {
  func.func @_t3_body(%arg0: i32, %arg1: memref<2000x128xf32, #tpu.memory_space<vmem>>, %arg2: memref<2000x128xf32, #tpu.memory_space<vmem>>, %arg3: memref<2000x128xf32, #tpu.memory_space<vmem>>) attributes {dimension_semantics = [#tpu.dimension_semantics<arbitrary>], iteration_bounds = array<i64: 5>, scalar_prefetch = 0 : i64, scratch_operands = 0 : i64, tpu.core_type = #tpu.core_type<tc>, window_params = [{transform_indices = @transform_0, window_bounds = array<i64: 2000, 128>}, {transform_indices = @transform_1, window_bounds = array<i64: 2000, 128>}, {transform_indices = @transform_2, window_bounds = array<i64: 2000, 128>}]} {
    %get3A = arith.constant 0 : index
    %get3A_0 = arith.constant 0 : index
    %get3A_1 = vector.load %arg1[%get3A, %get3A_0] : memref<2000x128xf32, #tpu.memory_space<vmem>>, vector<2000x128xf32>
    %get3A_2 = arith.constant 0 : index
    %get3A_3 = arith.constant 0 : index
    %get3A_4 = vector.load %arg2[%get3A_2, %get3A_3] : memref<2000x128xf32, #tpu.memory_space<vmem>>, vector<2000x128xf32>
    %add3A = arith.addf %get3A_1, %get3A_4 : vector<2000x128xf32>
    %swap3A = arith.constant 0 : index
    %swap3A_5 = arith.constant 0 : index
    %swap3A_6 = vector.load %arg3[%swap3A, %swap3A_5] : memref<2000x128xf32, #tpu.memory_space<vmem>>, vector<2000x128xf32>
    tpu.vector_store %arg3[%swap3A, %swap3A_5], %add3A {strides = array<i32>} : memref<2000x128xf32, #tpu.memory_space<vmem>>, vector<2000x128xf32>,
    return
  }
  func.func @transform_0(%arg0: i32) -> (i32, i32) {
    %c0_i32 = arith.constant 0 : i32
    %c0_i32_0 = arith.constant 0 : i32
    return %arg0, %c0_i32 : i32, i32
  }
  func.func @transform_1(%arg0: i32) -> (i32, i32) {
    %c0_i32 = arith.constant 0 : i32
    %c0_i32_0 = arith.constant 0 : i32
    return %arg0, %c0_i32 : i32, i32
  }
  func.func @transform_2(%arg0: i32) -> (i32, i32) {
    %c0_i32 = arith.constant 0 : i32
    %c0_i32_0 = arith.constant 0 : i32
    return %arg0, %c0_i32 : i32, i32
  }
}

</mosaic_0001>

<sc_bundles>
// kernel: kernel.6.cloned.1.call-start
scs
__scs_entry_jumppad:
0x0: {  	(pc) =	sbr.rel $0x88, $3  }
0x1: {  	(tag) =	ssettag $0x0;
	lr =	simm.s32 $0x1  }
0x2: {  	[smem:$0x3F9A] =	sst lr;
	_ =	strace $0xD0000000  }
0x3: {  	_ = 	snop  }
0x4: {  	_ = 	snop  }
0x5: {  	_ = 	snop  }
0x6: {  	_ = 	snop  }
0x7: {  	_ = 	snop  }
__scs_overlays_trampoline_lowered:
0x8: {  	[smem:$0x3FA9] =	sst s0  }
0x9: {  	[smem:$0x3FAA] =	sst s1  }
0xa: {  	[smem:$0x3FAB] =	sst s2  }
0xb: {  	[smem:$0x3FAC] =	sst s3  }
0xc: {  	[smem:$0x3FAD] =	sst s4  }
0xd: {  	[smem:$0x3FAE] =	sst s5  }
0xe: {  	[smem:$0x3FAF] =	sst s6  }
0xf: {  	[smem:$0x3FB0] =	sst s7  }
0x10: {  	[smem:$0x3FB1] =	sst s8  }
0x11: {  	[smem:$0x3FB2] =	sst s9;
	s0 =	simm.s32 @!p0 $0x0  }
0x12: {  	s1 =	sld [smem:$0x3F98];
	s0 =	simm.s32 @p0 $0x1  }
0x13: {  	[smem:$0x3FB3] =	sst s0;
	s0 =	simm.s32 @!p1 $0x0  }
0x14: {  	s2 =	sld [smem:$0x3F97];
	s0 =	simm.s32 @p1 $0x1  }
0x15: {  	[smem:$0x3FB4] =	sst s0;
	s0 =	simm.s32 @!p2 $0x0  }
0x16: {  	s3 =	sld [smem:$0x3FDB];
	s0 =	simm.s32 @p2 $0x1  }
0x17: {  	s4 =	simm.s32 $0x1BF5;
	[smem:$0x3FB6] =	sst s0  }
0x18: {  	s0 =	sld [smem:$0x3F99];
	_ =	swait.ge [sflag:s4], $0x0  }
0x19: {  	s7 =	sld [smem:$0x3F9A]  }
0x1a: {  	s8 =	sadd.s32 $0xFFFFE003, lr  }
0x1b: {  	s9 =	sadd.s32 $0xFFFFFEF7, lr;
	s5 =	simm.s32 $0xFFFFFFFF;
	p2 =	slt.u32 s8, $0xFFFFF086  }
0x1c: {  	p1 =	slt.u32 s9, $0xF7A;
	s5 =	simm.s32 @!p2 $0x0  }
0x1d: {  	s5 =	simm.s32 @p1 $0x1;
	p0 =	seq.s32 s7, s2  }
0x1e: {  	s7 =	smul.u32 @!p0 $0xF7A, s2;
	p2 =	seq.s32 @!p0 s5, $0x0  }
0x1f: {  	s9 =	smul.u32 $0xF7A, s1;
	s8 =	simm.s32 @!p0 $0x1BF5;
	p2 =	por !p2, p0  }
0x20: {  	[sflag:s8] =	ssyncset.s32 @!p0 $0xFFFFF086;
	s6 =	sadd.s32 @!p0 s3, s7;
	s7 =	simm.s32 @!p0 $0x108  }
0x21: {  	s3 =	sadd.s32 s3, s9;
	s6 =	sadd.s32 @!p0 $0x88, s6;
	s7 =	simm.s32 @p2 $0x1082  }
0x22: {  	[simem:s7], [sflag:s8] =	dma.local @!p0 [hbm:s6], $0xF7A  }
0x23: {  	s9 =	sor.u32 $0xD0000000, s2;
	s6 =	simm.s32 $0x108;
	_ =	swait.ge @!p0 [sflag:s8], $0x0  }
0x24: {  	s3 =	sadd.s32 $0x88, s3;
	s6 =	simm.s32 @!p1 $0x1082;
	[sflag:s4] =	ssyncset.s32 $0xFFFFF086  }
0x25: {  	[simem:s6], [sflag:s4] =	dma.local [hbm:s3], $0xF7A  }
0x26: {  	[smem:$0x3F9A] =	sst s1;
	(tag) =	ssettag s2;
	_ =	strace s9  }
0x27: {  	s1 =	sld [smem:$0x3FAA]  }
0x28: {  	s2 =	sld [smem:$0x3FAB]  }
0x29: {  	s4 =	sld [smem:$0x3FAD]  }
0x2a: {  	p0 =	seq.s32 s5, $0x0;
	s5 =	sld [smem:$0x3FAE]  }
0x2b: {  	s6 =	sld [smem:$0x3FAF]  }
0x2c: {  	s7 =	sld [smem:$0x3FB0]  }
0x2d: {  	s3 =	simm.s32 $0x108;
	s8 =	sld [smem:$0x3FB1]  }
0x2e: {  	s3 =	simm.s32 @!p0 $0x1082;
	s9 =	sld [smem:$0x3FB2]  }
0x2f: {  	lr =	sadd.s32 s0, s3;
	s0 =	sld [smem:$0x3FA9]  }
0x30: {  	s3 =	sld [smem:$0x3FAC]  }
0x31: {  	[smem:$0x3FB5] =	sst s10  }
0x32: {  	s10 =	sld [smem:$0x3FB3];
	_ =	sdelay $0x3  }
0x33: {  	p0 =	seq.s32 s10, $0x1;
	s10 =	sld [smem:$0x3FB5];
	_ =	sdelay $0x3  }
0x34: {  	[smem:$0x3FB5] =	sst s10  }
0x35: {  	s10 =	sld [smem:$0x3FB4];
	_ =	sdelay $0x3  }
0x36: {  	p1 =	seq.s32 s10, $0x1;
	s10 =	sld [smem:$0x3FB5];
	_ =	sdelay $0x3  }
0x37: {  	[smem:$0x3FB5] =	sst s10  }
0x38: {  	s10 =	sld [smem:$0x3FB6]  }
0x39: {  	_ = 	snop;
	(pc) =	sbr.ind lr, $3  }
0x3a: {  	_ = 	snop  }
0x3b: {  	_ = 	snop  }
0x3c: {  	p2 =	seq.s32 s10, $0x1;
	s10 =	sld [smem:$0x3FB5]  }
0x3d: {  	_ =	shalt  }
0x3e: {  	_ =	shalt  }
0x3f: {  	_ =	shalt  }
0x40: {  	_ =	shalt  }
0x41: {  	_ =	shalt  }
0x42: {  	_ =	shalt  }
0x43: {  	_ =	shalt  }
0x44: {  	_ =	shalt  }
0x45: {  	_ =	shalt  }
0x46: {  	_ =	shalt  }
0x47: {  	_ =	shalt  }
0x48: {  	_ =	shalt  }
0x49: {  	_ =	shalt  }
0x4a: {  	_ =	shalt  }
0x4b: {  	_ =	shalt  }
0x4c: {  	_ =	shalt  }
0x4d: {  	_ =	shalt  }
0x4e: {  	_ =	shalt  }
0x4f: {  	_ =	shalt  }
0x50: {  	_ =	shalt  }
0x51: {  	_ =	shalt  }
0x52: {  	_ =	shalt  }
0x53: {  	_ =	shalt  }
0x54: {  	_ =	shalt  }
0x55: {  	_ =	shalt  }
0x56: {  	_ =	shalt  }
0x57: {  	_ =	shalt  }
0x58: {  	_ =	shalt  }
0x59: {  	_ =	shalt  }
0x5a: {  	_ =	shalt  }
0x5b: {  	_ =	shalt  }
0x5c: {  	_ =	shalt  }
0x5d: {  	_ =	shalt  }
0x5e: {  	_ =	shalt  }
0x5f: {  	_ =	shalt  }
0x60: {  	_ =	shalt  }
0x61: {  	_ =	shalt  }
0x62: {  	_ =	shalt  }
0x63: {  	_ =	shalt  }
0x64: {  	_ =	shalt  }
0x65: {  	_ =	shalt  }
0x66: {  	_ =	shalt  }
0x67: {  	_ =	shalt  }
0x68: {  	_ =	shalt  }
0x69: {  	_ =	shalt  }
0x6a: {  	_ =	shalt  }
0x6b: {  	_ =	shalt  }
0x6c: {  	_ =	shalt  }
0x6d: {  	_ =	shalt  }
0x6e: {  	_ =	shalt  }
0x6f: {  	_ =	shalt  }
0x70: {  	_ =	shalt  }
0x71: {  	_ =	shalt  }
0x72: {  	_ =	shalt  }
0x73: {  	_ =	shalt  }
0x74: {  	_ =	shalt  }
0x75: {  	_ =	shalt  }
0x76: {  	_ =	shalt  }
0x77: {  	_ =	shalt  }
0x78: {  	_ =	shalt  }
0x79: {  	_ =	shalt  }
0x7a: {  	_ =	shalt  }
0x7b: {  	_ =	shalt  }
0x7c: {  	_ =	shalt  }
0x7d: {  	_ =	shalt  }
0x7e: {  	_ =	shalt  }
0x7f: {  	_ =	shalt  }
0x80: {  	_ =	shalt  }
0x81: {  	_ =	shalt  }
0x82: {  	_ =	shalt  }
0x83: {  	_ =	shalt  }
0x84: {  	_ =	shalt  }
0x85: {  	_ =	shalt  }
0x86: {  	_ =	shalt  }
0x87: {  	_ =	shalt  }
.Lfunc_end0:
.L_simem_size_0:
called_computation_lowered:
.L_overlay_start_0:
0x88: {  	s2 =	sld [smem:$0x3FD9]  }
0x89: {  	s3 =	sld [smem:$0x3FFE];
	_ =	sdelay $0x1  }
0x8a: {  	s1 =	srdreg.scid  }
0x8b: {  	s0 =	sand.u32 $0x1, s1  }
0x8c: {  	s17 =	sshll.u32 s0, $0xA;
	s2 =	sadd.s32 s3, s2  }
0x8d: {  	s2 =	sadd.s32 s2, s17  }
0x8e: {  	[smem:$0x3FC1] =	sst s2  }
0x8f: {  	_ = 	snop  }
0x90: {  	s2 =	sld [smem:$0x3FD0];
	(tm) =	ssettm $0x1  }
0x91: {  	s18 =	sld [smem:$0x3FFB];
	_ =	sdelay $0x3  }
0x92: {  	_ =	strace s18  }
0x93: {  	s3 =	sld [smem:$0x3FFC];
	_ =	sdelay $0x3  }
0x94: {  	_ =	strace s3  }
0x95: {  	s3 =	sld [smem:$0x3FFD];
	_ =	sdelay $0x3  }
0x96: {  	_ =	strace s3  }
0x97: {  	_ =	strace $0x8FFFFFFF  }
0x98: {  	s19 =	sld [smem:$0x3FDB];
	_ =	sdelay $0x1  }
0x99: {  	s4 =	simm.s32 $_scs_section_size  }
0x9a: {  	s5 =	simm.s32 $_size__tile_overlayer_lowered;
	s6 =	simm.s32 $_tile_overlayer_lowered  }
0x9b: {  	s22 =	simm.s32 $0x1BFF;
	s21 =	sshll.u32 s6, $0x1;
	s3 =	sadd.s32 s4, s19  }
0x9c: {  	s7 =	simm.s32 $0x0;
	s20 =	sshll.u32 s5, $0x1;
	s5 =	sadd.s32 s21, s3  }
0x9d: {  	[timem:s7], [sflag:s22] =	dma.local [hbm:s5], s20  }
0x9e: {  	_ =	swait.ge [sflag:s22], s20  }
0x9f: {  	s4 =	ssub.s32 $0x0, s20;
	[sflag:s22] =	ssyncset.done $0x0  }
0xa0: {  	[sflag:s22] =	ssyncadd.s32 s4;
	_ =	sdelay $0x1  }
0xa1: {  	s23 =	simm.s32 $0x1B8B  }
0xa2: {  	_ =	swait.ge [sflag:s23], $0x1  }
0xa3: {  	[sflag:s23] =	ssyncset.done $0x0  }
0xa4: {  	s25 =	simm.s32 $0x1B8E;
	s24 =	sld [smem:$0x3FFE];
	[sflag:s23] =	ssyncadd.s32 $0xFFFFFFFF  }
0xa5: {  	s26 =	simm.s32 $execute0_lowered;
	[smem:$0x3FD2] =	sst s25  }
0xa6: {  	s5 =	sshll.u32 s26, $0x1;
	_ =	strace $0x80000046;
	[dreg:$0x1] =	wrdreg $0xFFFFFFFF  }
0xa7: {  	s28 =	simm.s32 $_size_execute0_lowered;
	s3 =	sadd.s32 s3, s5;
	[dreg:$0x0] =	wrdreg $0x0  }
0xa8: {  	s5 =	sshll.u32 s28, $0x1;
	[dreg:$0x2] =	wrdreg s3  }
0xa9: {  	[dreg:$0x3] =	wrdreg s5  }
0xaa: {  	[dreg:$0x4] =	wrdreg $0xC0  }
0xab: {  	_ =	task [dreg:s7], $0x5FFFF  }
0xac: {  	[dreg:$0x1] =	wrdreg $0xFFFFFFFF  }
0xad: {  	[dreg:$0x0] =	wrdreg $0x60  }
0xae: {  	[dreg:$0x2] =	wrdreg s24  }
0xaf: {  	[dreg:$0x3] =	wrdreg s2  }
0xb0: {  	[dreg:$0x4] =	wrdreg $0xAB800  }
0xb1: {  	[dreg:$0x5] =	wrdreg $0x9  }
0xb2: {  	_ =	task.clear_ibuf [dreg:s7], $0x6FFFF;
	_ =	strace $0x90000046  }
0xb3: {  	s29 =	simm.s32 $0x9;
	_ =	strace $0x80000048  }
0xb4: {  	_ =	swait.ge [sflag:s29], $0x1  }
0xb5: {  	[sflag:s29] =	ssyncadd.s32 $0xFFFFFFFF  }
0xb6: {  	_ =	strace $0x90000048  }
0xb7: {  	_ =	sfence  }
0xb8: {  	s30 =	sld [smem:$0x0];
	_ =	sdelay $0x2  }
0xb9: {  	s31 =	sshll.u32 s1, $0xD;
	s1 =	sshrl.u32 s1, $0x2  }
0xba: {  	s3 =	sand.u32 $0x4000, s31;
	s1 =	sadd.s32 s1, s30  }
0xbb: {  	s0 =	sor.u32 s3, s0;
	s1 =	sshll.u32 s1, $0x11  }
0xbc: {  	s0 =	sor.u32 s1, s0  }
0xbd: {  	s0 =	sadd.s32 $0x8F2B, s0  }
0xbe: {  	[sflag:s0] =	ssyncadd.remote.s32 $0x1  }
0xbf: {  	_ =	sfence.sel $0xFFFF  }
0xc0: {  	[dreg:$0x0] =	wrdreg $0xFFFFFFFF;
	(pc) =	sbr.abs _section_cstart, $3  }
0xc1: {  	[dreg:$0x1] =	wrdreg $0xFFFFFFFF  }
0xc2: {  	_ =	task.clear_ibuf [dreg:s7], $0x2FFFF;
	_ =	strace $0x9FFFFFFF  }
0xc3: {  	(tm) =	ssettm $0x7FFFFFFF  }
tec
execute0_lowered:
.L_overlay_start_1:
0x0: {  	(tag) =	ssettag $0x1  }
0x1: {  	s0 =	rddreg [dreg:$0x0]  }
0x2: {  	s1 =	rddreg [dreg:$0x1];
	s3 =	srdreg.scid  }
0x3: {  	s2 =	rddreg [dreg:$0x2];
	s8 =	stileid.u32;
	s18 =	simm.s32 $0x400  }
0x4: {  	s19 =	simm.s32 $0x3;
	s20 =	simm.s32 $0x2B80;
	s21 =	simm.s32 $0x80  }
0x5: {  	s22 =	simm.s32 $0x200;
	s23 =	simm.s32 $0x1;
	s24 =	simm.s32 $0x2  }
0x6: {  	s25 =	simm.s32 $0x6B80;
	s26 =	simm.s32 $0x280;
	s28 =	simm.s32 $0x0  }
0x7: {  	s5 =	sand.u32 $0x1, s3;
	s3 =	simm.s32 $0x0;
	s7 =	smul.u32 $0x14000, s8  }
0x8: {  	s4 =	sadd.s32 $0x1000, s0;
	s29 =	sadd.s32 $0x139800, s0;
	s30 =	smul.u32 $0x50000, s8  }
0x9: {  	s8 =	sshll.u32 s8, $0x1;
	s14 =	sadd.s32 $0x80, s1;
	s6 =	smul.u32 $0x140000, s5  }
0xa: {  	[smem:$0x7FF] =	sst s3;
	s31 =	ssub.s32 $0x2, s5;
	s5 =	sor.u32 s5, s8  }
0xb: {  	_ =	strace $0x80000047;
	[dreg:$0x4] =	wrdreg s29;
	s9 =	sshrl.u32 s31, $0x1  }
0xc: {  	v0 =	vimm.f32 $0.0e+00;
	v1 =	vimm.s32 $0x3;
	s12 =	smul.u32 $0xA00, s5;
	s6 =	sadd.s32 s7, s6;
	s7 =	sshrl.u32 s30, $0x2  }
.Ltmp0:
0xd: {  	v2 =	vimm.s32 $0x0;
	v3 =	vimm.s32 $0x1;
	v4 =	vimm.s32 $0x2;
	s17 =	ssub.s32 s31, s9;
	s6 =	sshrl.u32 s6, $0x3;
	(pc) =	sbr.rel .LBB2_1-.Ltmp0, $4  }
0xe: {  	v5 =	vimm.s32 $0x4;
	v6 =	vimm.s32 $0x5;
	v7 =	vimm.s32 $0x6;
	s12 =	sadd.s32 s1, s12;
	s17 =	smax.u32 s17, $0x1;
	s0 =	sadd.s32 s6, s0  }
0xf: {  	v8 =	vimm.s32 $0x7;
	v9 =	vimm.s32 $0x8;
	v10 =	vimm.s32 $0x9;
	s6 =	sadd.s32 s7, s2;
	s7 =	smul.u32 $0x28, s5;
	s13 =	sadd.s32 $0x40, s12  }
0x10: {  	v11 =	vimm.s32 $0xA;
	v12 =	vimm.s32 $0xB;
	v13 =	vimm.s32 $0xC;
	s8 =	sadd.s32 $0x4000, s6;
	s9 =	sadd.s32 $0x8000, s6;
	s10 =	sadd.s32 $0xC000, s6  }
0x11: {  	v14 =	vimm.s32 $0xD;
	v15 =	vimm.s32 $0xE;
	v16 =	vimm.s32 $0xF;
	s11 =	sadd.s32 $0x10000, s6;
	s16 =	sadd.s32 $0x139E00, s0;
	s15 =	sor.u32 $0x1, s7  }
.LBB2_10:
0x12: {  	s0 =	stileid.u32;
	s28 =	sadd.s32 $0x1, s28  }
0x13: {  	[bflag:$0x0] =	sbarrier.arrive $0xFFFF;
	s0 =	sshll.u32 s0, $0x6;
	p0 =	sne.s32 s28, s17  }
.Ltmp1:
0x14: {  	s1 =	sshrl.u32 s6, $0x3;
	s0 =	sor.u32 $0x1C03, s0;
	(pc) =	sbr.rel @!p0 .LBB2_11-.Ltmp1, $4  }
0x15: {  	[hbm:s16], [sflag:s0] =	dma.local [spmem:s1], $0x2800  }
0x16: {  	_ =	swait.ge [sflag:s19], $0x2800  }
0x17: {  	[sflag:s19] =	ssyncset.done $0x0  }
0x18: {  	[sflag:s19] =	ssyncadd.s32 $0xFFFFD800  }
.LBB2_1:
0x19: {  	s0 =	rddreg [dreg:$0x4]  }
0x1a: {  	[tilespmem:s18], [sflag:$0x3] =	stream.linear.gather [hbm4b:s0+s3], $0x2780, $0x38;
	[tilespmem:$0x1EB80] =	vst v63  }
0x1b: {  	_ =	swait.ge [sflag:s19], $0x2780  }
0x1c: {  	[sflag:s19] =	ssyncset.done $0x0  }
0x1d: {  	s1 =	simm.s32 $0x200;
	s0 =	simm.s32 $0x0;
	[sflag:s19] =	ssyncadd.s32 $0xFFFFD880  }
.LBB2_2:
0x1e: {  	p0 =	sne.s32 s1, $0xFE00;
	[tilespmem:s0+$0x2BF0] =	vst v0  }
0x1f: {  	[tilespmem:s0+$0x2B80] =	vst v0  }
0x20: {  	[tilespmem:s0+$0x2B90] =	vst v0  }
.Ltmp2:
0x21: {  	[tilespmem:s0+$0x2BA0] =	vst v0;
	(pc) =	sbr.rel @p0 .LBB2_2-.Ltmp2, $4  }
0x22: {  	[tilespmem:s0+$0x2BB0] =	vst v0  }
0x23: {  	[tilespmem:s0+$0x2BC0] =	vst v0  }
0x24: {  	[tilespmem:s0+$0x2BD0] =	vst v0  }
0x25: {  	[tilespmem:s0+$0x2BE0] =	vst v0;
	s0 =	sshra.s32 s1, $0x2;
	s1 =	sadd.s32 $0x200, s1  }
0x26: {  	[tilespmem:s0+$0x2BF0] =	vst v0  }
0x27: {  	[tilespmem:s0+$0x2B80] =	vst v0  }
0x28: {  	[tilespmem:s0+$0x2B90] =	vst v0  }
0x29: {  	[tilespmem:s0+$0x2BA0] =	vst v0  }
0x2a: {  	[tilespmem:s0+$0x2BB0] =	vst v0  }
0x2b: {  	[tilespmem:s0+$0x2BC0] =	vst v0  }
0x2c: {  	[tilespmem:s0+$0x2BD0] =	vst v0  }
0x2d: {  	[tilespmem:s0+$0x2BE0] =	vst v0  }
0x2e: {  	[spmem:s6] =	stream.linear.scatter [tilespmem:s20], [sflag:$0x3], $0x4000, $0x38;
	[tilespmem:$0x1EB80] =	vst v63  }
0x2f: {  	_ =	swait.ge [sflag:s19], $0x4000  }
0x30: {  	[sflag:s19] =	ssyncset.done $0x0  }
0x31: {  	[sflag:s19] =	ssyncadd.s32 $0xFFFFC000  }
0x32: {  	[spmem:s8] =	stream.linear.scatter [tilespmem:s20], [sflag:$0x3], $0x4000, $0x38;
	[tilespmem:$0x1EB80] =	vst v63  }
0x33: {  	_ =	swait.ge [sflag:s19], $0x4000  }
0x34: {  	[sflag:s19] =	ssyncset.done $0x0  }
0x35: {  	[sflag:s19] =	ssyncadd.s32 $0xFFFFC000  }
0x36: {  	[spmem:s9] =	stream.linear.scatter [tilespmem:s20], [sflag:$0x3], $0x4000, $0x38;
	[tilespmem:$0x1EB80] =	vst v63  }
0x37: {  	_ =	swait.ge [sflag:s19], $0x4000  }
0x38: {  	[sflag:s19] =	ssyncset.done $0x0  }
0x39: {  	[sflag:s19] =	ssyncadd.s32 $0xFFFFC000  }
0x3a: {  	[spmem:s10] =	stream.linear.scatter [tilespmem:s20], [sflag:$0x3], $0x4000, $0x38;
	[tilespmem:$0x1EB80] =	vst v63  }
0x3b: {  	_ =	swait.ge [sflag:s19], $0x4000  }
0x3c: {  	[sflag:s19] =	ssyncset.done $0x0  }
0x3d: {  	[sflag:s19] =	ssyncadd.s32 $0xFFFFC000  }
0x3e: {  	[spmem:s11] =	stream.linear.scatter [tilespmem:s20], [sflag:$0x3], $0x4000, $0x38;
	[tilespmem:$0x1EB80] =	vst v63  }
0x3f: {  	_ =	swait.ge [sflag:s19], $0x4000  }
0x40: {  	[sflag:s19] =	ssyncset.done $0x0  }
0x41: {  	[sflag:s19] =	ssyncadd.s32 $0xFFFFC000  }
0x42: {  	s29 =	simm.s32 $0x0;
	[bflag:$0x0] =	sbarrier.arrive $0xFFFF  }
0x43: {  	[tilespmem:s29], [sflag:$0x3] =	stream.linear.gather [hbm4b:s12+s29], $0x180, $0x38;
	[tilespmem:$0x1EB80] =	vst v63  }
0x44: {  	_ =	swait.ge [sflag:s19], $0x180  }
0x45: {  	[sflag:s19] =	ssyncset.done $0x0  }
0x46: {  	[sflag:s19] =	ssyncadd.s32 $0xFFFFFE80  }
0x47: {  	[tilespmem:s20], [sflag:$0x1] =	stream.indirect.gather [hbm4b:s4+s21], $0x80, s29, s21, $0xb8;
	[tilespmem:$0x1EB80] =	vst v63  }
0x48: {  	_ = 	snop  }
0x49: {  	[tilespmem:s22], [sflag:$0x2] =	stream.linear.gather [hbm4b:s13+s29], $0x180, $0x38;
	[tilespmem:$0x1EB80] =	vst v63  }
.LBB2_4:
0x4a: {  	_ =	swait.ge [sflag:s23], $0x4000  }
0x4b: {  	[sflag:s23] =	ssyncset.done $0x0  }
0x4c: {  	[sflag:s23] =	ssyncadd.s32 $0xFFFFC000  }
0x4d: {  	_ =	swait.ge [sflag:s24], $0x180  }
0x4e: {  	[sflag:s24] =	ssyncset.done $0x0  }
0x4f: {  	s30 =	simm.s32 $0x0;
	[sflag:s24] =	ssyncadd.s32 $0xFFFFFE80  }
0x50: {  	[tilespmem:s25], [sflag:$0x1] =	stream.indirect.gather [hbm4b:s4+s21], $0x80, s22, s21, $0xb8;
	[tilespmem:$0x1EB80] =	vst v63  }
.LBB2_5:
0x51: {  	s0 =	sshll.u32 s30, $0x4  }
0x52: {  	v17 =	vld [tilespmem:s0+$0x0];
	_ =	sdelay $0x3  }
0x53: {  	v18 =	vld [tilespmem:s0+$0x80]  }
0x54: {  	v17 =	vshrl.u32 v17, $0x3;
	_ =	sdelay $0x4  }
0x55: {  	v17 =	vld.idx.msk [tilespmem:v17+s18+$0x0], $0xffff  }
0x56: {  	v19 =	vld [tilespmem:s0+$0x100]  }
0x57: {  	v18 =	vld.idx.msk [tilespmem:v18+s18+$0x0], $0xffff;
	_ =	sdelay $0x2  }
0x58: {  	s1 =	sshll.u32 s30, $0xB;
	v17 =	vshll.u32 v17, $0x10  }
0x59: {  	s31 =	sand.u32 $0x3FFFF800, s1;
	v17 =	vadd.f32 v17, v19  }
0x5a: {  	v18 =	vand.u32 $0xFFFF0000, v18;
	v19 =	vld [tilespmem:s31+$0x2B80]  }
0x5b: {  	v18 =	vadd.f32 v18, v17;
	v17 =	vld [tilespmem:s31+$0x2B90]  }
0x5c: {  	v20 =	vld [tilespmem:s31+$0x2BA0]  }
0x5d: {  	v22 =	vld [tilespmem:s31+$0x2BB0];
	v21 =	vperm.xlane v18, v2  }
0x5e: {  	v23 =	vld [tilespmem:s31+$0x2BC0]  }
0x5f: {  	v24 =	vld [tilespmem:s31+$0x2BD0];
	v19 =	vmul.f32 v19, v21  }
0x60: {  	v25 =	vld [tilespmem:s31+$0x2BE0];
	v17 =	vmul.f32 v17, v21  }
0x61: {  	v54 =	vld [tilespmem:s31+$0x2BF0];
	[tilespmem:s31+$0x2B80] =	vst v19;
	v19 =	vmul.f32 v20, v21  }
0x62: {  	v55 =	vld [tilespmem:s31+$0x2C00];
	[tilespmem:s31+$0x2B90] =	vst v17;
	v17 =	vmul.f32 v22, v21  }
0x63: {  	[tilespmem:s31+$0x2BA0] =	vst v19;
	v19 =	vmul.f32 v23, v21  }
0x64: {  	[tilespmem:s31+$0x2BB0] =	vst v17;
	v17 =	vmul.f32 v24, v21  }
0x65: {  	v56 =	vperm.xlane v18, v3;
	[tilespmem:s31+$0x2BC0] =	vst v19;
	v19 =	vmul.f32 v25, v21  }
0x66: {  	[tilespmem:s31+$0x2BD0] =	vst v17;
	v17 =	vmul.f32 v54, v21  }
0x67: {  	[tilespmem:s31+$0x2BE0] =	vst v19;
	v19 =	vmul.f32 v55, v56  }
0x68: {  	[tilespmem:s31+$0x2BF0] =	vst v17  }
0x69: {  	[tilespmem:s31+$0x2C00] =	vst v19  }
0x6a: {  	v17 =	vld [tilespmem:s31+$0x2C10]  }
0x6b: {  	v19 =	vld [tilespmem:s31+$0x2C20]  }
0x6c: {  	v57 =	vld [tilespmem:s31+$0x2C30]  }
0x6d: {  	v58 =	vld [tilespmem:s31+$0x2C40]  }
0x6e: {  	v59 =	vld [tilespmem:s31+$0x2C50]  }
0x6f: {  	v60 =	vld [tilespmem:s31+$0x2C60]  }
0x70: {  	v61 =	vld [tilespmem:s31+$0x2C70]  }
0x71: {  	v26 =	vld [tilespmem:s31+$0x2C80]  }
0x72: {  	v27 =	vld [tilespmem:s31+$0x2C90]  }
0x73: {  	v28 =	vld [tilespmem:s31+$0x2CA0]  }
0x74: {  	v29 =	vld [tilespmem:s31+$0x2CB0];
	v17 =	vmul.f32 v17, v56  }
0x75: {  	v30 =	vld [tilespmem:s31+$0x2CC0];
	v19 =	vmul.f32 v19, v56  }
0x76: {  	v62 =	vld [tilespmem:s31+$0x2CD0];
	[tilespmem:s31+$0x2C10] =	vst v17;
	v17 =	vmul.f32 v57, v56  }
0x77: {  	v63 =	vld [tilespmem:s31+$0x2CE0];
	[tilespmem:s31+$0x2C20] =	vst v19;
	v19 =	vmul.f32 v58, v56  }
0x78: {  	v33 =	vld [tilespmem:s31+$0x2CF0];
	[tilespmem:s31+$0x2C30] =	vst v17;
	v17 =	vmul.f32 v59, v56  }
0x79: {  	v34 =	vperm.xlane v18, v4;
	v31 =	vld [tilespmem:s31+$0x2D00];
	[tilespmem:s31+$0x2C40] =	vst v19;
	v19 =	vmul.f32 v60, v56  }
0x7a: {  	v35 =	vld [tilespmem:s31+$0x2D10];
	[tilespmem:s31+$0x2C50] =	vst v17;
	v17 =	vmul.f32 v61, v56  }
0x7b: {  	v36 =	vld [tilespmem:s31+$0x2D20];
	[tilespmem:s31+$0x2C60] =	vst v19;
	v19 =	vmul.f32 v26, v34  }
0x7c: {  	v37 =	vld [tilespmem:s31+$0x2D30];
	[tilespmem:s31+$0x2C70] =	vst v17;
	v17 =	vmul.f32 v27, v34  }
0x7d: {  	v38 =	vld [tilespmem:s31+$0x2D40];
	[tilespmem:s31+$0x2C80] =	vst v19;
	v19 =	vmul.f32 v28, v34  }
0x7e: {  	v39 =	vld [tilespmem:s31+$0x2D50];
	[tilespmem:s31+$0x2C90] =	vst v17;
	v17 =	vmul.f32 v29, v34  }
0x7f: {  	v40 =	vld [tilespmem:s31+$0x2D60];
	[tilespmem:s31+$0x2CA0] =	vst v19;
	v19 =	vmul.f32 v30, v34  }
0x80: {  	v41 =	vld [tilespmem:s31+$0x2D70];
	[tilespmem:s31+$0x2CB0] =	vst v17;
	v17 =	vmul.f32 v62, v34  }
0x81: {  	v42 =	vperm.xlane v18, v1;
	v43 =	vld [tilespmem:s31+$0x2D80];
	[tilespmem:s31+$0x2CC0] =	vst v19;
	v19 =	vmul.f32 v63, v34  }
0x82: {  	v44 =	vld [tilespmem:s31+$0x2D90];
	[tilespmem:s31+$0x2CD0] =	vst v17;
	v17 =	vmul.f32 v33, v34  }
0x83: {  	v45 =	vld [tilespmem:s31+$0x2DA0];
	[tilespmem:s31+$0x2CE0] =	vst v19;
	v19 =	vmul.f32 v31, v42  }
0x84: {  	v46 =	vld [tilespmem:s31+$0x2DB0];
	[tilespmem:s31+$0x2CF0] =	vst v17;
	v17 =	vmul.f32 v35, v42  }
0x85: {  	v47 =	vld [tilespmem:s31+$0x2DC0];
	[tilespmem:s31+$0x2D00] =	vst v19;
	v19 =	vmul.f32 v36, v42  }
0x86: {  	v48 =	vld [tilespmem:s31+$0x2DD0];
	[tilespmem:s31+$0x2D10] =	vst v17;
	v17 =	vmul.f32 v37, v42  }
0x87: {  	v49 =	vld [tilespmem:s31+$0x2DE0];
	[tilespmem:s31+$0x2D20] =	vst v19;
	v19 =	vmul.f32 v38, v42  }
0x88: {  	v50 =	vld [tilespmem:s31+$0x2DF0];
	[tilespmem:s31+$0x2D30] =	vst v17;
	v17 =	vmul.f32 v39, v42  }
0x89: {  	v51 =	vperm.xlane v18, v5;
	v52 =	vld [tilespmem:s31+$0x2E00];
	[tilespmem:s31+$0x2D40] =	vst v19;
	v19 =	vmul.f32 v40, v42  }
0x8a: {  	v53 =	vld [tilespmem:s31+$0x2E10];
	[tilespmem:s31+$0x2D50] =	vst v17;
	v17 =	vmul.f32 v41, v42  }
0x8b: {  	v54 =	vld [tilespmem:s31+$0x2E20];
	[tilespmem:s31+$0x2D60] =	vst v19;
	v19 =	vmul.f32 v43, v51  }
0x8c: {  	v55 =	vld [tilespmem:s31+$0x2E30];
	[tilespmem:s31+$0x2D70] =	vst v17;
	v17 =	vmul.f32 v44, v51  }
0x8d: {  	v57 =	vld [tilespmem:s31+$0x2E50];
	[tilespmem:s31+$0x2D80] =	vst v19;
	v19 =	vmul.f32 v45, v51  }
0x8e: {  	v58 =	vld [tilespmem:s31+$0x2E60];
	[tilespmem:s31+$0x2D90] =	vst v17;
	v17 =	vmul.f32 v46, v51  }
0x8f: {  	v59 =	vld [tilespmem:s31+$0x2E70];
	[tilespmem:s31+$0x2DA0] =	vst v19;
	v19 =	vmul.f32 v47, v51  }
0x90: {  	v56 =	vld [tilespmem:s31+$0x2E40];
	[tilespmem:s31+$0x2DB0] =	vst v17;
	v17 =	vmul.f32 v48, v51  }
0x91: {  	v60 =	vperm.xlane v18, v6;
	v61 =	vld [tilespmem:s31+$0x2E80];
	[tilespmem:s31+$0x2DC0] =	vst v19;
	v19 =	vmul.f32 v49, v51  }
0x92: {  	v62 =	vld [tilespmem:s31+$0x2E90];
	[tilespmem:s31+$0x2DD0] =	vst v17;
	v17 =	vmul.f32 v50, v51  }
0x93: {  	v63 =	vld [tilespmem:s31+$0x2EA0];
	[tilespmem:s31+$0x2DE0] =	vst v19;
	v19 =	vmul.f32 v52, v60  }
0x94: {  	v33 =	vld [tilespmem:s31+$0x2EB0];
	[tilespmem:s31+$0x2DF0] =	vst v17;
	v17 =	vmul.f32 v53, v60  }
0x95: {  	v34 =	vld [tilespmem:s31+$0x2EC0];
	[tilespmem:s31+$0x2E00] =	vst v19;
	v19 =	vmul.f32 v54, v60  }
0x96: {  	v35 =	vld [tilespmem:s31+$0x2ED0];
	[tilespmem:s31+$0x2E10] =	vst v17;
	v17 =	vmul.f32 v55, v60  }
0x97: {  	v36 =	vld [tilespmem:s31+$0x2EE0];
	[tilespmem:s31+$0x2E20] =	vst v19;
	v19 =	vmul.f32 v56, v60  }
0x98: {  	v37 =	vld [tilespmem:s31+$0x2EF0];
	[tilespmem:s31+$0x2E30] =	vst v17;
	v17 =	vmul.f32 v57, v60  }
0x99: {  	v38 =	vperm.xlane v18, v7;
	v39 =	vld [tilespmem:s31+$0x2F00];
	[tilespmem:s31+$0x2E40] =	vst v19;
	v19 =	vmul.f32 v58, v60  }
0x9a: {  	v40 =	vld [tilespmem:s31+$0x2F10];
	[tilespmem:s31+$0x2E50] =	vst v17;
	v17 =	vmul.f32 v59, v60  }
0x9b: {  	v41 =	vld [tilespmem:s31+$0x2F20];
	[tilespmem:s31+$0x2E60] =	vst v19;
	v19 =	vmul.f32 v61, v38  }
0x9c: {  	v42 =	vld [tilespmem:s31+$0x2F30];
	[tilespmem:s31+$0x2E70] =	vst v17;
	v17 =	vmul.f32 v62, v38  }
0x9d: {  	v43 =	vld [tilespmem:s31+$0x2F40];
	[tilespmem:s31+$0x2E80] =	vst v19;
	v19 =	vmul.f32 v63, v38  }
0x9e: {  	v44 =	vld [tilespmem:s31+$0x2F50];
	[tilespmem:s31+$0x2E90] =	vst v17;
	v17 =	vmul.f32 v33, v38  }
0x9f: {  	v45 =	vld [tilespmem:s31+$0x2F60];
	[tilespmem:s31+$0x2EA0] =	vst v19;
	v19 =	vmul.f32 v34, v38  }
0xa0: {  	v46 =	vld [tilespmem:s31+$0x2F70];
	[tilespmem:s31+$0x2EB0] =	vst v17;
	v17 =	vmul.f32 v35, v38  }
0xa1: {  	v47 =	vperm.xlane v18, v8;
	v48 =	vld [tilespmem:s31+$0x2F80];
	[tilespmem:s31+$0x2EC0] =	vst v19;
	v19 =	vmul.f32 v36, v38  }
0xa2: {  	v49 =	vld [tilespmem:s31+$0x2F90];
	[tilespmem:s31+$0x2ED0] =	vst v17;
	v17 =	vmul.f32 v37, v38  }
0xa3: {  	v50 =	vld [tilespmem:s31+$0x2FA0];
	[tilespmem:s31+$0x2EE0] =	vst v19;
	v19 =	vmul.f32 v39, v47  }
0xa4: {  	v51 =	vld [tilespmem:s31+$0x2FB0];
	[tilespmem:s31+$0x2EF0] =	vst v17;
	v17 =	vmul.f32 v40, v47  }
0xa5: {  	v52 =	vld [tilespmem:s31+$0x2FC0];
	[tilespmem:s31+$0x2F00] =	vst v19;
	v19 =	vmul.f32 v41, v47  }
0xa6: {  	v53 =	vld [tilespmem:s31+$0x2FD0];
	[tilespmem:s31+$0x2F10] =	vst v17;
	v17 =	vmul.f32 v42, v47  }
0xa7: {  	v54 =	vld [tilespmem:s31+$0x2FE0];
	[tilespmem:s31+$0x2F20] =	vst v19;
	v19 =	vmul.f32 v43, v47  }
0xa8: {  	v55 =	vld [tilespmem:s31+$0x2FF0];
	[tilespmem:s31+$0x2F30] =	vst v17;
	v17 =	vmul.f32 v44, v47  }
0xa9: {  	v56 =	vperm.xlane v18, v9;
	v57 =	vld [tilespmem:s31+$0x3000];
	[tilespmem:s31+$0x2F40] =	vst v19;
	v19 =	vmul.f32 v45, v47  }
0xaa: {  	v58 =	vld [tilespmem:s31+$0x3010];
	[tilespmem:s31+$0x2F50] =	vst v17;
	v17 =	vmul.f32 v46, v47  }
0xab: {  	v59 =	vld [tilespmem:s31+$0x3020];
	[tilespmem:s31+$0x2F60] =	vst v19;
	v19 =	vmul.f32 v48, v56  }
0xac: {  	v60 =	vld [tilespmem:s31+$0x3030];
	[tilespmem:s31+$0x2F70] =	vst v17;
	v17 =	vmul.f32 v49, v56  }
0xad: {  	v61 =	vld [tilespmem:s31+$0x3040];
	[tilespmem:s31+$0x2F80] =	vst v19;
	v19 =	vmul.f32 v50, v56  }
0xae: {  	v62 =	vld [tilespmem:s31+$0x3050];
	[tilespmem:s31+$0x2F90] =	vst v17;
	v17 =	vmul.f32 v51, v56  }
0xaf: {  	v63 =	vld [tilespmem:s31+$0x3060];
	[tilespmem:s31+$0x2FA0] =	vst v19;
	v19 =	vmul.f32 v52, v56  }
0xb0: {  	v33 =	vld [tilespmem:s31+$0x3070];
	[tilespmem:s31+$0x2FB0] =	vst v17;
	v17 =	vmul.f32 v53, v56  }
0xb1: {  	v34 =	vperm.xlane v18, v10;
	v35 =	vld [tilespmem:s31+$0x3080];
	[tilespmem:s31+$0x2FC0] =	vst v19;
	v19 =	vmul.f32 v54, v56  }
0xb2: {  	v36 =	vld [tilespmem:s31+$0x3090];
	[tilespmem:s31+$0x2FD0] =	vst v17;
	v17 =	vmul.f32 v55, v56  }
0xb3: {  	v37 =	vld [tilespmem:s31+$0x30A0];
	[tilespmem:s31+$0x2FE0] =	vst v19;
	v19 =	vmul.f32 v57, v34  }
0xb4: {  	v38 =	vld [tilespmem:s31+$0x30B0];
	[tilespmem:s31+$0x2FF0] =	vst v17;
	v17 =	vmul.f32 v58, v34  }
0xb5: {  	v39 =	vld [tilespmem:s31+$0x30C0];
	[tilespmem:s31+$0x3000] =	vst v19;
	v19 =	vmul.f32 v59, v34  }
0xb6: {  	v40 =	vld [tilespmem:s31+$0x30D0];
	[tilespmem:s31+$0x3010] =	vst v17;
	v17 =	vmul.f32 v60, v34  }
0xb7: {  	v41 =	vld [tilespmem:s31+$0x30E0];
	[tilespmem:s31+$0x3020] =	vst v19;
	v19 =	vmul.f32 v61, v34  }
0xb8: {  	v42 =	vld [tilespmem:s31+$0x30F0];
	[tilespmem:s31+$0x3030] =	vst v17;
	v17 =	vmul.f32 v62, v34  }
0xb9: {  	v43 =	vperm.xlane v18, v11;
	v44 =	vld [tilespmem:s31+$0x3100];
	[tilespmem:s31+$0x3040] =	vst v19;
	v19 =	vmul.f32 v63, v34  }
0xba: {  	v45 =	vld [tilespmem:s31+$0x3110];
	[tilespmem:s31+$0x3050] =	vst v17;
	v17 =	vmul.f32 v33, v34  }
0xbb: {  	v46 =	vld [tilespmem:s31+$0x3120];
	[tilespmem:s31+$0x3060] =	vst v19;
	v19 =	vmul.f32 v35, v43  }
0xbc: {  	v47 =	vld [tilespmem:s31+$0x3130];
	[tilespmem:s31+$0x3070] =	vst v17;
	v17 =	vmul.f32 v36, v43  }
0xbd: {  	v48 =	vld [tilespmem:s31+$0x3140];
	[tilespmem:s31+$0x3080] =	vst v19;
	v19 =	vmul.f32 v37, v43  }
0xbe: {  	v49 =	vld [tilespmem:s31+$0x3150];
	[tilespmem:s31+$0x3090] =	vst v17;
	v17 =	vmul.f32 v38, v43  }
0xbf: {  	v50 =	vld [tilespmem:s31+$0x3160];
	[tilespmem:s31+$0x30A0] =	vst v19;
	v19 =	vmul.f32 v39, v43  }
0xc0: {  	v51 =	vld [tilespmem:s31+$0x3170];
	[tilespmem:s31+$0x30B0] =	vst v17;
	v17 =	vmul.f32 v40, v43  }
0xc1: {  	v52 =	vperm.xlane v18, v12;
	v53 =	vld [tilespmem:s31+$0x3180];
	[tilespmem:s31+$0x30C0] =	vst v19;
	v19 =	vmul.f32 v41, v43  }
0xc2: {  	v54 =	vld [tilespmem:s31+$0x3190];
	[tilespmem:s31+$0x30D0] =	vst v17;
	v17 =	vmul.f32 v42, v43  }
0xc3: {  	v55 =	vld [tilespmem:s31+$0x31A0];
	[tilespmem:s31+$0x30E0] =	vst v19;
	v19 =	vmul.f32 v44, v52  }
0xc4: {  	v56 =	vld [tilespmem:s31+$0x31B0];
	[tilespmem:s31+$0x30F0] =	vst v17;
	v17 =	vmul.f32 v45, v52  }
0xc5: {  	v57 =	vld [tilespmem:s31+$0x31C0];
	[tilespmem:s31+$0x3100] =	vst v19;
	v19 =	vmul.f32 v46, v52  }
0xc6: {  	v58 =	vld [tilespmem:s31+$0x31D0];
	[tilespmem:s31+$0x3110] =	vst v17;
	v17 =	vmul.f32 v47, v52  }
0xc7: {  	v59 =	vld [tilespmem:s31+$0x31E0];
	[tilespmem:s31+$0x3120] =	vst v19;
	v19 =	vmul.f32 v48, v52  }
0xc8: {  	v60 =	vld [tilespmem:s31+$0x31F0];
	[tilespmem:s31+$0x3130] =	vst v17;
	v17 =	vmul.f32 v49, v52  }
0xc9: {  	v61 =	vperm.xlane v18, v13;
	v62 =	vld [tilespmem:s31+$0x3200];
	[tilespmem:s31+$0x3140] =	vst v19;
	v19 =	vmul.f32 v50, v52  }
0xca: {  	v63 =	vld [tilespmem:s31+$0x3210];
	[tilespmem:s31+$0x3150] =	vst v17;
	v17 =	vmul.f32 v51, v52  }
0xcb: {  	v33 =	vld [tilespmem:s31+$0x3220];
	[tilespmem:s31+$0x3160] =	vst v19;
	v19 =	vmul.f32 v53, v61  }
0xcc: {  	v34 =	vld [tilespmem:s31+$0x3230];
	[tilespmem:s31+$0x3170] =	vst v17;
	v17 =	vmul.f32 v54, v61  }
0xcd: {  	s5 =	sor.u32 $0x10, s0;
	v35 =	vld [tilespmem:s31+$0x3240];
	[tilespmem:s31+$0x3180] =	vst v19;
	v19 =	vmul.f32 v55, v61  }
0xce: {  	v36 =	vld [tilespmem:s5+$0x0];
	[tilespmem:s31+$0x3190] =	vst v17;
	v17 =	vmul.f32 v56, v61  }
0xcf: {  	v37 =	vld [tilespmem:s31+$0x3250];
	[tilespmem:s31+$0x31A0] =	vst v19;
	v19 =	vmul.f32 v57, v61  }
0xd0: {  	v38 =	vld [tilespmem:s31+$0x3260];
	[tilespmem:s31+$0x31B0] =	vst v17;
	v17 =	vmul.f32 v58, v61  }
0xd1: {  	v39 =	vperm.xlane v18, v14;
	v40 =	vld [tilespmem:s31+$0x3270];
	[tilespmem:s31+$0x31C0] =	vst v19;
	v19 =	vmul.f32 v59, v61  }
0xd2: {  	v41 =	vld [tilespmem:s0+$0x90];
	[tilespmem:s31+$0x31D0] =	vst v17;
	v17 =	vmul.f32 v60, v61  }
0xd3: {  	v28 =	vshrl.u32 v36, $0x3;
	v42 =	vld [tilespmem:s31+$0x3280];
	[tilespmem:s31+$0x31E0] =	vst v19;
	v19 =	vmul.f32 v62, v39  }
0xd4: {  	v43 =	vld [tilespmem:s31+$0x3290];
	[tilespmem:s31+$0x31F0] =	vst v17;
	v17 =	vmul.f32 v63, v39  }
0xd5: {  	v44 =	vld [tilespmem:s31+$0x32A0];
	[tilespmem:s31+$0x3200] =	vst v19;
	v19 =	vmul.f32 v33, v39  }
0xd6: {  	v45 =	vld [tilespmem:s31+$0x32B0];
	[tilespmem:s31+$0x3210] =	vst v17;
	v17 =	vmul.f32 v34, v39  }
0xd7: {  	v46 =	vld [tilespmem:s31+$0x32C0];
	[tilespmem:s31+$0x3220] =	vst v19;
	v19 =	vmul.f32 v35, v39  }
0xd8: {  	v28 =	vld.idx.msk [tilespmem:v28+s18+$0x0], $0xffff;
	[tilespmem:s31+$0x3230] =	vst v17;
	v17 =	vmul.f32 v37, v39  }
0xd9: {  	v47 =	vperm.xlane v18, v15;
	v48 =	vld [tilespmem:s0+$0x110];
	[tilespmem:s31+$0x3240] =	vst v19;
	v19 =	vmul.f32 v38, v39  }
0xda: {  	v49 =	vld.idx.msk [tilespmem:v41+s18+$0x0], $0xffff;
	[tilespmem:s31+$0x3250] =	vst v17;
	v17 =	vmul.f32 v40, v39  }
0xdb: {  	v32 =	vld [tilespmem:s31+$0x3340];
	[tilespmem:s31+$0x3260] =	vst v19;
	v19 =	vmul.f32 v42, v47  }
0xdc: {  	v51 =	vld [tilespmem:s31+$0x32E0];
	[tilespmem:s31+$0x3270] =	vst v17;
	v17 =	vmul.f32 v43, v47  }
0xdd: {  	s1 =	sshll.u32 s5, $0x7;
	v50 =	vld [tilespmem:s31+$0x32D0];
	v53 =	vshll.u32 v28, $0x10;
	[tilespmem:s31+$0x3280] =	vst v19;
	v19 =	vmul.f32 v44, v47  }
0xde: {  	s0 =	sand.u32 $0x3FFFF800, s1;
	v18 =	vperm.xlane v18, v16;
	v25 =	vadd.f32 v53, v48;
	v54 =	vld [tilespmem:s31+$0x3300];
	[tilespmem:s31+$0x3290] =	vst v17;
	v17 =	vmul.f32 v45, v47  }
0xdf: {  	v55 =	vld [tilespmem:s0+$0x2B80];
	v21 =	vand.u32 $0xFFFF0000, v49;
	[tilespmem:s31+$0x32A0] =	vst v19;
	v19 =	vmul.f32 v46, v47  }
0xe0: {  	v36 =	vmul.f32 v32, v18;
	v56 =	vld [tilespmem:s0+$0x2B90];
	[tilespmem:s31+$0x32B0] =	vst v17;
	v17 =	vadd.f32 v21, v25  }
0xe1: {  	v57 =	vld [tilespmem:s0+$0x2BA0];
	[tilespmem:s31+$0x32C0] =	vst v19;
	v19 =	vmul.f32 v51, v47  }
0xe2: {  	[tilespmem:s31+$0x3340] =	vst v36;
	v22 =	vmul.f32 v50, v47;
	v59 =	vld [tilespmem:s0+$0x2BB0];
	v58 =	vperm.xlane v17, v2  }
0xe3: {  	v60 =	vld [tilespmem:s0+$0x2BC0];
	[tilespmem:s31+$0x32E0] =	vst v19;
	v19 =	vmul.f32 v54, v18  }
0xe4: {  	[tilespmem:s31+$0x32D0] =	vst v22;
	v62 =	vld [tilespmem:s0+$0x2BD0];
	v61 =	vmul.f32 v55, v58  }
0xe5: {  	v63 =	vld [tilespmem:s0+$0x2BE0];
	[tilespmem:s31+$0x3300] =	vst v19;
	v19 =	vmul.f32 v56, v58  }
0xe6: {  	v29 =	vld [tilespmem:s0+$0x2BF0];
	v28 =	vmul.f32 v57, v58;
	[tilespmem:s0+$0x2B80] =	vst v61  }
0xe7: {  	v24 =	vmul.f32 v59, v58;
	[tilespmem:s0+$0x2B90] =	vst v19;
	v19 =	vld [tilespmem:s31+$0x3310]  }
0xe8: {  	v52 =	vld [tilespmem:s31+$0x32F0];
	v25 =	vmul.f32 v60, v58;
	[tilespmem:s0+$0x2BA0] =	vst v28  }
0xe9: {  	v31 =	vld [tilespmem:s31+$0x3330];
	v26 =	vmul.f32 v62, v58;
	[tilespmem:s0+$0x2BB0] =	vst v24  }
0xea: {  	v30 =	vld [tilespmem:s31+$0x3320];
	v21 =	vmul.f32 v63, v58;
	[tilespmem:s0+$0x2BC0] =	vst v25  }
0xeb: {  	v33 =	vld [tilespmem:s31+$0x3350];
	v22 =	vmul.f32 v29, v58;
	[tilespmem:s0+$0x2BD0] =	vst v26  }
0xec: {  	v34 =	vld [tilespmem:s31+$0x3360];
	[tilespmem:s0+$0x2BE0] =	vst v21;
	v19 =	vmul.f32 v19, v18  }
0xed: {  	v20 =	vmul.f32 v52, v47;
	v35 =	vld [tilespmem:s31+$0x3370];
	[tilespmem:s0+$0x2BF0] =	vst v22  }
0xee: {  	v22 =	vld [tilespmem:s31+$0x3400];
	[tilespmem:s31+$0x3310] =	vst v19;
	v19 =	vmul.f32 v31, v18  }
0xef: {  	[tilespmem:s31+$0x32F0] =	vst v20;
	v20 =	vmul.f32 v30, v18;
	v37 =	vld [tilespmem:s31+$0x3410]  }
0xf0: {  	v38 =	vld [tilespmem:s31+$0x3420];
	[tilespmem:s31+$0x3330] =	vst v19;
	v19 =	vmul.f32 v33, v18  }
0xf1: {  	[tilespmem:s31+$0x3320] =	vst v20;
	v39 =	vmul.f32 v34, v18;
	v40 =	vperm.xlane v17, v3;
	v41 =	vld [tilespmem:s31+$0x3430]  }
0xf2: {  	v18 =	vmul.f32 v35, v18;
	[tilespmem:s31+$0x3350] =	vst v19;
	v19 =	vld [tilespmem:s31+$0x3440]  }
0xf3: {  	[tilespmem:s31+$0x3360] =	vst v39;
	v43 =	vld [tilespmem:s31+$0x3450];
	v42 =	vmul.f32 v22, v40  }
0xf4: {  	v44 =	vld [tilespmem:s31+$0x3460];
	[tilespmem:s31+$0x3370] =	vst v18;
	v18 =	vmul.f32 v37, v40  }
0xf5: {  	v46 =	vld [tilespmem:s31+$0x3470];
	v45 =	vmul.f32 v38, v40;
	[tilespmem:s31+$0x3400] =	vst v42  }
0xf6: {  	v47 =	vld [tilespmem:s31+$0x3480];
	[tilespmem:s31+$0x3410] =	vst v18;
	v18 =	vmul.f32 v41, v40  }
0xf7: {  	v48 =	vld [tilespmem:s31+$0x3490];
	[tilespmem:s31+$0x3420] =	vst v45;
	v19 =	vmul.f32 v19, v40  }
0xf8: {  	v49 =	vld [tilespmem:s31+$0x34A0];
	[tilespmem:s31+$0x3430] =	vst v18;
	v18 =	vmul.f32 v43, v40  }
0xf9: {  	v50 =	vperm.xlane v17, v4;
	v51 =	vld [tilespmem:s31+$0x34B0];
	[tilespmem:s31+$0x3440] =	vst v19;
	v19 =	vmul.f32 v44, v40  }
0xfa: {  	v52 =	vld [tilespmem:s31+$0x34C0];
	[tilespmem:s31+$0x3450] =	vst v18;
	v18 =	vmul.f32 v46, v40  }
0xfb: {  	v53 =	vld [tilespmem:s31+$0x34D0];
	[tilespmem:s31+$0x3460] =	vst v19;
	v19 =	vmul.f32 v47, v50  }
0xfc: {  	v54 =	vld [tilespmem:s31+$0x34E0];
	[tilespmem:s31+$0x3470] =	vst v18;
	v18 =	vmul.f32 v48, v50  }
0xfd: {  	v55 =	vld [tilespmem:s31+$0x34F0];
	[tilespmem:s31+$0x3480] =	vst v19;
	v19 =	vmul.f32 v49, v50  }
0xfe: {  	v56 =	vld [tilespmem:s31+$0x3500];
	[tilespmem:s31+$0x3490] =	vst v18;
	v18 =	vmul.f32 v51, v50  }
0xff: {  	v57 =	vld [tilespmem:s31+$0x3510];
	[tilespmem:s31+$0x34A0] =	vst v19;
	v19 =	vmul.f32 v52, v50  }
0x100: {  	v58 =	vld [tilespmem:s31+$0x3520];
	[tilespmem:s31+$0x34B0] =	vst v18;
	v18 =	vmul.f32 v53, v50  }
0x101: {  	v59 =	vperm.xlane v17, v1;
	v60 =	vld [tilespmem:s31+$0x3530];
	[tilespmem:s31+$0x34C0] =	vst v19;
	v19 =	vmul.f32 v54, v50  }
0x102: {  	v61 =	vld [tilespmem:s31+$0x3540];
	[tilespmem:s31+$0x34D0] =	vst v18;
	v18 =	vmul.f32 v55, v50  }
0x103: {  	v62 =	vld [tilespmem:s31+$0x3550];
	[tilespmem:s31+$0x34E0] =	vst v19;
	v19 =	vmul.f32 v56, v59  }
0x104: {  	v63 =	vld [tilespmem:s31+$0x3560];
	[tilespmem:s31+$0x34F0] =	vst v18;
	v18 =	vmul.f32 v57, v59  }
0x105: {  	v28 =	vld [tilespmem:s31+$0x3570];
	[tilespmem:s31+$0x3500] =	vst v19;
	v19 =	vmul.f32 v58, v59  }
0x106: {  	v29 =	vld [tilespmem:s31+$0x3580];
	[tilespmem:s31+$0x3510] =	vst v18;
	v18 =	vmul.f32 v60, v59  }
0x107: {  	v30 =	vld [tilespmem:s31+$0x3590];
	[tilespmem:s31+$0x3520] =	vst v19;
	v19 =	vmul.f32 v61, v59  }
0x108: {  	v31 =	vld [tilespmem:s31+$0x35A0];
	[tilespmem:s31+$0x3530] =	vst v18;
	v18 =	vmul.f32 v62, v59  }
0x109: {  	v32 =	vperm.xlane v17, v5;
	v33 =	vld [tilespmem:s31+$0x35B0];
	[tilespmem:s31+$0x3540] =	vst v19;
	v19 =	vmul.f32 v63, v59  }
0x10a: {  	v34 =	vld [tilespmem:s31+$0x35C0];
	[tilespmem:s31+$0x3550] =	vst v18;
	v18 =	vmul.f32 v28, v59  }
0x10b: {  	v35 =	vld [tilespmem:s31+$0x35D0];
	[tilespmem:s31+$0x3560] =	vst v19;
	v19 =	vmul.f32 v29, v32  }
0x10c: {  	v36 =	vld [tilespmem:s31+$0x35E0];
	[tilespmem:s31+$0x3570] =	vst v18;
	v18 =	vmul.f32 v30, v32  }
0x10d: {  	v37 =	vld [tilespmem:s31+$0x35F0];
	[tilespmem:s31+$0x3580] =	vst v19;
	v19 =	vmul.f32 v31, v32  }
0x10e: {  	v38 =	vld [tilespmem:s31+$0x3600];
	[tilespmem:s31+$0x3590] =	vst v18;
	v18 =	vmul.f32 v33, v32  }
0x10f: {  	v39 =	vld [tilespmem:s31+$0x3610];
	[tilespmem:s31+$0x35A0] =	vst v19;
	v19 =	vmul.f32 v34, v32  }
0x110: {  	v40 =	vld [tilespmem:s31+$0x3620];
	[tilespmem:s31+$0x35B0] =	vst v18;
	v18 =	vmul.f32 v35, v32  }
0x111: {  	v42 =	vld [tilespmem:s31+$0x3630];
	v41 =	vperm.xlane v17, v6;
	[tilespmem:s31+$0x35C0] =	vst v19;
	v19 =	vmul.f32 v36, v32  }
0x112: {  	v43 =	vld [tilespmem:s31+$0x3640];
	[tilespmem:s31+$0x35D0] =	vst v18;
	v18 =	vmul.f32 v37, v32  }
0x113: {  	v44 =	vld [tilespmem:s31+$0x3650];
	[tilespmem:s31+$0x35E0] =	vst v19;
	v19 =	vmul.f32 v38, v41  }
0x114: {  	v45 =	vld [tilespmem:s31+$0x3660];
	[tilespmem:s31+$0x35F0] =	vst v18;
	v18 =	vmul.f32 v39, v41  }
0x115: {  	v46 =	vld [tilespmem:s31+$0x3670];
	[tilespmem:s31+$0x3600] =	vst v19;
	v19 =	vmul.f32 v40, v41  }
0x116: {  	v47 =	vld [tilespmem:s31+$0x3680];
	[tilespmem:s31+$0x3610] =	vst v18;
	v18 =	vmul.f32 v42, v41  }
0x117: {  	v48 =	vld [tilespmem:s31+$0x3690];
	[tilespmem:s31+$0x3620] =	vst v19;
	v19 =	vmul.f32 v43, v41  }
0x118: {  	v49 =	vld [tilespmem:s31+$0x36A0];
	[tilespmem:s31+$0x3630] =	vst v18;
	v18 =	vmul.f32 v44, v41  }
0x119: {  	v51 =	vld [tilespmem:s31+$0x36B0];
	v50 =	vperm.xlane v17, v7;
	[tilespmem:s31+$0x3640] =	vst v19;
	v19 =	vmul.f32 v45, v41  }
0x11a: {  	v52 =	vld [tilespmem:s31+$0x36C0];
	[tilespmem:s31+$0x3650] =	vst v18;
	v18 =	vmul.f32 v46, v41  }
0x11b: {  	v53 =	vld [tilespmem:s31+$0x36D0];
	[tilespmem:s31+$0x3660] =	vst v19;
	v19 =	vmul.f32 v47, v50  }
0x11c: {  	v54 =	vld [tilespmem:s31+$0x36E0];
	[tilespmem:s31+$0x3670] =	vst v18;
	v18 =	vmul.f32 v48, v50  }
0x11d: {  	v55 =	vld [tilespmem:s31+$0x36F0];
	[tilespmem:s31+$0x3680] =	vst v19;
	v19 =	vmul.f32 v49, v50  }
0x11e: {  	v56 =	vld [tilespmem:s31+$0x3700];
	[tilespmem:s31+$0x3690] =	vst v18;
	v18 =	vmul.f32 v51, v50  }
0x11f: {  	v57 =	vld [tilespmem:s31+$0x3710];
	[tilespmem:s31+$0x36A0] =	vst v19;
	v19 =	vmul.f32 v52, v50  }
0x120: {  	v58 =	vld [tilespmem:s31+$0x3720];
	[tilespmem:s31+$0x36B0] =	vst v18;
	v18 =	vmul.f32 v53, v50  }
0x121: {  	v60 =	vld [tilespmem:s31+$0x3730];
	v59 =	vperm.xlane v17, v8;
	[tilespmem:s31+$0x36C0] =	vst v19;
	v19 =	vmul.f32 v54, v50  }
0x122: {  	v61 =	vld [tilespmem:s31+$0x3740];
	[tilespmem:s31+$0x36D0] =	vst v18;
	v18 =	vmul.f32 v55, v50  }
0x123: {  	v62 =	vld [tilespmem:s31+$0x3750];
	[tilespmem:s31+$0x36E0] =	vst v19;
	v19 =	vmul.f32 v56, v59  }
0x124: {  	v63 =	vld [tilespmem:s31+$0x3760];
	[tilespmem:s31+$0x36F0] =	vst v18;
	v18 =	vmul.f32 v57, v59  }
0x125: {  	v28 =	vld [tilespmem:s31+$0x3770];
	[tilespmem:s31+$0x3700] =	vst v19;
	v19 =	vmul.f32 v58, v59  }
0x126: {  	v29 =	vld [tilespmem:s31+$0x3780];
	[tilespmem:s31+$0x3710] =	vst v18;
	v18 =	vmul.f32 v60, v59  }
0x127: {  	v30 =	vld [tilespmem:s31+$0x3790];
	[tilespmem:s31+$0x3720] =	vst v19;
	v19 =	vmul.f32 v61, v59  }
0x128: {  	v31 =	vld [tilespmem:s31+$0x37A0];
	[tilespmem:s31+$0x3730] =	vst v18;
	v18 =	vmul.f32 v62, v59  }
0x129: {  	v33 =	vld [tilespmem:s31+$0x37B0];
	v32 =	vperm.xlane v17, v9;
	[tilespmem:s31+$0x3740] =	vst v19;
	v19 =	vmul.f32 v63, v59  }
0x12a: {  	v34 =	vld [tilespmem:s31+$0x37C0];
	[tilespmem:s31+$0x3750] =	vst v18;
	v18 =	vmul.f32 v28, v59  }
0x12b: {  	v35 =	vld [tilespmem:s31+$0x37D0];
	[tilespmem:s31+$0x3760] =	vst v19;
	v19 =	vmul.f32 v29, v32  }
0x12c: {  	v36 =	vld [tilespmem:s31+$0x37E0];
	[tilespmem:s31+$0x3770] =	vst v18;
	v18 =	vmul.f32 v30, v32  }
0x12d: {  	v37 =	vld [tilespmem:s31+$0x37F0];
	[tilespmem:s31+$0x3780] =	vst v19;
	v19 =	vmul.f32 v31, v32  }
0x12e: {  	v38 =	vld [tilespmem:s31+$0x3800];
	[tilespmem:s31+$0x3790] =	vst v18;
	v18 =	vmul.f32 v33, v32  }
0x12f: {  	v39 =	vld [tilespmem:s31+$0x3810];
	[tilespmem:s31+$0x37A0] =	vst v19;
	v19 =	vmul.f32 v34, v32  }
0x130: {  	v40 =	vld [tilespmem:s31+$0x3820];
	[tilespmem:s31+$0x37B0] =	vst v18;
	v18 =	vmul.f32 v35, v32  }
0x131: {  	v42 =	vld [tilespmem:s31+$0x3830];
	v41 =	vperm.xlane v17, v10;
	[tilespmem:s31+$0x37C0] =	vst v19;
	v19 =	vmul.f32 v36, v32  }
0x132: {  	v43 =	vld [tilespmem:s31+$0x3840];
	[tilespmem:s31+$0x37D0] =	vst v18;
	v18 =	vmul.f32 v37, v32  }
0x133: {  	v44 =	vld [tilespmem:s31+$0x3850];
	[tilespmem:s31+$0x37E0] =	vst v19;
	v19 =	vmul.f32 v38, v41  }
0x134: {  	v45 =	vld [tilespmem:s31+$0x3860];
	[tilespmem:s31+$0x37F0] =	vst v18;
	v18 =	vmul.f32 v39, v41  }
0x135: {  	v46 =	vld [tilespmem:s31+$0x3870];
	[tilespmem:s31+$0x3800] =	vst v19;
	v19 =	vmul.f32 v40, v41  }
0x136: {  	v47 =	vld [tilespmem:s31+$0x3880];
	[tilespmem:s31+$0x3810] =	vst v18;
	v18 =	vmul.f32 v42, v41  }
0x137: {  	v48 =	vld [tilespmem:s31+$0x3890];
	[tilespmem:s31+$0x3820] =	vst v19;
	v19 =	vmul.f32 v43, v41  }
0x138: {  	v49 =	vld [tilespmem:s31+$0x38A0];
	[tilespmem:s31+$0x3830] =	vst v18;
	v18 =	vmul.f32 v44, v41  }
0x139: {  	v51 =	vld [tilespmem:s31+$0x38B0];
	v50 =	vperm.xlane v17, v11;
	[tilespmem:s31+$0x3840] =	vst v19;
	v19 =	vmul.f32 v45, v41  }
0x13a: {  	v52 =	vld [tilespmem:s31+$0x38C0];
	[tilespmem:s31+$0x3850] =	vst v18;
	v18 =	vmul.f32 v46, v41  }
0x13b: {  	v53 =	vld [tilespmem:s31+$0x38D0];
	[tilespmem:s31+$0x3860] =	vst v19;
	v19 =	vmul.f32 v47, v50  }
0x13c: {  	v54 =	vld [tilespmem:s31+$0x38E0];
	[tilespmem:s31+$0x3870] =	vst v18;
	v18 =	vmul.f32 v48, v50  }
0x13d: {  	v55 =	vld [tilespmem:s31+$0x38F0];
	[tilespmem:s31+$0x3880] =	vst v19;
	v19 =	vmul.f32 v49, v50  }
0x13e: {  	v56 =	vld [tilespmem:s31+$0x3900];
	[tilespmem:s31+$0x3890] =	vst v18;
	v18 =	vmul.f32 v51, v50  }
0x13f: {  	v57 =	vld [tilespmem:s31+$0x3910];
	[tilespmem:s31+$0x38A0] =	vst v19;
	v19 =	vmul.f32 v52, v50  }
0x140: {  	v58 =	vld [tilespmem:s31+$0x3920];
	[tilespmem:s31+$0x38B0] =	vst v18;
	v18 =	vmul.f32 v53, v50  }
0x141: {  	v60 =	vld [tilespmem:s31+$0x3930];
	v59 =	vperm.xlane v17, v12;
	[tilespmem:s31+$0x38C0] =	vst v19;
	v19 =	vmul.f32 v54, v50  }
0x142: {  	v61 =	vld [tilespmem:s31+$0x3940];
	[tilespmem:s31+$0x38D0] =	vst v18;
	v18 =	vmul.f32 v55, v50  }
0x143: {  	v62 =	vld [tilespmem:s31+$0x3950];
	[tilespmem:s31+$0x38E0] =	vst v19;
	v19 =	vmul.f32 v56, v59  }
0x144: {  	v63 =	vld [tilespmem:s31+$0x3960];
	[tilespmem:s31+$0x38F0] =	vst v18;
	v18 =	vmul.f32 v57, v59  }
0x145: {  	v28 =	vld [tilespmem:s31+$0x3970];
	[tilespmem:s31+$0x3900] =	vst v19;
	v19 =	vmul.f32 v58, v59  }
0x146: {  	v29 =	vld [tilespmem:s31+$0x3980];
	[tilespmem:s31+$0x3910] =	vst v18;
	v18 =	vmul.f32 v60, v59  }
0x147: {  	v30 =	vld [tilespmem:s31+$0x3990];
	[tilespmem:s31+$0x3920] =	vst v19;
	v19 =	vmul.f32 v61, v59  }
0x148: {  	v31 =	vld [tilespmem:s31+$0x39A0];
	[tilespmem:s31+$0x3930] =	vst v18;
	v18 =	vmul.f32 v62, v59  }
0x149: {  	v33 =	vld [tilespmem:s31+$0x39B0];
	v32 =	vperm.xlane v17, v13;
	[tilespmem:s31+$0x3940] =	vst v19;
	v19 =	vmul.f32 v63, v59  }
0x14a: {  	v34 =	vld [tilespmem:s31+$0x39C0];
	[tilespmem:s31+$0x3950] =	vst v18;
	v18 =	vmul.f32 v28, v59  }
0x14b: {  	v35 =	vld [tilespmem:s31+$0x39D0];
	[tilespmem:s31+$0x3960] =	vst v19;
	v19 =	vmul.f32 v29, v32  }
0x14c: {  	v36 =	vld [tilespmem:s31+$0x39E0];
	[tilespmem:s31+$0x3970] =	vst v18;
	v18 =	vmul.f32 v30, v32  }
0x14d: {  	v37 =	vld [tilespmem:s31+$0x39F0];
	[tilespmem:s31+$0x3980] =	vst v19;
	v19 =	vmul.f32 v31, v32  }
0x14e: {  	v38 =	vld [tilespmem:s31+$0x3A00];
	[tilespmem:s31+$0x3990] =	vst v18;
	v18 =	vmul.f32 v33, v32  }
0x14f: {  	v39 =	vld [tilespmem:s31+$0x3A10];
	[tilespmem:s31+$0x39A0] =	vst v19;
	v19 =	vmul.f32 v34, v32  }
0x150: {  	v40 =	vld [tilespmem:s31+$0x3A20];
	[tilespmem:s31+$0x39B0] =	vst v18;
	v18 =	vmul.f32 v35, v32  }
0x151: {  	v42 =	vld [tilespmem:s31+$0x3A30];
	v41 =	vperm.xlane v17, v14;
	[tilespmem:s31+$0x39C0] =	vst v19;
	v19 =	vmul.f32 v36, v32  }
0x152: {  	v43 =	vld [tilespmem:s31+$0x3A40];
	[tilespmem:s31+$0x39D0] =	vst v18;
	v18 =	vmul.f32 v37, v32  }
0x153: {  	v44 =	vld [tilespmem:s31+$0x3A50];
	[tilespmem:s31+$0x39E0] =	vst v19;
	v19 =	vmul.f32 v38, v41  }
0x154: {  	v45 =	vld [tilespmem:s31+$0x3A60];
	[tilespmem:s31+$0x39F0] =	vst v18;
	v18 =	vmul.f32 v39, v41  }
0x155: {  	v46 =	vld [tilespmem:s31+$0x3A70];
	[tilespmem:s31+$0x3A00] =	vst v19;
	v19 =	vmul.f32 v40, v41  }
0x156: {  	v47 =	vld [tilespmem:s31+$0x3A80];
	[tilespmem:s31+$0x3A10] =	vst v18;
	v18 =	vmul.f32 v42, v41  }
0x157: {  	v48 =	vld [tilespmem:s31+$0x3A90];
	[tilespmem:s31+$0x3A20] =	vst v19;
	v19 =	vmul.f32 v43, v41  }
0x158: {  	v49 =	vld [tilespmem:s31+$0x3AA0];
	[tilespmem:s31+$0x3A30] =	vst v18;
	v18 =	vmul.f32 v44, v41  }
0x159: {  	v51 =	vld [tilespmem:s31+$0x3AB0];
	v50 =	vperm.xlane v17, v15;
	[tilespmem:s31+$0x3A40] =	vst v19;
	v19 =	vmul.f32 v45, v41  }
0x15a: {  	v52 =	vld [tilespmem:s31+$0x3AC0];
	[tilespmem:s31+$0x3A50] =	vst v18;
	v18 =	vmul.f32 v46, v41  }
0x15b: {  	v53 =	vld [tilespmem:s31+$0x3AD0];
	[tilespmem:s31+$0x3A60] =	vst v19;
	v19 =	vmul.f32 v47, v50  }
0x15c: {  	v54 =	vld [tilespmem:s31+$0x3AE0];
	[tilespmem:s31+$0x3A70] =	vst v18;
	v18 =	vmul.f32 v48, v50  }
0x15d: {  	v55 =	vld [tilespmem:s31+$0x3AF0];
	[tilespmem:s31+$0x3A80] =	vst v19;
	v19 =	vmul.f32 v49, v50  }
0x15e: {  	v56 =	vld [tilespmem:s31+$0x3B00];
	[tilespmem:s31+$0x3A90] =	vst v18;
	v18 =	vmul.f32 v51, v50  }
0x15f: {  	v57 =	vld [tilespmem:s31+$0x3B10];
	[tilespmem:s31+$0x3AA0] =	vst v19;
	v19 =	vmul.f32 v52, v50  }
0x160: {  	v58 =	vld [tilespmem:s31+$0x3B20];
	[tilespmem:s31+$0x3AB0] =	vst v18;
	v18 =	vmul.f32 v53, v50  }
0x161: {  	v17 =	vperm.xlane v17, v16;
	v59 =	vld [tilespmem:s31+$0x3B30];
	[tilespmem:s31+$0x3AC0] =	vst v19;
	v19 =	vmul.f32 v54, v50  }
0x162: {  	v60 =	vld [tilespmem:s31+$0x3B40];
	[tilespmem:s31+$0x3AD0] =	vst v18;
	v18 =	vmul.f32 v55, v50  }
0x163: {  	v61 =	vld [tilespmem:s31+$0x3B50];
	[tilespmem:s31+$0x3AE0] =	vst v19;
	v19 =	vmul.f32 v56, v17  }
0x164: {  	v62 =	vld [tilespmem:s31+$0x3B60];
	[tilespmem:s31+$0x3AF0] =	vst v18;
	v18 =	vmul.f32 v57, v17  }
0x165: {  	v63 =	vld [tilespmem:s31+$0x3B70];
	[tilespmem:s31+$0x3B00] =	vst v19;
	v19 =	vmul.f32 v58, v17  }
0x166: {  	[tilespmem:s31+$0x3B10] =	vst v18;
	v18 =	vmul.f32 v59, v17  }
0x167: {  	p0 =	slt.u32 s30, $0x6;
	[tilespmem:s31+$0x3B20] =	vst v19;
	v19 =	vmul.f32 v60, v17  }
.Ltmp3:
0x168: {  	[tilespmem:s31+$0x3B30] =	vst v18;
	v18 =	vmul.f32 v61, v17;
	(pc) =	sbr.rel @p0 .LBB2_5-.Ltmp3, $4  }
0x169: {  	[tilespmem:s31+$0x3B40] =	vst v19;
	v19 =	vmul.f32 v62, v17  }
0x16a: {  	[tilespmem:s31+$0x3B50] =	vst v18;
	v17 =	vmul.f32 v63, v17  }
0x16b: {  	s5 =	sadd.s32 $0x2, s30;
	[tilespmem:s31+$0x3B60] =	vst v19  }
0x16c: {  	s30 =	smov.u32 s5;
	[tilespmem:s31+$0x3B70] =	vst v17  }
0x16d: {  	[spmem:s2] =	stream.indirect.scatter.add.f32 [tilespmem:s20], [sflag:$0x3], $0x80, s21, s21, $0xb8;
	[tilespmem:$0x1EB80] =	vst v63  }
0x16e: {  	_ =	swait.ge [sflag:s19], $0x4000  }
0x16f: {  	p0 =	seq.s32 s29, $0x13;
	[sflag:s19] =	ssyncset.done $0x0  }
0x170: {  	s30 =	sshll.u32 s29, $0x1;
	s0 =	simm.s32 @p0 $0x1;
	[sflag:s19] =	ssyncadd.s32 $0xFFFFC000  }
0x171: {  	s1 =	sadd.s32 @!p0 s7, s30;
	_ =	swait.ge @p0 [sflag:s0], $0x4000  }
0x172: {  	s1 =	sshll.u32 @!p0 s1, $0x6;
	[sflag:s0] =	ssyncset.done @p0 $0x0  }
0x173: {  	[sflag:s0] =	ssyncadd.s32 @p0 $0xFFFFC000;
	s0 =	sadd.s32 @!p0 s1, s14;
	s1 =	simm.s32 @!p0 $0x0  }
0x174: {  	[tilespmem:s1], [sflag:$0x2] =	stream.linear.gather @!p0 [hbm4b:s0+s1], $0x180, $0x38;
	[tilespmem:$0x1EB80] =	vst v63  }
0x175: {  	s0 =	simm.s32 @!p0 $0x1  }
0x176: {  	_ =	swait.ge @!p0 [sflag:s0], $0x4000  }
0x177: {  	[sflag:s0] =	ssyncset.done @!p0 $0x0  }
0x178: {  	[sflag:s0] =	ssyncadd.s32 @!p0 $0xFFFFC000;
	s0 =	simm.s32 @!p0 $0x2  }
0x179: {  	_ =	swait.ge @!p0 [sflag:s0], $0x180  }
0x17a: {  	s31 =	simm.s32 $0x0;
	[sflag:s0] =	ssyncset.done @!p0 $0x0  }
0x17b: {  	s5 =	simm.s32 @!p0 $0x2B80;
	[sflag:s0] =	ssyncadd.s32 @!p0 $0xFFFFFE80;
	s0 =	simm.s32 @!p0 $0x80  }
0x17c: {  	[tilespmem:s5], [sflag:$0x1] =	stream.indirect.gather @!p0 [hbm4b:s4+s0], $0x80, s1, s0, $0xb8;
	[tilespmem:$0x1EB80] =	vst v63  }
.LBB2_7:
0x17d: {  	s5 =	sshll.u32 s31, $0x4  }
0x17e: {  	v17 =	vld [tilespmem:s5+$0x200];
	_ =	sdelay $0x3  }
0x17f: {  	v18 =	vld [tilespmem:s5+$0x280]  }
0x180: {  	v17 =	vshrl.u32 v17, $0x3;
	_ =	sdelay $0x4  }
0x181: {  	v17 =	vld.idx.msk [tilespmem:v17+s18+$0x0], $0xffff  }
0x182: {  	v19 =	vld [tilespmem:s5+$0x300]  }
0x183: {  	v18 =	vld.idx.msk [tilespmem:v18+s18+$0x0], $0xffff;
	_ =	sdelay $0x2  }
0x184: {  	s1 =	sshll.u32 s31, $0xB;
	v17 =	vshll.u32 v17, $0x10  }
0x185: {  	s0 =	sand.u32 $0x3FFFF800, s1;
	v17 =	vadd.f32 v17, v19  }
0x186: {  	v18 =	vand.u32 $0xFFFF0000, v18;
	v19 =	vld [tilespmem:s0+$0x6B80]  }
0x187: {  	v18 =	vadd.f32 v18, v17;
	v17 =	vld [tilespmem:s0+$0x6B90]  }
0x188: {  	v20 =	vld [tilespmem:s0+$0x6BA0]  }
0x189: {  	v22 =	vld [tilespmem:s0+$0x6BB0];
	v21 =	vperm.xlane v18, v2  }
0x18a: {  	v23 =	vld [tilespmem:s0+$0x6BC0]  }
0x18b: {  	v24 =	vld [tilespmem:s0+$0x6BD0];
	v19 =	vmul.f32 v19, v21  }
0x18c: {  	v25 =	vld [tilespmem:s0+$0x6BE0];
	v17 =	vmul.f32 v17, v21  }
0x18d: {  	v54 =	vld [tilespmem:s0+$0x6BF0];
	[tilespmem:s0+$0x6B80] =	vst v19;
	v19 =	vmul.f32 v20, v21  }
0x18e: {  	v55 =	vld [tilespmem:s0+$0x6C00];
	[tilespmem:s0+$0x6B90] =	vst v17;
	v17 =	vmul.f32 v22, v21  }
0x18f: {  	[tilespmem:s0+$0x6BA0] =	vst v19;
	v19 =	vmul.f32 v23, v21  }
0x190: {  	[tilespmem:s0+$0x6BB0] =	vst v17;
	v17 =	vmul.f32 v24, v21  }
0x191: {  	v56 =	vperm.xlane v18, v3;
	[tilespmem:s0+$0x6BC0] =	vst v19;
	v19 =	vmul.f32 v25, v21  }
0x192: {  	[tilespmem:s0+$0x6BD0] =	vst v17;
	v17 =	vmul.f32 v54, v21  }
0x193: {  	[tilespmem:s0+$0x6BE0] =	vst v19;
	v19 =	vmul.f32 v55, v56  }
0x194: {  	[tilespmem:s0+$0x6BF0] =	vst v17  }
0x195: {  	[tilespmem:s0+$0x6C00] =	vst v19  }
0x196: {  	v17 =	vld [tilespmem:s0+$0x6C10]  }
0x197: {  	v19 =	vld [tilespmem:s0+$0x6C20]  }
0x198: {  	v57 =	vld [tilespmem:s0+$0x6C30]  }
0x199: {  	v58 =	vld [tilespmem:s0+$0x6C40]  }
0x19a: {  	v59 =	vld [tilespmem:s0+$0x6C50]  }
0x19b: {  	v60 =	vld [tilespmem:s0+$0x6C60]  }
0x19c: {  	v61 =	vld [tilespmem:s0+$0x6C70]  }
0x19d: {  	v26 =	vld [tilespmem:s0+$0x6C80]  }
0x19e: {  	v27 =	vld [tilespmem:s0+$0x6C90]  }
0x19f: {  	v28 =	vld [tilespmem:s0+$0x6CA0]  }
0x1a0: {  	v29 =	vld [tilespmem:s0+$0x6CB0];
	v17 =	vmul.f32 v17, v56  }
0x1a1: {  	v30 =	vld [tilespmem:s0+$0x6CC0];
	v19 =	vmul.f32 v19, v56  }
0x1a2: {  	v62 =	vld [tilespmem:s0+$0x6CD0];
	[tilespmem:s0+$0x6C10] =	vst v17;
	v17 =	vmul.f32 v57, v56  }
0x1a3: {  	v63 =	vld [tilespmem:s0+$0x6CE0];
	[tilespmem:s0+$0x6C20] =	vst v19;
	v19 =	vmul.f32 v58, v56  }
0x1a4: {  	v33 =	vld [tilespmem:s0+$0x6CF0];
	[tilespmem:s0+$0x6C30] =	vst v17;
	v17 =	vmul.f32 v59, v56  }
0x1a5: {  	v34 =	vperm.xlane v18, v4;
	v31 =	vld [tilespmem:s0+$0x6D00];
	[tilespmem:s0+$0x6C40] =	vst v19;
	v19 =	vmul.f32 v60, v56  }
0x1a6: {  	v35 =	vld [tilespmem:s0+$0x6D10];
	[tilespmem:s0+$0x6C50] =	vst v17;
	v17 =	vmul.f32 v61, v56  }
0x1a7: {  	v36 =	vld [tilespmem:s0+$0x6D20];
	[tilespmem:s0+$0x6C60] =	vst v19;
	v19 =	vmul.f32 v26, v34  }
0x1a8: {  	v37 =	vld [tilespmem:s0+$0x6D30];
	[tilespmem:s0+$0x6C70] =	vst v17;
	v17 =	vmul.f32 v27, v34  }
0x1a9: {  	v38 =	vld [tilespmem:s0+$0x6D40];
	[tilespmem:s0+$0x6C80] =	vst v19;
	v19 =	vmul.f32 v28, v34  }
0x1aa: {  	v39 =	vld [tilespmem:s0+$0x6D50];
	[tilespmem:s0+$0x6C90] =	vst v17;
	v17 =	vmul.f32 v29, v34  }
0x1ab: {  	v40 =	vld [tilespmem:s0+$0x6D60];
	[tilespmem:s0+$0x6CA0] =	vst v19;
	v19 =	vmul.f32 v30, v34  }
0x1ac: {  	v41 =	vld [tilespmem:s0+$0x6D70];
	[tilespmem:s0+$0x6CB0] =	vst v17;
	v17 =	vmul.f32 v62, v34  }
0x1ad: {  	v42 =	vperm.xlane v18, v1;
	v43 =	vld [tilespmem:s0+$0x6D80];
	[tilespmem:s0+$0x6CC0] =	vst v19;
	v19 =	vmul.f32 v63, v34  }
0x1ae: {  	v44 =	vld [tilespmem:s0+$0x6D90];
	[tilespmem:s0+$0x6CD0] =	vst v17;
	v17 =	vmul.f32 v33, v34  }
0x1af: {  	v45 =	vld [tilespmem:s0+$0x6DA0];
	[tilespmem:s0+$0x6CE0] =	vst v19;
	v19 =	vmul.f32 v31, v42  }
0x1b0: {  	v46 =	vld [tilespmem:s0+$0x6DB0];
	[tilespmem:s0+$0x6CF0] =	vst v17;
	v17 =	vmul.f32 v35, v42  }
0x1b1: {  	v47 =	vld [tilespmem:s0+$0x6DC0];
	[tilespmem:s0+$0x6D00] =	vst v19;
	v19 =	vmul.f32 v36, v42  }
0x1b2: {  	v48 =	vld [tilespmem:s0+$0x6DD0];
	[tilespmem:s0+$0x6D10] =	vst v17;
	v17 =	vmul.f32 v37, v42  }
0x1b3: {  	v49 =	vld [tilespmem:s0+$0x6DE0];
	[tilespmem:s0+$0x6D20] =	vst v19;
	v19 =	vmul.f32 v38, v42  }
0x1b4: {  	v50 =	vld [tilespmem:s0+$0x6DF0];
	[tilespmem:s0+$0x6D30] =	vst v17;
	v17 =	vmul.f32 v39, v42  }
0x1b5: {  	v51 =	vperm.xlane v18, v5;
	v52 =	vld [tilespmem:s0+$0x6E00];
	[tilespmem:s0+$0x6D40] =	vst v19;
	v19 =	vmul.f32 v40, v42  }
0x1b6: {  	v53 =	vld [tilespmem:s0+$0x6E10];
	[tilespmem:s0+$0x6D50] =	vst v17;
	v17 =	vmul.f32 v41, v42  }
0x1b7: {  	v54 =	vld [tilespmem:s0+$0x6E20];
	[tilespmem:s0+$0x6D60] =	vst v19;
	v19 =	vmul.f32 v43, v51  }
0x1b8: {  	v55 =	vld [tilespmem:s0+$0x6E30];
	[tilespmem:s0+$0x6D70] =	vst v17;
	v17 =	vmul.f32 v44, v51  }
0x1b9: {  	v57 =	vld [tilespmem:s0+$0x6E50];
	[tilespmem:s0+$0x6D80] =	vst v19;
	v19 =	vmul.f32 v45, v51  }
0x1ba: {  	v58 =	vld [tilespmem:s0+$0x6E60];
	[tilespmem:s0+$0x6D90] =	vst v17;
	v17 =	vmul.f32 v46, v51  }
0x1bb: {  	v59 =	vld [tilespmem:s0+$0x6E70];
	[tilespmem:s0+$0x6DA0] =	vst v19;
	v19 =	vmul.f32 v47, v51  }
0x1bc: {  	v56 =	vld [tilespmem:s0+$0x6E40];
	[tilespmem:s0+$0x6DB0] =	vst v17;
	v17 =	vmul.f32 v48, v51  }
0x1bd: {  	v60 =	vperm.xlane v18, v6;
	v61 =	vld [tilespmem:s0+$0x6E80];
	[tilespmem:s0+$0x6DC0] =	vst v19;
	v19 =	vmul.f32 v49, v51  }
0x1be: {  	v62 =	vld [tilespmem:s0+$0x6E90];
	[tilespmem:s0+$0x6DD0] =	vst v17;
	v17 =	vmul.f32 v50, v51  }
0x1bf: {  	v63 =	vld [tilespmem:s0+$0x6EA0];
	[tilespmem:s0+$0x6DE0] =	vst v19;
	v19 =	vmul.f32 v52, v60  }
0x1c0: {  	v33 =	vld [tilespmem:s0+$0x6EB0];
	[tilespmem:s0+$0x6DF0] =	vst v17;
	v17 =	vmul.f32 v53, v60  }
0x1c1: {  	v34 =	vld [tilespmem:s0+$0x6EC0];
	[tilespmem:s0+$0x6E00] =	vst v19;
	v19 =	vmul.f32 v54, v60  }
0x1c2: {  	v35 =	vld [tilespmem:s0+$0x6ED0];
	[tilespmem:s0+$0x6E10] =	vst v17;
	v17 =	vmul.f32 v55, v60  }
0x1c3: {  	v36 =	vld [tilespmem:s0+$0x6EE0];
	[tilespmem:s0+$0x6E20] =	vst v19;
	v19 =	vmul.f32 v56, v60  }
0x1c4: {  	v37 =	vld [tilespmem:s0+$0x6EF0];
	[tilespmem:s0+$0x6E30] =	vst v17;
	v17 =	vmul.f32 v57, v60  }
0x1c5: {  	v38 =	vperm.xlane v18, v7;
	v39 =	vld [tilespmem:s0+$0x6F00];
	[tilespmem:s0+$0x6E40] =	vst v19;
	v19 =	vmul.f32 v58, v60  }
0x1c6: {  	v40 =	vld [tilespmem:s0+$0x6F10];
	[tilespmem:s0+$0x6E50] =	vst v17;
	v17 =	vmul.f32 v59, v60  }
0x1c7: {  	v41 =	vld [tilespmem:s0+$0x6F20];
	[tilespmem:s0+$0x6E60] =	vst v19;
	v19 =	vmul.f32 v61, v38  }
0x1c8: {  	v42 =	vld [tilespmem:s0+$0x6F30];
	[tilespmem:s0+$0x6E70] =	vst v17;
	v17 =	vmul.f32 v62, v38  }
0x1c9: {  	v43 =	vld [tilespmem:s0+$0x6F40];
	[tilespmem:s0+$0x6E80] =	vst v19;
	v19 =	vmul.f32 v63, v38  }
0x1ca: {  	v44 =	vld [tilespmem:s0+$0x6F50];
	[tilespmem:s0+$0x6E90] =	vst v17;
	v17 =	vmul.f32 v33, v38  }
0x1cb: {  	v45 =	vld [tilespmem:s0+$0x6F60];
	[tilespmem:s0+$0x6EA0] =	vst v19;
	v19 =	vmul.f32 v34, v38  }
0x1cc: {  	v46 =	vld [tilespmem:s0+$0x6F70];
	[tilespmem:s0+$0x6EB0] =	vst v17;
	v17 =	vmul.f32 v35, v38  }
0x1cd: {  	v47 =	vperm.xlane v18, v8;
	v48 =	vld [tilespmem:s0+$0x6F80];
	[tilespmem:s0+$0x6EC0] =	vst v19;
	v19 =	vmul.f32 v36, v38  }
0x1ce: {  	v49 =	vld [tilespmem:s0+$0x6F90];
	[tilespmem:s0+$0x6ED0] =	vst v17;
	v17 =	vmul.f32 v37, v38  }
0x1cf: {  	v50 =	vld [tilespmem:s0+$0x6FA0];
	[tilespmem:s0+$0x6EE0] =	vst v19;
	v19 =	vmul.f32 v39, v47  }
0x1d0: {  	v51 =	vld [tilespmem:s0+$0x6FB0];
	[tilespmem:s0+$0x6EF0] =	vst v17;
	v17 =	vmul.f32 v40, v47  }
0x1d1: {  	v52 =	vld [tilespmem:s0+$0x6FC0];
	[tilespmem:s0+$0x6F00] =	vst v19;
	v19 =	vmul.f32 v41, v47  }
0x1d2: {  	v53 =	vld [tilespmem:s0+$0x6FD0];
	[tilespmem:s0+$0x6F10] =	vst v17;
	v17 =	vmul.f32 v42, v47  }
0x1d3: {  	v54 =	vld [tilespmem:s0+$0x6FE0];
	[tilespmem:s0+$0x6F20] =	vst v19;
	v19 =	vmul.f32 v43, v47  }
0x1d4: {  	v55 =	vld [tilespmem:s0+$0x6FF0];
	[tilespmem:s0+$0x6F30] =	vst v17;
	v17 =	vmul.f32 v44, v47  }
0x1d5: {  	v56 =	vperm.xlane v18, v9;
	v57 =	vld [tilespmem:s0+$0x7000];
	[tilespmem:s0+$0x6F40] =	vst v19;
	v19 =	vmul.f32 v45, v47  }
0x1d6: {  	v58 =	vld [tilespmem:s0+$0x7010];
	[tilespmem:s0+$0x6F50] =	vst v17;
	v17 =	vmul.f32 v46, v47  }
0x1d7: {  	v59 =	vld [tilespmem:s0+$0x7020];
	[tilespmem:s0+$0x6F60] =	vst v19;
	v19 =	vmul.f32 v48, v56  }
0x1d8: {  	v60 =	vld [tilespmem:s0+$0x7030];
	[tilespmem:s0+$0x6F70] =	vst v17;
	v17 =	vmul.f32 v49, v56  }
0x1d9: {  	v61 =	vld [tilespmem:s0+$0x7040];
	[tilespmem:s0+$0x6F80] =	vst v19;
	v19 =	vmul.f32 v50, v56  }
0x1da: {  	v62 =	vld [tilespmem:s0+$0x7050];
	[tilespmem:s0+$0x6F90] =	vst v17;
	v17 =	vmul.f32 v51, v56  }
0x1db: {  	v63 =	vld [tilespmem:s0+$0x7060];
	[tilespmem:s0+$0x6FA0] =	vst v19;
	v19 =	vmul.f32 v52, v56  }
0x1dc: {  	v33 =	vld [tilespmem:s0+$0x7070];
	[tilespmem:s0+$0x6FB0] =	vst v17;
	v17 =	vmul.f32 v53, v56  }
0x1dd: {  	v34 =	vperm.xlane v18, v10;
	v35 =	vld [tilespmem:s0+$0x7080];
	[tilespmem:s0+$0x6FC0] =	vst v19;
	v19 =	vmul.f32 v54, v56  }
0x1de: {  	v36 =	vld [tilespmem:s0+$0x7090];
	[tilespmem:s0+$0x6FD0] =	vst v17;
	v17 =	vmul.f32 v55, v56  }
0x1df: {  	v37 =	vld [tilespmem:s0+$0x70A0];
	[tilespmem:s0+$0x6FE0] =	vst v19;
	v19 =	vmul.f32 v57, v34  }
0x1e0: {  	v38 =	vld [tilespmem:s0+$0x70B0];
	[tilespmem:s0+$0x6FF0] =	vst v17;
	v17 =	vmul.f32 v58, v34  }
0x1e1: {  	v39 =	vld [tilespmem:s0+$0x70C0];
	[tilespmem:s0+$0x7000] =	vst v19;
	v19 =	vmul.f32 v59, v34  }
0x1e2: {  	v40 =	vld [tilespmem:s0+$0x70D0];
	[tilespmem:s0+$0x7010] =	vst v17;
	v17 =	vmul.f32 v60, v34  }
0x1e3: {  	v41 =	vld [tilespmem:s0+$0x70E0];
	[tilespmem:s0+$0x7020] =	vst v19;
	v19 =	vmul.f32 v61, v34  }
0x1e4: {  	v42 =	vld [tilespmem:s0+$0x70F0];
	[tilespmem:s0+$0x7030] =	vst v17;
	v17 =	vmul.f32 v62, v34  }
0x1e5: {  	v43 =	vperm.xlane v18, v11;
	v44 =	vld [tilespmem:s0+$0x7100];
	[tilespmem:s0+$0x7040] =	vst v19;
	v19 =	vmul.f32 v63, v34  }
0x1e6: {  	v45 =	vld [tilespmem:s0+$0x7110];
	[tilespmem:s0+$0x7050] =	vst v17;
	v17 =	vmul.f32 v33, v34  }
0x1e7: {  	v46 =	vld [tilespmem:s0+$0x7120];
	[tilespmem:s0+$0x7060] =	vst v19;
	v19 =	vmul.f32 v35, v43  }
0x1e8: {  	v47 =	vld [tilespmem:s0+$0x7130];
	[tilespmem:s0+$0x7070] =	vst v17;
	v17 =	vmul.f32 v36, v43  }
0x1e9: {  	v48 =	vld [tilespmem:s0+$0x7140];
	[tilespmem:s0+$0x7080] =	vst v19;
	v19 =	vmul.f32 v37, v43  }
0x1ea: {  	v49 =	vld [tilespmem:s0+$0x7150];
	[tilespmem:s0+$0x7090] =	vst v17;
	v17 =	vmul.f32 v38, v43  }
0x1eb: {  	v50 =	vld [tilespmem:s0+$0x7160];
	[tilespmem:s0+$0x70A0] =	vst v19;
	v19 =	vmul.f32 v39, v43  }
0x1ec: {  	v51 =	vld [tilespmem:s0+$0x7170];
	[tilespmem:s0+$0x70B0] =	vst v17;
	v17 =	vmul.f32 v40, v43  }
0x1ed: {  	v52 =	vperm.xlane v18, v12;
	v53 =	vld [tilespmem:s0+$0x7180];
	[tilespmem:s0+$0x70C0] =	vst v19;
	v19 =	vmul.f32 v41, v43  }
0x1ee: {  	v54 =	vld [tilespmem:s0+$0x7190];
	[tilespmem:s0+$0x70D0] =	vst v17;
	v17 =	vmul.f32 v42, v43  }
0x1ef: {  	v55 =	vld [tilespmem:s0+$0x71A0];
	[tilespmem:s0+$0x70E0] =	vst v19;
	v19 =	vmul.f32 v44, v52  }
0x1f0: {  	v56 =	vld [tilespmem:s0+$0x71B0];
	[tilespmem:s0+$0x70F0] =	vst v17;
	v17 =	vmul.f32 v45, v52  }
0x1f1: {  	v57 =	vld [tilespmem:s0+$0x71C0];
	[tilespmem:s0+$0x7100] =	vst v19;
	v19 =	vmul.f32 v46, v52  }
0x1f2: {  	v58 =	vld [tilespmem:s0+$0x71D0];
	[tilespmem:s0+$0x7110] =	vst v17;
	v17 =	vmul.f32 v47, v52  }
0x1f3: {  	v59 =	vld [tilespmem:s0+$0x71E0];
	[tilespmem:s0+$0x7120] =	vst v19;
	v19 =	vmul.f32 v48, v52  }
0x1f4: {  	v60 =	vld [tilespmem:s0+$0x71F0];
	[tilespmem:s0+$0x7130] =	vst v17;
	v17 =	vmul.f32 v49, v52  }
0x1f5: {  	v61 =	vperm.xlane v18, v13;
	v62 =	vld [tilespmem:s0+$0x7200];
	[tilespmem:s0+$0x7140] =	vst v19;
	v19 =	vmul.f32 v50, v52  }
0x1f6: {  	v63 =	vld [tilespmem:s0+$0x7210];
	[tilespmem:s0+$0x7150] =	vst v17;
	v17 =	vmul.f32 v51, v52  }
0x1f7: {  	v33 =	vld [tilespmem:s0+$0x7220];
	[tilespmem:s0+$0x7160] =	vst v19;
	v19 =	vmul.f32 v53, v61  }
0x1f8: {  	v34 =	vld [tilespmem:s0+$0x7230];
	[tilespmem:s0+$0x7170] =	vst v17;
	v17 =	vmul.f32 v54, v61  }
0x1f9: {  	v35 =	vld [tilespmem:s0+$0x7240];
	[tilespmem:s0+$0x7180] =	vst v19;
	v19 =	vmul.f32 v55, v61  }
0x1fa: {  	v36 =	vld [tilespmem:s5+$0x210];
	[tilespmem:s0+$0x7190] =	vst v17;
	v17 =	vmul.f32 v56, v61  }
0x1fb: {  	v37 =	vld [tilespmem:s0+$0x7250];
	[tilespmem:s0+$0x71A0] =	vst v19;
	v19 =	vmul.f32 v57, v61  }
0x1fc: {  	v38 =	vld [tilespmem:s0+$0x7260];
	[tilespmem:s0+$0x71B0] =	vst v17;
	v17 =	vmul.f32 v58, v61  }
0x1fd: {  	v39 =	vperm.xlane v18, v14;
	v40 =	vld [tilespmem:s0+$0x7270];
	[tilespmem:s0+$0x71C0] =	vst v19;
	v19 =	vmul.f32 v59, v61  }
0x1fe: {  	v41 =	vld [tilespmem:s5+$0x290];
	[tilespmem:s0+$0x71D0] =	vst v17;
	v17 =	vmul.f32 v60, v61  }
0x1ff: {  	v28 =	vshrl.u32 v36, $0x3;
	v42 =	vld [tilespmem:s0+$0x7280];
	[tilespmem:s0+$0x71E0] =	vst v19;
	v19 =	vmul.f32 v62, v39  }
0x200: {  	v43 =	vld [tilespmem:s0+$0x7290];
	[tilespmem:s0+$0x71F0] =	vst v17;
	v17 =	vmul.f32 v63, v39  }
0x201: {  	v44 =	vld [tilespmem:s0+$0x72A0];
	[tilespmem:s0+$0x7200] =	vst v19;
	v19 =	vmul.f32 v33, v39  }
0x202: {  	v45 =	vld [tilespmem:s0+$0x72B0];
	[tilespmem:s0+$0x7210] =	vst v17;
	v17 =	vmul.f32 v34, v39  }
0x203: {  	v46 =	vld [tilespmem:s0+$0x72C0];
	[tilespmem:s0+$0x7220] =	vst v19;
	v19 =	vmul.f32 v35, v39  }
0x204: {  	v28 =	vld.idx.msk [tilespmem:v28+s18+$0x0], $0xffff;
	[tilespmem:s0+$0x7230] =	vst v17;
	v17 =	vmul.f32 v37, v39  }
0x205: {  	v47 =	vperm.xlane v18, v15;
	v48 =	vld [tilespmem:s5+$0x310];
	[tilespmem:s0+$0x7240] =	vst v19;
	v19 =	vmul.f32 v38, v39  }
0x206: {  	v49 =	vld.idx.msk [tilespmem:v41+s18+$0x0], $0xffff;
	[tilespmem:s0+$0x7250] =	vst v17;
	v17 =	vmul.f32 v40, v39  }
0x207: {  	v32 =	vld [tilespmem:s0+$0x7340];
	[tilespmem:s0+$0x7260] =	vst v19;
	v19 =	vmul.f32 v42, v47  }
0x208: {  	v51 =	vld [tilespmem:s0+$0x72E0];
	[tilespmem:s0+$0x7270] =	vst v17;
	v17 =	vmul.f32 v43, v47  }
0x209: {  	s1 =	sor.u32 $0x800, s1;
	v50 =	vld [tilespmem:s0+$0x72D0];
	v53 =	vshll.u32 v28, $0x10;
	[tilespmem:s0+$0x7280] =	vst v19;
	v19 =	vmul.f32 v44, v47  }
0x20a: {  	s1 =	sand.u32 $0x3FFFF800, s1;
	v18 =	vperm.xlane v18, v16;
	v25 =	vadd.f32 v53, v48;
	v54 =	vld [tilespmem:s0+$0x7300];
	[tilespmem:s0+$0x7290] =	vst v17;
	v17 =	vmul.f32 v45, v47  }
0x20b: {  	v55 =	vld [tilespmem:s1+$0x6B80];
	v21 =	vand.u32 $0xFFFF0000, v49;
	[tilespmem:s0+$0x72A0] =	vst v19;
	v19 =	vmul.f32 v46, v47  }
0x20c: {  	v36 =	vmul.f32 v32, v18;
	v56 =	vld [tilespmem:s1+$0x6B90];
	[tilespmem:s0+$0x72B0] =	vst v17;
	v17 =	vadd.f32 v21, v25  }
0x20d: {  	v57 =	vld [tilespmem:s1+$0x6BA0];
	[tilespmem:s0+$0x72C0] =	vst v19;
	v19 =	vmul.f32 v51, v47  }
0x20e: {  	[tilespmem:s0+$0x7340] =	vst v36;
	v22 =	vmul.f32 v50, v47;
	v59 =	vld [tilespmem:s1+$0x6BB0];
	v58 =	vperm.xlane v17, v2  }
0x20f: {  	v60 =	vld [tilespmem:s1+$0x6BC0];
	[tilespmem:s0+$0x72E0] =	vst v19;
	v19 =	vmul.f32 v54, v18  }
0x210: {  	[tilespmem:s0+$0x72D0] =	vst v22;
	v62 =	vld [tilespmem:s1+$0x6BD0];
	v61 =	vmul.f32 v55, v58  }
0x211: {  	v63 =	vld [tilespmem:s1+$0x6BE0];
	[tilespmem:s0+$0x7300] =	vst v19;
	v19 =	vmul.f32 v56, v58  }
0x212: {  	v29 =	vld [tilespmem:s1+$0x6BF0];
	v28 =	vmul.f32 v57, v58;
	[tilespmem:s1+$0x6B80] =	vst v61  }
0x213: {  	v24 =	vmul.f32 v59, v58;
	[tilespmem:s1+$0x6B90] =	vst v19;
	v19 =	vld [tilespmem:s0+$0x7310]  }
0x214: {  	v52 =	vld [tilespmem:s0+$0x72F0];
	v25 =	vmul.f32 v60, v58;
	[tilespmem:s1+$0x6BA0] =	vst v28  }
0x215: {  	v31 =	vld [tilespmem:s0+$0x7330];
	v26 =	vmul.f32 v62, v58;
	[tilespmem:s1+$0x6BB0] =	vst v24  }
0x216: {  	v30 =	vld [tilespmem:s0+$0x7320];
	v21 =	vmul.f32 v63, v58;
	[tilespmem:s1+$0x6BC0] =	vst v25  }
0x217: {  	v33 =	vld [tilespmem:s0+$0x7350];
	v22 =	vmul.f32 v29, v58;
	[tilespmem:s1+$0x6BD0] =	vst v26  }
0x218: {  	v34 =	vld [tilespmem:s0+$0x7360];
	[tilespmem:s1+$0x6BE0] =	vst v21;
	v19 =	vmul.f32 v19, v18  }
0x219: {  	v20 =	vmul.f32 v52, v47;
	v35 =	vld [tilespmem:s0+$0x7370];
	[tilespmem:s1+$0x6BF0] =	vst v22  }
0x21a: {  	v22 =	vld [tilespmem:s0+$0x7400];
	[tilespmem:s0+$0x7310] =	vst v19;
	v19 =	vmul.f32 v31, v18  }
0x21b: {  	[tilespmem:s0+$0x72F0] =	vst v20;
	v20 =	vmul.f32 v30, v18;
	v37 =	vld [tilespmem:s0+$0x7410]  }
0x21c: {  	v38 =	vld [tilespmem:s0+$0x7420];
	[tilespmem:s0+$0x7330] =	vst v19;
	v19 =	vmul.f32 v33, v18  }
0x21d: {  	[tilespmem:s0+$0x7320] =	vst v20;
	v39 =	vmul.f32 v34, v18;
	v40 =	vperm.xlane v17, v3;
	v41 =	vld [tilespmem:s0+$0x7430]  }
0x21e: {  	v18 =	vmul.f32 v35, v18;
	[tilespmem:s0+$0x7350] =	vst v19;
	v19 =	vld [tilespmem:s0+$0x7440]  }
0x21f: {  	[tilespmem:s0+$0x7360] =	vst v39;
	v43 =	vld [tilespmem:s0+$0x7450];
	v42 =	vmul.f32 v22, v40  }
0x220: {  	v44 =	vld [tilespmem:s0+$0x7460];
	[tilespmem:s0+$0x7370] =	vst v18;
	v18 =	vmul.f32 v37, v40  }
0x221: {  	v46 =	vld [tilespmem:s0+$0x7470];
	v45 =	vmul.f32 v38, v40;
	[tilespmem:s0+$0x7400] =	vst v42  }
0x222: {  	v47 =	vld [tilespmem:s0+$0x7480];
	[tilespmem:s0+$0x7410] =	vst v18;
	v18 =	vmul.f32 v41, v40  }
0x223: {  	v48 =	vld [tilespmem:s0+$0x7490];
	[tilespmem:s0+$0x7420] =	vst v45;
	v19 =	vmul.f32 v19, v40  }
0x224: {  	v49 =	vld [tilespmem:s0+$0x74A0];
	[tilespmem:s0+$0x7430] =	vst v18;
	v18 =	vmul.f32 v43, v40  }
0x225: {  	v50 =	vperm.xlane v17, v4;
	v51 =	vld [tilespmem:s0+$0x74B0];
	[tilespmem:s0+$0x7440] =	vst v19;
	v19 =	vmul.f32 v44, v40  }
0x226: {  	v52 =	vld [tilespmem:s0+$0x74C0];
	[tilespmem:s0+$0x7450] =	vst v18;
	v18 =	vmul.f32 v46, v40  }
0x227: {  	v53 =	vld [tilespmem:s0+$0x74D0];
	[tilespmem:s0+$0x7460] =	vst v19;
	v19 =	vmul.f32 v47, v50  }
0x228: {  	v54 =	vld [tilespmem:s0+$0x74E0];
	[tilespmem:s0+$0x7470] =	vst v18;
	v18 =	vmul.f32 v48, v50  }
0x229: {  	v55 =	vld [tilespmem:s0+$0x74F0];
	[tilespmem:s0+$0x7480] =	vst v19;
	v19 =	vmul.f32 v49, v50  }
0x22a: {  	v56 =	vld [tilespmem:s0+$0x7500];
	[tilespmem:s0+$0x7490] =	vst v18;
	v18 =	vmul.f32 v51, v50  }
0x22b: {  	v57 =	vld [tilespmem:s0+$0x7510];
	[tilespmem:s0+$0x74A0] =	vst v19;
	v19 =	vmul.f32 v52, v50  }
0x22c: {  	v58 =	vld [tilespmem:s0+$0x7520];
	[tilespmem:s0+$0x74B0] =	vst v18;
	v18 =	vmul.f32 v53, v50  }
0x22d: {  	v59 =	vperm.xlane v17, v1;
	v60 =	vld [tilespmem:s0+$0x7530];
	[tilespmem:s0+$0x74C0] =	vst v19;
	v19 =	vmul.f32 v54, v50  }
0x22e: {  	v61 =	vld [tilespmem:s0+$0x7540];
	[tilespmem:s0+$0x74D0] =	vst v18;
	v18 =	vmul.f32 v55, v50  }
0x22f: {  	v62 =	vld [tilespmem:s0+$0x7550];
	[tilespmem:s0+$0x74E0] =	vst v19;
	v19 =	vmul.f32 v56, v59  }
0x230: {  	v63 =	vld [tilespmem:s0+$0x7560];
	[tilespmem:s0+$0x74F0] =	vst v18;
	v18 =	vmul.f32 v57, v59  }
0x231: {  	v28 =	vld [tilespmem:s0+$0x7570];
	[tilespmem:s0+$0x7500] =	vst v19;
	v19 =	vmul.f32 v58, v59  }
0x232: {  	v29 =	vld [tilespmem:s0+$0x7580];
	[tilespmem:s0+$0x7510] =	vst v18;
	v18 =	vmul.f32 v60, v59  }
0x233: {  	v30 =	vld [tilespmem:s0+$0x7590];
	[tilespmem:s0+$0x7520] =	vst v19;
	v19 =	vmul.f32 v61, v59  }
0x234: {  	v31 =	vld [tilespmem:s0+$0x75A0];
	[tilespmem:s0+$0x7530] =	vst v18;
	v18 =	vmul.f32 v62, v59  }
0x235: {  	v32 =	vperm.xlane v17, v5;
	v33 =	vld [tilespmem:s0+$0x75B0];
	[tilespmem:s0+$0x7540] =	vst v19;
	v19 =	vmul.f32 v63, v59  }
0x236: {  	v34 =	vld [tilespmem:s0+$0x75C0];
	[tilespmem:s0+$0x7550] =	vst v18;
	v18 =	vmul.f32 v28, v59  }
0x237: {  	v35 =	vld [tilespmem:s0+$0x75D0];
	[tilespmem:s0+$0x7560] =	vst v19;
	v19 =	vmul.f32 v29, v32  }
0x238: {  	v36 =	vld [tilespmem:s0+$0x75E0];
	[tilespmem:s0+$0x7570] =	vst v18;
	v18 =	vmul.f32 v30, v32  }
0x239: {  	v37 =	vld [tilespmem:s0+$0x75F0];
	[tilespmem:s0+$0x7580] =	vst v19;
	v19 =	vmul.f32 v31, v32  }
0x23a: {  	v38 =	vld [tilespmem:s0+$0x7600];
	[tilespmem:s0+$0x7590] =	vst v18;
	v18 =	vmul.f32 v33, v32  }
0x23b: {  	v39 =	vld [tilespmem:s0+$0x7610];
	[tilespmem:s0+$0x75A0] =	vst v19;
	v19 =	vmul.f32 v34, v32  }
0x23c: {  	v40 =	vld [tilespmem:s0+$0x7620];
	[tilespmem:s0+$0x75B0] =	vst v18;
	v18 =	vmul.f32 v35, v32  }
0x23d: {  	v42 =	vld [tilespmem:s0+$0x7630];
	v41 =	vperm.xlane v17, v6;
	[tilespmem:s0+$0x75C0] =	vst v19;
	v19 =	vmul.f32 v36, v32  }
0x23e: {  	v43 =	vld [tilespmem:s0+$0x7640];
	[tilespmem:s0+$0x75D0] =	vst v18;
	v18 =	vmul.f32 v37, v32  }
0x23f: {  	v44 =	vld [tilespmem:s0+$0x7650];
	[tilespmem:s0+$0x75E0] =	vst v19;
	v19 =	vmul.f32 v38, v41  }
0x240: {  	v45 =	vld [tilespmem:s0+$0x7660];
	[tilespmem:s0+$0x75F0] =	vst v18;
	v18 =	vmul.f32 v39, v41  }
0x241: {  	v46 =	vld [tilespmem:s0+$0x7670];
	[tilespmem:s0+$0x7600] =	vst v19;
	v19 =	vmul.f32 v40, v41  }
0x242: {  	v47 =	vld [tilespmem:s0+$0x7680];
	[tilespmem:s0+$0x7610] =	vst v18;
	v18 =	vmul.f32 v42, v41  }
0x243: {  	v48 =	vld [tilespmem:s0+$0x7690];
	[tilespmem:s0+$0x7620] =	vst v19;
	v19 =	vmul.f32 v43, v41  }
0x244: {  	v49 =	vld [tilespmem:s0+$0x76A0];
	[tilespmem:s0+$0x7630] =	vst v18;
	v18 =	vmul.f32 v44, v41  }
0x245: {  	v51 =	vld [tilespmem:s0+$0x76B0];
	v50 =	vperm.xlane v17, v7;
	[tilespmem:s0+$0x7640] =	vst v19;
	v19 =	vmul.f32 v45, v41  }
0x246: {  	v52 =	vld [tilespmem:s0+$0x76C0];
	[tilespmem:s0+$0x7650] =	vst v18;
	v18 =	vmul.f32 v46, v41  }
0x247: {  	v53 =	vld [tilespmem:s0+$0x76D0];
	[tilespmem:s0+$0x7660] =	vst v19;
	v19 =	vmul.f32 v47, v50  }
0x248: {  	v54 =	vld [tilespmem:s0+$0x76E0];
	[tilespmem:s0+$0x7670] =	vst v18;
	v18 =	vmul.f32 v48, v50  }
0x249: {  	v55 =	vld [tilespmem:s0+$0x76F0];
	[tilespmem:s0+$0x7680] =	vst v19;
	v19 =	vmul.f32 v49, v50  }
0x24a: {  	v56 =	vld [tilespmem:s0+$0x7700];
	[tilespmem:s0+$0x7690] =	vst v18;
	v18 =	vmul.f32 v51, v50  }
0x24b: {  	v57 =	vld [tilespmem:s0+$0x7710];
	[tilespmem:s0+$0x76A0] =	vst v19;
	v19 =	vmul.f32 v52, v50  }
0x24c: {  	v58 =	vld [tilespmem:s0+$0x7720];
	[tilespmem:s0+$0x76B0] =	vst v18;
	v18 =	vmul.f32 v53, v50  }
0x24d: {  	v60 =	vld [tilespmem:s0+$0x7730];
	v59 =	vperm.xlane v17, v8;
	[tilespmem:s0+$0x76C0] =	vst v19;
	v19 =	vmul.f32 v54, v50  }
0x24e: {  	v61 =	vld [tilespmem:s0+$0x7740];
	[tilespmem:s0+$0x76D0] =	vst v18;
	v18 =	vmul.f32 v55, v50  }
0x24f: {  	v62 =	vld [tilespmem:s0+$0x7750];
	[tilespmem:s0+$0x76E0] =	vst v19;
	v19 =	vmul.f32 v56, v59  }
0x250: {  	v63 =	vld [tilespmem:s0+$0x7760];
	[tilespmem:s0+$0x76F0] =	vst v18;
	v18 =	vmul.f32 v57, v59  }
0x251: {  	v28 =	vld [tilespmem:s0+$0x7770];
	[tilespmem:s0+$0x7700] =	vst v19;
	v19 =	vmul.f32 v58, v59  }
0x252: {  	v29 =	vld [tilespmem:s0+$0x7780];
	[tilespmem:s0+$0x7710] =	vst v18;
	v18 =	vmul.f32 v60, v59  }
0x253: {  	v30 =	vld [tilespmem:s0+$0x7790];
	[tilespmem:s0+$0x7720] =	vst v19;
	v19 =	vmul.f32 v61, v59  }
0x254: {  	v31 =	vld [tilespmem:s0+$0x77A0];
	[tilespmem:s0+$0x7730] =	vst v18;
	v18 =	vmul.f32 v62, v59  }
0x255: {  	v33 =	vld [tilespmem:s0+$0x77B0];
	v32 =	vperm.xlane v17, v9;
	[tilespmem:s0+$0x7740] =	vst v19;
	v19 =	vmul.f32 v63, v59  }
0x256: {  	v34 =	vld [tilespmem:s0+$0x77C0];
	[tilespmem:s0+$0x7750] =	vst v18;
	v18 =	vmul.f32 v28, v59  }
0x257: {  	v35 =	vld [tilespmem:s0+$0x77D0];
	[tilespmem:s0+$0x7760] =	vst v19;
	v19 =	vmul.f32 v29, v32  }
0x258: {  	v36 =	vld [tilespmem:s0+$0x77E0];
	[tilespmem:s0+$0x7770] =	vst v18;
	v18 =	vmul.f32 v30, v32  }
0x259: {  	v37 =	vld [tilespmem:s0+$0x77F0];
	[tilespmem:s0+$0x7780] =	vst v19;
	v19 =	vmul.f32 v31, v32  }
0x25a: {  	v38 =	vld [tilespmem:s0+$0x7800];
	[tilespmem:s0+$0x7790] =	vst v18;
	v18 =	vmul.f32 v33, v32  }
0x25b: {  	v39 =	vld [tilespmem:s0+$0x7810];
	[tilespmem:s0+$0x77A0] =	vst v19;
	v19 =	vmul.f32 v34, v32  }
0x25c: {  	v40 =	vld [tilespmem:s0+$0x7820];
	[tilespmem:s0+$0x77B0] =	vst v18;
	v18 =	vmul.f32 v35, v32  }
0x25d: {  	v42 =	vld [tilespmem:s0+$0x7830];
	v41 =	vperm.xlane v17, v10;
	[tilespmem:s0+$0x77C0] =	vst v19;
	v19 =	vmul.f32 v36, v32  }
0x25e: {  	v43 =	vld [tilespmem:s0+$0x7840];
	[tilespmem:s0+$0x77D0] =	vst v18;
	v18 =	vmul.f32 v37, v32  }
0x25f: {  	v44 =	vld [tilespmem:s0+$0x7850];
	[tilespmem:s0+$0x77E0] =	vst v19;
	v19 =	vmul.f32 v38, v41  }
0x260: {  	v45 =	vld [tilespmem:s0+$0x7860];
	[tilespmem:s0+$0x77F0] =	vst v18;
	v18 =	vmul.f32 v39, v41  }
0x261: {  	v46 =	vld [tilespmem:s0+$0x7870];
	[tilespmem:s0+$0x7800] =	vst v19;
	v19 =	vmul.f32 v40, v41  }
0x262: {  	v47 =	vld [tilespmem:s0+$0x7880];
	[tilespmem:s0+$0x7810] =	vst v18;
	v18 =	vmul.f32 v42, v41  }
0x263: {  	v48 =	vld [tilespmem:s0+$0x7890];
	[tilespmem:s0+$0x7820] =	vst v19;
	v19 =	vmul.f32 v43, v41  }
0x264: {  	v49 =	vld [tilespmem:s0+$0x78A0];
	[tilespmem:s0+$0x7830] =	vst v18;
	v18 =	vmul.f32 v44, v41  }
0x265: {  	v51 =	vld [tilespmem:s0+$0x78B0];
	v50 =	vperm.xlane v17, v11;
	[tilespmem:s0+$0x7840] =	vst v19;
	v19 =	vmul.f32 v45, v41  }
0x266: {  	v52 =	vld [tilespmem:s0+$0x78C0];
	[tilespmem:s0+$0x7850] =	vst v18;
	v18 =	vmul.f32 v46, v41  }
0x267: {  	v53 =	vld [tilespmem:s0+$0x78D0];
	[tilespmem:s0+$0x7860] =	vst v19;
	v19 =	vmul.f32 v47, v50  }
0x268: {  	v54 =	vld [tilespmem:s0+$0x78E0];
	[tilespmem:s0+$0x7870] =	vst v18;
	v18 =	vmul.f32 v48, v50  }
0x269: {  	v55 =	vld [tilespmem:s0+$0x78F0];
	[tilespmem:s0+$0x7880] =	vst v19;
	v19 =	vmul.f32 v49, v50  }
0x26a: {  	v56 =	vld [tilespmem:s0+$0x7900];
	[tilespmem:s0+$0x7890] =	vst v18;
	v18 =	vmul.f32 v51, v50  }
0x26b: {  	v57 =	vld [tilespmem:s0+$0x7910];
	[tilespmem:s0+$0x78A0] =	vst v19;
	v19 =	vmul.f32 v52, v50  }
0x26c: {  	v58 =	vld [tilespmem:s0+$0x7920];
	[tilespmem:s0+$0x78B0] =	vst v18;
	v18 =	vmul.f32 v53, v50  }
0x26d: {  	v60 =	vld [tilespmem:s0+$0x7930];
	v59 =	vperm.xlane v17, v12;
	[tilespmem:s0+$0x78C0] =	vst v19;
	v19 =	vmul.f32 v54, v50  }
0x26e: {  	v61 =	vld [tilespmem:s0+$0x7940];
	[tilespmem:s0+$0x78D0] =	vst v18;
	v18 =	vmul.f32 v55, v50  }
0x26f: {  	v62 =	vld [tilespmem:s0+$0x7950];
	[tilespmem:s0+$0x78E0] =	vst v19;
	v19 =	vmul.f32 v56, v59  }
0x270: {  	v63 =	vld [tilespmem:s0+$0x7960];
	[tilespmem:s0+$0x78F0] =	vst v18;
	v18 =	vmul.f32 v57, v59  }
0x271: {  	v28 =	vld [tilespmem:s0+$0x7970];
	[tilespmem:s0+$0x7900] =	vst v19;
	v19 =	vmul.f32 v58, v59  }
0x272: {  	v29 =	vld [tilespmem:s0+$0x7980];
	[tilespmem:s0+$0x7910] =	vst v18;
	v18 =	vmul.f32 v60, v59  }
0x273: {  	v30 =	vld [tilespmem:s0+$0x7990];
	[tilespmem:s0+$0x7920] =	vst v19;
	v19 =	vmul.f32 v61, v59  }
0x274: {  	v31 =	vld [tilespmem:s0+$0x79A0];
	[tilespmem:s0+$0x7930] =	vst v18;
	v18 =	vmul.f32 v62, v59  }
0x275: {  	v33 =	vld [tilespmem:s0+$0x79B0];
	v32 =	vperm.xlane v17, v13;
	[tilespmem:s0+$0x7940] =	vst v19;
	v19 =	vmul.f32 v63, v59  }
0x276: {  	v34 =	vld [tilespmem:s0+$0x79C0];
	[tilespmem:s0+$0x7950] =	vst v18;
	v18 =	vmul.f32 v28, v59  }
0x277: {  	v35 =	vld [tilespmem:s0+$0x79D0];
	[tilespmem:s0+$0x7960] =	vst v19;
	v19 =	vmul.f32 v29, v32  }
0x278: {  	v36 =	vld [tilespmem:s0+$0x79E0];
	[tilespmem:s0+$0x7970] =	vst v18;
	v18 =	vmul.f32 v30, v32  }
0x279: {  	v37 =	vld [tilespmem:s0+$0x79F0];
	[tilespmem:s0+$0x7980] =	vst v19;
	v19 =	vmul.f32 v31, v32  }
0x27a: {  	v38 =	vld [tilespmem:s0+$0x7A00];
	[tilespmem:s0+$0x7990] =	vst v18;
	v18 =	vmul.f32 v33, v32  }
0x27b: {  	v39 =	vld [tilespmem:s0+$0x7A10];
	[tilespmem:s0+$0x79A0] =	vst v19;
	v19 =	vmul.f32 v34, v32  }
0x27c: {  	v40 =	vld [tilespmem:s0+$0x7A20];
	[tilespmem:s0+$0x79B0] =	vst v18;
	v18 =	vmul.f32 v35, v32  }
0x27d: {  	v42 =	vld [tilespmem:s0+$0x7A30];
	v41 =	vperm.xlane v17, v14;
	[tilespmem:s0+$0x79C0] =	vst v19;
	v19 =	vmul.f32 v36, v32  }
0x27e: {  	v43 =	vld [tilespmem:s0+$0x7A40];
	[tilespmem:s0+$0x79D0] =	vst v18;
	v18 =	vmul.f32 v37, v32  }
0x27f: {  	v44 =	vld [tilespmem:s0+$0x7A50];
	[tilespmem:s0+$0x79E0] =	vst v19;
	v19 =	vmul.f32 v38, v41  }
0x280: {  	v45 =	vld [tilespmem:s0+$0x7A60];
	[tilespmem:s0+$0x79F0] =	vst v18;
	v18 =	vmul.f32 v39, v41  }
0x281: {  	v46 =	vld [tilespmem:s0+$0x7A70];
	[tilespmem:s0+$0x7A00] =	vst v19;
	v19 =	vmul.f32 v40, v41  }
0x282: {  	v47 =	vld [tilespmem:s0+$0x7A80];
	[tilespmem:s0+$0x7A10] =	vst v18;
	v18 =	vmul.f32 v42, v41  }
0x283: {  	v48 =	vld [tilespmem:s0+$0x7A90];
	[tilespmem:s0+$0x7A20] =	vst v19;
	v19 =	vmul.f32 v43, v41  }
0x284: {  	v49 =	vld [tilespmem:s0+$0x7AA0];
	[tilespmem:s0+$0x7A30] =	vst v18;
	v18 =	vmul.f32 v44, v41  }
0x285: {  	v51 =	vld [tilespmem:s0+$0x7AB0];
	v50 =	vperm.xlane v17, v15;
	[tilespmem:s0+$0x7A40] =	vst v19;
	v19 =	vmul.f32 v45, v41  }
0x286: {  	v52 =	vld [tilespmem:s0+$0x7AC0];
	[tilespmem:s0+$0x7A50] =	vst v18;
	v18 =	vmul.f32 v46, v41  }
0x287: {  	v53 =	vld [tilespmem:s0+$0x7AD0];
	[tilespmem:s0+$0x7A60] =	vst v19;
	v19 =	vmul.f32 v47, v50  }
0x288: {  	v54 =	vld [tilespmem:s0+$0x7AE0];
	[tilespmem:s0+$0x7A70] =	vst v18;
	v18 =	vmul.f32 v48, v50  }
0x289: {  	v55 =	vld [tilespmem:s0+$0x7AF0];
	[tilespmem:s0+$0x7A80] =	vst v19;
	v19 =	vmul.f32 v49, v50  }
0x28a: {  	v56 =	vld [tilespmem:s0+$0x7B00];
	[tilespmem:s0+$0x7A90] =	vst v18;
	v18 =	vmul.f32 v51, v50  }
0x28b: {  	v57 =	vld [tilespmem:s0+$0x7B10];
	[tilespmem:s0+$0x7AA0] =	vst v19;
	v19 =	vmul.f32 v52, v50  }
0x28c: {  	v58 =	vld [tilespmem:s0+$0x7B20];
	[tilespmem:s0+$0x7AB0] =	vst v18;
	v18 =	vmul.f32 v53, v50  }
0x28d: {  	v17 =	vperm.xlane v17, v16;
	v59 =	vld [tilespmem:s0+$0x7B30];
	[tilespmem:s0+$0x7AC0] =	vst v19;
	v19 =	vmul.f32 v54, v50  }
0x28e: {  	v60 =	vld [tilespmem:s0+$0x7B40];
	[tilespmem:s0+$0x7AD0] =	vst v18;
	v18 =	vmul.f32 v55, v50  }
0x28f: {  	v61 =	vld [tilespmem:s0+$0x7B50];
	[tilespmem:s0+$0x7AE0] =	vst v19;
	v19 =	vmul.f32 v56, v17  }
0x290: {  	v62 =	vld [tilespmem:s0+$0x7B60];
	[tilespmem:s0+$0x7AF0] =	vst v18;
	v18 =	vmul.f32 v57, v17  }
0x291: {  	v63 =	vld [tilespmem:s0+$0x7B70];
	[tilespmem:s0+$0x7B00] =	vst v19;
	v19 =	vmul.f32 v58, v17  }
0x292: {  	[tilespmem:s0+$0x7B10] =	vst v18;
	v18 =	vmul.f32 v59, v17  }
0x293: {  	p1 =	slt.u32 s31, $0x6;
	[tilespmem:s0+$0x7B20] =	vst v19;
	v19 =	vmul.f32 v60, v17  }
.Ltmp4:
0x294: {  	[tilespmem:s0+$0x7B30] =	vst v18;
	v18 =	vmul.f32 v61, v17;
	(pc) =	sbr.rel @p1 .LBB2_7-.Ltmp4, $4  }
0x295: {  	[tilespmem:s0+$0x7B40] =	vst v19;
	v19 =	vmul.f32 v62, v17  }
0x296: {  	[tilespmem:s0+$0x7B50] =	vst v18;
	v17 =	vmul.f32 v63, v17  }
0x297: {  	s5 =	sadd.s32 $0x2, s31;
	[tilespmem:s0+$0x7B60] =	vst v19  }
0x298: {  	s31 =	smov.u32 s5;
	[tilespmem:s0+$0x7B70] =	vst v17  }
.Ltmp5:
0x299: {  	(pc) =	sbr.rel @p0 .LBB2_10-.Ltmp5, $4  }
0x29a: {  	[spmem:s2] =	stream.indirect.scatter.add.f32 [tilespmem:s25], [sflag:$0x3], $0x80, s26, s21, $0xb8;
	[tilespmem:$0x1EB80] =	vst v63  }
0x29b: {  	_ =	swait.ge [sflag:s19], $0x4000  }
0x29c: {  	[sflag:s19] =	ssyncset.done $0x0  }
0x29d: {  	[sflag:s19] =	ssyncadd.s32 $0xFFFFC000  }
.Ltmp6:
0x29e: {  	(pc) =	sbr.rel .LBB2_4-.Ltmp6, $4  }
0x29f: {  	s0 =	sadd.s32 s30, s15  }
0x2a0: {  	s0 =	sshll.u32 s0, $0x6  }
0x2a1: {  	s29 =	sadd.s32 $0x1, s29;
	s0 =	sadd.s32 s0, s14  }
0x2a2: {  	[tilespmem:s22], [sflag:$0x2] =	stream.linear.gather [hbm4b:s0+s3], $0x180, $0x38;
	[tilespmem:$0x1EB80] =	vst v63  }
.LBB2_11:
0x2a3: {  	_ =	sfence.sel $0x180000  }
0x2a4: {  	[bflag:$0x0] =	sbarrier.arrive $0xFFFF  }
0x2a5: {  	_ =	strace $0x90000047  }
0x2a6: {  	s0 =	stileid.u32;
	[bflag:$0x2] =	sbarrier.arrive $0xFFFF  }
0x2a7: {  	p0 =	sne.s32 s0, $0x0;
	s0 =	rddreg [dreg:$0x3]  }
0x2a8: {  	s0 =	sadd.s32 @!p0 $0x100000, s0  }
0x2a9: {  	[sflag:s0] =	ssyncadd.tile.s32 @!p0 $0x1;
	_ =	shalt  }
.Lfunc_end2:
_tile_overlayer_lowered:
.L_overlay_start_2:
0x2aa: {  	(tag) =	ssettag $0x2  }
0x2ab: {  	s0 =	rddreg [dreg:$0x0];
	s2 =	stileid.u32  }
0x2ac: {  	s1 =	rddreg [dreg:$0x1];
	p0 =	sne.s32 s2, $0x0  }
0x2ad: {  	s3 =	rddreg [dreg:$0x2];
	[bflag:$0x3] =	sbarrier.arrive $0xFFFF;
	s2 =	simm.s32 @!p0 $0x1C03  }
0x2ae: {  	[timem:s3], [sflag:s2] =	dma.local @!p0 [hbm:s0], s1  }
0x2af: {  	s0 =	simm.s32 @!p0 $0x3  }
0x2b0: {  	_ =	swait.ge @!p0 [sflag:s0], s1  }
0x2b1: {  	s1 =	ssub.s32 @!p0 $0x0, s1;
	[sflag:s0] =	ssyncset.done @!p0 $0x0  }
0x2b2: {  	[sflag:s0] =	ssyncadd.s32 @!p0 s1  }
0x2b3: {  	[bflag:$0x3] =	sbarrier.arrive $0xFFFF  }
0x2b4: {  	_ =	shalt  }

</sc_bundles>
